<compile_context>
chip_gen: v7x
topology: tpu7x:2x2x1
jax: 0.10.2.dev20260603
libtpu: 0.0.44.dev20260713+nightly
codegen_flags: <defaults>
</compile_context>

<pallas_src>
import functools

import jax
import jax.numpy as jnp
from jax import lax
from jax.experimental import pallas as pl
from jax.experimental.pallas import tpu as pltpu
from jax.experimental.pallas import tpu_sc as plsc

_N = 10000
_E = 320000
_EPS = 1e-5

_NC = 2
_NS = 16
_NT = _NC * _NS
_CH = 128
_ROWS = _E // _CH
_CPT = _ROWS // _NT
_EXTRA = _ROWS - _NT * _CPT
_MAXCH = _CPT + 1
_RPT = 624
_RPT_LAST = _N - 15 * _RPT

_NBUF = 8


def _zero_acc(zeros_hbm, acc, s):
  @pl.when(s < _NS - 1)
  def _():
    pltpu.sync_copy(zeros_hbm.at[pl.ds(s * _RPT, _RPT)],
                    acc.at[pl.ds(s * _RPT, _RPT)])
  @pl.when(s == _NS - 1)
  def _():
    pltpu.sync_copy(zeros_hbm.at[pl.ds(15 * _RPT, _RPT_LAST)],
                    acc.at[pl.ds(15 * _RPT, _RPT_LAST)])


def _copy_out(acc, out_hbm, c, s):
  @pl.when(s < _NS - 1)
  def _():
    pltpu.sync_copy(acc.at[pl.ds(s * _RPT, _RPT)],
                    out_hbm.at[c, pl.ds(s * _RPT, _RPT)])
  @pl.when(s == _NS - 1)
  def _():
    pltpu.sync_copy(acc.at[pl.ds(15 * _RPT, _RPT_LAST)],
                    out_hbm.at[c, pl.ds(15 * _RPT, _RPT_LAST)])


@functools.lru_cache(maxsize=None)
def _make_sc_scatter(D):
  mesh = plsc.VectorSubcoreMesh(core_axis_name="c", subcore_axis_name="s",
                                num_cores=_NC, num_subcores=_NS)

  @functools.partial(
      pl.kernel,
      mesh=mesh,
      compiler_params=pltpu.CompilerParams(use_tc_tiling_on_sc=False),
      out_type=jax.ShapeDtypeStruct((_NC, _N, D), jnp.float32),
      scratch_types=[
          pltpu.VMEM((_MAXCH, _CH), jnp.int32),
          pltpu.VMEM((_MAXCH, _CH), jnp.int32),
          [pltpu.VMEM((_CH, D), jnp.float32) for _ in range(_NBUF)],
          pltpu.VMEM_SHARED((_N, D), jnp.float32),
          [pltpu.SemaphoreType.DMA for _ in range(_NBUF)],
      ],
  )
  def scat(xs_hbm, src_hbm, dst_hbm, zeros_hbm, out_hbm,
           sidx, didx, rows, acc, gsem):
    c = lax.axis_index("c")
    s = lax.axis_index("s")
    wid = c * _NS + s
    _zero_acc(zeros_hbm, acc, s)
    pltpu.sync_copy(src_hbm.at[pl.ds(wid * _CPT, _CPT)],
                    sidx.at[pl.ds(0, _CPT)])
    pltpu.sync_copy(dst_hbm.at[pl.ds(wid * _CPT, _CPT)],
                    didx.at[pl.ds(0, _CPT)])
    @pl.when(wid < _EXTRA)
    def _():
      pltpu.sync_copy(src_hbm.at[pl.ds(_NT * _CPT + wid, 1)],
                      sidx.at[pl.ds(_CPT, 1)])
      pltpu.sync_copy(dst_hbm.at[pl.ds(_NT * _CPT + wid, 1)],
                      didx.at[pl.ds(_CPT, 1)])
    nch = jnp.where(wid < _EXTRA, _CPT + 1, _CPT)
    plsc.subcore_barrier()

    for b in range(_NBUF):
      pltpu.async_copy(xs_hbm.at[sidx.at[b]], rows[b], gsem[b])

    def group(g, carry):
      for b in range(_NBUF):
        j = g * _NBUF + b
        @pl.when(j < nch)
        def _():
          pltpu.make_async_copy(xs_hbm.at[sidx.at[j]], rows[b], gsem[b]).wait()
          pltpu.sync_copy(rows[b], acc.at[didx.at[j]], add=True)
          @pl.when(j + _NBUF < nch)
          def _():
            pltpu.async_copy(xs_hbm.at[sidx.at[j + _NBUF]], rows[b], gsem[b])
      return carry

    lax.fori_loop(0, (_MAXCH + _NBUF - 1) // _NBUF, group, 0, unroll=False)
    plsc.subcore_barrier()
    _copy_out(acc, out_hbm, c, s)

  return scat


@functools.lru_cache(maxsize=None)
def _make_sc_count(D):
  mesh = plsc.VectorSubcoreMesh(core_axis_name="c", subcore_axis_name="s",
                                num_cores=_NC, num_subcores=_NS)

  @functools.partial(
      pl.kernel,
      mesh=mesh,
      compiler_params=pltpu.CompilerParams(use_tc_tiling_on_sc=False),
      out_type=jax.ShapeDtypeStruct((_NC, _N, D), jnp.float32),
      scratch_types=[
          pltpu.VMEM((_MAXCH, _CH), jnp.int32),
          pltpu.VMEM((_CH, D), jnp.float32),
          pltpu.VMEM_SHARED((_N, D), jnp.float32),
          [pltpu.SemaphoreType.DMA for _ in range(_NBUF)],
      ],
  )
  def count(ones_hbm, dst_hbm, zeros_hbm, out_hbm, didx, ones_v, acc, ssem):
    c = lax.axis_index("c")
    s = lax.axis_index("s")
    wid = c * _NS + s
    _zero_acc(zeros_hbm, acc, s)
    pltpu.sync_copy(dst_hbm.at[pl.ds(wid * _CPT, _CPT)],
                    didx.at[pl.ds(0, _CPT)])
    @pl.when(wid < _EXTRA)
    def _():
      pltpu.sync_copy(dst_hbm.at[pl.ds(_NT * _CPT + wid, 1)],
                      didx.at[pl.ds(_CPT, 1)])
    nch = jnp.where(wid < _EXTRA, _CPT + 1, _CPT)
    pltpu.sync_copy(ones_hbm, ones_v)
    plsc.subcore_barrier()

    def group(g, carry):
      for b in range(_NBUF):
        j = g * _NBUF + b
        @pl.when(j < nch)
        def _():
          @pl.when(j >= _NBUF)
          def _():
            pltpu.make_async_copy(ones_v, acc.at[didx.at[j]], ssem[b]).wait()
          pltpu.async_copy(ones_v, acc.at[didx.at[j]], ssem[b], add=True)
      return carry

    lax.fori_loop(0, (_MAXCH + _NBUF - 1) // _NBUF, group, 0, unroll=False)
    for b in range(_NBUF):
      pltpu.make_async_copy(ones_v, acc.at[didx.at[0]], ssem[b]).wait()
    plsc.subcore_barrier()
    _copy_out(acc, out_hbm, c, s)

  return count


def _k1a_body(x_ref, w_ref, xw_ref):
  xw_ref[...] = jnp.dot(x_ref[...], w_ref[...],
                        preferred_element_type=jnp.float32)


def _k1b_body(xw_ref, d0_ref, d1_ref, xs_ref, dinv_ref):
  deg = d0_ref[...][:, 0:1] + d1_ref[...][:, 0:1] + 1.0
  dinv = lax.rsqrt(deg)
  xs_ref[...] = xw_ref[...] * dinv
  dinv_ref[...] = dinv


def _norm_affine(hc, bng, lng):
  m1 = jnp.mean(hc, axis=0, keepdims=True)
  v1 = jnp.maximum(jnp.mean(hc * hc, axis=0, keepdims=True) - m1 * m1, 0.0)
  a1 = bng * lax.rsqrt(v1 + _EPS)
  A = a1 * lax.rsqrt(a1 * a1 * v1 + _EPS)
  gv = jnp.mean(A * A * v1)
  F = A * lng * lax.rsqrt(gv + _EPS)
  return F, m1


def _klayer_body(p0_ref, p1_ref, xs_ref, dinv_ref, b_ref, bng_ref,
                 lng_ref, lnb_ref, w_ref, out_ref):
  dinv = dinv_ref[...]
  hc = (p0_ref[...] + p1_ref[...] + xs_ref[...]) * dinv + b_ref[...]
  F, m1 = _norm_affine(hc, bng_ref[...], lng_ref[...])
  h = jnp.maximum(F * (hc - m1) + lnb_ref[...], 0.0)
  xw = jnp.dot(h, w_ref[...], preferred_element_type=jnp.float32) * dinv
  if out_ref.shape[1] != xw.shape[1]:
    xw = jnp.broadcast_to(xw, out_ref.shape)
  out_ref[...] = xw


def _kfinal_body(p0_ref, p1_ref, xs_ref, dinv_ref, b_ref, bng_ref,
                 lng_ref, lnb_ref, out_ref):
  hc = (p0_ref[...] + p1_ref[...] + xs_ref[...]) * dinv_ref[...] + b_ref[0, 0]
  m1 = jnp.mean(hc)
  v1 = jnp.maximum(jnp.mean(hc * hc) - m1 * m1, 0.0)
  a1 = bng_ref[0, 0] * lax.rsqrt(v1 + _EPS)
  A = a1 * lax.rsqrt(a1 * a1 * v1 + _EPS)
  F = A * lng_ref[0, 0] * lax.rsqrt(A * A * v1 + _EPS)
  out_ref[...] = F * (hc - m1) + lnb_ref[0, 0]


def _tc_call(body, out_shape):
  return pl.pallas_call(body, out_shape=out_shape)


def kernel(x, edge_index, W1, b1, W2, b2, W3, b3, bn1_g, bn1_b, bn2_g,
           bn2_b, bn3_g, bn3_b, ln1_g, ln1_b, ln2_g, ln2_b, ln3_g, ln3_b):
  f32 = jnp.float32
  src = edge_index[0].reshape(_ROWS, _CH)
  dst = edge_index[1].reshape(_ROWS, _CH)
  zeros64 = jnp.zeros((_N, 64), f32)
  zeros8 = jnp.zeros((_N, 8), f32)
  ones8 = jnp.ones((_CH, 8), f32)

  sc64 = _make_sc_scatter(64)
  sc8 = _make_sc_scatter(8)

  degp = _make_sc_count(8)(ones8, dst, zeros8)
  xw1 = _tc_call(_k1a_body, jax.ShapeDtypeStruct((_N, 64), f32))(x, W1)

  xs1, dinv = _tc_call(
      _k1b_body,
      (jax.ShapeDtypeStruct((_N, 64), f32), jax.ShapeDtypeStruct((_N, 1), f32)),
  )(xw1, degp[0], degp[1])

  p1 = sc64(xs1, src, dst, zeros64)
  xs2 = _tc_call(_klayer_body, jax.ShapeDtypeStruct((_N, 64), f32))(
      p1[0], p1[1], xs1, dinv, b1.reshape(1, 64), bn1_g.reshape(1, 64),
      ln1_g.reshape(1, 64), ln1_b.reshape(1, 64), W2)

  p2 = sc64(xs2, src, dst, zeros64)
  xs3 = _tc_call(_klayer_body, jax.ShapeDtypeStruct((_N, 8), f32))(
      p2[0], p2[1], xs2, dinv, b2.reshape(1, 64), bn2_g.reshape(1, 64),
      ln2_g.reshape(1, 64), ln2_b.reshape(1, 64), W3)

  p3 = sc8(xs3, src, dst, zeros8)
  out = _tc_call(_kfinal_body, jax.ShapeDtypeStruct((80, 125), f32))(
      p3[0, :, 0].reshape(80, 125), p3[1, :, 0].reshape(80, 125),
      xs3[:, 0].reshape(80, 125), dinv.reshape(80, 125),
      b3.reshape(1, 1), bn3_g.reshape(1, 1),
      ln3_g.reshape(1, 1), ln3_b.reshape(1, 1))
  return out.reshape(-1)

# --- scband reference (transcript-rebuilt; emitter-appended) ---
"""Pipeline reference for scband-gnnmodel-37005438222986 (READ-ONLY COPY).

The authoritative reference and input builder live on the scoring server;
editing this copy changes nothing except your own understanding.
"""

import jax, jax.numpy as jnp
import numpy as np

N = 10000
E = 320000
D_IN = 128
D_HID = 64
D_OUT = 1


def _glorot(k, shape):
    fan = shape[0] + shape[1]
    lim = np.sqrt(6.0 / fan)
    return jax.random.uniform(k, shape, minval=-lim, maxval=lim, dtype=jnp.float32)


def setup_inputs(seed: int = 0) -> dict:
    key = jax.random.key(seed)
    ks = jax.random.split(key, 8)
    inp = {}
    inp['x'] = jax.random.normal(ks[0], (N, D_IN), dtype=jnp.float32)
    inp['edge_index'] = jax.random.randint(ks[1], (2, E), 0, N, dtype=jnp.int32)
    # GCNConv weights
    inp['W1'] = _glorot(ks[2], (D_IN, D_HID)); inp['b1'] = jnp.zeros((D_HID,), jnp.float32)
    inp['W2'] = _glorot(ks[3], (D_HID, D_HID)); inp['b2'] = jnp.zeros((D_HID,), jnp.float32)
    inp['W3'] = _glorot(ks[4], (D_HID, D_OUT)); inp['b3'] = jnp.zeros((D_OUT,), jnp.float32)
    # BatchNorm affine params (InstanceNorm is affine=False in PyG by default)
    inp['bn1_g'] = jnp.ones((D_HID,), jnp.float32); inp['bn1_b'] = jnp.zeros((D_HID,), jnp.float32)
    inp['bn2_g'] = jnp.ones((D_HID,), jnp.float32); inp['bn2_b'] = jnp.zeros((D_HID,), jnp.float32)
    inp['bn3_g'] = jnp.ones((D_OUT,), jnp.float32); inp['bn3_b'] = jnp.zeros((D_OUT,), jnp.float32)
    # LayerNorm affine params (PyG LayerNorm, graph mode)
    inp['ln1_g'] = jnp.ones((D_HID,), jnp.float32); inp['ln1_b'] = jnp.zeros((D_HID,), jnp.float32)
    inp['ln2_g'] = jnp.ones((D_HID,), jnp.float32); inp['ln2_b'] = jnp.zeros((D_HID,), jnp.float32)
    inp['ln3_g'] = jnp.ones((D_OUT,), jnp.float32); inp['ln3_b'] = jnp.zeros((D_OUT,), jnp.float32)
    return inp


def _gcn_conv(x, edge_index, W, b):
    n = x.shape[0]
    loop = jnp.arange(n, dtype=edge_index.dtype)
    src = jnp.concatenate([edge_index[0], loop])
    dst = jnp.concatenate([edge_index[1], loop])
    deg = jnp.zeros((n,), x.dtype).at[dst].add(1.0)
    dinv = jnp.where(deg > 0, 1.0 / jnp.sqrt(deg), 0.0)
    norm = dinv[src] * dinv[dst]
    xw = x @ W
    msgs = jnp.take(xw, src, axis=0) * norm[:, None]
    out = jnp.zeros((n, xw.shape[1]), x.dtype).at[dst].add(msgs)
    return out + b


def _batch_norm(x, g, b, eps=1e-5):
    m = x.mean(axis=0)
    v = x.var(axis=0)
    return (x - m) / jnp.sqrt(v + eps) * g + b


def _instance_norm(x, eps=1e-5):
    # PyG InstanceNorm, single graph, affine=False
    m = x.mean(axis=0)
    v = x.var(axis=0)
    return (x - m) / jnp.sqrt(v + eps)


def _layer_norm_graph(x, g, b, eps=1e-5):
    # PyG LayerNorm default mode='graph': normalize over all nodes and channels
    m = x.mean()
    v = x.var()
    return (x - m) / jnp.sqrt(v + eps) * g + b


def reference(x, edge_index, W1, b1, W2, b2, W3, b3, bn1_g, bn1_b, bn2_g, bn2_b, bn3_g, bn3_b, ln1_g, ln1_b, ln2_g, ln2_b, ln3_g, ln3_b):
    h = _gcn_conv(x, edge_index, W1, b1)
    h = _batch_norm(h, bn1_g, bn1_b)
    h = _instance_norm(h)
    h = _layer_norm_graph(h, ln1_g, ln1_b)
    h = jax.nn.relu(h)
    h = _gcn_conv(h, edge_index, W2, b2)
    h = _batch_norm(h, bn2_g, bn2_b)
    h = _instance_norm(h)
    h = _layer_norm_graph(h, ln2_g, ln2_b)
    h = jax.nn.relu(h)
    h = _gcn_conv(h, edge_index, W3, b3)
    h = _batch_norm(h, bn3_g, bn3_b)
    h = _instance_norm(h)
    h = _layer_norm_graph(h, ln3_g, ln3_b)
    return h.flatten()

if __name__ == "__main__":
    import jax
    _d = setup_inputs()
    print(jax.jit(kernel)(*tuple(_d.values())))

</pallas_src>

<mosaic_0001>
#map = affine_map<(d0, d1) -> (0, 0)>
#map1 = affine_map<(d0, d1) -> (0, 0, 0)>
module attributes {stable_mosaic.version = 14 : i64} {
  func.func @count(%arg0: i32, %arg1: i32, %arg2: memref<128x8xf32, #tpu.memory_space<hbm>>, %arg3: memref<2500x128xi32, #tpu.memory_space<hbm>>, %arg4: memref<10000x8xf32, #tpu.memory_space<hbm>>, %arg5: memref<2x10000x8xf32, #tpu.memory_space<hbm>>, %arg6: memref<79x128xi32, #tpu.memory_space<vmem>>, %arg7: memref<128x8xf32, #tpu.memory_space<vmem>>, %arg8: memref<10000x8xf32, #tpu.memory_space<vmem_shared>>, %arg9: memref<!tpu.dma_semaphore, #tpu.memory_space<semaphore_mem>>, %arg10: memref<!tpu.dma_semaphore, #tpu.memory_space<semaphore_mem>>, %arg11: memref<!tpu.dma_semaphore, #tpu.memory_space<semaphore_mem>>, %arg12: memref<!tpu.dma_semaphore, #tpu.memory_space<semaphore_mem>>, %arg13: memref<!tpu.dma_semaphore, #tpu.memory_space<semaphore_mem>>, %arg14: memref<!tpu.dma_semaphore, #tpu.memory_space<semaphore_mem>>, %arg15: memref<!tpu.dma_semaphore, #tpu.memory_space<semaphore_mem>>, %arg16: memref<!tpu.dma_semaphore, #tpu.memory_space<semaphore_mem>>) attributes {dimension_semantics = [#tpu.dimension_semantics<core_parallel>, #tpu.dimension_semantics<subcore_parallel>], iteration_bounds = array<i64: 2, 16>, scalar_prefetch = 0 : i64, scratch_operands = 11 : i64, tpu.core_type = #tpu.core_type<sc_vector_subcore>, window_params = [{transform_indices = #map}, {transform_indices = #map}, {transform_indices = #map}, {transform_indices = #map1}]} {
    %mul3A = arith.constant 16 : i32
    %mul3A_0 = arith.muli %arg0, %mul3A : i32
    %add3A = arith.addi %mul3A_0, %arg1 : i32
    %lt3A = arith.constant 15 : i32
    %lt3A_1 = arith.cmpi slt, %arg1, %lt3A : i32
    %convert_element_type3A = arith.extui %lt3A_1 : i1 to i32
    %cond3A = arith.constant 0 : i32
    %cond3A_2 = arith.cmpi ne, %convert_element_type3A, %cond3A : i32
    scf.if %cond3A_2 {
      %mul3A_88 = arith.constant 624 : i32
      %mul3A_89 = arith.muli %arg1, %mul3A_88 : i32
      %mul3A_90 = arith.constant 624 : i32
      %mul3A_91 = arith.muli %arg1, %mul3A_90 : i32
      "tpu.region"() ({
        %run_scoped3A = tpu.sem_alloc : memref<!tpu.dma_semaphore, #tpu.memory_space<semaphore_mem>>
        %dma_start3A = arith.constant 0 : i32
        %dma_start3A_92 = tpu.memref_slice %arg8[%mul3A_91, %dma_start3A] : memref<10000x8xf32, #tpu.memory_space<vmem_shared>> -> memref<624x8xf32, #tpu.memory_space<vmem_shared>>
        %dma_start3A_93 = arith.constant 0 : i32
        %dma_start3A_94 = tpu.memref_slice %arg4[%mul3A_89, %dma_start3A_93] : memref<10000x8xf32, #tpu.memory_space<hbm>> -> memref<624x8xf32, #tpu.memory_space<hbm>>
        tpu.enqueue_dma source(%dma_start3A_94 : memref<624x8xf32, #tpu.memory_space<hbm>>) target(%dma_start3A_92 : memref<624x8xf32, #tpu.memory_space<vmem_shared>>) target_semaphore(%run_scoped3A : memref<!tpu.dma_semaphore, #tpu.memory_space<semaphore_mem>>)
        %dma_wait3A_95 = arith.constant 0 : i32
        %dma_wait3A_96 = tpu.memref_slice %arg8[%mul3A_91, %dma_wait3A_95] : memref<10000x8xf32, #tpu.memory_space<vmem_shared>> -> memref<624x8xf32, #tpu.memory_space<vmem_shared>>
        %dma_wait3A_97 = arith.constant 0 : i32
        %dma_wait3A_98 = tpu.memref_slice %arg4[%mul3A_89, %dma_wait3A_97] : memref<10000x8xf32, #tpu.memory_space<hbm>> -> memref<624x8xf32, #tpu.memory_space<hbm>>
        tpu.wait_dma2 semaphore(%run_scoped3A : memref<!tpu.dma_semaphore, #tpu.memory_space<semaphore_mem>>) src(%dma_wait3A_98 : memref<624x8xf32, #tpu.memory_space<hbm>>) dst(%dma_wait3A_96 : memref<624x8xf32, #tpu.memory_space<vmem_shared>>)
        tpu.yield
      }) : () -> ()
    } else {
    }
    %eq3A = arith.constant 15 : i32
    %eq3A_3 = arith.cmpi eq, %arg1, %eq3A : i32
    %convert_element_type3A_4 = arith.extui %eq3A_3 : i1 to i32
    %cond3A_5 = arith.constant 0 : i32
    %cond3A_6 = arith.cmpi ne, %convert_element_type3A_4, %cond3A_5 : i32
    scf.if %cond3A_6 {
      "tpu.region"() ({
        %run_scoped3A = tpu.sem_alloc : memref<!tpu.dma_semaphore, #tpu.memory_space<semaphore_mem>>
        %dma_start3A = arith.constant 9360 : i32
        %dma_start3A_88 = arith.constant 0 : i32
        %dma_start3A_89 = tpu.memref_slice %arg8[%dma_start3A, %dma_start3A_88] : memref<10000x8xf32, #tpu.memory_space<vmem_shared>> -> memref<640x8xf32, #tpu.memory_space<vmem_shared>>
        %dma_start3A_90 = arith.constant 9360 : i32
        %dma_start3A_91 = arith.constant 0 : i32
        %dma_start3A_92 = tpu.memref_slice %arg4[%dma_start3A_90, %dma_start3A_91] : memref<10000x8xf32, #tpu.memory_space<hbm>> -> memref<640x8xf32, #tpu.memory_space<hbm>>
        tpu.enqueue_dma source(%dma_start3A_92 : memref<640x8xf32, #tpu.memory_space<hbm>>) target(%dma_start3A_89 : memref<640x8xf32, #tpu.memory_space<vmem_shared>>) target_semaphore(%run_scoped3A : memref<!tpu.dma_semaphore, #tpu.memory_space<semaphore_mem>>)
        %dma_wait3A_93 = arith.constant 9360 : i32
        %dma_wait3A_94 = arith.constant 0 : i32
        %dma_wait3A_95 = tpu.memref_slice %arg8[%dma_wait3A_93, %dma_wait3A_94] : memref<10000x8xf32, #tpu.memory_space<vmem_shared>> -> memref<640x8xf32, #tpu.memory_space<vmem_shared>>
        %dma_wait3A_96 = arith.constant 9360 : i32
        %dma_wait3A_97 = arith.constant 0 : i32
        %dma_wait3A_98 = tpu.memref_slice %arg4[%dma_wait3A_96, %dma_wait3A_97] : memref<10000x8xf32, #tpu.memory_space<hbm>> -> memref<640x8xf32, #tpu.memory_space<hbm>>
        tpu.wait_dma2 semaphore(%run_scoped3A : memref<!tpu.dma_semaphore, #tpu.memory_space<semaphore_mem>>) src(%dma_wait3A_98 : memref<640x8xf32, #tpu.memory_space<hbm>>) dst(%dma_wait3A_95 : memref<640x8xf32, #tpu.memory_space<vmem_shared>>)
        tpu.yield
      }) : () -> ()
    } else {
    }
    %mul3A_7 = arith.constant 78 : i32
    %mul3A_8 = arith.muli %add3A, %mul3A_7 : i32
    "tpu.region"() ({
      %run_scoped3A = tpu.sem_alloc : memref<!tpu.dma_semaphore, #tpu.memory_space<semaphore_mem>>
      %dma_start3A = arith.constant 0 : i32
      %dma_start3A_88 = arith.constant 0 : i32
      %dma_start3A_89 = tpu.memref_slice %arg6[%dma_start3A, %dma_start3A_88] : memref<79x128xi32, #tpu.memory_space<vmem>> -> memref<78x128xi32, #tpu.memory_space<vmem>>
      %dma_start3A_90 = arith.constant 0 : i32
      %dma_start3A_91 = tpu.memref_slice %arg3[%mul3A_8, %dma_start3A_90] : memref<2500x128xi32, #tpu.memory_space<hbm>> -> memref<78x128xi32, #tpu.memory_space<hbm>>
      %dma_start3A_92 = arith.constant 0 : i32
      %dma_start3A_93 = arith.constant 0 : i32
      %dma_start3A_94 = tpu.memref_slice %arg6[%dma_start3A_92, %dma_start3A_93] : memref<79x128xi32, #tpu.memory_space<vmem>> -> memref<78x128xi32, #tpu.memory_space<vmem>>
      %dma_start3A_95 = arith.constant 0 : i32
      %dma_start3A_96 = tpu.memref_slice %arg3[%mul3A_8, %dma_start3A_95] : memref<2500x128xi32, #tpu.memory_space<hbm>> -> memref<78x128xi32, #tpu.memory_space<hbm>>
      tpu.enqueue_dma source(%dma_start3A_96 : memref<78x128xi32, #tpu.memory_space<hbm>>) target(%dma_start3A_94 : memref<78x128xi32, #tpu.memory_space<vmem>>) target_semaphore(%run_scoped3A : memref<!tpu.dma_semaphore, #tpu.memory_space<semaphore_mem>>)
      %dma_wait3A_97 = arith.constant 0 : i32
      %dma_wait3A_98 = arith.constant 0 : i32
      %dma_wait3A_99 = tpu.memref_slice %arg6[%dma_wait3A_97, %dma_wait3A_98] : memref<79x128xi32, #tpu.memory_space<vmem>> -> memref<78x128xi32, #tpu.memory_space<vmem>>
      %dma_wait3A_100 = arith.constant 0 : i32
      %dma_wait3A_101 = tpu.memref_slice %arg3[%mul3A_8, %dma_wait3A_100] : memref<2500x128xi32, #tpu.memory_space<hbm>> -> memref<78x128xi32, #tpu.memory_space<hbm>>
      %dma_wait3A_102 = arith.constant 0 : i32
      %dma_wait3A_103 = arith.constant 0 : i32
      %dma_wait3A_104 = tpu.memref_slice %arg6[%dma_wait3A_102, %dma_wait3A_103] : memref<79x128xi32, #tpu.memory_space<vmem>> -> memref<78x128xi32, #tpu.memory_space<vmem>>
      %dma_wait3A_105 = arith.constant 0 : i32
      %dma_wait3A_106 = tpu.memref_slice %arg3[%mul3A_8, %dma_wait3A_105] : memref<2500x128xi32, #tpu.memory_space<hbm>> -> memref<78x128xi32, #tpu.memory_space<hbm>>
      tpu.wait_dma2 semaphore(%run_scoped3A : memref<!tpu.dma_semaphore, #tpu.memory_space<semaphore_mem>>) src(%dma_wait3A_106 : memref<78x128xi32, #tpu.memory_space<hbm>>) dst(%dma_wait3A_104 : memref<78x128xi32, #tpu.memory_space<vmem>>)
      tpu.yield
    }) : () -> ()
    %lt3A_9 = arith.constant 4 : i32
    %lt3A_10 = arith.cmpi slt, %add3A, %lt3A_9 : i32
    %convert_element_type3A_11 = arith.extui %lt3A_10 : i1 to i32
    %cond3A_12 = arith.constant 0 : i32
    %cond3A_13 = arith.cmpi ne, %convert_element_type3A_11, %cond3A_12 : i32
    scf.if %cond3A_13 {
      %add3A_88 = arith.constant 2496 : i32
      %add3A_89 = arith.addi %add3A_88, %add3A : i32
      "tpu.region"() ({
        %run_scoped3A = tpu.sem_alloc : memref<!tpu.dma_semaphore, #tpu.memory_space<semaphore_mem>>
        %dma_start3A = arith.constant 78 : i32
        %dma_start3A_90 = arith.constant 0 : i32
        %dma_start3A_91 = tpu.memref_slice %arg6[%dma_start3A, %dma_start3A_90] : memref<79x128xi32, #tpu.memory_space<vmem>> -> memref<1x128xi32, #tpu.memory_space<vmem>>
        %dma_start3A_92 = arith.constant 0 : i32
        %dma_start3A_93 = tpu.memref_slice %arg3[%add3A_89, %dma_start3A_92] : memref<2500x128xi32, #tpu.memory_space<hbm>> -> memref<1x128xi32, #tpu.memory_space<hbm>>
        %dma_start3A_94 = arith.constant 78 : i32
        %dma_start3A_95 = arith.constant 0 : i32
        %dma_start3A_96 = tpu.memref_slice %arg6[%dma_start3A_94, %dma_start3A_95] : memref<79x128xi32, #tpu.memory_space<vmem>> -> memref<1x128xi32, #tpu.memory_space<vmem>>
        %dma_start3A_97 = arith.constant 0 : i32
        %dma_start3A_98 = tpu.memref_slice %arg3[%add3A_89, %dma_start3A_97] : memref<2500x128xi32, #tpu.memory_space<hbm>> -> memref<1x128xi32, #tpu.memory_space<hbm>>
        tpu.enqueue_dma source(%dma_start3A_98 : memref<1x128xi32, #tpu.memory_space<hbm>>) target(%dma_start3A_96 : memref<1x128xi32, #tpu.memory_space<vmem>>) target_semaphore(%run_scoped3A : memref<!tpu.dma_semaphore, #tpu.memory_space<semaphore_mem>>)
        %dma_wait3A_99 = arith.constant 78 : i32
        %dma_wait3A_100 = arith.constant 0 : i32
        %dma_wait3A_101 = tpu.memref_slice %arg6[%dma_wait3A_99, %dma_wait3A_100] : memref<79x128xi32, #tpu.memory_space<vmem>> -> memref<1x128xi32, #tpu.memory_space<vmem>>
        %dma_wait3A_102 = arith.constant 0 : i32
        %dma_wait3A_103 = tpu.memref_slice %arg3[%add3A_89, %dma_wait3A_102] : memref<2500x128xi32, #tpu.memory_space<hbm>> -> memref<1x128xi32, #tpu.memory_space<hbm>>
        %dma_wait3A_104 = arith.constant 78 : i32
        %dma_wait3A_105 = arith.constant 0 : i32
        %dma_wait3A_106 = tpu.memref_slice %arg6[%dma_wait3A_104, %dma_wait3A_105] : memref<79x128xi32, #tpu.memory_space<vmem>> -> memref<1x128xi32, #tpu.memory_space<vmem>>
        %dma_wait3A_107 = arith.constant 0 : i32
        %dma_wait3A_108 = tpu.memref_slice %arg3[%add3A_89, %dma_wait3A_107] : memref<2500x128xi32, #tpu.memory_space<hbm>> -> memref<1x128xi32, #tpu.memory_space<hbm>>
        tpu.wait_dma2 semaphore(%run_scoped3A : memref<!tpu.dma_semaphore, #tpu.memory_space<semaphore_mem>>) src(%dma_wait3A_108 : memref<1x128xi32, #tpu.memory_space<hbm>>) dst(%dma_wait3A_106 : memref<1x128xi32, #tpu.memory_space<vmem>>)
        tpu.yield
      }) : () -> ()
    } else {
    }
    %lt3A_14 = arith.constant 4 : i32
    %lt3A_15 = arith.cmpi slt, %add3A, %lt3A_14 : i32
    %jit3A = arith.constant 79 : i32
    %jit3A_16 = arith.constant 78 : i32
    %select_n3A = arith.select %lt3A_15, %jit3A, %jit3A_16 : i32
    "tpu.region"() ({
      %run_scoped3A = tpu.sem_alloc : memref<!tpu.dma_semaphore, #tpu.memory_space<semaphore_mem>>
      tpu.enqueue_dma source(%arg2 : memref<128x8xf32, #tpu.memory_space<hbm>>) target(%arg7 : memref<128x8xf32, #tpu.memory_space<vmem>>) target_semaphore(%run_scoped3A : memref<!tpu.dma_semaphore, #tpu.memory_space<semaphore_mem>>)
      tpu.wait_dma2 semaphore(%run_scoped3A : memref<!tpu.dma_semaphore, #tpu.memory_space<semaphore_mem>>) src(%arg2 : memref<128x8xf32, #tpu.memory_space<hbm>>) dst(%arg7 : memref<128x8xf32, #tpu.memory_space<vmem>>)
      tpu.yield
    }) : () -> ()
    %barrier3A = arith.constant 0 : index
    tpu.barrier barrier_id(%barrier3A)
    %scan3A = arith.constant 0 : i32
    %scan3A_17 = arith.constant 0 : i32
    %scan3A_18 = arith.constant 10 : i32
    %scan3A_19 = arith.addi %scan3A_17, %scan3A_18 : i32
    %scan3A_20 = arith.constant 1 : i32
    scf.for %scan3A_88 = %scan3A_17 to %scan3A_19 step %scan3A_20  : i32 {
      %mul3A_89 = arith.constant 8 : i32
      %mul3A_90 = arith.muli %scan3A_88, %mul3A_89 : i32
      %add3A_91 = arith.constant 0 : i32
      %add3A_92 = arith.addi %mul3A_90, %add3A_91 : i32
      %lt3A_93 = arith.cmpi slt, %add3A_92, %select_n3A : i32
      %convert_element_type3A_94 = arith.extui %lt3A_93 : i1 to i32
      %cond3A_95 = arith.constant 0 : i32
      %cond3A_96 = arith.cmpi ne, %convert_element_type3A_94, %cond3A_95 : i32
      scf.if %cond3A_96 {
        %ge3A = arith.constant 8 : i32
        %ge3A_153 = arith.cmpi sge, %add3A_92, %ge3A : i32
        %convert_element_type3A_154 = arith.extui %ge3A_153 : i1 to i32
        %cond3A_155 = arith.constant 0 : i32
        %cond3A_156 = arith.cmpi ne, %convert_element_type3A_154, %cond3A_155 : i32
        scf.if %cond3A_156 {
          %dma_wait3A_162 = arith.constant 0 : i32
          %dma_wait3A_163 = tpu.memref_slice %arg6[%add3A_92, %dma_wait3A_162] : memref<79x128xi32, #tpu.memory_space<vmem>> -> memref<1x128xi32, #tpu.memory_space<vmem>>
          %dma_wait3A_164 = tpu.memref_squeeze %dma_wait3A_163 : memref<1x128xi32, #tpu.memory_space<vmem>> -> memref<128xi32, #tpu.memory_space<vmem>>
          %dma_wait3A_165 = arith.constant 0 : i32
          %dma_wait3A_166 = arith.constant 0 : i32
          %dma_wait3A_167 = tpu.memref_slice %arg8[%dma_wait3A_165, %dma_wait3A_166] : memref<10000x8xf32, #tpu.memory_space<vmem_shared>> -> memref<10000x8xf32, #tpu.memory_space<vmem_shared>>
          tpu.wait_indirect_dma semaphore(%arg9 : memref<!tpu.dma_semaphore, #tpu.memory_space<semaphore_mem>>) src(%arg7 : memref<128x8xf32, #tpu.memory_space<vmem>>) dst(%dma_wait3A_167 : memref<10000x8xf32, #tpu.memory_space<vmem_shared>>)
        } else {
        }
        %dma_start3A = arith.constant 0 : i32
        %dma_start3A_157 = tpu.memref_slice %arg6[%add3A_92, %dma_start3A] : memref<79x128xi32, #tpu.memory_space<vmem>> -> memref<1x128xi32, #tpu.memory_space<vmem>>
        %dma_start3A_158 = tpu.memref_squeeze %dma_start3A_157 : memref<1x128xi32, #tpu.memory_space<vmem>> -> memref<128xi32, #tpu.memory_space<vmem>>
        %dma_start3A_159 = arith.constant 0 : i32
        %dma_start3A_160 = arith.constant 0 : i32
        %dma_start3A_161 = tpu.memref_slice %arg8[%dma_start3A_159, %dma_start3A_160] : memref<10000x8xf32, #tpu.memory_space<vmem_shared>> -> memref<10000x8xf32, #tpu.memory_space<vmem_shared>>
        tpu.enqueue_indirect_dma source(%arg7 : memref<128x8xf32, #tpu.memory_space<vmem>>) target(%dma_start3A_161 : memref<10000x8xf32, #tpu.memory_space<vmem_shared>>) offsets(%dma_start3A_158 : memref<128xi32, #tpu.memory_space<vmem>>) semaphore(%arg9 : memref<!tpu.dma_semaphore, #tpu.memory_space<semaphore_mem>>) {add = true}
      } else {
      }
      %mul3A_97 = arith.constant 8 : i32
      %mul3A_98 = arith.muli %scan3A_88, %mul3A_97 : i32
      %add3A_99 = arith.constant 1 : i32
      %add3A_100 = arith.addi %mul3A_98, %add3A_99 : i32
      %lt3A_101 = arith.cmpi slt, %add3A_100, %select_n3A : i32
      %convert_element_type3A_102 = arith.extui %lt3A_101 : i1 to i32
      %cond3A_103 = arith.constant 0 : i32
      %cond3A_104 = arith.cmpi ne, %convert_element_type3A_102, %cond3A_103 : i32
      scf.if %cond3A_104 {
        %ge3A = arith.constant 8 : i32
        %ge3A_153 = arith.cmpi sge, %add3A_100, %ge3A : i32
        %convert_element_type3A_154 = arith.extui %ge3A_153 : i1 to i32
        %cond3A_155 = arith.constant 0 : i32
        %cond3A_156 = arith.cmpi ne, %convert_element_type3A_154, %cond3A_155 : i32
        scf.if %cond3A_156 {
          %dma_wait3A_162 = arith.constant 0 : i32
          %dma_wait3A_163 = tpu.memref_slice %arg6[%add3A_100, %dma_wait3A_162] : memref<79x128xi32, #tpu.memory_space<vmem>> -> memref<1x128xi32, #tpu.memory_space<vmem>>
          %dma_wait3A_164 = tpu.memref_squeeze %dma_wait3A_163 : memref<1x128xi32, #tpu.memory_space<vmem>> -> memref<128xi32, #tpu.memory_space<vmem>>
          %dma_wait3A_165 = arith.constant 0 : i32
          %dma_wait3A_166 = arith.constant 0 : i32
          %dma_wait3A_167 = tpu.memref_slice %arg8[%dma_wait3A_165, %dma_wait3A_166] : memref<10000x8xf32, #tpu.memory_space<vmem_shared>> -> memref<10000x8xf32, #tpu.memory_space<vmem_shared>>
          tpu.wait_indirect_dma semaphore(%arg10 : memref<!tpu.dma_semaphore, #tpu.memory_space<semaphore_mem>>) src(%arg7 : memref<128x8xf32, #tpu.memory_space<vmem>>) dst(%dma_wait3A_167 : memref<10000x8xf32, #tpu.memory_space<vmem_shared>>)
        } else {
        }
        %dma_start3A = arith.constant 0 : i32
        %dma_start3A_157 = tpu.memref_slice %arg6[%add3A_100, %dma_start3A] : memref<79x128xi32, #tpu.memory_space<vmem>> -> memref<1x128xi32, #tpu.memory_space<vmem>>
        %dma_start3A_158 = tpu.memref_squeeze %dma_start3A_157 : memref<1x128xi32, #tpu.memory_space<vmem>> -> memref<128xi32, #tpu.memory_space<vmem>>
        %dma_start3A_159 = arith.constant 0 : i32
        %dma_start3A_160 = arith.constant 0 : i32
        %dma_start3A_161 = tpu.memref_slice %arg8[%dma_start3A_159, %dma_start3A_160] : memref<10000x8xf32, #tpu.memory_space<vmem_shared>> -> memref<10000x8xf32, #tpu.memory_space<vmem_shared>>
        tpu.enqueue_indirect_dma source(%arg7 : memref<128x8xf32, #tpu.memory_space<vmem>>) target(%dma_start3A_161 : memref<10000x8xf32, #tpu.memory_space<vmem_shared>>) offsets(%dma_start3A_158 : memref<128xi32, #tpu.memory_space<vmem>>) semaphore(%arg10 : memref<!tpu.dma_semaphore, #tpu.memory_space<semaphore_mem>>) {add = true}
      } else {
      }
      %mul3A_105 = arith.constant 8 : i32
      %mul3A_106 = arith.muli %scan3A_88, %mul3A_105 : i32
      %add3A_107 = arith.constant 2 : i32
      %add3A_108 = arith.addi %mul3A_106, %add3A_107 : i32
      %lt3A_109 = arith.cmpi slt, %add3A_108, %select_n3A : i32
      %convert_element_type3A_110 = arith.extui %lt3A_109 : i1 to i32
      %cond3A_111 = arith.constant 0 : i32
      %cond3A_112 = arith.cmpi ne, %convert_element_type3A_110, %cond3A_111 : i32
      scf.if %cond3A_112 {
        %ge3A = arith.constant 8 : i32
        %ge3A_153 = arith.cmpi sge, %add3A_108, %ge3A : i32
        %convert_element_type3A_154 = arith.extui %ge3A_153 : i1 to i32
        %cond3A_155 = arith.constant 0 : i32
        %cond3A_156 = arith.cmpi ne, %convert_element_type3A_154, %cond3A_155 : i32
        scf.if %cond3A_156 {
          %dma_wait3A_162 = arith.constant 0 : i32
          %dma_wait3A_163 = tpu.memref_slice %arg6[%add3A_108, %dma_wait3A_162] : memref<79x128xi32, #tpu.memory_space<vmem>> -> memref<1x128xi32, #tpu.memory_space<vmem>>
          %dma_wait3A_164 = tpu.memref_squeeze %dma_wait3A_163 : memref<1x128xi32, #tpu.memory_space<vmem>> -> memref<128xi32, #tpu.memory_space<vmem>>
          %dma_wait3A_165 = arith.constant 0 : i32
          %dma_wait3A_166 = arith.constant 0 : i32
          %dma_wait3A_167 = tpu.memref_slice %arg8[%dma_wait3A_165, %dma_wait3A_166] : memref<10000x8xf32, #tpu.memory_space<vmem_shared>> -> memref<10000x8xf32, #tpu.memory_space<vmem_shared>>
          tpu.wait_indirect_dma semaphore(%arg11 : memref<!tpu.dma_semaphore, #tpu.memory_space<semaphore_mem>>) src(%arg7 : memref<128x8xf32, #tpu.memory_space<vmem>>) dst(%dma_wait3A_167 : memref<10000x8xf32, #tpu.memory_space<vmem_shared>>)
        } else {
        }
        %dma_start3A = arith.constant 0 : i32
        %dma_start3A_157 = tpu.memref_slice %arg6[%add3A_108, %dma_start3A] : memref<79x128xi32, #tpu.memory_space<vmem>> -> memref<1x128xi32, #tpu.memory_space<vmem>>
        %dma_start3A_158 = tpu.memref_squeeze %dma_start3A_157 : memref<1x128xi32, #tpu.memory_space<vmem>> -> memref<128xi32, #tpu.memory_space<vmem>>
        %dma_start3A_159 = arith.constant 0 : i32
        %dma_start3A_160 = arith.constant 0 : i32
        %dma_start3A_161 = tpu.memref_slice %arg8[%dma_start3A_159, %dma_start3A_160] : memref<10000x8xf32, #tpu.memory_space<vmem_shared>> -> memref<10000x8xf32, #tpu.memory_space<vmem_shared>>
        tpu.enqueue_indirect_dma source(%arg7 : memref<128x8xf32, #tpu.memory_space<vmem>>) target(%dma_start3A_161 : memref<10000x8xf32, #tpu.memory_space<vmem_shared>>) offsets(%dma_start3A_158 : memref<128xi32, #tpu.memory_space<vmem>>) semaphore(%arg11 : memref<!tpu.dma_semaphore, #tpu.memory_space<semaphore_mem>>) {add = true}
      } else {
      }
      %mul3A_113 = arith.constant 8 : i32
      %mul3A_114 = arith.muli %scan3A_88, %mul3A_113 : i32
      %add3A_115 = arith.constant 3 : i32
      %add3A_116 = arith.addi %mul3A_114, %add3A_115 : i32
      %lt3A_117 = arith.cmpi slt, %add3A_116, %select_n3A : i32
      %convert_element_type3A_118 = arith.extui %lt3A_117 : i1 to i32
      %cond3A_119 = arith.constant 0 : i32
      %cond3A_120 = arith.cmpi ne, %convert_element_type3A_118, %cond3A_119 : i32
      scf.if %cond3A_120 {
        %ge3A = arith.constant 8 : i32
        %ge3A_153 = arith.cmpi sge, %add3A_116, %ge3A : i32
        %convert_element_type3A_154 = arith.extui %ge3A_153 : i1 to i32
        %cond3A_155 = arith.constant 0 : i32
        %cond3A_156 = arith.cmpi ne, %convert_element_type3A_154, %cond3A_155 : i32
        scf.if %cond3A_156 {
          %dma_wait3A_162 = arith.constant 0 : i32
          %dma_wait3A_163 = tpu.memref_slice %arg6[%add3A_116, %dma_wait3A_162] : memref<79x128xi32, #tpu.memory_space<vmem>> -> memref<1x128xi32, #tpu.memory_space<vmem>>
          %dma_wait3A_164 = tpu.memref_squeeze %dma_wait3A_163 : memref<1x128xi32, #tpu.memory_space<vmem>> -> memref<128xi32, #tpu.memory_space<vmem>>
          %dma_wait3A_165 = arith.constant 0 : i32
          %dma_wait3A_166 = arith.constant 0 : i32
          %dma_wait3A_167 = tpu.memref_slice %arg8[%dma_wait3A_165, %dma_wait3A_166] : memref<10000x8xf32, #tpu.memory_space<vmem_shared>> -> memref<10000x8xf32, #tpu.memory_space<vmem_shared>>
          tpu.wait_indirect_dma semaphore(%arg12 : memref<!tpu.dma_semaphore, #tpu.memory_space<semaphore_mem>>) src(%arg7 : memref<128x8xf32, #tpu.memory_space<vmem>>) dst(%dma_wait3A_167 : memref<10000x8xf32, #tpu.memory_space<vmem_shared>>)
        } else {
        }
        %dma_start3A = arith.constant 0 : i32
        %dma_start3A_157 = tpu.memref_slice %arg6[%add3A_116, %dma_start3A] : memref<79x128xi32, #tpu.memory_space<vmem>> -> memref<1x128xi32, #tpu.memory_space<vmem>>
        %dma_start3A_158 = tpu.memref_squeeze %dma_start3A_157 : memref<1x128xi32, #tpu.memory_space<vmem>> -> memref<128xi32, #tpu.memory_space<vmem>>
        %dma_start3A_159 = arith.constant 0 : i32
        %dma_start3A_160 = arith.constant 0 : i32
        %dma_start3A_161 = tpu.memref_slice %arg8[%dma_start3A_159, %dma_start3A_160] : memref<10000x8xf32, #tpu.memory_space<vmem_shared>> -> memref<10000x8xf32, #tpu.memory_space<vmem_shared>>
        tpu.enqueue_indirect_dma source(%arg7 : memref<128x8xf32, #tpu.memory_space<vmem>>) target(%dma_start3A_161 : memref<10000x8xf32, #tpu.memory_space<vmem_shared>>) offsets(%dma_start3A_158 : memref<128xi32, #tpu.memory_space<vmem>>) semaphore(%arg12 : memref<!tpu.dma_semaphore, #tpu.memory_space<semaphore_mem>>) {add = true}
      } else {
      }
      %mul3A_121 = arith.constant 8 : i32
      %mul3A_122 = arith.muli %scan3A_88, %mul3A_121 : i32
      %add3A_123 = arith.constant 4 : i32
      %add3A_124 = arith.addi %mul3A_122, %add3A_123 : i32
      %lt3A_125 = arith.cmpi slt, %add3A_124, %select_n3A : i32
      %convert_element_type3A_126 = arith.extui %lt3A_125 : i1 to i32
      %cond3A_127 = arith.constant 0 : i32
      %cond3A_128 = arith.cmpi ne, %convert_element_type3A_126, %cond3A_127 : i32
      scf.if %cond3A_128 {
        %ge3A = arith.constant 8 : i32
        %ge3A_153 = arith.cmpi sge, %add3A_124, %ge3A : i32
        %convert_element_type3A_154 = arith.extui %ge3A_153 : i1 to i32
        %cond3A_155 = arith.constant 0 : i32
        %cond3A_156 = arith.cmpi ne, %convert_element_type3A_154, %cond3A_155 : i32
        scf.if %cond3A_156 {
          %dma_wait3A_162 = arith.constant 0 : i32
          %dma_wait3A_163 = tpu.memref_slice %arg6[%add3A_124, %dma_wait3A_162] : memref<79x128xi32, #tpu.memory_space<vmem>> -> memref<1x128xi32, #tpu.memory_space<vmem>>
          %dma_wait3A_164 = tpu.memref_squeeze %dma_wait3A_163 : memref<1x128xi32, #tpu.memory_space<vmem>> -> memref<128xi32, #tpu.memory_space<vmem>>
          %dma_wait3A_165 = arith.constant 0 : i32
          %dma_wait3A_166 = arith.constant 0 : i32
          %dma_wait3A_167 = tpu.memref_slice %arg8[%dma_wait3A_165, %dma_wait3A_166] : memref<10000x8xf32, #tpu.memory_space<vmem_shared>> -> memref<10000x8xf32, #tpu.memory_space<vmem_shared>>
          tpu.wait_indirect_dma semaphore(%arg13 : memref<!tpu.dma_semaphore, #tpu.memory_space<semaphore_mem>>) src(%arg7 : memref<128x8xf32, #tpu.memory_space<vmem>>) dst(%dma_wait3A_167 : memref<10000x8xf32, #tpu.memory_space<vmem_shared>>)
        } else {
        }
        %dma_start3A = arith.constant 0 : i32
        %dma_start3A_157 = tpu.memref_slice %arg6[%add3A_124, %dma_start3A] : memref<79x128xi32, #tpu.memory_space<vmem>> -> memref<1x128xi32, #tpu.memory_space<vmem>>
        %dma_start3A_158 = tpu.memref_squeeze %dma_start3A_157 : memref<1x128xi32, #tpu.memory_space<vmem>> -> memref<128xi32, #tpu.memory_space<vmem>>
        %dma_start3A_159 = arith.constant 0 : i32
        %dma_start3A_160 = arith.constant 0 : i32
        %dma_start3A_161 = tpu.memref_slice %arg8[%dma_start3A_159, %dma_start3A_160] : memref<10000x8xf32, #tpu.memory_space<vmem_shared>> -> memref<10000x8xf32, #tpu.memory_space<vmem_shared>>
        tpu.enqueue_indirect_dma source(%arg7 : memref<128x8xf32, #tpu.memory_space<vmem>>) target(%dma_start3A_161 : memref<10000x8xf32, #tpu.memory_space<vmem_shared>>) offsets(%dma_start3A_158 : memref<128xi32, #tpu.memory_space<vmem>>) semaphore(%arg13 : memref<!tpu.dma_semaphore, #tpu.memory_space<semaphore_mem>>) {add = true}
      } else {
      }
      %mul3A_129 = arith.constant 8 : i32
      %mul3A_130 = arith.muli %scan3A_88, %mul3A_129 : i32
      %add3A_131 = arith.constant 5 : i32
      %add3A_132 = arith.addi %mul3A_130, %add3A_131 : i32
      %lt3A_133 = arith.cmpi slt, %add3A_132, %select_n3A : i32
      %convert_element_type3A_134 = arith.extui %lt3A_133 : i1 to i32
      %cond3A_135 = arith.constant 0 : i32
      %cond3A_136 = arith.cmpi ne, %convert_element_type3A_134, %cond3A_135 : i32
      scf.if %cond3A_136 {
        %ge3A = arith.constant 8 : i32
        %ge3A_153 = arith.cmpi sge, %add3A_132, %ge3A : i32
        %convert_element_type3A_154 = arith.extui %ge3A_153 : i1 to i32
        %cond3A_155 = arith.constant 0 : i32
        %cond3A_156 = arith.cmpi ne, %convert_element_type3A_154, %cond3A_155 : i32
        scf.if %cond3A_156 {
          %dma_wait3A_162 = arith.constant 0 : i32
          %dma_wait3A_163 = tpu.memref_slice %arg6[%add3A_132, %dma_wait3A_162] : memref<79x128xi32, #tpu.memory_space<vmem>> -> memref<1x128xi32, #tpu.memory_space<vmem>>
          %dma_wait3A_164 = tpu.memref_squeeze %dma_wait3A_163 : memref<1x128xi32, #tpu.memory_space<vmem>> -> memref<128xi32, #tpu.memory_space<vmem>>
          %dma_wait3A_165 = arith.constant 0 : i32
          %dma_wait3A_166 = arith.constant 0 : i32
          %dma_wait3A_167 = tpu.memref_slice %arg8[%dma_wait3A_165, %dma_wait3A_166] : memref<10000x8xf32, #tpu.memory_space<vmem_shared>> -> memref<10000x8xf32, #tpu.memory_space<vmem_shared>>
          tpu.wait_indirect_dma semaphore(%arg14 : memref<!tpu.dma_semaphore, #tpu.memory_space<semaphore_mem>>) src(%arg7 : memref<128x8xf32, #tpu.memory_space<vmem>>) dst(%dma_wait3A_167 : memref<10000x8xf32, #tpu.memory_space<vmem_shared>>)
        } else {
        }
        %dma_start3A = arith.constant 0 : i32
        %dma_start3A_157 = tpu.memref_slice %arg6[%add3A_132, %dma_start3A] : memref<79x128xi32, #tpu.memory_space<vmem>> -> memref<1x128xi32, #tpu.memory_space<vmem>>
        %dma_start3A_158 = tpu.memref_squeeze %dma_start3A_157 : memref<1x128xi32, #tpu.memory_space<vmem>> -> memref<128xi32, #tpu.memory_space<vmem>>
        %dma_start3A_159 = arith.constant 0 : i32
        %dma_start3A_160 = arith.constant 0 : i32
        %dma_start3A_161 = tpu.memref_slice %arg8[%dma_start3A_159, %dma_start3A_160] : memref<10000x8xf32, #tpu.memory_space<vmem_shared>> -> memref<10000x8xf32, #tpu.memory_space<vmem_shared>>
        tpu.enqueue_indirect_dma source(%arg7 : memref<128x8xf32, #tpu.memory_space<vmem>>) target(%dma_start3A_161 : memref<10000x8xf32, #tpu.memory_space<vmem_shared>>) offsets(%dma_start3A_158 : memref<128xi32, #tpu.memory_space<vmem>>) semaphore(%arg14 : memref<!tpu.dma_semaphore, #tpu.memory_space<semaphore_mem>>) {add = true}
      } else {
      }
      %mul3A_137 = arith.constant 8 : i32
      %mul3A_138 = arith.muli %scan3A_88, %mul3A_137 : i32
      %add3A_139 = arith.constant 6 : i32
      %add3A_140 = arith.addi %mul3A_138, %add3A_139 : i32
      %lt3A_141 = arith.cmpi slt, %add3A_140, %select_n3A : i32
      %convert_element_type3A_142 = arith.extui %lt3A_141 : i1 to i32
      %cond3A_143 = arith.constant 0 : i32
      %cond3A_144 = arith.cmpi ne, %convert_element_type3A_142, %cond3A_143 : i32
      scf.if %cond3A_144 {
        %ge3A = arith.constant 8 : i32
        %ge3A_153 = arith.cmpi sge, %add3A_140, %ge3A : i32
        %convert_element_type3A_154 = arith.extui %ge3A_153 : i1 to i32
        %cond3A_155 = arith.constant 0 : i32
        %cond3A_156 = arith.cmpi ne, %convert_element_type3A_154, %cond3A_155 : i32
        scf.if %cond3A_156 {
          %dma_wait3A_162 = arith.constant 0 : i32
          %dma_wait3A_163 = tpu.memref_slice %arg6[%add3A_140, %dma_wait3A_162] : memref<79x128xi32, #tpu.memory_space<vmem>> -> memref<1x128xi32, #tpu.memory_space<vmem>>
          %dma_wait3A_164 = tpu.memref_squeeze %dma_wait3A_163 : memref<1x128xi32, #tpu.memory_space<vmem>> -> memref<128xi32, #tpu.memory_space<vmem>>
          %dma_wait3A_165 = arith.constant 0 : i32
          %dma_wait3A_166 = arith.constant 0 : i32
          %dma_wait3A_167 = tpu.memref_slice %arg8[%dma_wait3A_165, %dma_wait3A_166] : memref<10000x8xf32, #tpu.memory_space<vmem_shared>> -> memref<10000x8xf32, #tpu.memory_space<vmem_shared>>
          tpu.wait_indirect_dma semaphore(%arg15 : memref<!tpu.dma_semaphore, #tpu.memory_space<semaphore_mem>>) src(%arg7 : memref<128x8xf32, #tpu.memory_space<vmem>>) dst(%dma_wait3A_167 : memref<10000x8xf32, #tpu.memory_space<vmem_shared>>)
        } else {
        }
        %dma_start3A = arith.constant 0 : i32
        %dma_start3A_157 = tpu.memref_slice %arg6[%add3A_140, %dma_start3A] : memref<79x128xi32, #tpu.memory_space<vmem>> -> memref<1x128xi32, #tpu.memory_space<vmem>>
        %dma_start3A_158 = tpu.memref_squeeze %dma_start3A_157 : memref<1x128xi32, #tpu.memory_space<vmem>> -> memref<128xi32, #tpu.memory_space<vmem>>
        %dma_start3A_159 = arith.constant 0 : i32
        %dma_start3A_160 = arith.constant 0 : i32
        %dma_start3A_161 = tpu.memref_slice %arg8[%dma_start3A_159, %dma_start3A_160] : memref<10000x8xf32, #tpu.memory_space<vmem_shared>> -> memref<10000x8xf32, #tpu.memory_space<vmem_shared>>
        tpu.enqueue_indirect_dma source(%arg7 : memref<128x8xf32, #tpu.memory_space<vmem>>) target(%dma_start3A_161 : memref<10000x8xf32, #tpu.memory_space<vmem_shared>>) offsets(%dma_start3A_158 : memref<128xi32, #tpu.memory_space<vmem>>) semaphore(%arg15 : memref<!tpu.dma_semaphore, #tpu.memory_space<semaphore_mem>>) {add = true}
      } else {
      }
      %mul3A_145 = arith.constant 8 : i32
      %mul3A_146 = arith.muli %scan3A_88, %mul3A_145 : i32
      %add3A_147 = arith.constant 7 : i32
      %add3A_148 = arith.addi %mul3A_146, %add3A_147 : i32
      %lt3A_149 = arith.cmpi slt, %add3A_148, %select_n3A : i32
      %convert_element_type3A_150 = arith.extui %lt3A_149 : i1 to i32
      %cond3A_151 = arith.constant 0 : i32
      %cond3A_152 = arith.cmpi ne, %convert_element_type3A_150, %cond3A_151 : i32
      scf.if %cond3A_152 {
        %ge3A = arith.constant 8 : i32
        %ge3A_153 = arith.cmpi sge, %add3A_148, %ge3A : i32
        %convert_element_type3A_154 = arith.extui %ge3A_153 : i1 to i32
        %cond3A_155 = arith.constant 0 : i32
        %cond3A_156 = arith.cmpi ne, %convert_element_type3A_154, %cond3A_155 : i32
        scf.if %cond3A_156 {
          %dma_wait3A_162 = arith.constant 0 : i32
          %dma_wait3A_163 = tpu.memref_slice %arg6[%add3A_148, %dma_wait3A_162] : memref<79x128xi32, #tpu.memory_space<vmem>> -> memref<1x128xi32, #tpu.memory_space<vmem>>
          %dma_wait3A_164 = tpu.memref_squeeze %dma_wait3A_163 : memref<1x128xi32, #tpu.memory_space<vmem>> -> memref<128xi32, #tpu.memory_space<vmem>>
          %dma_wait3A_165 = arith.constant 0 : i32
          %dma_wait3A_166 = arith.constant 0 : i32
          %dma_wait3A_167 = tpu.memref_slice %arg8[%dma_wait3A_165, %dma_wait3A_166] : memref<10000x8xf32, #tpu.memory_space<vmem_shared>> -> memref<10000x8xf32, #tpu.memory_space<vmem_shared>>
          tpu.wait_indirect_dma semaphore(%arg16 : memref<!tpu.dma_semaphore, #tpu.memory_space<semaphore_mem>>) src(%arg7 : memref<128x8xf32, #tpu.memory_space<vmem>>) dst(%dma_wait3A_167 : memref<10000x8xf32, #tpu.memory_space<vmem_shared>>)
        } else {
        }
        %dma_start3A = arith.constant 0 : i32
        %dma_start3A_157 = tpu.memref_slice %arg6[%add3A_148, %dma_start3A] : memref<79x128xi32, #tpu.memory_space<vmem>> -> memref<1x128xi32, #tpu.memory_space<vmem>>
        %dma_start3A_158 = tpu.memref_squeeze %dma_start3A_157 : memref<1x128xi32, #tpu.memory_space<vmem>> -> memref<128xi32, #tpu.memory_space<vmem>>
        %dma_start3A_159 = arith.constant 0 : i32
        %dma_start3A_160 = arith.constant 0 : i32
        %dma_start3A_161 = tpu.memref_slice %arg8[%dma_start3A_159, %dma_start3A_160] : memref<10000x8xf32, #tpu.memory_space<vmem_shared>> -> memref<10000x8xf32, #tpu.memory_space<vmem_shared>>
        tpu.enqueue_indirect_dma source(%arg7 : memref<128x8xf32, #tpu.memory_space<vmem>>) target(%dma_start3A_161 : memref<10000x8xf32, #tpu.memory_space<vmem_shared>>) offsets(%dma_start3A_158 : memref<128xi32, #tpu.memory_space<vmem>>) semaphore(%arg16 : memref<!tpu.dma_semaphore, #tpu.memory_space<semaphore_mem>>) {add = true}
      } else {
      }
    }
    %scan3A_21 = arith.constant 10 : i32
    %dma_wait3A = arith.constant 0 : i32
    %dma_wait3A_22 = arith.constant 0 : i32
    %dma_wait3A_23 = tpu.memref_slice %arg6[%dma_wait3A, %dma_wait3A_22] : memref<79x128xi32, #tpu.memory_space<vmem>> -> memref<1x128xi32, #tpu.memory_space<vmem>>
    %dma_wait3A_24 = tpu.memref_squeeze %dma_wait3A_23 : memref<1x128xi32, #tpu.memory_space<vmem>> -> memref<128xi32, #tpu.memory_space<vmem>>
    %dma_wait3A_25 = arith.constant 0 : i32
    %dma_wait3A_26 = arith.constant 0 : i32
    %dma_wait3A_27 = tpu.memref_slice %arg8[%dma_wait3A_25, %dma_wait3A_26] : memref<10000x8xf32, #tpu.memory_space<vmem_shared>> -> memref<10000x8xf32, #tpu.memory_space<vmem_shared>>
    tpu.wait_indirect_dma semaphore(%arg9 : memref<!tpu.dma_semaphore, #tpu.memory_space<semaphore_mem>>) src(%arg7 : memref<128x8xf32, #tpu.memory_space<vmem>>) dst(%dma_wait3A_27 : memref<10000x8xf32, #tpu.memory_space<vmem_shared>>)
    %dma_wait3A_28 = arith.constant 0 : i32
    %dma_wait3A_29 = arith.constant 0 : i32
    %dma_wait3A_30 = tpu.memref_slice %arg6[%dma_wait3A_28, %dma_wait3A_29] : memref<79x128xi32, #tpu.memory_space<vmem>> -> memref<1x128xi32, #tpu.memory_space<vmem>>
    %dma_wait3A_31 = tpu.memref_squeeze %dma_wait3A_30 : memref<1x128xi32, #tpu.memory_space<vmem>> -> memref<128xi32, #tpu.memory_space<vmem>>
    %dma_wait3A_32 = arith.constant 0 : i32
    %dma_wait3A_33 = arith.constant 0 : i32
    %dma_wait3A_34 = tpu.memref_slice %arg8[%dma_wait3A_32, %dma_wait3A_33] : memref<10000x8xf32, #tpu.memory_space<vmem_shared>> -> memref<10000x8xf32, #tpu.memory_space<vmem_shared>>
    tpu.wait_indirect_dma semaphore(%arg10 : memref<!tpu.dma_semaphore, #tpu.memory_space<semaphore_mem>>) src(%arg7 : memref<128x8xf32, #tpu.memory_space<vmem>>) dst(%dma_wait3A_34 : memref<10000x8xf32, #tpu.memory_space<vmem_shared>>)
    %dma_wait3A_35 = arith.constant 0 : i32
    %dma_wait3A_36 = arith.constant 0 : i32
    %dma_wait3A_37 = tpu.memref_slice %arg6[%dma_wait3A_35, %dma_wait3A_36] : memref<79x128xi32, #tpu.memory_space<vmem>> -> memref<1x128xi32, #tpu.memory_space<vmem>>
    %dma_wait3A_38 = tpu.memref_squeeze %dma_wait3A_37 : memref<1x128xi32, #tpu.memory_space<vmem>> -> memref<128xi32, #tpu.memory_space<vmem>>
    %dma_wait3A_39 = arith.constant 0 : i32
    %dma_wait3A_40 = arith.constant 0 : i32
    %dma_wait3A_41 = tpu.memref_slice %arg8[%dma_wait3A_39, %dma_wait3A_40] : memref<10000x8xf32, #tpu.memory_space<vmem_shared>> -> memref<10000x8xf32, #tpu.memory_space<vmem_shared>>
    tpu.wait_indirect_dma semaphore(%arg11 : memref<!tpu.dma_semaphore, #tpu.memory_space<semaphore_mem>>) src(%arg7 : memref<128x8xf32, #tpu.memory_space<vmem>>) dst(%dma_wait3A_41 : memref<10000x8xf32, #tpu.memory_space<vmem_shared>>)
    %dma_wait3A_42 = arith.constant 0 : i32
    %dma_wait3A_43 = arith.constant 0 : i32
    %dma_wait3A_44 = tpu.memref_slice %arg6[%dma_wait3A_42, %dma_wait3A_43] : memref<79x128xi32, #tpu.memory_space<vmem>> -> memref<1x128xi32, #tpu.memory_space<vmem>>
    %dma_wait3A_45 = tpu.memref_squeeze %dma_wait3A_44 : memref<1x128xi32, #tpu.memory_space<vmem>> -> memref<128xi32, #tpu.memory_space<vmem>>
    %dma_wait3A_46 = arith.constant 0 : i32
    %dma_wait3A_47 = arith.constant 0 : i32
    %dma_wait3A_48 = tpu.memref_slice %arg8[%dma_wait3A_46, %dma_wait3A_47] : memref<10000x8xf32, #tpu.memory_space<vmem_shared>> -> memref<10000x8xf32, #tpu.memory_space<vmem_shared>>
    tpu.wait_indirect_dma semaphore(%arg12 : memref<!tpu.dma_semaphore, #tpu.memory_space<semaphore_mem>>) src(%arg7 : memref<128x8xf32, #tpu.memory_space<vmem>>) dst(%dma_wait3A_48 : memref<10000x8xf32, #tpu.memory_space<vmem_shared>>)
    %dma_wait3A_49 = arith.constant 0 : i32
    %dma_wait3A_50 = arith.constant 0 : i32
    %dma_wait3A_51 = tpu.memref_slice %arg6[%dma_wait3A_49, %dma_wait3A_50] : memref<79x128xi32, #tpu.memory_space<vmem>> -> memref<1x128xi32, #tpu.memory_space<vmem>>
    %dma_wait3A_52 = tpu.memref_squeeze %dma_wait3A_51 : memref<1x128xi32, #tpu.memory_space<vmem>> -> memref<128xi32, #tpu.memory_space<vmem>>
    %dma_wait3A_53 = arith.constant 0 : i32
    %dma_wait3A_54 = arith.constant 0 : i32
    %dma_wait3A_55 = tpu.memref_slice %arg8[%dma_wait3A_53, %dma_wait3A_54] : memref<10000x8xf32, #tpu.memory_space<vmem_shared>> -> memref<10000x8xf32, #tpu.memory_space<vmem_shared>>
    tpu.wait_indirect_dma semaphore(%arg13 : memref<!tpu.dma_semaphore, #tpu.memory_space<semaphore_mem>>) src(%arg7 : memref<128x8xf32, #tpu.memory_space<vmem>>) dst(%dma_wait3A_55 : memref<10000x8xf32, #tpu.memory_space<vmem_shared>>)
    %dma_wait3A_56 = arith.constant 0 : i32
    %dma_wait3A_57 = arith.constant 0 : i32
    %dma_wait3A_58 = tpu.memref_slice %arg6[%dma_wait3A_56, %dma_wait3A_57] : memref<79x128xi32, #tpu.memory_space<vmem>> -> memref<1x128xi32, #tpu.memory_space<vmem>>
    %dma_wait3A_59 = tpu.memref_squeeze %dma_wait3A_58 : memref<1x128xi32, #tpu.memory_space<vmem>> -> memref<128xi32, #tpu.memory_space<vmem>>
    %dma_wait3A_60 = arith.constant 0 : i32
    %dma_wait3A_61 = arith.constant 0 : i32
    %dma_wait3A_62 = tpu.memref_slice %arg8[%dma_wait3A_60, %dma_wait3A_61] : memref<10000x8xf32, #tpu.memory_space<vmem_shared>> -> memref<10000x8xf32, #tpu.memory_space<vmem_shared>>
    tpu.wait_indirect_dma semaphore(%arg14 : memref<!tpu.dma_semaphore, #tpu.memory_space<semaphore_mem>>) src(%arg7 : memref<128x8xf32, #tpu.memory_space<vmem>>) dst(%dma_wait3A_62 : memref<10000x8xf32, #tpu.memory_space<vmem_shared>>)
    %dma_wait3A_63 = arith.constant 0 : i32
    %dma_wait3A_64 = arith.constant 0 : i32
    %dma_wait3A_65 = tpu.memref_slice %arg6[%dma_wait3A_63, %dma_wait3A_64] : memref<79x128xi32, #tpu.memory_space<vmem>> -> memref<1x128xi32, #tpu.memory_space<vmem>>
    %dma_wait3A_66 = tpu.memref_squeeze %dma_wait3A_65 : memref<1x128xi32, #tpu.memory_space<vmem>> -> memref<128xi32, #tpu.memory_space<vmem>>
    %dma_wait3A_67 = arith.constant 0 : i32
    %dma_wait3A_68 = arith.constant 0 : i32
    %dma_wait3A_69 = tpu.memref_slice %arg8[%dma_wait3A_67, %dma_wait3A_68] : memref<10000x8xf32, #tpu.memory_space<vmem_shared>> -> memref<10000x8xf32, #tpu.memory_space<vmem_shared>>
    tpu.wait_indirect_dma semaphore(%arg15 : memref<!tpu.dma_semaphore, #tpu.memory_space<semaphore_mem>>) src(%arg7 : memref<128x8xf32, #tpu.memory_space<vmem>>) dst(%dma_wait3A_69 : memref<10000x8xf32, #tpu.memory_space<vmem_shared>>)
    %dma_wait3A_70 = arith.constant 0 : i32
    %dma_wait3A_71 = arith.constant 0 : i32
    %dma_wait3A_72 = tpu.memref_slice %arg6[%dma_wait3A_70, %dma_wait3A_71] : memref<79x128xi32, #tpu.memory_space<vmem>> -> memref<1x128xi32, #tpu.memory_space<vmem>>
    %dma_wait3A_73 = tpu.memref_squeeze %dma_wait3A_72 : memref<1x128xi32, #tpu.memory_space<vmem>> -> memref<128xi32, #tpu.memory_space<vmem>>
    %dma_wait3A_74 = arith.constant 0 : i32
    %dma_wait3A_75 = arith.constant 0 : i32
    %dma_wait3A_76 = tpu.memref_slice %arg8[%dma_wait3A_74, %dma_wait3A_75] : memref<10000x8xf32, #tpu.memory_space<vmem_shared>> -> memref<10000x8xf32, #tpu.memory_space<vmem_shared>>
    tpu.wait_indirect_dma semaphore(%arg16 : memref<!tpu.dma_semaphore, #tpu.memory_space<semaphore_mem>>) src(%arg7 : memref<128x8xf32, #tpu.memory_space<vmem>>) dst(%dma_wait3A_76 : memref<10000x8xf32, #tpu.memory_space<vmem_shared>>)
    %barrier3A_77 = arith.constant 0 : index
    tpu.barrier barrier_id(%barrier3A_77)
    %lt3A_78 = arith.constant 15 : i32
    %lt3A_79 = arith.cmpi slt, %arg1, %lt3A_78 : i32
    %convert_element_type3A_80 = arith.extui %lt3A_79 : i1 to i32
    %cond3A_81 = arith.constant 0 : i32
    %cond3A_82 = arith.cmpi ne, %convert_element_type3A_80, %cond3A_81 : i32
    scf.if %cond3A_82 {
      %mul3A_88 = arith.constant 624 : i32
      %mul3A_89 = arith.muli %arg1, %mul3A_88 : i32
      %mul3A_90 = arith.constant 624 : i32
      %mul3A_91 = arith.muli %arg1, %mul3A_90 : i32
      "tpu.region"() ({
        %run_scoped3A = tpu.sem_alloc : memref<!tpu.dma_semaphore, #tpu.memory_space<semaphore_mem>>
        %dma_start3A = arith.constant 0 : i32
        %dma_start3A_92 = tpu.memref_slice %arg5[%arg0, %mul3A_91, %dma_start3A] : memref<2x10000x8xf32, #tpu.memory_space<hbm>> -> memref<1x624x8xf32, #tpu.memory_space<hbm>>
        %dma_start3A_93 = tpu.memref_squeeze %dma_start3A_92 : memref<1x624x8xf32, #tpu.memory_space<hbm>> -> memref<624x8xf32, #tpu.memory_space<hbm>>
        %dma_start3A_94 = arith.constant 0 : i32
        %dma_start3A_95 = tpu.memref_slice %arg8[%mul3A_89, %dma_start3A_94] : memref<10000x8xf32, #tpu.memory_space<vmem_shared>> -> memref<624x8xf32, #tpu.memory_space<vmem_shared>>
        tpu.enqueue_dma source(%dma_start3A_95 : memref<624x8xf32, #tpu.memory_space<vmem_shared>>) target(%dma_start3A_93 : memref<624x8xf32, #tpu.memory_space<hbm>>) target_semaphore(%run_scoped3A : memref<!tpu.dma_semaphore, #tpu.memory_space<semaphore_mem>>)
        %dma_wait3A_96 = arith.constant 0 : i32
        %dma_wait3A_97 = tpu.memref_slice %arg5[%arg0, %mul3A_91, %dma_wait3A_96] : memref<2x10000x8xf32, #tpu.memory_space<hbm>> -> memref<1x624x8xf32, #tpu.memory_space<hbm>>
        %dma_wait3A_98 = tpu.memref_squeeze %dma_wait3A_97 : memref<1x624x8xf32, #tpu.memory_space<hbm>> -> memref<624x8xf32, #tpu.memory_space<hbm>>
        %dma_wait3A_99 = arith.constant 0 : i32
        %dma_wait3A_100 = tpu.memref_slice %arg8[%mul3A_89, %dma_wait3A_99] : memref<10000x8xf32, #tpu.memory_space<vmem_shared>> -> memref<624x8xf32, #tpu.memory_space<vmem_shared>>
        tpu.wait_dma2 semaphore(%run_scoped3A : memref<!tpu.dma_semaphore, #tpu.memory_space<semaphore_mem>>) src(%dma_wait3A_100 : memref<624x8xf32, #tpu.memory_space<vmem_shared>>) dst(%dma_wait3A_98 : memref<624x8xf32, #tpu.memory_space<hbm>>)
        tpu.yield
      }) : () -> ()
    } else {
    }
    %eq3A_83 = arith.constant 15 : i32
    %eq3A_84 = arith.cmpi eq, %arg1, %eq3A_83 : i32
    %convert_element_type3A_85 = arith.extui %eq3A_84 : i1 to i32
    %cond3A_86 = arith.constant 0 : i32
    %cond3A_87 = arith.cmpi ne, %convert_element_type3A_85, %cond3A_86 : i32
    scf.if %cond3A_87 {
      "tpu.region"() ({
        %run_scoped3A = tpu.sem_alloc : memref<!tpu.dma_semaphore, #tpu.memory_space<semaphore_mem>>
        %dma_start3A = arith.constant 9360 : i32
        %dma_start3A_88 = arith.constant 0 : i32
        %dma_start3A_89 = tpu.memref_slice %arg5[%arg0, %dma_start3A, %dma_start3A_88] : memref<2x10000x8xf32, #tpu.memory_space<hbm>> -> memref<1x640x8xf32, #tpu.memory_space<hbm>>
        %dma_start3A_90 = tpu.memref_squeeze %dma_start3A_89 : memref<1x640x8xf32, #tpu.memory_space<hbm>> -> memref<640x8xf32, #tpu.memory_space<hbm>>
        %dma_start3A_91 = arith.constant 9360 : i32
        %dma_start3A_92 = arith.constant 0 : i32
        %dma_start3A_93 = tpu.memref_slice %arg8[%dma_start3A_91, %dma_start3A_92] : memref<10000x8xf32, #tpu.memory_space<vmem_shared>> -> memref<640x8xf32, #tpu.memory_space<vmem_shared>>
        tpu.enqueue_dma source(%dma_start3A_93 : memref<640x8xf32, #tpu.memory_space<vmem_shared>>) target(%dma_start3A_90 : memref<640x8xf32, #tpu.memory_space<hbm>>) target_semaphore(%run_scoped3A : memref<!tpu.dma_semaphore, #tpu.memory_space<semaphore_mem>>)
        %dma_wait3A_94 = arith.constant 9360 : i32
        %dma_wait3A_95 = arith.constant 0 : i32
        %dma_wait3A_96 = tpu.memref_slice %arg5[%arg0, %dma_wait3A_94, %dma_wait3A_95] : memref<2x10000x8xf32, #tpu.memory_space<hbm>> -> memref<1x640x8xf32, #tpu.memory_space<hbm>>
        %dma_wait3A_97 = tpu.memref_squeeze %dma_wait3A_96 : memref<1x640x8xf32, #tpu.memory_space<hbm>> -> memref<640x8xf32, #tpu.memory_space<hbm>>
        %dma_wait3A_98 = arith.constant 9360 : i32
        %dma_wait3A_99 = arith.constant 0 : i32
        %dma_wait3A_100 = tpu.memref_slice %arg8[%dma_wait3A_98, %dma_wait3A_99] : memref<10000x8xf32, #tpu.memory_space<vmem_shared>> -> memref<640x8xf32, #tpu.memory_space<vmem_shared>>
        tpu.wait_dma2 semaphore(%run_scoped3A : memref<!tpu.dma_semaphore, #tpu.memory_space<semaphore_mem>>) src(%dma_wait3A_100 : memref<640x8xf32, #tpu.memory_space<vmem_shared>>) dst(%dma_wait3A_97 : memref<640x8xf32, #tpu.memory_space<hbm>>)
        tpu.yield
      }) : () -> ()
    } else {
    }
    return
  }
}

#map = affine_map<(d0, d1) -> (0, 0)>
#map1 = affine_map<(d0, d1) -> (0, 0, 0)>
module attributes {stable_mosaic.version = 14 : i64} {
  func.func @scat(%arg0: i32, %arg1: i32, %arg2: memref<10000x64xf32, #tpu.memory_space<hbm>>, %arg3: memref<2500x128xi32, #tpu.memory_space<hbm>>, %arg4: memref<2500x128xi32, #tpu.memory_space<hbm>>, %arg5: memref<10000x64xf32, #tpu.memory_space<hbm>>, %arg6: memref<2x10000x64xf32, #tpu.memory_space<hbm>>, %arg7: memref<79x128xi32, #tpu.memory_space<vmem>>, %arg8: memref<79x128xi32, #tpu.memory_space<vmem>>, %arg9: memref<128x64xf32, #tpu.memory_space<vmem>>, %arg10: memref<128x64xf32, #tpu.memory_space<vmem>>, %arg11: memref<128x64xf32, #tpu.memory_space<vmem>>, %arg12: memref<128x64xf32, #tpu.memory_space<vmem>>, %arg13: memref<128x64xf32, #tpu.memory_space<vmem>>, %arg14: memref<128x64xf32, #tpu.memory_space<vmem>>, %arg15: memref<128x64xf32, #tpu.memory_space<vmem>>, %arg16: memref<128x64xf32, #tpu.memory_space<vmem>>, %arg17: memref<10000x64xf32, #tpu.memory_space<vmem_shared>>, %arg18: memref<!tpu.dma_semaphore, #tpu.memory_space<semaphore_mem>>, %arg19: memref<!tpu.dma_semaphore, #tpu.memory_space<semaphore_mem>>, %arg20: memref<!tpu.dma_semaphore, #tpu.memory_space<semaphore_mem>>, %arg21: memref<!tpu.dma_semaphore, #tpu.memory_space<semaphore_mem>>, %arg22: memref<!tpu.dma_semaphore, #tpu.memory_space<semaphore_mem>>, %arg23: memref<!tpu.dma_semaphore, #tpu.memory_space<semaphore_mem>>, %arg24: memref<!tpu.dma_semaphore, #tpu.memory_space<semaphore_mem>>, %arg25: memref<!tpu.dma_semaphore, #tpu.memory_space<semaphore_mem>>) attributes {dimension_semantics = [#tpu.dimension_semantics<core_parallel>, #tpu.dimension_semantics<subcore_parallel>], iteration_bounds = array<i64: 2, 16>, scalar_prefetch = 0 : i64, scratch_operands = 19 : i64, tpu.core_type = #tpu.core_type<sc_vector_subcore>, window_params = [{transform_indices = #map}, {transform_indices = #map}, {transform_indices = #map}, {transform_indices = #map}, {transform_indices = #map1}]} {
    %mul3A = arith.constant 16 : i32
    %mul3A_0 = arith.muli %arg0, %mul3A : i32
    %add3A = arith.addi %mul3A_0, %arg1 : i32
    %lt3A = arith.constant 15 : i32
    %lt3A_1 = arith.cmpi slt, %arg1, %lt3A : i32
    %convert_element_type3A = arith.extui %lt3A_1 : i1 to i32
    %cond3A = arith.constant 0 : i32
    %cond3A_2 = arith.cmpi ne, %convert_element_type3A, %cond3A : i32
    scf.if %cond3A_2 {
      %mul3A_90 = arith.constant 624 : i32
      %mul3A_91 = arith.muli %arg1, %mul3A_90 : i32
      %mul3A_92 = arith.constant 624 : i32
      %mul3A_93 = arith.muli %arg1, %mul3A_92 : i32
      "tpu.region"() ({
        %run_scoped3A = tpu.sem_alloc : memref<!tpu.dma_semaphore, #tpu.memory_space<semaphore_mem>>
        %dma_start3A_94 = arith.constant 0 : i32
        %dma_start3A_95 = tpu.memref_slice %arg17[%mul3A_93, %dma_start3A_94] : memref<10000x64xf32, #tpu.memory_space<vmem_shared>> -> memref<624x64xf32, #tpu.memory_space<vmem_shared>>
        %dma_start3A_96 = arith.constant 0 : i32
        %dma_start3A_97 = tpu.memref_slice %arg5[%mul3A_91, %dma_start3A_96] : memref<10000x64xf32, #tpu.memory_space<hbm>> -> memref<624x64xf32, #tpu.memory_space<hbm>>
        tpu.enqueue_dma source(%dma_start3A_97 : memref<624x64xf32, #tpu.memory_space<hbm>>) target(%dma_start3A_95 : memref<624x64xf32, #tpu.memory_space<vmem_shared>>) target_semaphore(%run_scoped3A : memref<!tpu.dma_semaphore, #tpu.memory_space<semaphore_mem>>)
        %dma_wait3A = arith.constant 0 : i32
        %dma_wait3A_98 = tpu.memref_slice %arg17[%mul3A_93, %dma_wait3A] : memref<10000x64xf32, #tpu.memory_space<vmem_shared>> -> memref<624x64xf32, #tpu.memory_space<vmem_shared>>
        %dma_wait3A_99 = arith.constant 0 : i32
        %dma_wait3A_100 = tpu.memref_slice %arg5[%mul3A_91, %dma_wait3A_99] : memref<10000x64xf32, #tpu.memory_space<hbm>> -> memref<624x64xf32, #tpu.memory_space<hbm>>
        tpu.wait_dma2 semaphore(%run_scoped3A : memref<!tpu.dma_semaphore, #tpu.memory_space<semaphore_mem>>) src(%dma_wait3A_100 : memref<624x64xf32, #tpu.memory_space<hbm>>) dst(%dma_wait3A_98 : memref<624x64xf32, #tpu.memory_space<vmem_shared>>)
        tpu.yield
      }) : () -> ()
    } else {
    }
    %eq3A = arith.constant 15 : i32
    %eq3A_3 = arith.cmpi eq, %arg1, %eq3A : i32
    %convert_element_type3A_4 = arith.extui %eq3A_3 : i1 to i32
    %cond3A_5 = arith.constant 0 : i32
    %cond3A_6 = arith.cmpi ne, %convert_element_type3A_4, %cond3A_5 : i32
    scf.if %cond3A_6 {
      "tpu.region"() ({
        %run_scoped3A = tpu.sem_alloc : memref<!tpu.dma_semaphore, #tpu.memory_space<semaphore_mem>>
        %dma_start3A_90 = arith.constant 9360 : i32
        %dma_start3A_91 = arith.constant 0 : i32
        %dma_start3A_92 = tpu.memref_slice %arg17[%dma_start3A_90, %dma_start3A_91] : memref<10000x64xf32, #tpu.memory_space<vmem_shared>> -> memref<640x64xf32, #tpu.memory_space<vmem_shared>>
        %dma_start3A_93 = arith.constant 9360 : i32
        %dma_start3A_94 = arith.constant 0 : i32
        %dma_start3A_95 = tpu.memref_slice %arg5[%dma_start3A_93, %dma_start3A_94] : memref<10000x64xf32, #tpu.memory_space<hbm>> -> memref<640x64xf32, #tpu.memory_space<hbm>>
        tpu.enqueue_dma source(%dma_start3A_95 : memref<640x64xf32, #tpu.memory_space<hbm>>) target(%dma_start3A_92 : memref<640x64xf32, #tpu.memory_space<vmem_shared>>) target_semaphore(%run_scoped3A : memref<!tpu.dma_semaphore, #tpu.memory_space<semaphore_mem>>)
        %dma_wait3A = arith.constant 9360 : i32
        %dma_wait3A_96 = arith.constant 0 : i32
        %dma_wait3A_97 = tpu.memref_slice %arg17[%dma_wait3A, %dma_wait3A_96] : memref<10000x64xf32, #tpu.memory_space<vmem_shared>> -> memref<640x64xf32, #tpu.memory_space<vmem_shared>>
        %dma_wait3A_98 = arith.constant 9360 : i32
        %dma_wait3A_99 = arith.constant 0 : i32
        %dma_wait3A_100 = tpu.memref_slice %arg5[%dma_wait3A_98, %dma_wait3A_99] : memref<10000x64xf32, #tpu.memory_space<hbm>> -> memref<640x64xf32, #tpu.memory_space<hbm>>
        tpu.wait_dma2 semaphore(%run_scoped3A : memref<!tpu.dma_semaphore, #tpu.memory_space<semaphore_mem>>) src(%dma_wait3A_100 : memref<640x64xf32, #tpu.memory_space<hbm>>) dst(%dma_wait3A_97 : memref<640x64xf32, #tpu.memory_space<vmem_shared>>)
        tpu.yield
      }) : () -> ()
    } else {
    }
    %mul3A_7 = arith.constant 78 : i32
    %mul3A_8 = arith.muli %add3A, %mul3A_7 : i32
    "tpu.region"() ({
      %run_scoped3A = tpu.sem_alloc : memref<!tpu.dma_semaphore, #tpu.memory_space<semaphore_mem>>
      %dma_start3A_90 = arith.constant 0 : i32
      %dma_start3A_91 = arith.constant 0 : i32
      %dma_start3A_92 = tpu.memref_slice %arg7[%dma_start3A_90, %dma_start3A_91] : memref<79x128xi32, #tpu.memory_space<vmem>> -> memref<78x128xi32, #tpu.memory_space<vmem>>
      %dma_start3A_93 = arith.constant 0 : i32
      %dma_start3A_94 = tpu.memref_slice %arg3[%mul3A_8, %dma_start3A_93] : memref<2500x128xi32, #tpu.memory_space<hbm>> -> memref<78x128xi32, #tpu.memory_space<hbm>>
      %dma_start3A_95 = arith.constant 0 : i32
      %dma_start3A_96 = arith.constant 0 : i32
      %dma_start3A_97 = tpu.memref_slice %arg7[%dma_start3A_95, %dma_start3A_96] : memref<79x128xi32, #tpu.memory_space<vmem>> -> memref<78x128xi32, #tpu.memory_space<vmem>>
      %dma_start3A_98 = arith.constant 0 : i32
      %dma_start3A_99 = tpu.memref_slice %arg3[%mul3A_8, %dma_start3A_98] : memref<2500x128xi32, #tpu.memory_space<hbm>> -> memref<78x128xi32, #tpu.memory_space<hbm>>
      tpu.enqueue_dma source(%dma_start3A_99 : memref<78x128xi32, #tpu.memory_space<hbm>>) target(%dma_start3A_97 : memref<78x128xi32, #tpu.memory_space<vmem>>) target_semaphore(%run_scoped3A : memref<!tpu.dma_semaphore, #tpu.memory_space<semaphore_mem>>)
      %dma_wait3A = arith.constant 0 : i32
      %dma_wait3A_100 = arith.constant 0 : i32
      %dma_wait3A_101 = tpu.memref_slice %arg7[%dma_wait3A, %dma_wait3A_100] : memref<79x128xi32, #tpu.memory_space<vmem>> -> memref<78x128xi32, #tpu.memory_space<vmem>>
      %dma_wait3A_102 = arith.constant 0 : i32
      %dma_wait3A_103 = tpu.memref_slice %arg3[%mul3A_8, %dma_wait3A_102] : memref<2500x128xi32, #tpu.memory_space<hbm>> -> memref<78x128xi32, #tpu.memory_space<hbm>>
      %dma_wait3A_104 = arith.constant 0 : i32
      %dma_wait3A_105 = arith.constant 0 : i32
      %dma_wait3A_106 = tpu.memref_slice %arg7[%dma_wait3A_104, %dma_wait3A_105] : memref<79x128xi32, #tpu.memory_space<vmem>> -> memref<78x128xi32, #tpu.memory_space<vmem>>
      %dma_wait3A_107 = arith.constant 0 : i32
      %dma_wait3A_108 = tpu.memref_slice %arg3[%mul3A_8, %dma_wait3A_107] : memref<2500x128xi32, #tpu.memory_space<hbm>> -> memref<78x128xi32, #tpu.memory_space<hbm>>
      tpu.wait_dma2 semaphore(%run_scoped3A : memref<!tpu.dma_semaphore, #tpu.memory_space<semaphore_mem>>) src(%dma_wait3A_108 : memref<78x128xi32, #tpu.memory_space<hbm>>) dst(%dma_wait3A_106 : memref<78x128xi32, #tpu.memory_space<vmem>>)
      tpu.yield
    }) : () -> ()
    %mul3A_9 = arith.constant 78 : i32
    %mul3A_10 = arith.muli %add3A, %mul3A_9 : i32
    "tpu.region"() ({
      %run_scoped3A = tpu.sem_alloc : memref<!tpu.dma_semaphore, #tpu.memory_space<semaphore_mem>>
      %dma_start3A_90 = arith.constant 0 : i32
      %dma_start3A_91 = arith.constant 0 : i32
      %dma_start3A_92 = tpu.memref_slice %arg8[%dma_start3A_90, %dma_start3A_91] : memref<79x128xi32, #tpu.memory_space<vmem>> -> memref<78x128xi32, #tpu.memory_space<vmem>>
      %dma_start3A_93 = arith.constant 0 : i32
      %dma_start3A_94 = tpu.memref_slice %arg4[%mul3A_10, %dma_start3A_93] : memref<2500x128xi32, #tpu.memory_space<hbm>> -> memref<78x128xi32, #tpu.memory_space<hbm>>
      %dma_start3A_95 = arith.constant 0 : i32
      %dma_start3A_96 = arith.constant 0 : i32
      %dma_start3A_97 = tpu.memref_slice %arg8[%dma_start3A_95, %dma_start3A_96] : memref<79x128xi32, #tpu.memory_space<vmem>> -> memref<78x128xi32, #tpu.memory_space<vmem>>
      %dma_start3A_98 = arith.constant 0 : i32
      %dma_start3A_99 = tpu.memref_slice %arg4[%mul3A_10, %dma_start3A_98] : memref<2500x128xi32, #tpu.memory_space<hbm>> -> memref<78x128xi32, #tpu.memory_space<hbm>>
      tpu.enqueue_dma source(%dma_start3A_99 : memref<78x128xi32, #tpu.memory_space<hbm>>) target(%dma_start3A_97 : memref<78x128xi32, #tpu.memory_space<vmem>>) target_semaphore(%run_scoped3A : memref<!tpu.dma_semaphore, #tpu.memory_space<semaphore_mem>>)
      %dma_wait3A = arith.constant 0 : i32
      %dma_wait3A_100 = arith.constant 0 : i32
      %dma_wait3A_101 = tpu.memref_slice %arg8[%dma_wait3A, %dma_wait3A_100] : memref<79x128xi32, #tpu.memory_space<vmem>> -> memref<78x128xi32, #tpu.memory_space<vmem>>
      %dma_wait3A_102 = arith.constant 0 : i32
      %dma_wait3A_103 = tpu.memref_slice %arg4[%mul3A_10, %dma_wait3A_102] : memref<2500x128xi32, #tpu.memory_space<hbm>> -> memref<78x128xi32, #tpu.memory_space<hbm>>
      %dma_wait3A_104 = arith.constant 0 : i32
      %dma_wait3A_105 = arith.constant 0 : i32
      %dma_wait3A_106 = tpu.memref_slice %arg8[%dma_wait3A_104, %dma_wait3A_105] : memref<79x128xi32, #tpu.memory_space<vmem>> -> memref<78x128xi32, #tpu.memory_space<vmem>>
      %dma_wait3A_107 = arith.constant 0 : i32
      %dma_wait3A_108 = tpu.memref_slice %arg4[%mul3A_10, %dma_wait3A_107] : memref<2500x128xi32, #tpu.memory_space<hbm>> -> memref<78x128xi32, #tpu.memory_space<hbm>>
      tpu.wait_dma2 semaphore(%run_scoped3A : memref<!tpu.dma_semaphore, #tpu.memory_space<semaphore_mem>>) src(%dma_wait3A_108 : memref<78x128xi32, #tpu.memory_space<hbm>>) dst(%dma_wait3A_106 : memref<78x128xi32, #tpu.memory_space<vmem>>)
      tpu.yield
    }) : () -> ()
    %lt3A_11 = arith.constant 4 : i32
    %lt3A_12 = arith.cmpi slt, %add3A, %lt3A_11 : i32
    %convert_element_type3A_13 = arith.extui %lt3A_12 : i1 to i32
    %cond3A_14 = arith.constant 0 : i32
    %cond3A_15 = arith.cmpi ne, %convert_element_type3A_13, %cond3A_14 : i32
    scf.if %cond3A_15 {
      %add3A_90 = arith.constant 2496 : i32
      %add3A_91 = arith.addi %add3A_90, %add3A : i32
      "tpu.region"() ({
        %run_scoped3A = tpu.sem_alloc : memref<!tpu.dma_semaphore, #tpu.memory_space<semaphore_mem>>
        %dma_start3A_94 = arith.constant 78 : i32
        %dma_start3A_95 = arith.constant 0 : i32
        %dma_start3A_96 = tpu.memref_slice %arg7[%dma_start3A_94, %dma_start3A_95] : memref<79x128xi32, #tpu.memory_space<vmem>> -> memref<1x128xi32, #tpu.memory_space<vmem>>
        %dma_start3A_97 = arith.constant 0 : i32
        %dma_start3A_98 = tpu.memref_slice %arg3[%add3A_91, %dma_start3A_97] : memref<2500x128xi32, #tpu.memory_space<hbm>> -> memref<1x128xi32, #tpu.memory_space<hbm>>
        %dma_start3A_99 = arith.constant 78 : i32
        %dma_start3A_100 = arith.constant 0 : i32
        %dma_start3A_101 = tpu.memref_slice %arg7[%dma_start3A_99, %dma_start3A_100] : memref<79x128xi32, #tpu.memory_space<vmem>> -> memref<1x128xi32, #tpu.memory_space<vmem>>
        %dma_start3A_102 = arith.constant 0 : i32
        %dma_start3A_103 = tpu.memref_slice %arg3[%add3A_91, %dma_start3A_102] : memref<2500x128xi32, #tpu.memory_space<hbm>> -> memref<1x128xi32, #tpu.memory_space<hbm>>
        tpu.enqueue_dma source(%dma_start3A_103 : memref<1x128xi32, #tpu.memory_space<hbm>>) target(%dma_start3A_101 : memref<1x128xi32, #tpu.memory_space<vmem>>) target_semaphore(%run_scoped3A : memref<!tpu.dma_semaphore, #tpu.memory_space<semaphore_mem>>)
        %dma_wait3A = arith.constant 78 : i32
        %dma_wait3A_104 = arith.constant 0 : i32
        %dma_wait3A_105 = tpu.memref_slice %arg7[%dma_wait3A, %dma_wait3A_104] : memref<79x128xi32, #tpu.memory_space<vmem>> -> memref<1x128xi32, #tpu.memory_space<vmem>>
        %dma_wait3A_106 = arith.constant 0 : i32
        %dma_wait3A_107 = tpu.memref_slice %arg3[%add3A_91, %dma_wait3A_106] : memref<2500x128xi32, #tpu.memory_space<hbm>> -> memref<1x128xi32, #tpu.memory_space<hbm>>
        %dma_wait3A_108 = arith.constant 78 : i32
        %dma_wait3A_109 = arith.constant 0 : i32
        %dma_wait3A_110 = tpu.memref_slice %arg7[%dma_wait3A_108, %dma_wait3A_109] : memref<79x128xi32, #tpu.memory_space<vmem>> -> memref<1x128xi32, #tpu.memory_space<vmem>>
        %dma_wait3A_111 = arith.constant 0 : i32
        %dma_wait3A_112 = tpu.memref_slice %arg3[%add3A_91, %dma_wait3A_111] : memref<2500x128xi32, #tpu.memory_space<hbm>> -> memref<1x128xi32, #tpu.memory_space<hbm>>
        tpu.wait_dma2 semaphore(%run_scoped3A : memref<!tpu.dma_semaphore, #tpu.memory_space<semaphore_mem>>) src(%dma_wait3A_112 : memref<1x128xi32, #tpu.memory_space<hbm>>) dst(%dma_wait3A_110 : memref<1x128xi32, #tpu.memory_space<vmem>>)
        tpu.yield
      }) : () -> ()
      %add3A_92 = arith.constant 2496 : i32
      %add3A_93 = arith.addi %add3A_92, %add3A : i32
      "tpu.region"() ({
        %run_scoped3A = tpu.sem_alloc : memref<!tpu.dma_semaphore, #tpu.memory_space<semaphore_mem>>
        %dma_start3A_94 = arith.constant 78 : i32
        %dma_start3A_95 = arith.constant 0 : i32
        %dma_start3A_96 = tpu.memref_slice %arg8[%dma_start3A_94, %dma_start3A_95] : memref<79x128xi32, #tpu.memory_space<vmem>> -> memref<1x128xi32, #tpu.memory_space<vmem>>
        %dma_start3A_97 = arith.constant 0 : i32
        %dma_start3A_98 = tpu.memref_slice %arg4[%add3A_93, %dma_start3A_97] : memref<2500x128xi32, #tpu.memory_space<hbm>> -> memref<1x128xi32, #tpu.memory_space<hbm>>
        %dma_start3A_99 = arith.constant 78 : i32
        %dma_start3A_100 = arith.constant 0 : i32
        %dma_start3A_101 = tpu.memref_slice %arg8[%dma_start3A_99, %dma_start3A_100] : memref<79x128xi32, #tpu.memory_space<vmem>> -> memref<1x128xi32, #tpu.memory_space<vmem>>
        %dma_start3A_102 = arith.constant 0 : i32
        %dma_start3A_103 = tpu.memref_slice %arg4[%add3A_93, %dma_start3A_102] : memref<2500x128xi32, #tpu.memory_space<hbm>> -> memref<1x128xi32, #tpu.memory_space<hbm>>
        tpu.enqueue_dma source(%dma_start3A_103 : memref<1x128xi32, #tpu.memory_space<hbm>>) target(%dma_start3A_101 : memref<1x128xi32, #tpu.memory_space<vmem>>) target_semaphore(%run_scoped3A : memref<!tpu.dma_semaphore, #tpu.memory_space<semaphore_mem>>)
        %dma_wait3A = arith.constant 78 : i32
        %dma_wait3A_104 = arith.constant 0 : i32
        %dma_wait3A_105 = tpu.memref_slice %arg8[%dma_wait3A, %dma_wait3A_104] : memref<79x128xi32, #tpu.memory_space<vmem>> -> memref<1x128xi32, #tpu.memory_space<vmem>>
        %dma_wait3A_106 = arith.constant 0 : i32
        %dma_wait3A_107 = tpu.memref_slice %arg4[%add3A_93, %dma_wait3A_106] : memref<2500x128xi32, #tpu.memory_space<hbm>> -> memref<1x128xi32, #tpu.memory_space<hbm>>
        %dma_wait3A_108 = arith.constant 78 : i32
        %dma_wait3A_109 = arith.constant 0 : i32
        %dma_wait3A_110 = tpu.memref_slice %arg8[%dma_wait3A_108, %dma_wait3A_109] : memref<79x128xi32, #tpu.memory_space<vmem>> -> memref<1x128xi32, #tpu.memory_space<vmem>>
        %dma_wait3A_111 = arith.constant 0 : i32
        %dma_wait3A_112 = tpu.memref_slice %arg4[%add3A_93, %dma_wait3A_111] : memref<2500x128xi32, #tpu.memory_space<hbm>> -> memref<1x128xi32, #tpu.memory_space<hbm>>
        tpu.wait_dma2 semaphore(%run_scoped3A : memref<!tpu.dma_semaphore, #tpu.memory_space<semaphore_mem>>) src(%dma_wait3A_112 : memref<1x128xi32, #tpu.memory_space<hbm>>) dst(%dma_wait3A_110 : memref<1x128xi32, #tpu.memory_space<vmem>>)
        tpu.yield
      }) : () -> ()
    } else {
    }
    %lt3A_16 = arith.constant 4 : i32
    %lt3A_17 = arith.cmpi slt, %add3A, %lt3A_16 : i32
    %jit3A = arith.constant 79 : i32
    %jit3A_18 = arith.constant 78 : i32
    %select_n3A = arith.select %lt3A_17, %jit3A, %jit3A_18 : i32
    %barrier3A = arith.constant 0 : index
    tpu.barrier barrier_id(%barrier3A)
    %dma_start3A = arith.constant 0 : i32
    %dma_start3A_19 = arith.constant 0 : i32
    %dma_start3A_20 = tpu.memref_slice %arg7[%dma_start3A, %dma_start3A_19] : memref<79x128xi32, #tpu.memory_space<vmem>> -> memref<1x128xi32, #tpu.memory_space<vmem>>
    %dma_start3A_21 = tpu.memref_squeeze %dma_start3A_20 : memref<1x128xi32, #tpu.memory_space<vmem>> -> memref<128xi32, #tpu.memory_space<vmem>>
    %dma_start3A_22 = arith.constant 0 : i32
    %dma_start3A_23 = arith.constant 0 : i32
    %dma_start3A_24 = tpu.memref_slice %arg2[%dma_start3A_22, %dma_start3A_23] : memref<10000x64xf32, #tpu.memory_space<hbm>> -> memref<10000x64xf32, #tpu.memory_space<hbm>>
    tpu.enqueue_indirect_dma source(%dma_start3A_24 : memref<10000x64xf32, #tpu.memory_space<hbm>>) target(%arg9 : memref<128x64xf32, #tpu.memory_space<vmem>>) offsets(%dma_start3A_21 : memref<128xi32, #tpu.memory_space<vmem>>) semaphore(%arg18 : memref<!tpu.dma_semaphore, #tpu.memory_space<semaphore_mem>>)
    %dma_start3A_25 = arith.constant 1 : i32
    %dma_start3A_26 = arith.constant 0 : i32
    %dma_start3A_27 = tpu.memref_slice %arg7[%dma_start3A_25, %dma_start3A_26] : memref<79x128xi32, #tpu.memory_space<vmem>> -> memref<1x128xi32, #tpu.memory_space<vmem>>
    %dma_start3A_28 = tpu.memref_squeeze %dma_start3A_27 : memref<1x128xi32, #tpu.memory_space<vmem>> -> memref<128xi32, #tpu.memory_space<vmem>>
    %dma_start3A_29 = arith.constant 0 : i32
    %dma_start3A_30 = arith.constant 0 : i32
    %dma_start3A_31 = tpu.memref_slice %arg2[%dma_start3A_29, %dma_start3A_30] : memref<10000x64xf32, #tpu.memory_space<hbm>> -> memref<10000x64xf32, #tpu.memory_space<hbm>>
    tpu.enqueue_indirect_dma source(%dma_start3A_31 : memref<10000x64xf32, #tpu.memory_space<hbm>>) target(%arg10 : memref<128x64xf32, #tpu.memory_space<vmem>>) offsets(%dma_start3A_28 : memref<128xi32, #tpu.memory_space<vmem>>) semaphore(%arg19 : memref<!tpu.dma_semaphore, #tpu.memory_space<semaphore_mem>>)
    %dma_start3A_32 = arith.constant 2 : i32
    %dma_start3A_33 = arith.constant 0 : i32
    %dma_start3A_34 = tpu.memref_slice %arg7[%dma_start3A_32, %dma_start3A_33] : memref<79x128xi32, #tpu.memory_space<vmem>> -> memref<1x128xi32, #tpu.memory_space<vmem>>
    %dma_start3A_35 = tpu.memref_squeeze %dma_start3A_34 : memref<1x128xi32, #tpu.memory_space<vmem>> -> memref<128xi32, #tpu.memory_space<vmem>>
    %dma_start3A_36 = arith.constant 0 : i32
    %dma_start3A_37 = arith.constant 0 : i32
    %dma_start3A_38 = tpu.memref_slice %arg2[%dma_start3A_36, %dma_start3A_37] : memref<10000x64xf32, #tpu.memory_space<hbm>> -> memref<10000x64xf32, #tpu.memory_space<hbm>>
    tpu.enqueue_indirect_dma source(%dma_start3A_38 : memref<10000x64xf32, #tpu.memory_space<hbm>>) target(%arg11 : memref<128x64xf32, #tpu.memory_space<vmem>>) offsets(%dma_start3A_35 : memref<128xi32, #tpu.memory_space<vmem>>) semaphore(%arg20 : memref<!tpu.dma_semaphore, #tpu.memory_space<semaphore_mem>>)
    %dma_start3A_39 = arith.constant 3 : i32
    %dma_start3A_40 = arith.constant 0 : i32
    %dma_start3A_41 = tpu.memref_slice %arg7[%dma_start3A_39, %dma_start3A_40] : memref<79x128xi32, #tpu.memory_space<vmem>> -> memref<1x128xi32, #tpu.memory_space<vmem>>
    %dma_start3A_42 = tpu.memref_squeeze %dma_start3A_41 : memref<1x128xi32, #tpu.memory_space<vmem>> -> memref<128xi32, #tpu.memory_space<vmem>>
    %dma_start3A_43 = arith.constant 0 : i32
    %dma_start3A_44 = arith.constant 0 : i32
    %dma_start3A_45 = tpu.memref_slice %arg2[%dma_start3A_43, %dma_start3A_44] : memref<10000x64xf32, #tpu.memory_space<hbm>> -> memref<10000x64xf32, #tpu.memory_space<hbm>>
    tpu.enqueue_indirect_dma source(%dma_start3A_45 : memref<10000x64xf32, #tpu.memory_space<hbm>>) target(%arg12 : memref<128x64xf32, #tpu.memory_space<vmem>>) offsets(%dma_start3A_42 : memref<128xi32, #tpu.memory_space<vmem>>) semaphore(%arg21 : memref<!tpu.dma_semaphore, #tpu.memory_space<semaphore_mem>>)
    %dma_start3A_46 = arith.constant 4 : i32
    %dma_start3A_47 = arith.constant 0 : i32
    %dma_start3A_48 = tpu.memref_slice %arg7[%dma_start3A_46, %dma_start3A_47] : memref<79x128xi32, #tpu.memory_space<vmem>> -> memref<1x128xi32, #tpu.memory_space<vmem>>
    %dma_start3A_49 = tpu.memref_squeeze %dma_start3A_48 : memref<1x128xi32, #tpu.memory_space<vmem>> -> memref<128xi32, #tpu.memory_space<vmem>>
    %dma_start3A_50 = arith.constant 0 : i32
    %dma_start3A_51 = arith.constant 0 : i32
    %dma_start3A_52 = tpu.memref_slice %arg2[%dma_start3A_50, %dma_start3A_51] : memref<10000x64xf32, #tpu.memory_space<hbm>> -> memref<10000x64xf32, #tpu.memory_space<hbm>>
    tpu.enqueue_indirect_dma source(%dma_start3A_52 : memref<10000x64xf32, #tpu.memory_space<hbm>>) target(%arg13 : memref<128x64xf32, #tpu.memory_space<vmem>>) offsets(%dma_start3A_49 : memref<128xi32, #tpu.memory_space<vmem>>) semaphore(%arg22 : memref<!tpu.dma_semaphore, #tpu.memory_space<semaphore_mem>>)
    %dma_start3A_53 = arith.constant 5 : i32
    %dma_start3A_54 = arith.constant 0 : i32
    %dma_start3A_55 = tpu.memref_slice %arg7[%dma_start3A_53, %dma_start3A_54] : memref<79x128xi32, #tpu.memory_space<vmem>> -> memref<1x128xi32, #tpu.memory_space<vmem>>
    %dma_start3A_56 = tpu.memref_squeeze %dma_start3A_55 : memref<1x128xi32, #tpu.memory_space<vmem>> -> memref<128xi32, #tpu.memory_space<vmem>>
    %dma_start3A_57 = arith.constant 0 : i32
    %dma_start3A_58 = arith.constant 0 : i32
    %dma_start3A_59 = tpu.memref_slice %arg2[%dma_start3A_57, %dma_start3A_58] : memref<10000x64xf32, #tpu.memory_space<hbm>> -> memref<10000x64xf32, #tpu.memory_space<hbm>>
    tpu.enqueue_indirect_dma source(%dma_start3A_59 : memref<10000x64xf32, #tpu.memory_space<hbm>>) target(%arg14 : memref<128x64xf32, #tpu.memory_space<vmem>>) offsets(%dma_start3A_56 : memref<128xi32, #tpu.memory_space<vmem>>) semaphore(%arg23 : memref<!tpu.dma_semaphore, #tpu.memory_space<semaphore_mem>>)
    %dma_start3A_60 = arith.constant 6 : i32
    %dma_start3A_61 = arith.constant 0 : i32
    %dma_start3A_62 = tpu.memref_slice %arg7[%dma_start3A_60, %dma_start3A_61] : memref<79x128xi32, #tpu.memory_space<vmem>> -> memref<1x128xi32, #tpu.memory_space<vmem>>
    %dma_start3A_63 = tpu.memref_squeeze %dma_start3A_62 : memref<1x128xi32, #tpu.memory_space<vmem>> -> memref<128xi32, #tpu.memory_space<vmem>>
    %dma_start3A_64 = arith.constant 0 : i32
    %dma_start3A_65 = arith.constant 0 : i32
    %dma_start3A_66 = tpu.memref_slice %arg2[%dma_start3A_64, %dma_start3A_65] : memref<10000x64xf32, #tpu.memory_space<hbm>> -> memref<10000x64xf32, #tpu.memory_space<hbm>>
    tpu.enqueue_indirect_dma source(%dma_start3A_66 : memref<10000x64xf32, #tpu.memory_space<hbm>>) target(%arg15 : memref<128x64xf32, #tpu.memory_space<vmem>>) offsets(%dma_start3A_63 : memref<128xi32, #tpu.memory_space<vmem>>) semaphore(%arg24 : memref<!tpu.dma_semaphore, #tpu.memory_space<semaphore_mem>>)
    %dma_start3A_67 = arith.constant 7 : i32
    %dma_start3A_68 = arith.constant 0 : i32
    %dma_start3A_69 = tpu.memref_slice %arg7[%dma_start3A_67, %dma_start3A_68] : memref<79x128xi32, #tpu.memory_space<vmem>> -> memref<1x128xi32, #tpu.memory_space<vmem>>
    %dma_start3A_70 = tpu.memref_squeeze %dma_start3A_69 : memref<1x128xi32, #tpu.memory_space<vmem>> -> memref<128xi32, #tpu.memory_space<vmem>>
    %dma_start3A_71 = arith.constant 0 : i32
    %dma_start3A_72 = arith.constant 0 : i32
    %dma_start3A_73 = tpu.memref_slice %arg2[%dma_start3A_71, %dma_start3A_72] : memref<10000x64xf32, #tpu.memory_space<hbm>> -> memref<10000x64xf32, #tpu.memory_space<hbm>>
    tpu.enqueue_indirect_dma source(%dma_start3A_73 : memref<10000x64xf32, #tpu.memory_space<hbm>>) target(%arg16 : memref<128x64xf32, #tpu.memory_space<vmem>>) offsets(%dma_start3A_70 : memref<128xi32, #tpu.memory_space<vmem>>) semaphore(%arg25 : memref<!tpu.dma_semaphore, #tpu.memory_space<semaphore_mem>>)
    %scan3A = arith.constant 0 : i32
    %scan3A_74 = arith.constant 0 : i32
    %scan3A_75 = arith.constant 10 : i32
    %scan3A_76 = arith.addi %scan3A_74, %scan3A_75 : i32
    %scan3A_77 = arith.constant 1 : i32
    scf.for %scan3A_90 = %scan3A_74 to %scan3A_76 step %scan3A_77  : i32 {
      %mul3A_91 = arith.constant 8 : i32
      %mul3A_92 = arith.muli %scan3A_90, %mul3A_91 : i32
      %add3A_93 = arith.constant 0 : i32
      %add3A_94 = arith.addi %mul3A_92, %add3A_93 : i32
      %lt3A_95 = arith.cmpi slt, %add3A_94, %select_n3A : i32
      %convert_element_type3A_96 = arith.extui %lt3A_95 : i1 to i32
      %cond3A_97 = arith.constant 0 : i32
      %cond3A_98 = arith.cmpi ne, %convert_element_type3A_96, %cond3A_97 : i32
      scf.if %cond3A_98 {
        %dma_wait3A = arith.constant 0 : i32
        %dma_wait3A_155 = tpu.memref_slice %arg7[%add3A_94, %dma_wait3A] : memref<79x128xi32, #tpu.memory_space<vmem>> -> memref<1x128xi32, #tpu.memory_space<vmem>>
        %dma_wait3A_156 = tpu.memref_squeeze %dma_wait3A_155 : memref<1x128xi32, #tpu.memory_space<vmem>> -> memref<128xi32, #tpu.memory_space<vmem>>
        %dma_wait3A_157 = arith.constant 0 : i32
        %dma_wait3A_158 = arith.constant 0 : i32
        %dma_wait3A_159 = tpu.memref_slice %arg2[%dma_wait3A_157, %dma_wait3A_158] : memref<10000x64xf32, #tpu.memory_space<hbm>> -> memref<10000x64xf32, #tpu.memory_space<hbm>>
        tpu.wait_indirect_dma semaphore(%arg18 : memref<!tpu.dma_semaphore, #tpu.memory_space<semaphore_mem>>) src(%dma_wait3A_159 : memref<10000x64xf32, #tpu.memory_space<hbm>>) dst(%arg9 : memref<128x64xf32, #tpu.memory_space<vmem>>)
        "tpu.region"() ({
          %run_scoped3A = tpu.sem_alloc : memref<!tpu.dma_semaphore, #tpu.memory_space<semaphore_mem>>
          %dma_start3A_166 = arith.constant 0 : i32
          %dma_start3A_167 = tpu.memref_slice %arg8[%add3A_94, %dma_start3A_166] : memref<79x128xi32, #tpu.memory_space<vmem>> -> memref<1x128xi32, #tpu.memory_space<vmem>>
          %dma_start3A_168 = tpu.memref_squeeze %dma_start3A_167 : memref<1x128xi32, #tpu.memory_space<vmem>> -> memref<128xi32, #tpu.memory_space<vmem>>
          %dma_start3A_169 = arith.constant 0 : i32
          %dma_start3A_170 = arith.constant 0 : i32
          %dma_start3A_171 = tpu.memref_slice %arg17[%dma_start3A_169, %dma_start3A_170] : memref<10000x64xf32, #tpu.memory_space<vmem_shared>> -> memref<10000x64xf32, #tpu.memory_space<vmem_shared>>
          tpu.enqueue_indirect_dma source(%arg9 : memref<128x64xf32, #tpu.memory_space<vmem>>) target(%dma_start3A_171 : memref<10000x64xf32, #tpu.memory_space<vmem_shared>>) offsets(%dma_start3A_168 : memref<128xi32, #tpu.memory_space<vmem>>) semaphore(%run_scoped3A : memref<!tpu.dma_semaphore, #tpu.memory_space<semaphore_mem>>) {add = true}
          %dma_wait3A_172 = arith.constant 0 : i32
          %dma_wait3A_173 = tpu.memref_slice %arg8[%add3A_94, %dma_wait3A_172] : memref<79x128xi32, #tpu.memory_space<vmem>> -> memref<1x128xi32, #tpu.memory_space<vmem>>
          %dma_wait3A_174 = tpu.memref_squeeze %dma_wait3A_173 : memref<1x128xi32, #tpu.memory_space<vmem>> -> memref<128xi32, #tpu.memory_space<vmem>>
          %dma_wait3A_175 = arith.constant 0 : i32
          %dma_wait3A_176 = arith.constant 0 : i32
          %dma_wait3A_177 = tpu.memref_slice %arg17[%dma_wait3A_175, %dma_wait3A_176] : memref<10000x64xf32, #tpu.memory_space<vmem_shared>> -> memref<10000x64xf32, #tpu.memory_space<vmem_shared>>
          tpu.wait_indirect_dma semaphore(%run_scoped3A : memref<!tpu.dma_semaphore, #tpu.memory_space<semaphore_mem>>) src(%arg9 : memref<128x64xf32, #tpu.memory_space<vmem>>) dst(%dma_wait3A_177 : memref<10000x64xf32, #tpu.memory_space<vmem_shared>>)
          tpu.yield
        }) : () -> ()
        %add3A_160 = arith.constant 8 : i32
        %add3A_161 = arith.addi %add3A_94, %add3A_160 : i32
        %lt3A_162 = arith.cmpi slt, %add3A_161, %select_n3A : i32
        %convert_element_type3A_163 = arith.extui %lt3A_162 : i1 to i32
        %cond3A_164 = arith.constant 0 : i32
        %cond3A_165 = arith.cmpi ne, %convert_element_type3A_163, %cond3A_164 : i32
        scf.if %cond3A_165 {
          %add3A_166 = arith.constant 8 : i32
          %add3A_167 = arith.addi %add3A_94, %add3A_166 : i32
          %dma_start3A_168 = arith.constant 0 : i32
          %dma_start3A_169 = tpu.memref_slice %arg7[%add3A_167, %dma_start3A_168] : memref<79x128xi32, #tpu.memory_space<vmem>> -> memref<1x128xi32, #tpu.memory_space<vmem>>
          %dma_start3A_170 = tpu.memref_squeeze %dma_start3A_169 : memref<1x128xi32, #tpu.memory_space<vmem>> -> memref<128xi32, #tpu.memory_space<vmem>>
          %dma_start3A_171 = arith.constant 0 : i32
          %dma_start3A_172 = arith.constant 0 : i32
          %dma_start3A_173 = tpu.memref_slice %arg2[%dma_start3A_171, %dma_start3A_172] : memref<10000x64xf32, #tpu.memory_space<hbm>> -> memref<10000x64xf32, #tpu.memory_space<hbm>>
          tpu.enqueue_indirect_dma source(%dma_start3A_173 : memref<10000x64xf32, #tpu.memory_space<hbm>>) target(%arg9 : memref<128x64xf32, #tpu.memory_space<vmem>>) offsets(%dma_start3A_170 : memref<128xi32, #tpu.memory_space<vmem>>) semaphore(%arg18 : memref<!tpu.dma_semaphore, #tpu.memory_space<semaphore_mem>>)
        } else {
        }
      } else {
      }
      %mul3A_99 = arith.constant 8 : i32
      %mul3A_100 = arith.muli %scan3A_90, %mul3A_99 : i32
      %add3A_101 = arith.constant 1 : i32
      %add3A_102 = arith.addi %mul3A_100, %add3A_101 : i32
      %lt3A_103 = arith.cmpi slt, %add3A_102, %select_n3A : i32
      %convert_element_type3A_104 = arith.extui %lt3A_103 : i1 to i32
      %cond3A_105 = arith.constant 0 : i32
      %cond3A_106 = arith.cmpi ne, %convert_element_type3A_104, %cond3A_105 : i32
      scf.if %cond3A_106 {
        %dma_wait3A = arith.constant 0 : i32
        %dma_wait3A_155 = tpu.memref_slice %arg7[%add3A_102, %dma_wait3A] : memref<79x128xi32, #tpu.memory_space<vmem>> -> memref<1x128xi32, #tpu.memory_space<vmem>>
        %dma_wait3A_156 = tpu.memref_squeeze %dma_wait3A_155 : memref<1x128xi32, #tpu.memory_space<vmem>> -> memref<128xi32, #tpu.memory_space<vmem>>
        %dma_wait3A_157 = arith.constant 0 : i32
        %dma_wait3A_158 = arith.constant 0 : i32
        %dma_wait3A_159 = tpu.memref_slice %arg2[%dma_wait3A_157, %dma_wait3A_158] : memref<10000x64xf32, #tpu.memory_space<hbm>> -> memref<10000x64xf32, #tpu.memory_space<hbm>>
        tpu.wait_indirect_dma semaphore(%arg19 : memref<!tpu.dma_semaphore, #tpu.memory_space<semaphore_mem>>) src(%dma_wait3A_159 : memref<10000x64xf32, #tpu.memory_space<hbm>>) dst(%arg10 : memref<128x64xf32, #tpu.memory_space<vmem>>)
        "tpu.region"() ({
          %run_scoped3A = tpu.sem_alloc : memref<!tpu.dma_semaphore, #tpu.memory_space<semaphore_mem>>
          %dma_start3A_166 = arith.constant 0 : i32
          %dma_start3A_167 = tpu.memref_slice %arg8[%add3A_102, %dma_start3A_166] : memref<79x128xi32, #tpu.memory_space<vmem>> -> memref<1x128xi32, #tpu.memory_space<vmem>>
          %dma_start3A_168 = tpu.memref_squeeze %dma_start3A_167 : memref<1x128xi32, #tpu.memory_space<vmem>> -> memref<128xi32, #tpu.memory_space<vmem>>
          %dma_start3A_169 = arith.constant 0 : i32
          %dma_start3A_170 = arith.constant 0 : i32
          %dma_start3A_171 = tpu.memref_slice %arg17[%dma_start3A_169, %dma_start3A_170] : memref<10000x64xf32, #tpu.memory_space<vmem_shared>> -> memref<10000x64xf32, #tpu.memory_space<vmem_shared>>
          tpu.enqueue_indirect_dma source(%arg10 : memref<128x64xf32, #tpu.memory_space<vmem>>) target(%dma_start3A_171 : memref<10000x64xf32, #tpu.memory_space<vmem_shared>>) offsets(%dma_start3A_168 : memref<128xi32, #tpu.memory_space<vmem>>) semaphore(%run_scoped3A : memref<!tpu.dma_semaphore, #tpu.memory_space<semaphore_mem>>) {add = true}
          %dma_wait3A_172 = arith.constant 0 : i32
          %dma_wait3A_173 = tpu.memref_slice %arg8[%add3A_102, %dma_wait3A_172] : memref<79x128xi32, #tpu.memory_space<vmem>> -> memref<1x128xi32, #tpu.memory_space<vmem>>
          %dma_wait3A_174 = tpu.memref_squeeze %dma_wait3A_173 : memref<1x128xi32, #tpu.memory_space<vmem>> -> memref<128xi32, #tpu.memory_space<vmem>>
          %dma_wait3A_175 = arith.constant 0 : i32
          %dma_wait3A_176 = arith.constant 0 : i32
          %dma_wait3A_177 = tpu.memref_slice %arg17[%dma_wait3A_175, %dma_wait3A_176] : memref<10000x64xf32, #tpu.memory_space<vmem_shared>> -> memref<10000x64xf32, #tpu.memory_space<vmem_shared>>
          tpu.wait_indirect_dma semaphore(%run_scoped3A : memref<!tpu.dma_semaphore, #tpu.memory_space<semaphore_mem>>) src(%arg10 : memref<128x64xf32, #tpu.memory_space<vmem>>) dst(%dma_wait3A_177 : memref<10000x64xf32, #tpu.memory_space<vmem_shared>>)
          tpu.yield
        }) : () -> ()
        %add3A_160 = arith.constant 8 : i32
        %add3A_161 = arith.addi %add3A_102, %add3A_160 : i32
        %lt3A_162 = arith.cmpi slt, %add3A_161, %select_n3A : i32
        %convert_element_type3A_163 = arith.extui %lt3A_162 : i1 to i32
        %cond3A_164 = arith.constant 0 : i32
        %cond3A_165 = arith.cmpi ne, %convert_element_type3A_163, %cond3A_164 : i32
        scf.if %cond3A_165 {
          %add3A_166 = arith.constant 8 : i32
          %add3A_167 = arith.addi %add3A_102, %add3A_166 : i32
          %dma_start3A_168 = arith.constant 0 : i32
          %dma_start3A_169 = tpu.memref_slice %arg7[%add3A_167, %dma_start3A_168] : memref<79x128xi32, #tpu.memory_space<vmem>> -> memref<1x128xi32, #tpu.memory_space<vmem>>
          %dma_start3A_170 = tpu.memref_squeeze %dma_start3A_169 : memref<1x128xi32, #tpu.memory_space<vmem>> -> memref<128xi32, #tpu.memory_space<vmem>>
          %dma_start3A_171 = arith.constant 0 : i32
          %dma_start3A_172 = arith.constant 0 : i32
          %dma_start3A_173 = tpu.memref_slice %arg2[%dma_start3A_171, %dma_start3A_172] : memref<10000x64xf32, #tpu.memory_space<hbm>> -> memref<10000x64xf32, #tpu.memory_space<hbm>>
          tpu.enqueue_indirect_dma source(%dma_start3A_173 : memref<10000x64xf32, #tpu.memory_space<hbm>>) target(%arg10 : memref<128x64xf32, #tpu.memory_space<vmem>>) offsets(%dma_start3A_170 : memref<128xi32, #tpu.memory_space<vmem>>) semaphore(%arg19 : memref<!tpu.dma_semaphore, #tpu.memory_space<semaphore_mem>>)
        } else {
        }
      } else {
      }
      %mul3A_107 = arith.constant 8 : i32
      %mul3A_108 = arith.muli %scan3A_90, %mul3A_107 : i32
      %add3A_109 = arith.constant 2 : i32
      %add3A_110 = arith.addi %mul3A_108, %add3A_109 : i32
      %lt3A_111 = arith.cmpi slt, %add3A_110, %select_n3A : i32
      %convert_element_type3A_112 = arith.extui %lt3A_111 : i1 to i32
      %cond3A_113 = arith.constant 0 : i32
      %cond3A_114 = arith.cmpi ne, %convert_element_type3A_112, %cond3A_113 : i32
      scf.if %cond3A_114 {
        %dma_wait3A = arith.constant 0 : i32
        %dma_wait3A_155 = tpu.memref_slice %arg7[%add3A_110, %dma_wait3A] : memref<79x128xi32, #tpu.memory_space<vmem>> -> memref<1x128xi32, #tpu.memory_space<vmem>>
        %dma_wait3A_156 = tpu.memref_squeeze %dma_wait3A_155 : memref<1x128xi32, #tpu.memory_space<vmem>> -> memref<128xi32, #tpu.memory_space<vmem>>
        %dma_wait3A_157 = arith.constant 0 : i32
        %dma_wait3A_158 = arith.constant 0 : i32
        %dma_wait3A_159 = tpu.memref_slice %arg2[%dma_wait3A_157, %dma_wait3A_158] : memref<10000x64xf32, #tpu.memory_space<hbm>> -> memref<10000x64xf32, #tpu.memory_space<hbm>>
        tpu.wait_indirect_dma semaphore(%arg20 : memref<!tpu.dma_semaphore, #tpu.memory_space<semaphore_mem>>) src(%dma_wait3A_159 : memref<10000x64xf32, #tpu.memory_space<hbm>>) dst(%arg11 : memref<128x64xf32, #tpu.memory_space<vmem>>)
        "tpu.region"() ({
          %run_scoped3A = tpu.sem_alloc : memref<!tpu.dma_semaphore, #tpu.memory_space<semaphore_mem>>
          %dma_start3A_166 = arith.constant 0 : i32
          %dma_start3A_167 = tpu.memref_slice %arg8[%add3A_110, %dma_start3A_166] : memref<79x128xi32, #tpu.memory_space<vmem>> -> memref<1x128xi32, #tpu.memory_space<vmem>>
          %dma_start3A_168 = tpu.memref_squeeze %dma_start3A_167 : memref<1x128xi32, #tpu.memory_space<vmem>> -> memref<128xi32, #tpu.memory_space<vmem>>
          %dma_start3A_169 = arith.constant 0 : i32
          %dma_start3A_170 = arith.constant 0 : i32
          %dma_start3A_171 = tpu.memref_slice %arg17[%dma_start3A_169, %dma_start3A_170] : memref<10000x64xf32, #tpu.memory_space<vmem_shared>> -> memref<10000x64xf32, #tpu.memory_space<vmem_shared>>
          tpu.enqueue_indirect_dma source(%arg11 : memref<128x64xf32, #tpu.memory_space<vmem>>) target(%dma_start3A_171 : memref<10000x64xf32, #tpu.memory_space<vmem_shared>>) offsets(%dma_start3A_168 : memref<128xi32, #tpu.memory_space<vmem>>) semaphore(%run_scoped3A : memref<!tpu.dma_semaphore, #tpu.memory_space<semaphore_mem>>) {add = true}
          %dma_wait3A_172 = arith.constant 0 : i32
          %dma_wait3A_173 = tpu.memref_slice %arg8[%add3A_110, %dma_wait3A_172] : memref<79x128xi32, #tpu.memory_space<vmem>> -> memref<1x128xi32, #tpu.memory_space<vmem>>
          %dma_wait3A_174 = tpu.memref_squeeze %dma_wait3A_173 : memref<1x128xi32, #tpu.memory_space<vmem>> -> memref<128xi32, #tpu.memory_space<vmem>>
          %dma_wait3A_175 = arith.constant 0 : i32
          %dma_wait3A_176 = arith.constant 0 : i32
          %dma_wait3A_177 = tpu.memref_slice %arg17[%dma_wait3A_175, %dma_wait3A_176] : memref<10000x64xf32, #tpu.memory_space<vmem_shared>> -> memref<10000x64xf32, #tpu.memory_space<vmem_shared>>
          tpu.wait_indirect_dma semaphore(%run_scoped3A : memref<!tpu.dma_semaphore, #tpu.memory_space<semaphore_mem>>) src(%arg11 : memref<128x64xf32, #tpu.memory_space<vmem>>) dst(%dma_wait3A_177 : memref<10000x64xf32, #tpu.memory_space<vmem_shared>>)
          tpu.yield
        }) : () -> ()
        %add3A_160 = arith.constant 8 : i32
        %add3A_161 = arith.addi %add3A_110, %add3A_160 : i32
        %lt3A_162 = arith.cmpi slt, %add3A_161, %select_n3A : i32
        %convert_element_type3A_163 = arith.extui %lt3A_162 : i1 to i32
        %cond3A_164 = arith.constant 0 : i32
        %cond3A_165 = arith.cmpi ne, %convert_element_type3A_163, %cond3A_164 : i32
        scf.if %cond3A_165 {
          %add3A_166 = arith.constant 8 : i32
          %add3A_167 = arith.addi %add3A_110, %add3A_166 : i32
          %dma_start3A_168 = arith.constant 0 : i32
          %dma_start3A_169 = tpu.memref_slice %arg7[%add3A_167, %dma_start3A_168] : memref<79x128xi32, #tpu.memory_space<vmem>> -> memref<1x128xi32, #tpu.memory_space<vmem>>
          %dma_start3A_170 = tpu.memref_squeeze %dma_start3A_169 : memref<1x128xi32, #tpu.memory_space<vmem>> -> memref<128xi32, #tpu.memory_space<vmem>>
          %dma_start3A_171 = arith.constant 0 : i32
          %dma_start3A_172 = arith.constant 0 : i32
          %dma_start3A_173 = tpu.memref_slice %arg2[%dma_start3A_171, %dma_start3A_172] : memref<10000x64xf32, #tpu.memory_space<hbm>> -> memref<10000x64xf32, #tpu.memory_space<hbm>>
          tpu.enqueue_indirect_dma source(%dma_start3A_173 : memref<10000x64xf32, #tpu.memory_space<hbm>>) target(%arg11 : memref<128x64xf32, #tpu.memory_space<vmem>>) offsets(%dma_start3A_170 : memref<128xi32, #tpu.memory_space<vmem>>) semaphore(%arg20 : memref<!tpu.dma_semaphore, #tpu.memory_space<semaphore_mem>>)
        } else {
        }
      } else {
      }
      %mul3A_115 = arith.constant 8 : i32
      %mul3A_116 = arith.muli %scan3A_90, %mul3A_115 : i32
      %add3A_117 = arith.constant 3 : i32
      %add3A_118 = arith.addi %mul3A_116, %add3A_117 : i32
      %lt3A_119 = arith.cmpi slt, %add3A_118, %select_n3A : i32
      %convert_element_type3A_120 = arith.extui %lt3A_119 : i1 to i32
      %cond3A_121 = arith.constant 0 : i32
      %cond3A_122 = arith.cmpi ne, %convert_element_type3A_120, %cond3A_121 : i32
      scf.if %cond3A_122 {
        %dma_wait3A = arith.constant 0 : i32
        %dma_wait3A_155 = tpu.memref_slice %arg7[%add3A_118, %dma_wait3A] : memref<79x128xi32, #tpu.memory_space<vmem>> -> memref<1x128xi32, #tpu.memory_space<vmem>>
        %dma_wait3A_156 = tpu.memref_squeeze %dma_wait3A_155 : memref<1x128xi32, #tpu.memory_space<vmem>> -> memref<128xi32, #tpu.memory_space<vmem>>
        %dma_wait3A_157 = arith.constant 0 : i32
        %dma_wait3A_158 = arith.constant 0 : i32
        %dma_wait3A_159 = tpu.memref_slice %arg2[%dma_wait3A_157, %dma_wait3A_158] : memref<10000x64xf32, #tpu.memory_space<hbm>> -> memref<10000x64xf32, #tpu.memory_space<hbm>>
        tpu.wait_indirect_dma semaphore(%arg21 : memref<!tpu.dma_semaphore, #tpu.memory_space<semaphore_mem>>) src(%dma_wait3A_159 : memref<10000x64xf32, #tpu.memory_space<hbm>>) dst(%arg12 : memref<128x64xf32, #tpu.memory_space<vmem>>)
        "tpu.region"() ({
          %run_scoped3A = tpu.sem_alloc : memref<!tpu.dma_semaphore, #tpu.memory_space<semaphore_mem>>
          %dma_start3A_166 = arith.constant 0 : i32
          %dma_start3A_167 = tpu.memref_slice %arg8[%add3A_118, %dma_start3A_166] : memref<79x128xi32, #tpu.memory_space<vmem>> -> memref<1x128xi32, #tpu.memory_space<vmem>>
          %dma_start3A_168 = tpu.memref_squeeze %dma_start3A_167 : memref<1x128xi32, #tpu.memory_space<vmem>> -> memref<128xi32, #tpu.memory_space<vmem>>
          %dma_start3A_169 = arith.constant 0 : i32
          %dma_start3A_170 = arith.constant 0 : i32
          %dma_start3A_171 = tpu.memref_slice %arg17[%dma_start3A_169, %dma_start3A_170] : memref<10000x64xf32, #tpu.memory_space<vmem_shared>> -> memref<10000x64xf32, #tpu.memory_space<vmem_shared>>
          tpu.enqueue_indirect_dma source(%arg12 : memref<128x64xf32, #tpu.memory_space<vmem>>) target(%dma_start3A_171 : memref<10000x64xf32, #tpu.memory_space<vmem_shared>>) offsets(%dma_start3A_168 : memref<128xi32, #tpu.memory_space<vmem>>) semaphore(%run_scoped3A : memref<!tpu.dma_semaphore, #tpu.memory_space<semaphore_mem>>) {add = true}
          %dma_wait3A_172 = arith.constant 0 : i32
          %dma_wait3A_173 = tpu.memref_slice %arg8[%add3A_118, %dma_wait3A_172] : memref<79x128xi32, #tpu.memory_space<vmem>> -> memref<1x128xi32, #tpu.memory_space<vmem>>
          %dma_wait3A_174 = tpu.memref_squeeze %dma_wait3A_173 : memref<1x128xi32, #tpu.memory_space<vmem>> -> memref<128xi32, #tpu.memory_space<vmem>>
          %dma_wait3A_175 = arith.constant 0 : i32
          %dma_wait3A_176 = arith.constant 0 : i32
          %dma_wait3A_177 = tpu.memref_slice %arg17[%dma_wait3A_175, %dma_wait3A_176] : memref<10000x64xf32, #tpu.memory_space<vmem_shared>> -> memref<10000x64xf32, #tpu.memory_space<vmem_shared>>
          tpu.wait_indirect_dma semaphore(%run_scoped3A : memref<!tpu.dma_semaphore, #tpu.memory_space<semaphore_mem>>) src(%arg12 : memref<128x64xf32, #tpu.memory_space<vmem>>) dst(%dma_wait3A_177 : memref<10000x64xf32, #tpu.memory_space<vmem_shared>>)
          tpu.yield
        }) : () -> ()
        %add3A_160 = arith.constant 8 : i32
        %add3A_161 = arith.addi %add3A_118, %add3A_160 : i32
        %lt3A_162 = arith.cmpi slt, %add3A_161, %select_n3A : i32
        %convert_element_type3A_163 = arith.extui %lt3A_162 : i1 to i32
        %cond3A_164 = arith.constant 0 : i32
        %cond3A_165 = arith.cmpi ne, %convert_element_type3A_163, %cond3A_164 : i32
        scf.if %cond3A_165 {
          %add3A_166 = arith.constant 8 : i32
          %add3A_167 = arith.addi %add3A_118, %add3A_166 : i32
          %dma_start3A_168 = arith.constant 0 : i32
          %dma_start3A_169 = tpu.memref_slice %arg7[%add3A_167, %dma_start3A_168] : memref<79x128xi32, #tpu.memory_space<vmem>> -> memref<1x128xi32, #tpu.memory_space<vmem>>
          %dma_start3A_170 = tpu.memref_squeeze %dma_start3A_169 : memref<1x128xi32, #tpu.memory_space<vmem>> -> memref<128xi32, #tpu.memory_space<vmem>>
          %dma_start3A_171 = arith.constant 0 : i32
          %dma_start3A_172 = arith.constant 0 : i32
          %dma_start3A_173 = tpu.memref_slice %arg2[%dma_start3A_171, %dma_start3A_172] : memref<10000x64xf32, #tpu.memory_space<hbm>> -> memref<10000x64xf32, #tpu.memory_space<hbm>>
          tpu.enqueue_indirect_dma source(%dma_start3A_173 : memref<10000x64xf32, #tpu.memory_space<hbm>>) target(%arg12 : memref<128x64xf32, #tpu.memory_space<vmem>>) offsets(%dma_start3A_170 : memref<128xi32, #tpu.memory_space<vmem>>) semaphore(%arg21 : memref<!tpu.dma_semaphore, #tpu.memory_space<semaphore_mem>>)
        } else {
        }
      } else {
      }
      %mul3A_123 = arith.constant 8 : i32
      %mul3A_124 = arith.muli %scan3A_90, %mul3A_123 : i32
      %add3A_125 = arith.constant 4 : i32
      %add3A_126 = arith.addi %mul3A_124, %add3A_125 : i32
      %lt3A_127 = arith.cmpi slt, %add3A_126, %select_n3A : i32
      %convert_element_type3A_128 = arith.extui %lt3A_127 : i1 to i32
      %cond3A_129 = arith.constant 0 : i32
      %cond3A_130 = arith.cmpi ne, %convert_element_type3A_128, %cond3A_129 : i32
      scf.if %cond3A_130 {
        %dma_wait3A = arith.constant 0 : i32
        %dma_wait3A_155 = tpu.memref_slice %arg7[%add3A_126, %dma_wait3A] : memref<79x128xi32, #tpu.memory_space<vmem>> -> memref<1x128xi32, #tpu.memory_space<vmem>>
        %dma_wait3A_156 = tpu.memref_squeeze %dma_wait3A_155 : memref<1x128xi32, #tpu.memory_space<vmem>> -> memref<128xi32, #tpu.memory_space<vmem>>
        %dma_wait3A_157 = arith.constant 0 : i32
        %dma_wait3A_158 = arith.constant 0 : i32
        %dma_wait3A_159 = tpu.memref_slice %arg2[%dma_wait3A_157, %dma_wait3A_158] : memref<10000x64xf32, #tpu.memory_space<hbm>> -> memref<10000x64xf32, #tpu.memory_space<hbm>>
        tpu.wait_indirect_dma semaphore(%arg22 : memref<!tpu.dma_semaphore, #tpu.memory_space<semaphore_mem>>) src(%dma_wait3A_159 : memref<10000x64xf32, #tpu.memory_space<hbm>>) dst(%arg13 : memref<128x64xf32, #tpu.memory_space<vmem>>)
        "tpu.region"() ({
          %run_scoped3A = tpu.sem_alloc : memref<!tpu.dma_semaphore, #tpu.memory_space<semaphore_mem>>
          %dma_start3A_166 = arith.constant 0 : i32
          %dma_start3A_167 = tpu.memref_slice %arg8[%add3A_126, %dma_start3A_166] : memref<79x128xi32, #tpu.memory_space<vmem>> -> memref<1x128xi32, #tpu.memory_space<vmem>>
          %dma_start3A_168 = tpu.memref_squeeze %dma_start3A_167 : memref<1x128xi32, #tpu.memory_space<vmem>> -> memref<128xi32, #tpu.memory_space<vmem>>
          %dma_start3A_169 = arith.constant 0 : i32
          %dma_start3A_170 = arith.constant 0 : i32
          %dma_start3A_171 = tpu.memref_slice %arg17[%dma_start3A_169, %dma_start3A_170] : memref<10000x64xf32, #tpu.memory_space<vmem_shared>> -> memref<10000x64xf32, #tpu.memory_space<vmem_shared>>
          tpu.enqueue_indirect_dma source(%arg13 : memref<128x64xf32, #tpu.memory_space<vmem>>) target(%dma_start3A_171 : memref<10000x64xf32, #tpu.memory_space<vmem_shared>>) offsets(%dma_start3A_168 : memref<128xi32, #tpu.memory_space<vmem>>) semaphore(%run_scoped3A : memref<!tpu.dma_semaphore, #tpu.memory_space<semaphore_mem>>) {add = true}
          %dma_wait3A_172 = arith.constant 0 : i32
          %dma_wait3A_173 = tpu.memref_slice %arg8[%add3A_126, %dma_wait3A_172] : memref<79x128xi32, #tpu.memory_space<vmem>> -> memref<1x128xi32, #tpu.memory_space<vmem>>
          %dma_wait3A_174 = tpu.memref_squeeze %dma_wait3A_173 : memref<1x128xi32, #tpu.memory_space<vmem>> -> memref<128xi32, #tpu.memory_space<vmem>>
          %dma_wait3A_175 = arith.constant 0 : i32
          %dma_wait3A_176 = arith.constant 0 : i32
          %dma_wait3A_177 = tpu.memref_slice %arg17[%dma_wait3A_175, %dma_wait3A_176] : memref<10000x64xf32, #tpu.memory_space<vmem_shared>> -> memref<10000x64xf32, #tpu.memory_space<vmem_shared>>
          tpu.wait_indirect_dma semaphore(%run_scoped3A : memref<!tpu.dma_semaphore, #tpu.memory_space<semaphore_mem>>) src(%arg13 : memref<128x64xf32, #tpu.memory_space<vmem>>) dst(%dma_wait3A_177 : memref<10000x64xf32, #tpu.memory_space<vmem_shared>>)
          tpu.yield
        }) : () -> ()
        %add3A_160 = arith.constant 8 : i32
        %add3A_161 = arith.addi %add3A_126, %add3A_160 : i32
        %lt3A_162 = arith.cmpi slt, %add3A_161, %select_n3A : i32
        %convert_element_type3A_163 = arith.extui %lt3A_162 : i1 to i32
        %cond3A_164 = arith.constant 0 : i32
        %cond3A_165 = arith.cmpi ne, %convert_element_type3A_163, %cond3A_164 : i32
        scf.if %cond3A_165 {
          %add3A_166 = arith.constant 8 : i32
          %add3A_167 = arith.addi %add3A_126, %add3A_166 : i32
          %dma_start3A_168 = arith.constant 0 : i32
          %dma_start3A_169 = tpu.memref_slice %arg7[%add3A_167, %dma_start3A_168] : memref<79x128xi32, #tpu.memory_space<vmem>> -> memref<1x128xi32, #tpu.memory_space<vmem>>
          %dma_start3A_170 = tpu.memref_squeeze %dma_start3A_169 : memref<1x128xi32, #tpu.memory_space<vmem>> -> memref<128xi32, #tpu.memory_space<vmem>>
          %dma_start3A_171 = arith.constant 0 : i32
          %dma_start3A_172 = arith.constant 0 : i32
          %dma_start3A_173 = tpu.memref_slice %arg2[%dma_start3A_171, %dma_start3A_172] : memref<10000x64xf32, #tpu.memory_space<hbm>> -> memref<10000x64xf32, #tpu.memory_space<hbm>>
          tpu.enqueue_indirect_dma source(%dma_start3A_173 : memref<10000x64xf32, #tpu.memory_space<hbm>>) target(%arg13 : memref<128x64xf32, #tpu.memory_space<vmem>>) offsets(%dma_start3A_170 : memref<128xi32, #tpu.memory_space<vmem>>) semaphore(%arg22 : memref<!tpu.dma_semaphore, #tpu.memory_space<semaphore_mem>>)
        } else {
        }
      } else {
      }
      %mul3A_131 = arith.constant 8 : i32
      %mul3A_132 = arith.muli %scan3A_90, %mul3A_131 : i32
      %add3A_133 = arith.constant 5 : i32
      %add3A_134 = arith.addi %mul3A_132, %add3A_133 : i32
      %lt3A_135 = arith.cmpi slt, %add3A_134, %select_n3A : i32
      %convert_element_type3A_136 = arith.extui %lt3A_135 : i1 to i32
      %cond3A_137 = arith.constant 0 : i32
      %cond3A_138 = arith.cmpi ne, %convert_element_type3A_136, %cond3A_137 : i32
      scf.if %cond3A_138 {
        %dma_wait3A = arith.constant 0 : i32
        %dma_wait3A_155 = tpu.memref_slice %arg7[%add3A_134, %dma_wait3A] : memref<79x128xi32, #tpu.memory_space<vmem>> -> memref<1x128xi32, #tpu.memory_space<vmem>>
        %dma_wait3A_156 = tpu.memref_squeeze %dma_wait3A_155 : memref<1x128xi32, #tpu.memory_space<vmem>> -> memref<128xi32, #tpu.memory_space<vmem>>
        %dma_wait3A_157 = arith.constant 0 : i32
        %dma_wait3A_158 = arith.constant 0 : i32
        %dma_wait3A_159 = tpu.memref_slice %arg2[%dma_wait3A_157, %dma_wait3A_158] : memref<10000x64xf32, #tpu.memory_space<hbm>> -> memref<10000x64xf32, #tpu.memory_space<hbm>>
        tpu.wait_indirect_dma semaphore(%arg23 : memref<!tpu.dma_semaphore, #tpu.memory_space<semaphore_mem>>) src(%dma_wait3A_159 : memref<10000x64xf32, #tpu.memory_space<hbm>>) dst(%arg14 : memref<128x64xf32, #tpu.memory_space<vmem>>)
        "tpu.region"() ({
          %run_scoped3A = tpu.sem_alloc : memref<!tpu.dma_semaphore, #tpu.memory_space<semaphore_mem>>
          %dma_start3A_166 = arith.constant 0 : i32
          %dma_start3A_167 = tpu.memref_slice %arg8[%add3A_134, %dma_start3A_166] : memref<79x128xi32, #tpu.memory_space<vmem>> -> memref<1x128xi32, #tpu.memory_space<vmem>>
          %dma_start3A_168 = tpu.memref_squeeze %dma_start3A_167 : memref<1x128xi32, #tpu.memory_space<vmem>> -> memref<128xi32, #tpu.memory_space<vmem>>
          %dma_start3A_169 = arith.constant 0 : i32
          %dma_start3A_170 = arith.constant 0 : i32
          %dma_start3A_171 = tpu.memref_slice %arg17[%dma_start3A_169, %dma_start3A_170] : memref<10000x64xf32, #tpu.memory_space<vmem_shared>> -> memref<10000x64xf32, #tpu.memory_space<vmem_shared>>
          tpu.enqueue_indirect_dma source(%arg14 : memref<128x64xf32, #tpu.memory_space<vmem>>) target(%dma_start3A_171 : memref<10000x64xf32, #tpu.memory_space<vmem_shared>>) offsets(%dma_start3A_168 : memref<128xi32, #tpu.memory_space<vmem>>) semaphore(%run_scoped3A : memref<!tpu.dma_semaphore, #tpu.memory_space<semaphore_mem>>) {add = true}
          %dma_wait3A_172 = arith.constant 0 : i32
          %dma_wait3A_173 = tpu.memref_slice %arg8[%add3A_134, %dma_wait3A_172] : memref<79x128xi32, #tpu.memory_space<vmem>> -> memref<1x128xi32, #tpu.memory_space<vmem>>
          %dma_wait3A_174 = tpu.memref_squeeze %dma_wait3A_173 : memref<1x128xi32, #tpu.memory_space<vmem>> -> memref<128xi32, #tpu.memory_space<vmem>>
          %dma_wait3A_175 = arith.constant 0 : i32
          %dma_wait3A_176 = arith.constant 0 : i32
          %dma_wait3A_177 = tpu.memref_slice %arg17[%dma_wait3A_175, %dma_wait3A_176] : memref<10000x64xf32, #tpu.memory_space<vmem_shared>> -> memref<10000x64xf32, #tpu.memory_space<vmem_shared>>
          tpu.wait_indirect_dma semaphore(%run_scoped3A : memref<!tpu.dma_semaphore, #tpu.memory_space<semaphore_mem>>) src(%arg14 : memref<128x64xf32, #tpu.memory_space<vmem>>) dst(%dma_wait3A_177 : memref<10000x64xf32, #tpu.memory_space<vmem_shared>>)
          tpu.yield
        }) : () -> ()
        %add3A_160 = arith.constant 8 : i32
        %add3A_161 = arith.addi %add3A_134, %add3A_160 : i32
        %lt3A_162 = arith.cmpi slt, %add3A_161, %select_n3A : i32
        %convert_element_type3A_163 = arith.extui %lt3A_162 : i1 to i32
        %cond3A_164 = arith.constant 0 : i32
        %cond3A_165 = arith.cmpi ne, %convert_element_type3A_163, %cond3A_164 : i32
        scf.if %cond3A_165 {
          %add3A_166 = arith.constant 8 : i32
          %add3A_167 = arith.addi %add3A_134, %add3A_166 : i32
          %dma_start3A_168 = arith.constant 0 : i32
          %dma_start3A_169 = tpu.memref_slice %arg7[%add3A_167, %dma_start3A_168] : memref<79x128xi32, #tpu.memory_space<vmem>> -> memref<1x128xi32, #tpu.memory_space<vmem>>
          %dma_start3A_170 = tpu.memref_squeeze %dma_start3A_169 : memref<1x128xi32, #tpu.memory_space<vmem>> -> memref<128xi32, #tpu.memory_space<vmem>>
          %dma_start3A_171 = arith.constant 0 : i32
          %dma_start3A_172 = arith.constant 0 : i32
          %dma_start3A_173 = tpu.memref_slice %arg2[%dma_start3A_171, %dma_start3A_172] : memref<10000x64xf32, #tpu.memory_space<hbm>> -> memref<10000x64xf32, #tpu.memory_space<hbm>>
          tpu.enqueue_indirect_dma source(%dma_start3A_173 : memref<10000x64xf32, #tpu.memory_space<hbm>>) target(%arg14 : memref<128x64xf32, #tpu.memory_space<vmem>>) offsets(%dma_start3A_170 : memref<128xi32, #tpu.memory_space<vmem>>) semaphore(%arg23 : memref<!tpu.dma_semaphore, #tpu.memory_space<semaphore_mem>>)
        } else {
        }
      } else {
      }
      %mul3A_139 = arith.constant 8 : i32
      %mul3A_140 = arith.muli %scan3A_90, %mul3A_139 : i32
      %add3A_141 = arith.constant 6 : i32
      %add3A_142 = arith.addi %mul3A_140, %add3A_141 : i32
      %lt3A_143 = arith.cmpi slt, %add3A_142, %select_n3A : i32
      %convert_element_type3A_144 = arith.extui %lt3A_143 : i1 to i32
      %cond3A_145 = arith.constant 0 : i32
      %cond3A_146 = arith.cmpi ne, %convert_element_type3A_144, %cond3A_145 : i32
      scf.if %cond3A_146 {
        %dma_wait3A = arith.constant 0 : i32
        %dma_wait3A_155 = tpu.memref_slice %arg7[%add3A_142, %dma_wait3A] : memref<79x128xi32, #tpu.memory_space<vmem>> -> memref<1x128xi32, #tpu.memory_space<vmem>>
        %dma_wait3A_156 = tpu.memref_squeeze %dma_wait3A_155 : memref<1x128xi32, #tpu.memory_space<vmem>> -> memref<128xi32, #tpu.memory_space<vmem>>
        %dma_wait3A_157 = arith.constant 0 : i32
        %dma_wait3A_158 = arith.constant 0 : i32
        %dma_wait3A_159 = tpu.memref_slice %arg2[%dma_wait3A_157, %dma_wait3A_158] : memref<10000x64xf32, #tpu.memory_space<hbm>> -> memref<10000x64xf32, #tpu.memory_space<hbm>>
        tpu.wait_indirect_dma semaphore(%arg24 : memref<!tpu.dma_semaphore, #tpu.memory_space<semaphore_mem>>) src(%dma_wait3A_159 : memref<10000x64xf32, #tpu.memory_space<hbm>>) dst(%arg15 : memref<128x64xf32, #tpu.memory_space<vmem>>)
        "tpu.region"() ({
          %run_scoped3A = tpu.sem_alloc : memref<!tpu.dma_semaphore, #tpu.memory_space<semaphore_mem>>
          %dma_start3A_166 = arith.constant 0 : i32
          %dma_start3A_167 = tpu.memref_slice %arg8[%add3A_142, %dma_start3A_166] : memref<79x128xi32, #tpu.memory_space<vmem>> -> memref<1x128xi32, #tpu.memory_space<vmem>>
          %dma_start3A_168 = tpu.memref_squeeze %dma_start3A_167 : memref<1x128xi32, #tpu.memory_space<vmem>> -> memref<128xi32, #tpu.memory_space<vmem>>
          %dma_start3A_169 = arith.constant 0 : i32
          %dma_start3A_170 = arith.constant 0 : i32
          %dma_start3A_171 = tpu.memref_slice %arg17[%dma_start3A_169, %dma_start3A_170] : memref<10000x64xf32, #tpu.memory_space<vmem_shared>> -> memref<10000x64xf32, #tpu.memory_space<vmem_shared>>
          tpu.enqueue_indirect_dma source(%arg15 : memref<128x64xf32, #tpu.memory_space<vmem>>) target(%dma_start3A_171 : memref<10000x64xf32, #tpu.memory_space<vmem_shared>>) offsets(%dma_start3A_168 : memref<128xi32, #tpu.memory_space<vmem>>) semaphore(%run_scoped3A : memref<!tpu.dma_semaphore, #tpu.memory_space<semaphore_mem>>) {add = true}
          %dma_wait3A_172 = arith.constant 0 : i32
          %dma_wait3A_173 = tpu.memref_slice %arg8[%add3A_142, %dma_wait3A_172] : memref<79x128xi32, #tpu.memory_space<vmem>> -> memref<1x128xi32, #tpu.memory_space<vmem>>
          %dma_wait3A_174 = tpu.memref_squeeze %dma_wait3A_173 : memref<1x128xi32, #tpu.memory_space<vmem>> -> memref<128xi32, #tpu.memory_space<vmem>>
          %dma_wait3A_175 = arith.constant 0 : i32
          %dma_wait3A_176 = arith.constant 0 : i32
          %dma_wait3A_177 = tpu.memref_slice %arg17[%dma_wait3A_175, %dma_wait3A_176] : memref<10000x64xf32, #tpu.memory_space<vmem_shared>> -> memref<10000x64xf32, #tpu.memory_space<vmem_shared>>
          tpu.wait_indirect_dma semaphore(%run_scoped3A : memref<!tpu.dma_semaphore, #tpu.memory_space<semaphore_mem>>) src(%arg15 : memref<128x64xf32, #tpu.memory_space<vmem>>) dst(%dma_wait3A_177 : memref<10000x64xf32, #tpu.memory_space<vmem_shared>>)
          tpu.yield
        }) : () -> ()
        %add3A_160 = arith.constant 8 : i32
        %add3A_161 = arith.addi %add3A_142, %add3A_160 : i32
        %lt3A_162 = arith.cmpi slt, %add3A_161, %select_n3A : i32
        %convert_element_type3A_163 = arith.extui %lt3A_162 : i1 to i32
        %cond3A_164 = arith.constant 0 : i32
        %cond3A_165 = arith.cmpi ne, %convert_element_type3A_163, %cond3A_164 : i32
        scf.if %cond3A_165 {
          %add3A_166 = arith.constant 8 : i32
          %add3A_167 = arith.addi %add3A_142, %add3A_166 : i32
          %dma_start3A_168 = arith.constant 0 : i32
          %dma_start3A_169 = tpu.memref_slice %arg7[%add3A_167, %dma_start3A_168] : memref<79x128xi32, #tpu.memory_space<vmem>> -> memref<1x128xi32, #tpu.memory_space<vmem>>
          %dma_start3A_170 = tpu.memref_squeeze %dma_start3A_169 : memref<1x128xi32, #tpu.memory_space<vmem>> -> memref<128xi32, #tpu.memory_space<vmem>>
          %dma_start3A_171 = arith.constant 0 : i32
          %dma_start3A_172 = arith.constant 0 : i32
          %dma_start3A_173 = tpu.memref_slice %arg2[%dma_start3A_171, %dma_start3A_172] : memref<10000x64xf32, #tpu.memory_space<hbm>> -> memref<10000x64xf32, #tpu.memory_space<hbm>>
          tpu.enqueue_indirect_dma source(%dma_start3A_173 : memref<10000x64xf32, #tpu.memory_space<hbm>>) target(%arg15 : memref<128x64xf32, #tpu.memory_space<vmem>>) offsets(%dma_start3A_170 : memref<128xi32, #tpu.memory_space<vmem>>) semaphore(%arg24 : memref<!tpu.dma_semaphore, #tpu.memory_space<semaphore_mem>>)
        } else {
        }
      } else {
      }
      %mul3A_147 = arith.constant 8 : i32
      %mul3A_148 = arith.muli %scan3A_90, %mul3A_147 : i32
      %add3A_149 = arith.constant 7 : i32
      %add3A_150 = arith.addi %mul3A_148, %add3A_149 : i32
      %lt3A_151 = arith.cmpi slt, %add3A_150, %select_n3A : i32
      %convert_element_type3A_152 = arith.extui %lt3A_151 : i1 to i32
      %cond3A_153 = arith.constant 0 : i32
      %cond3A_154 = arith.cmpi ne, %convert_element_type3A_152, %cond3A_153 : i32
      scf.if %cond3A_154 {
        %dma_wait3A = arith.constant 0 : i32
        %dma_wait3A_155 = tpu.memref_slice %arg7[%add3A_150, %dma_wait3A] : memref<79x128xi32, #tpu.memory_space<vmem>> -> memref<1x128xi32, #tpu.memory_space<vmem>>
        %dma_wait3A_156 = tpu.memref_squeeze %dma_wait3A_155 : memref<1x128xi32, #tpu.memory_space<vmem>> -> memref<128xi32, #tpu.memory_space<vmem>>
        %dma_wait3A_157 = arith.constant 0 : i32
        %dma_wait3A_158 = arith.constant 0 : i32
        %dma_wait3A_159 = tpu.memref_slice %arg2[%dma_wait3A_157, %dma_wait3A_158] : memref<10000x64xf32, #tpu.memory_space<hbm>> -> memref<10000x64xf32, #tpu.memory_space<hbm>>
        tpu.wait_indirect_dma semaphore(%arg25 : memref<!tpu.dma_semaphore, #tpu.memory_space<semaphore_mem>>) src(%dma_wait3A_159 : memref<10000x64xf32, #tpu.memory_space<hbm>>) dst(%arg16 : memref<128x64xf32, #tpu.memory_space<vmem>>)
        "tpu.region"() ({
          %run_scoped3A = tpu.sem_alloc : memref<!tpu.dma_semaphore, #tpu.memory_space<semaphore_mem>>
          %dma_start3A_166 = arith.constant 0 : i32
          %dma_start3A_167 = tpu.memref_slice %arg8[%add3A_150, %dma_start3A_166] : memref<79x128xi32, #tpu.memory_space<vmem>> -> memref<1x128xi32, #tpu.memory_space<vmem>>
          %dma_start3A_168 = tpu.memref_squeeze %dma_start3A_167 : memref<1x128xi32, #tpu.memory_space<vmem>> -> memref<128xi32, #tpu.memory_space<vmem>>
          %dma_start3A_169 = arith.constant 0 : i32
          %dma_start3A_170 = arith.constant 0 : i32
          %dma_start3A_171 = tpu.memref_slice %arg17[%dma_start3A_169, %dma_start3A_170] : memref<10000x64xf32, #tpu.memory_space<vmem_shared>> -> memref<10000x64xf32, #tpu.memory_space<vmem_shared>>
          tpu.enqueue_indirect_dma source(%arg16 : memref<128x64xf32, #tpu.memory_space<vmem>>) target(%dma_start3A_171 : memref<10000x64xf32, #tpu.memory_space<vmem_shared>>) offsets(%dma_start3A_168 : memref<128xi32, #tpu.memory_space<vmem>>) semaphore(%run_scoped3A : memref<!tpu.dma_semaphore, #tpu.memory_space<semaphore_mem>>) {add = true}
          %dma_wait3A_172 = arith.constant 0 : i32
          %dma_wait3A_173 = tpu.memref_slice %arg8[%add3A_150, %dma_wait3A_172] : memref<79x128xi32, #tpu.memory_space<vmem>> -> memref<1x128xi32, #tpu.memory_space<vmem>>
          %dma_wait3A_174 = tpu.memref_squeeze %dma_wait3A_173 : memref<1x128xi32, #tpu.memory_space<vmem>> -> memref<128xi32, #tpu.memory_space<vmem>>
          %dma_wait3A_175 = arith.constant 0 : i32
          %dma_wait3A_176 = arith.constant 0 : i32
          %dma_wait3A_177 = tpu.memref_slice %arg17[%dma_wait3A_175, %dma_wait3A_176] : memref<10000x64xf32, #tpu.memory_space<vmem_shared>> -> memref<10000x64xf32, #tpu.memory_space<vmem_shared>>
          tpu.wait_indirect_dma semaphore(%run_scoped3A : memref<!tpu.dma_semaphore, #tpu.memory_space<semaphore_mem>>) src(%arg16 : memref<128x64xf32, #tpu.memory_space<vmem>>) dst(%dma_wait3A_177 : memref<10000x64xf32, #tpu.memory_space<vmem_shared>>)
          tpu.yield
        }) : () -> ()
        %add3A_160 = arith.constant 8 : i32
        %add3A_161 = arith.addi %add3A_150, %add3A_160 : i32
        %lt3A_162 = arith.cmpi slt, %add3A_161, %select_n3A : i32
        %convert_element_type3A_163 = arith.extui %lt3A_162 : i1 to i32
        %cond3A_164 = arith.constant 0 : i32
        %cond3A_165 = arith.cmpi ne, %convert_element_type3A_163, %cond3A_164 : i32
        scf.if %cond3A_165 {
          %add3A_166 = arith.constant 8 : i32
          %add3A_167 = arith.addi %add3A_150, %add3A_166 : i32
          %dma_start3A_168 = arith.constant 0 : i32
          %dma_start3A_169 = tpu.memref_slice %arg7[%add3A_167, %dma_start3A_168] : memref<79x128xi32, #tpu.memory_space<vmem>> -> memref<1x128xi32, #tpu.memory_space<vmem>>
          %dma_start3A_170 = tpu.memref_squeeze %dma_start3A_169 : memref<1x128xi32, #tpu.memory_space<vmem>> -> memref<128xi32, #tpu.memory_space<vmem>>
          %dma_start3A_171 = arith.constant 0 : i32
          %dma_start3A_172 = arith.constant 0 : i32
          %dma_start3A_173 = tpu.memref_slice %arg2[%dma_start3A_171, %dma_start3A_172] : memref<10000x64xf32, #tpu.memory_space<hbm>> -> memref<10000x64xf32, #tpu.memory_space<hbm>>
          tpu.enqueue_indirect_dma source(%dma_start3A_173 : memref<10000x64xf32, #tpu.memory_space<hbm>>) target(%arg16 : memref<128x64xf32, #tpu.memory_space<vmem>>) offsets(%dma_start3A_170 : memref<128xi32, #tpu.memory_space<vmem>>) semaphore(%arg25 : memref<!tpu.dma_semaphore, #tpu.memory_space<semaphore_mem>>)
        } else {
        }
      } else {
      }
    }
    %scan3A_78 = arith.constant 10 : i32
    %barrier3A_79 = arith.constant 0 : index
    tpu.barrier barrier_id(%barrier3A_79)
    %lt3A_80 = arith.constant 15 : i32
    %lt3A_81 = arith.cmpi slt, %arg1, %lt3A_80 : i32
    %convert_element_type3A_82 = arith.extui %lt3A_81 : i1 to i32
    %cond3A_83 = arith.constant 0 : i32
    %cond3A_84 = arith.cmpi ne, %convert_element_type3A_82, %cond3A_83 : i32
    scf.if %cond3A_84 {
      %mul3A_90 = arith.constant 624 : i32
      %mul3A_91 = arith.muli %arg1, %mul3A_90 : i32
      %mul3A_92 = arith.constant 624 : i32
      %mul3A_93 = arith.muli %arg1, %mul3A_92 : i32
      "tpu.region"() ({
        %run_scoped3A = tpu.sem_alloc : memref<!tpu.dma_semaphore, #tpu.memory_space<semaphore_mem>>
        %dma_start3A_94 = arith.constant 0 : i32
        %dma_start3A_95 = tpu.memref_slice %arg6[%arg0, %mul3A_93, %dma_start3A_94] : memref<2x10000x64xf32, #tpu.memory_space<hbm>> -> memref<1x624x64xf32, #tpu.memory_space<hbm>>
        %dma_start3A_96 = tpu.memref_squeeze %dma_start3A_95 : memref<1x624x64xf32, #tpu.memory_space<hbm>> -> memref<624x64xf32, #tpu.memory_space<hbm>>
        %dma_start3A_97 = arith.constant 0 : i32
        %dma_start3A_98 = tpu.memref_slice %arg17[%mul3A_91, %dma_start3A_97] : memref<10000x64xf32, #tpu.memory_space<vmem_shared>> -> memref<624x64xf32, #tpu.memory_space<vmem_shared>>
        tpu.enqueue_dma source(%dma_start3A_98 : memref<624x64xf32, #tpu.memory_space<vmem_shared>>) target(%dma_start3A_96 : memref<624x64xf32, #tpu.memory_space<hbm>>) target_semaphore(%run_scoped3A : memref<!tpu.dma_semaphore, #tpu.memory_space<semaphore_mem>>)
        %dma_wait3A = arith.constant 0 : i32
        %dma_wait3A_99 = tpu.memref_slice %arg6[%arg0, %mul3A_93, %dma_wait3A] : memref<2x10000x64xf32, #tpu.memory_space<hbm>> -> memref<1x624x64xf32, #tpu.memory_space<hbm>>
        %dma_wait3A_100 = tpu.memref_squeeze %dma_wait3A_99 : memref<1x624x64xf32, #tpu.memory_space<hbm>> -> memref<624x64xf32, #tpu.memory_space<hbm>>
        %dma_wait3A_101 = arith.constant 0 : i32
        %dma_wait3A_102 = tpu.memref_slice %arg17[%mul3A_91, %dma_wait3A_101] : memref<10000x64xf32, #tpu.memory_space<vmem_shared>> -> memref<624x64xf32, #tpu.memory_space<vmem_shared>>
        tpu.wait_dma2 semaphore(%run_scoped3A : memref<!tpu.dma_semaphore, #tpu.memory_space<semaphore_mem>>) src(%dma_wait3A_102 : memref<624x64xf32, #tpu.memory_space<vmem_shared>>) dst(%dma_wait3A_100 : memref<624x64xf32, #tpu.memory_space<hbm>>)
        tpu.yield
      }) : () -> ()
    } else {
    }
    %eq3A_85 = arith.constant 15 : i32
    %eq3A_86 = arith.cmpi eq, %arg1, %eq3A_85 : i32
    %convert_element_type3A_87 = arith.extui %eq3A_86 : i1 to i32
    %cond3A_88 = arith.constant 0 : i32
    %cond3A_89 = arith.cmpi ne, %convert_element_type3A_87, %cond3A_88 : i32
    scf.if %cond3A_89 {
      "tpu.region"() ({
        %run_scoped3A = tpu.sem_alloc : memref<!tpu.dma_semaphore, #tpu.memory_space<semaphore_mem>>
        %dma_start3A_90 = arith.constant 9360 : i32
        %dma_start3A_91 = arith.constant 0 : i32
        %dma_start3A_92 = tpu.memref_slice %arg6[%arg0, %dma_start3A_90, %dma_start3A_91] : memref<2x10000x64xf32, #tpu.memory_space<hbm>> -> memref<1x640x64xf32, #tpu.memory_space<hbm>>
        %dma_start3A_93 = tpu.memref_squeeze %dma_start3A_92 : memref<1x640x64xf32, #tpu.memory_space<hbm>> -> memref<640x64xf32, #tpu.memory_space<hbm>>
        %dma_start3A_94 = arith.constant 9360 : i32
        %dma_start3A_95 = arith.constant 0 : i32
        %dma_start3A_96 = tpu.memref_slice %arg17[%dma_start3A_94, %dma_start3A_95] : memref<10000x64xf32, #tpu.memory_space<vmem_shared>> -> memref<640x64xf32, #tpu.memory_space<vmem_shared>>
        tpu.enqueue_dma source(%dma_start3A_96 : memref<640x64xf32, #tpu.memory_space<vmem_shared>>) target(%dma_start3A_93 : memref<640x64xf32, #tpu.memory_space<hbm>>) target_semaphore(%run_scoped3A : memref<!tpu.dma_semaphore, #tpu.memory_space<semaphore_mem>>)
        %dma_wait3A = arith.constant 9360 : i32
        %dma_wait3A_97 = arith.constant 0 : i32
        %dma_wait3A_98 = tpu.memref_slice %arg6[%arg0, %dma_wait3A, %dma_wait3A_97] : memref<2x10000x64xf32, #tpu.memory_space<hbm>> -> memref<1x640x64xf32, #tpu.memory_space<hbm>>
        %dma_wait3A_99 = tpu.memref_squeeze %dma_wait3A_98 : memref<1x640x64xf32, #tpu.memory_space<hbm>> -> memref<640x64xf32, #tpu.memory_space<hbm>>
        %dma_wait3A_100 = arith.constant 9360 : i32
        %dma_wait3A_101 = arith.constant 0 : i32
        %dma_wait3A_102 = tpu.memref_slice %arg17[%dma_wait3A_100, %dma_wait3A_101] : memref<10000x64xf32, #tpu.memory_space<vmem_shared>> -> memref<640x64xf32, #tpu.memory_space<vmem_shared>>
        tpu.wait_dma2 semaphore(%run_scoped3A : memref<!tpu.dma_semaphore, #tpu.memory_space<semaphore_mem>>) src(%dma_wait3A_102 : memref<640x64xf32, #tpu.memory_space<vmem_shared>>) dst(%dma_wait3A_99 : memref<640x64xf32, #tpu.memory_space<hbm>>)
        tpu.yield
      }) : () -> ()
    } else {
    }
    return
  }
}

#map = affine_map<(d0, d1) -> (0, 0)>
#map1 = affine_map<(d0, d1) -> (0, 0, 0)>
module attributes {stable_mosaic.version = 14 : i64} {
  func.func @scat(%arg0: i32, %arg1: i32, %arg2: memref<10000x64xf32, #tpu.memory_space<hbm>>, %arg3: memref<2500x128xi32, #tpu.memory_space<hbm>>, %arg4: memref<2500x128xi32, #tpu.memory_space<hbm>>, %arg5: memref<10000x64xf32, #tpu.memory_space<hbm>>, %arg6: memref<2x10000x64xf32, #tpu.memory_space<hbm>>, %arg7: memref<79x128xi32, #tpu.memory_space<vmem>>, %arg8: memref<79x128xi32, #tpu.memory_space<vmem>>, %arg9: memref<128x64xf32, #tpu.memory_space<vmem>>, %arg10: memref<128x64xf32, #tpu.memory_space<vmem>>, %arg11: memref<128x64xf32, #tpu.memory_space<vmem>>, %arg12: memref<128x64xf32, #tpu.memory_space<vmem>>, %arg13: memref<128x64xf32, #tpu.memory_space<vmem>>, %arg14: memref<128x64xf32, #tpu.memory_space<vmem>>, %arg15: memref<128x64xf32, #tpu.memory_space<vmem>>, %arg16: memref<128x64xf32, #tpu.memory_space<vmem>>, %arg17: memref<10000x64xf32, #tpu.memory_space<vmem_shared>>, %arg18: memref<!tpu.dma_semaphore, #tpu.memory_space<semaphore_mem>>, %arg19: memref<!tpu.dma_semaphore, #tpu.memory_space<semaphore_mem>>, %arg20: memref<!tpu.dma_semaphore, #tpu.memory_space<semaphore_mem>>, %arg21: memref<!tpu.dma_semaphore, #tpu.memory_space<semaphore_mem>>, %arg22: memref<!tpu.dma_semaphore, #tpu.memory_space<semaphore_mem>>, %arg23: memref<!tpu.dma_semaphore, #tpu.memory_space<semaphore_mem>>, %arg24: memref<!tpu.dma_semaphore, #tpu.memory_space<semaphore_mem>>, %arg25: memref<!tpu.dma_semaphore, #tpu.memory_space<semaphore_mem>>) attributes {dimension_semantics = [#tpu.dimension_semantics<core_parallel>, #tpu.dimension_semantics<subcore_parallel>], iteration_bounds = array<i64: 2, 16>, scalar_prefetch = 0 : i64, scratch_operands = 19 : i64, tpu.core_type = #tpu.core_type<sc_vector_subcore>, window_params = [{transform_indices = #map}, {transform_indices = #map}, {transform_indices = #map}, {transform_indices = #map}, {transform_indices = #map1}]} {
    %mul3A = arith.constant 16 : i32
    %mul3A_0 = arith.muli %arg0, %mul3A : i32
    %add3A = arith.addi %mul3A_0, %arg1 : i32
    %lt3A = arith.constant 15 : i32
    %lt3A_1 = arith.cmpi slt, %arg1, %lt3A : i32
    %convert_element_type3A = arith.extui %lt3A_1 : i1 to i32
    %cond3A = arith.constant 0 : i32
    %cond3A_2 = arith.cmpi ne, %convert_element_type3A, %cond3A : i32
    scf.if %cond3A_2 {
      %mul3A_90 = arith.constant 624 : i32
      %mul3A_91 = arith.muli %arg1, %mul3A_90 : i32
      %mul3A_92 = arith.constant 624 : i32
      %mul3A_93 = arith.muli %arg1, %mul3A_92 : i32
      "tpu.region"() ({
        %run_scoped3A = tpu.sem_alloc : memref<!tpu.dma_semaphore, #tpu.memory_space<semaphore_mem>>
        %dma_start3A_94 = arith.constant 0 : i32
        %dma_start3A_95 = tpu.memref_slice %arg17[%mul3A_93, %dma_start3A_94] : memref<10000x64xf32, #tpu.memory_space<vmem_shared>> -> memref<624x64xf32, #tpu.memory_space<vmem_shared>>
        %dma_start3A_96 = arith.constant 0 : i32
        %dma_start3A_97 = tpu.memref_slice %arg5[%mul3A_91, %dma_start3A_96] : memref<10000x64xf32, #tpu.memory_space<hbm>> -> memref<624x64xf32, #tpu.memory_space<hbm>>
        tpu.enqueue_dma source(%dma_start3A_97 : memref<624x64xf32, #tpu.memory_space<hbm>>) target(%dma_start3A_95 : memref<624x64xf32, #tpu.memory_space<vmem_shared>>) target_semaphore(%run_scoped3A : memref<!tpu.dma_semaphore, #tpu.memory_space<semaphore_mem>>)
        %dma_wait3A = arith.constant 0 : i32
        %dma_wait3A_98 = tpu.memref_slice %arg17[%mul3A_93, %dma_wait3A] : memref<10000x64xf32, #tpu.memory_space<vmem_shared>> -> memref<624x64xf32, #tpu.memory_space<vmem_shared>>
        %dma_wait3A_99 = arith.constant 0 : i32
        %dma_wait3A_100 = tpu.memref_slice %arg5[%mul3A_91, %dma_wait3A_99] : memref<10000x64xf32, #tpu.memory_space<hbm>> -> memref<624x64xf32, #tpu.memory_space<hbm>>
        tpu.wait_dma2 semaphore(%run_scoped3A : memref<!tpu.dma_semaphore, #tpu.memory_space<semaphore_mem>>) src(%dma_wait3A_100 : memref<624x64xf32, #tpu.memory_space<hbm>>) dst(%dma_wait3A_98 : memref<624x64xf32, #tpu.memory_space<vmem_shared>>)
        tpu.yield
      }) : () -> ()
    } else {
    }
    %eq3A = arith.constant 15 : i32
    %eq3A_3 = arith.cmpi eq, %arg1, %eq3A : i32
    %convert_element_type3A_4 = arith.extui %eq3A_3 : i1 to i32
    %cond3A_5 = arith.constant 0 : i32
    %cond3A_6 = arith.cmpi ne, %convert_element_type3A_4, %cond3A_5 : i32
    scf.if %cond3A_6 {
      "tpu.region"() ({
        %run_scoped3A = tpu.sem_alloc : memref<!tpu.dma_semaphore, #tpu.memory_space<semaphore_mem>>
        %dma_start3A_90 = arith.constant 9360 : i32
        %dma_start3A_91 = arith.constant 0 : i32
        %dma_start3A_92 = tpu.memref_slice %arg17[%dma_start3A_90, %dma_start3A_91] : memref<10000x64xf32, #tpu.memory_space<vmem_shared>> -> memref<640x64xf32, #tpu.memory_space<vmem_shared>>
        %dma_start3A_93 = arith.constant 9360 : i32
        %dma_start3A_94 = arith.constant 0 : i32
        %dma_start3A_95 = tpu.memref_slice %arg5[%dma_start3A_93, %dma_start3A_94] : memref<10000x64xf32, #tpu.memory_space<hbm>> -> memref<640x64xf32, #tpu.memory_space<hbm>>
        tpu.enqueue_dma source(%dma_start3A_95 : memref<640x64xf32, #tpu.memory_space<hbm>>) target(%dma_start3A_92 : memref<640x64xf32, #tpu.memory_space<vmem_shared>>) target_semaphore(%run_scoped3A : memref<!tpu.dma_semaphore, #tpu.memory_space<semaphore_mem>>)
        %dma_wait3A = arith.constant 9360 : i32
        %dma_wait3A_96 = arith.constant 0 : i32
        %dma_wait3A_97 = tpu.memref_slice %arg17[%dma_wait3A, %dma_wait3A_96] : memref<10000x64xf32, #tpu.memory_space<vmem_shared>> -> memref<640x64xf32, #tpu.memory_space<vmem_shared>>
        %dma_wait3A_98 = arith.constant 9360 : i32
        %dma_wait3A_99 = arith.constant 0 : i32
        %dma_wait3A_100 = tpu.memref_slice %arg5[%dma_wait3A_98, %dma_wait3A_99] : memref<10000x64xf32, #tpu.memory_space<hbm>> -> memref<640x64xf32, #tpu.memory_space<hbm>>
        tpu.wait_dma2 semaphore(%run_scoped3A : memref<!tpu.dma_semaphore, #tpu.memory_space<semaphore_mem>>) src(%dma_wait3A_100 : memref<640x64xf32, #tpu.memory_space<hbm>>) dst(%dma_wait3A_97 : memref<640x64xf32, #tpu.memory_space<vmem_shared>>)
        tpu.yield
      }) : () -> ()
    } else {
    }
    %mul3A_7 = arith.constant 78 : i32
    %mul3A_8 = arith.muli %add3A, %mul3A_7 : i32
    "tpu.region"() ({
      %run_scoped3A = tpu.sem_alloc : memref<!tpu.dma_semaphore, #tpu.memory_space<semaphore_mem>>
      %dma_start3A_90 = arith.constant 0 : i32
      %dma_start3A_91 = arith.constant 0 : i32
      %dma_start3A_92 = tpu.memref_slice %arg7[%dma_start3A_90, %dma_start3A_91] : memref<79x128xi32, #tpu.memory_space<vmem>> -> memref<78x128xi32, #tpu.memory_space<vmem>>
      %dma_start3A_93 = arith.constant 0 : i32
      %dma_start3A_94 = tpu.memref_slice %arg3[%mul3A_8, %dma_start3A_93] : memref<2500x128xi32, #tpu.memory_space<hbm>> -> memref<78x128xi32, #tpu.memory_space<hbm>>
      %dma_start3A_95 = arith.constant 0 : i32
      %dma_start3A_96 = arith.constant 0 : i32
      %dma_start3A_97 = tpu.memref_slice %arg7[%dma_start3A_95, %dma_start3A_96] : memref<79x128xi32, #tpu.memory_space<vmem>> -> memref<78x128xi32, #tpu.memory_space<vmem>>
      %dma_start3A_98 = arith.constant 0 : i32
      %dma_start3A_99 = tpu.memref_slice %arg3[%mul3A_8, %dma_start3A_98] : memref<2500x128xi32, #tpu.memory_space<hbm>> -> memref<78x128xi32, #tpu.memory_space<hbm>>
      tpu.enqueue_dma source(%dma_start3A_99 : memref<78x128xi32, #tpu.memory_space<hbm>>) target(%dma_start3A_97 : memref<78x128xi32, #tpu.memory_space<vmem>>) target_semaphore(%run_scoped3A : memref<!tpu.dma_semaphore, #tpu.memory_space<semaphore_mem>>)
      %dma_wait3A = arith.constant 0 : i32
      %dma_wait3A_100 = arith.constant 0 : i32
      %dma_wait3A_101 = tpu.memref_slice %arg7[%dma_wait3A, %dma_wait3A_100] : memref<79x128xi32, #tpu.memory_space<vmem>> -> memref<78x128xi32, #tpu.memory_space<vmem>>
      %dma_wait3A_102 = arith.constant 0 : i32
      %dma_wait3A_103 = tpu.memref_slice %arg3[%mul3A_8, %dma_wait3A_102] : memref<2500x128xi32, #tpu.memory_space<hbm>> -> memref<78x128xi32, #tpu.memory_space<hbm>>
      %dma_wait3A_104 = arith.constant 0 : i32
      %dma_wait3A_105 = arith.constant 0 : i32
      %dma_wait3A_106 = tpu.memref_slice %arg7[%dma_wait3A_104, %dma_wait3A_105] : memref<79x128xi32, #tpu.memory_space<vmem>> -> memref<78x128xi32, #tpu.memory_space<vmem>>
      %dma_wait3A_107 = arith.constant 0 : i32
      %dma_wait3A_108 = tpu.memref_slice %arg3[%mul3A_8, %dma_wait3A_107] : memref<2500x128xi32, #tpu.memory_space<hbm>> -> memref<78x128xi32, #tpu.memory_space<hbm>>
      tpu.wait_dma2 semaphore(%run_scoped3A : memref<!tpu.dma_semaphore, #tpu.memory_space<semaphore_mem>>) src(%dma_wait3A_108 : memref<78x128xi32, #tpu.memory_space<hbm>>) dst(%dma_wait3A_106 : memref<78x128xi32, #tpu.memory_space<vmem>>)
      tpu.yield
    }) : () -> ()
    %mul3A_9 = arith.constant 78 : i32
    %mul3A_10 = arith.muli %add3A, %mul3A_9 : i32
    "tpu.region"() ({
      %run_scoped3A = tpu.sem_alloc : memref<!tpu.dma_semaphore, #tpu.memory_space<semaphore_mem>>
      %dma_start3A_90 = arith.constant 0 : i32
      %dma_start3A_91 = arith.constant 0 : i32
      %dma_start3A_92 = tpu.memref_slice %arg8[%dma_start3A_90, %dma_start3A_91] : memref<79x128xi32, #tpu.memory_space<vmem>> -> memref<78x128xi32, #tpu.memory_space<vmem>>
      %dma_start3A_93 = arith.constant 0 : i32
      %dma_start3A_94 = tpu.memref_slice %arg4[%mul3A_10, %dma_start3A_93] : memref<2500x128xi32, #tpu.memory_space<hbm>> -> memref<78x128xi32, #tpu.memory_space<hbm>>
      %dma_start3A_95 = arith.constant 0 : i32
      %dma_start3A_96 = arith.constant 0 : i32
      %dma_start3A_97 = tpu.memref_slice %arg8[%dma_start3A_95, %dma_start3A_96] : memref<79x128xi32, #tpu.memory_space<vmem>> -> memref<78x128xi32, #tpu.memory_space<vmem>>
      %dma_start3A_98 = arith.constant 0 : i32
      %dma_start3A_99 = tpu.memref_slice %arg4[%mul3A_10, %dma_start3A_98] : memref<2500x128xi32, #tpu.memory_space<hbm>> -> memref<78x128xi32, #tpu.memory_space<hbm>>
      tpu.enqueue_dma source(%dma_start3A_99 : memref<78x128xi32, #tpu.memory_space<hbm>>) target(%dma_start3A_97 : memref<78x128xi32, #tpu.memory_space<vmem>>) target_semaphore(%run_scoped3A : memref<!tpu.dma_semaphore, #tpu.memory_space<semaphore_mem>>)
      %dma_wait3A = arith.constant 0 : i32
      %dma_wait3A_100 = arith.constant 0 : i32
      %dma_wait3A_101 = tpu.memref_slice %arg8[%dma_wait3A, %dma_wait3A_100] : memref<79x128xi32, #tpu.memory_space<vmem>> -> memref<78x128xi32, #tpu.memory_space<vmem>>
      %dma_wait3A_102 = arith.constant 0 : i32
      %dma_wait3A_103 = tpu.memref_slice %arg4[%mul3A_10, %dma_wait3A_102] : memref<2500x128xi32, #tpu.memory_space<hbm>> -> memref<78x128xi32, #tpu.memory_space<hbm>>
      %dma_wait3A_104 = arith.constant 0 : i32
      %dma_wait3A_105 = arith.constant 0 : i32
      %dma_wait3A_106 = tpu.memref_slice %arg8[%dma_wait3A_104, %dma_wait3A_105] : memref<79x128xi32, #tpu.memory_space<vmem>> -> memref<78x128xi32, #tpu.memory_space<vmem>>
      %dma_wait3A_107 = arith.constant 0 : i32
      %dma_wait3A_108 = tpu.memref_slice %arg4[%mul3A_10, %dma_wait3A_107] : memref<2500x128xi32, #tpu.memory_space<hbm>> -> memref<78x128xi32, #tpu.memory_space<hbm>>
      tpu.wait_dma2 semaphore(%run_scoped3A : memref<!tpu.dma_semaphore, #tpu.memory_space<semaphore_mem>>) src(%dma_wait3A_108 : memref<78x128xi32, #tpu.memory_space<hbm>>) dst(%dma_wait3A_106 : memref<78x128xi32, #tpu.memory_space<vmem>>)
      tpu.yield
    }) : () -> ()
    %lt3A_11 = arith.constant 4 : i32
    %lt3A_12 = arith.cmpi slt, %add3A, %lt3A_11 : i32
    %convert_element_type3A_13 = arith.extui %lt3A_12 : i1 to i32
    %cond3A_14 = arith.constant 0 : i32
    %cond3A_15 = arith.cmpi ne, %convert_element_type3A_13, %cond3A_14 : i32
    scf.if %cond3A_15 {
      %add3A_90 = arith.constant 2496 : i32
      %add3A_91 = arith.addi %add3A_90, %add3A : i32
      "tpu.region"() ({
        %run_scoped3A = tpu.sem_alloc : memref<!tpu.dma_semaphore, #tpu.memory_space<semaphore_mem>>
        %dma_start3A_94 = arith.constant 78 : i32
        %dma_start3A_95 = arith.constant 0 : i32
        %dma_start3A_96 = tpu.memref_slice %arg7[%dma_start3A_94, %dma_start3A_95] : memref<79x128xi32, #tpu.memory_space<vmem>> -> memref<1x128xi32, #tpu.memory_space<vmem>>
        %dma_start3A_97 = arith.constant 0 : i32
        %dma_start3A_98 = tpu.memref_slice %arg3[%add3A_91, %dma_start3A_97] : memref<2500x128xi32, #tpu.memory_space<hbm>> -> memref<1x128xi32, #tpu.memory_space<hbm>>
        %dma_start3A_99 = arith.constant 78 : i32
        %dma_start3A_100 = arith.constant 0 : i32
        %dma_start3A_101 = tpu.memref_slice %arg7[%dma_start3A_99, %dma_start3A_100] : memref<79x128xi32, #tpu.memory_space<vmem>> -> memref<1x128xi32, #tpu.memory_space<vmem>>
        %dma_start3A_102 = arith.constant 0 : i32
        %dma_start3A_103 = tpu.memref_slice %arg3[%add3A_91, %dma_start3A_102] : memref<2500x128xi32, #tpu.memory_space<hbm>> -> memref<1x128xi32, #tpu.memory_space<hbm>>
        tpu.enqueue_dma source(%dma_start3A_103 : memref<1x128xi32, #tpu.memory_space<hbm>>) target(%dma_start3A_101 : memref<1x128xi32, #tpu.memory_space<vmem>>) target_semaphore(%run_scoped3A : memref<!tpu.dma_semaphore, #tpu.memory_space<semaphore_mem>>)
        %dma_wait3A = arith.constant 78 : i32
        %dma_wait3A_104 = arith.constant 0 : i32
        %dma_wait3A_105 = tpu.memref_slice %arg7[%dma_wait3A, %dma_wait3A_104] : memref<79x128xi32, #tpu.memory_space<vmem>> -> memref<1x128xi32, #tpu.memory_space<vmem>>
        %dma_wait3A_106 = arith.constant 0 : i32
        %dma_wait3A_107 = tpu.memref_slice %arg3[%add3A_91, %dma_wait3A_106] : memref<2500x128xi32, #tpu.memory_space<hbm>> -> memref<1x128xi32, #tpu.memory_space<hbm>>
        %dma_wait3A_108 = arith.constant 78 : i32
        %dma_wait3A_109 = arith.constant 0 : i32
        %dma_wait3A_110 = tpu.memref_slice %arg7[%dma_wait3A_108, %dma_wait3A_109] : memref<79x128xi32, #tpu.memory_space<vmem>> -> memref<1x128xi32, #tpu.memory_space<vmem>>
        %dma_wait3A_111 = arith.constant 0 : i32
        %dma_wait3A_112 = tpu.memref_slice %arg3[%add3A_91, %dma_wait3A_111] : memref<2500x128xi32, #tpu.memory_space<hbm>> -> memref<1x128xi32, #tpu.memory_space<hbm>>
        tpu.wait_dma2 semaphore(%run_scoped3A : memref<!tpu.dma_semaphore, #tpu.memory_space<semaphore_mem>>) src(%dma_wait3A_112 : memref<1x128xi32, #tpu.memory_space<hbm>>) dst(%dma_wait3A_110 : memref<1x128xi32, #tpu.memory_space<vmem>>)
        tpu.yield
      }) : () -> ()
      %add3A_92 = arith.constant 2496 : i32
      %add3A_93 = arith.addi %add3A_92, %add3A : i32
      "tpu.region"() ({
        %run_scoped3A = tpu.sem_alloc : memref<!tpu.dma_semaphore, #tpu.memory_space<semaphore_mem>>
        %dma_start3A_94 = arith.constant 78 : i32
        %dma_start3A_95 = arith.constant 0 : i32
        %dma_start3A_96 = tpu.memref_slice %arg8[%dma_start3A_94, %dma_start3A_95] : memref<79x128xi32, #tpu.memory_space<vmem>> -> memref<1x128xi32, #tpu.memory_space<vmem>>
        %dma_start3A_97 = arith.constant 0 : i32
        %dma_start3A_98 = tpu.memref_slice %arg4[%add3A_93, %dma_start3A_97] : memref<2500x128xi32, #tpu.memory_space<hbm>> -> memref<1x128xi32, #tpu.memory_space<hbm>>
        %dma_start3A_99 = arith.constant 78 : i32
        %dma_start3A_100 = arith.constant 0 : i32
        %dma_start3A_101 = tpu.memref_slice %arg8[%dma_start3A_99, %dma_start3A_100] : memref<79x128xi32, #tpu.memory_space<vmem>> -> memref<1x128xi32, #tpu.memory_space<vmem>>
        %dma_start3A_102 = arith.constant 0 : i32
        %dma_start3A_103 = tpu.memref_slice %arg4[%add3A_93, %dma_start3A_102] : memref<2500x128xi32, #tpu.memory_space<hbm>> -> memref<1x128xi32, #tpu.memory_space<hbm>>
        tpu.enqueue_dma source(%dma_start3A_103 : memref<1x128xi32, #tpu.memory_space<hbm>>) target(%dma_start3A_101 : memref<1x128xi32, #tpu.memory_space<vmem>>) target_semaphore(%run_scoped3A : memref<!tpu.dma_semaphore, #tpu.memory_space<semaphore_mem>>)
        %dma_wait3A = arith.constant 78 : i32
        %dma_wait3A_104 = arith.constant 0 : i32
        %dma_wait3A_105 = tpu.memref_slice %arg8[%dma_wait3A, %dma_wait3A_104] : memref<79x128xi32, #tpu.memory_space<vmem>> -> memref<1x128xi32, #tpu.memory_space<vmem>>
        %dma_wait3A_106 = arith.constant 0 : i32
        %dma_wait3A_107 = tpu.memref_slice %arg4[%add3A_93, %dma_wait3A_106] : memref<2500x128xi32, #tpu.memory_space<hbm>> -> memref<1x128xi32, #tpu.memory_space<hbm>>
        %dma_wait3A_108 = arith.constant 78 : i32
        %dma_wait3A_109 = arith.constant 0 : i32
        %dma_wait3A_110 = tpu.memref_slice %arg8[%dma_wait3A_108, %dma_wait3A_109] : memref<79x128xi32, #tpu.memory_space<vmem>> -> memref<1x128xi32, #tpu.memory_space<vmem>>
        %dma_wait3A_111 = arith.constant 0 : i32
        %dma_wait3A_112 = tpu.memref_slice %arg4[%add3A_93, %dma_wait3A_111] : memref<2500x128xi32, #tpu.memory_space<hbm>> -> memref<1x128xi32, #tpu.memory_space<hbm>>
        tpu.wait_dma2 semaphore(%run_scoped3A : memref<!tpu.dma_semaphore, #tpu.memory_space<semaphore_mem>>) src(%dma_wait3A_112 : memref<1x128xi32, #tpu.memory_space<hbm>>) dst(%dma_wait3A_110 : memref<1x128xi32, #tpu.memory_space<vmem>>)
        tpu.yield
      }) : () -> ()
    } else {
    }
    %lt3A_16 = arith.constant 4 : i32
    %lt3A_17 = arith.cmpi slt, %add3A, %lt3A_16 : i32
    %jit3A = arith.constant 79 : i32
    %jit3A_18 = arith.constant 78 : i32
    %select_n3A = arith.select %lt3A_17, %jit3A, %jit3A_18 : i32
    %barrier3A = arith.constant 0 : index
    tpu.barrier barrier_id(%barrier3A)
    %dma_start3A = arith.constant 0 : i32
    %dma_start3A_19 = arith.constant 0 : i32
    %dma_start3A_20 = tpu.memref_slice %arg7[%dma_start3A, %dma_start3A_19] : memref<79x128xi32, #tpu.memory_space<vmem>> -> memref<1x128xi32, #tpu.memory_space<vmem>>
    %dma_start3A_21 = tpu.memref_squeeze %dma_start3A_20 : memref<1x128xi32, #tpu.memory_space<vmem>> -> memref<128xi32, #tpu.memory_space<vmem>>
    %dma_start3A_22 = arith.constant 0 : i32
    %dma_start3A_23 = arith.constant 0 : i32
    %dma_start3A_24 = tpu.memref_slice %arg2[%dma_start3A_22, %dma_start3A_23] : memref<10000x64xf32, #tpu.memory_space<hbm>> -> memref<10000x64xf32, #tpu.memory_space<hbm>>
    tpu.enqueue_indirect_dma source(%dma_start3A_24 : memref<10000x64xf32, #tpu.memory_space<hbm>>) target(%arg9 : memref<128x64xf32, #tpu.memory_space<vmem>>) offsets(%dma_start3A_21 : memref<128xi32, #tpu.memory_space<vmem>>) semaphore(%arg18 : memref<!tpu.dma_semaphore, #tpu.memory_space<semaphore_mem>>)
    %dma_start3A_25 = arith.constant 1 : i32
    %dma_start3A_26 = arith.constant 0 : i32
    %dma_start3A_27 = tpu.memref_slice %arg7[%dma_start3A_25, %dma_start3A_26] : memref<79x128xi32, #tpu.memory_space<vmem>> -> memref<1x128xi32, #tpu.memory_space<vmem>>
    %dma_start3A_28 = tpu.memref_squeeze %dma_start3A_27 : memref<1x128xi32, #tpu.memory_space<vmem>> -> memref<128xi32, #tpu.memory_space<vmem>>
    %dma_start3A_29 = arith.constant 0 : i32
    %dma_start3A_30 = arith.constant 0 : i32
    %dma_start3A_31 = tpu.memref_slice %arg2[%dma_start3A_29, %dma_start3A_30] : memref<10000x64xf32, #tpu.memory_space<hbm>> -> memref<10000x64xf32, #tpu.memory_space<hbm>>
    tpu.enqueue_indirect_dma source(%dma_start3A_31 : memref<10000x64xf32, #tpu.memory_space<hbm>>) target(%arg10 : memref<128x64xf32, #tpu.memory_space<vmem>>) offsets(%dma_start3A_28 : memref<128xi32, #tpu.memory_space<vmem>>) semaphore(%arg19 : memref<!tpu.dma_semaphore, #tpu.memory_space<semaphore_mem>>)
    %dma_start3A_32 = arith.constant 2 : i32
    %dma_start3A_33 = arith.constant 0 : i32
    %dma_start3A_34 = tpu.memref_slice %arg7[%dma_start3A_32, %dma_start3A_33] : memref<79x128xi32, #tpu.memory_space<vmem>> -> memref<1x128xi32, #tpu.memory_space<vmem>>
    %dma_start3A_35 = tpu.memref_squeeze %dma_start3A_34 : memref<1x128xi32, #tpu.memory_space<vmem>> -> memref<128xi32, #tpu.memory_space<vmem>>
    %dma_start3A_36 = arith.constant 0 : i32
    %dma_start3A_37 = arith.constant 0 : i32
    %dma_start3A_38 = tpu.memref_slice %arg2[%dma_start3A_36, %dma_start3A_37] : memref<10000x64xf32, #tpu.memory_space<hbm>> -> memref<10000x64xf32, #tpu.memory_space<hbm>>
    tpu.enqueue_indirect_dma source(%dma_start3A_38 : memref<10000x64xf32, #tpu.memory_space<hbm>>) target(%arg11 : memref<128x64xf32, #tpu.memory_space<vmem>>) offsets(%dma_start3A_35 : memref<128xi32, #tpu.memory_space<vmem>>) semaphore(%arg20 : memref<!tpu.dma_semaphore, #tpu.memory_space<semaphore_mem>>)
    %dma_start3A_39 = arith.constant 3 : i32
    %dma_start3A_40 = arith.constant 0 : i32
    %dma_start3A_41 = tpu.memref_slice %arg7[%dma_start3A_39, %dma_start3A_40] : memref<79x128xi32, #tpu.memory_space<vmem>> -> memref<1x128xi32, #tpu.memory_space<vmem>>
    %dma_start3A_42 = tpu.memref_squeeze %dma_start3A_41 : memref<1x128xi32, #tpu.memory_space<vmem>> -> memref<128xi32, #tpu.memory_space<vmem>>
    %dma_start3A_43 = arith.constant 0 : i32
    %dma_start3A_44 = arith.constant 0 : i32
    %dma_start3A_45 = tpu.memref_slice %arg2[%dma_start3A_43, %dma_start3A_44] : memref<10000x64xf32, #tpu.memory_space<hbm>> -> memref<10000x64xf32, #tpu.memory_space<hbm>>
    tpu.enqueue_indirect_dma source(%dma_start3A_45 : memref<10000x64xf32, #tpu.memory_space<hbm>>) target(%arg12 : memref<128x64xf32, #tpu.memory_space<vmem>>) offsets(%dma_start3A_42 : memref<128xi32, #tpu.memory_space<vmem>>) semaphore(%arg21 : memref<!tpu.dma_semaphore, #tpu.memory_space<semaphore_mem>>)
    %dma_start3A_46 = arith.constant 4 : i32
    %dma_start3A_47 = arith.constant 0 : i32
    %dma_start3A_48 = tpu.memref_slice %arg7[%dma_start3A_46, %dma_start3A_47] : memref<79x128xi32, #tpu.memory_space<vmem>> -> memref<1x128xi32, #tpu.memory_space<vmem>>
    %dma_start3A_49 = tpu.memref_squeeze %dma_start3A_48 : memref<1x128xi32, #tpu.memory_space<vmem>> -> memref<128xi32, #tpu.memory_space<vmem>>
    %dma_start3A_50 = arith.constant 0 : i32
    %dma_start3A_51 = arith.constant 0 : i32
    %dma_start3A_52 = tpu.memref_slice %arg2[%dma_start3A_50, %dma_start3A_51] : memref<10000x64xf32, #tpu.memory_space<hbm>> -> memref<10000x64xf32, #tpu.memory_space<hbm>>
    tpu.enqueue_indirect_dma source(%dma_start3A_52 : memref<10000x64xf32, #tpu.memory_space<hbm>>) target(%arg13 : memref<128x64xf32, #tpu.memory_space<vmem>>) offsets(%dma_start3A_49 : memref<128xi32, #tpu.memory_space<vmem>>) semaphore(%arg22 : memref<!tpu.dma_semaphore, #tpu.memory_space<semaphore_mem>>)
    %dma_start3A_53 = arith.constant 5 : i32
    %dma_start3A_54 = arith.constant 0 : i32
    %dma_start3A_55 = tpu.memref_slice %arg7[%dma_start3A_53, %dma_start3A_54] : memref<79x128xi32, #tpu.memory_space<vmem>> -> memref<1x128xi32, #tpu.memory_space<vmem>>
    %dma_start3A_56 = tpu.memref_squeeze %dma_start3A_55 : memref<1x128xi32, #tpu.memory_space<vmem>> -> memref<128xi32, #tpu.memory_space<vmem>>
    %dma_start3A_57 = arith.constant 0 : i32
    %dma_start3A_58 = arith.constant 0 : i32
    %dma_start3A_59 = tpu.memref_slice %arg2[%dma_start3A_57, %dma_start3A_58] : memref<10000x64xf32, #tpu.memory_space<hbm>> -> memref<10000x64xf32, #tpu.memory_space<hbm>>
    tpu.enqueue_indirect_dma source(%dma_start3A_59 : memref<10000x64xf32, #tpu.memory_space<hbm>>) target(%arg14 : memref<128x64xf32, #tpu.memory_space<vmem>>) offsets(%dma_start3A_56 : memref<128xi32, #tpu.memory_space<vmem>>) semaphore(%arg23 : memref<!tpu.dma_semaphore, #tpu.memory_space<semaphore_mem>>)
    %dma_start3A_60 = arith.constant 6 : i32
    %dma_start3A_61 = arith.constant 0 : i32
    %dma_start3A_62 = tpu.memref_slice %arg7[%dma_start3A_60, %dma_start3A_61] : memref<79x128xi32, #tpu.memory_space<vmem>> -> memref<1x128xi32, #tpu.memory_space<vmem>>
    %dma_start3A_63 = tpu.memref_squeeze %dma_start3A_62 : memref<1x128xi32, #tpu.memory_space<vmem>> -> memref<128xi32, #tpu.memory_space<vmem>>
    %dma_start3A_64 = arith.constant 0 : i32
    %dma_start3A_65 = arith.constant 0 : i32
    %dma_start3A_66 = tpu.memref_slice %arg2[%dma_start3A_64, %dma_start3A_65] : memref<10000x64xf32, #tpu.memory_space<hbm>> -> memref<10000x64xf32, #tpu.memory_space<hbm>>
    tpu.enqueue_indirect_dma source(%dma_start3A_66 : memref<10000x64xf32, #tpu.memory_space<hbm>>) target(%arg15 : memref<128x64xf32, #tpu.memory_space<vmem>>) offsets(%dma_start3A_63 : memref<128xi32, #tpu.memory_space<vmem>>) semaphore(%arg24 : memref<!tpu.dma_semaphore, #tpu.memory_space<semaphore_mem>>)
    %dma_start3A_67 = arith.constant 7 : i32
    %dma_start3A_68 = arith.constant 0 : i32
    %dma_start3A_69 = tpu.memref_slice %arg7[%dma_start3A_67, %dma_start3A_68] : memref<79x128xi32, #tpu.memory_space<vmem>> -> memref<1x128xi32, #tpu.memory_space<vmem>>
    %dma_start3A_70 = tpu.memref_squeeze %dma_start3A_69 : memref<1x128xi32, #tpu.memory_space<vmem>> -> memref<128xi32, #tpu.memory_space<vmem>>
    %dma_start3A_71 = arith.constant 0 : i32
    %dma_start3A_72 = arith.constant 0 : i32
    %dma_start3A_73 = tpu.memref_slice %arg2[%dma_start3A_71, %dma_start3A_72] : memref<10000x64xf32, #tpu.memory_space<hbm>> -> memref<10000x64xf32, #tpu.memory_space<hbm>>
    tpu.enqueue_indirect_dma source(%dma_start3A_73 : memref<10000x64xf32, #tpu.memory_space<hbm>>) target(%arg16 : memref<128x64xf32, #tpu.memory_space<vmem>>) offsets(%dma_start3A_70 : memref<128xi32, #tpu.memory_space<vmem>>) semaphore(%arg25 : memref<!tpu.dma_semaphore, #tpu.memory_space<semaphore_mem>>)
    %scan3A = arith.constant 0 : i32
    %scan3A_74 = arith.constant 0 : i32
    %scan3A_75 = arith.constant 10 : i32
    %scan3A_76 = arith.addi %scan3A_74, %scan3A_75 : i32
    %scan3A_77 = arith.constant 1 : i32
    scf.for %scan3A_90 = %scan3A_74 to %scan3A_76 step %scan3A_77  : i32 {
      %mul3A_91 = arith.constant 8 : i32
      %mul3A_92 = arith.muli %scan3A_90, %mul3A_91 : i32
      %add3A_93 = arith.constant 0 : i32
      %add3A_94 = arith.addi %mul3A_92, %add3A_93 : i32
      %lt3A_95 = arith.cmpi slt, %add3A_94, %select_n3A : i32
      %convert_element_type3A_96 = arith.extui %lt3A_95 : i1 to i32
      %cond3A_97 = arith.constant 0 : i32
      %cond3A_98 = arith.cmpi ne, %convert_element_type3A_96, %cond3A_97 : i32
      scf.if %cond3A_98 {
        %dma_wait3A = arith.constant 0 : i32
        %dma_wait3A_155 = tpu.memref_slice %arg7[%add3A_94, %dma_wait3A] : memref<79x128xi32, #tpu.memory_space<vmem>> -> memref<1x128xi32, #tpu.memory_space<vmem>>
        %dma_wait3A_156 = tpu.memref_squeeze %dma_wait3A_155 : memref<1x128xi32, #tpu.memory_space<vmem>> -> memref<128xi32, #tpu.memory_space<vmem>>
        %dma_wait3A_157 = arith.constant 0 : i32
        %dma_wait3A_158 = arith.constant 0 : i32
        %dma_wait3A_159 = tpu.memref_slice %arg2[%dma_wait3A_157, %dma_wait3A_158] : memref<10000x64xf32, #tpu.memory_space<hbm>> -> memref<10000x64xf32, #tpu.memory_space<hbm>>
        tpu.wait_indirect_dma semaphore(%arg18 : memref<!tpu.dma_semaphore, #tpu.memory_space<semaphore_mem>>) src(%dma_wait3A_159 : memref<10000x64xf32, #tpu.memory_space<hbm>>) dst(%arg9 : memref<128x64xf32, #tpu.memory_space<vmem>>)
        "tpu.region"() ({
          %run_scoped3A = tpu.sem_alloc : memref<!tpu.dma_semaphore, #tpu.memory_space<semaphore_mem>>
          %dma_start3A_166 = arith.constant 0 : i32
          %dma_start3A_167 = tpu.memref_slice %arg8[%add3A_94, %dma_start3A_166] : memref<79x128xi32, #tpu.memory_space<vmem>> -> memref<1x128xi32, #tpu.memory_space<vmem>>
          %dma_start3A_168 = tpu.memref_squeeze %dma_start3A_167 : memref<1x128xi32, #tpu.memory_space<vmem>> -> memref<128xi32, #tpu.memory_space<vmem>>
          %dma_start3A_169 = arith.constant 0 : i32
          %dma_start3A_170 = arith.constant 0 : i32
          %dma_start3A_171 = tpu.memref_slice %arg17[%dma_start3A_169, %dma_start3A_170] : memref<10000x64xf32, #tpu.memory_space<vmem_shared>> -> memref<10000x64xf32, #tpu.memory_space<vmem_shared>>
          tpu.enqueue_indirect_dma source(%arg9 : memref<128x64xf32, #tpu.memory_space<vmem>>) target(%dma_start3A_171 : memref<10000x64xf32, #tpu.memory_space<vmem_shared>>) offsets(%dma_start3A_168 : memref<128xi32, #tpu.memory_space<vmem>>) semaphore(%run_scoped3A : memref<!tpu.dma_semaphore, #tpu.memory_space<semaphore_mem>>) {add = true}
          %dma_wait3A_172 = arith.constant 0 : i32
          %dma_wait3A_173 = tpu.memref_slice %arg8[%add3A_94, %dma_wait3A_172] : memref<79x128xi32, #tpu.memory_space<vmem>> -> memref<1x128xi32, #tpu.memory_space<vmem>>
          %dma_wait3A_174 = tpu.memref_squeeze %dma_wait3A_173 : memref<1x128xi32, #tpu.memory_space<vmem>> -> memref<128xi32, #tpu.memory_space<vmem>>
          %dma_wait3A_175 = arith.constant 0 : i32
          %dma_wait3A_176 = arith.constant 0 : i32
          %dma_wait3A_177 = tpu.memref_slice %arg17[%dma_wait3A_175, %dma_wait3A_176] : memref<10000x64xf32, #tpu.memory_space<vmem_shared>> -> memref<10000x64xf32, #tpu.memory_space<vmem_shared>>
          tpu.wait_indirect_dma semaphore(%run_scoped3A : memref<!tpu.dma_semaphore, #tpu.memory_space<semaphore_mem>>) src(%arg9 : memref<128x64xf32, #tpu.memory_space<vmem>>) dst(%dma_wait3A_177 : memref<10000x64xf32, #tpu.memory_space<vmem_shared>>)
          tpu.yield
        }) : () -> ()
        %add3A_160 = arith.constant 8 : i32
        %add3A_161 = arith.addi %add3A_94, %add3A_160 : i32
        %lt3A_162 = arith.cmpi slt, %add3A_161, %select_n3A : i32
        %convert_element_type3A_163 = arith.extui %lt3A_162 : i1 to i32
        %cond3A_164 = arith.constant 0 : i32
        %cond3A_165 = arith.cmpi ne, %convert_element_type3A_163, %cond3A_164 : i32
        scf.if %cond3A_165 {
          %add3A_166 = arith.constant 8 : i32
          %add3A_167 = arith.addi %add3A_94, %add3A_166 : i32
          %dma_start3A_168 = arith.constant 0 : i32
          %dma_start3A_169 = tpu.memref_slice %arg7[%add3A_167, %dma_start3A_168] : memref<79x128xi32, #tpu.memory_space<vmem>> -> memref<1x128xi32, #tpu.memory_space<vmem>>
          %dma_start3A_170 = tpu.memref_squeeze %dma_start3A_169 : memref<1x128xi32, #tpu.memory_space<vmem>> -> memref<128xi32, #tpu.memory_space<vmem>>
          %dma_start3A_171 = arith.constant 0 : i32
          %dma_start3A_172 = arith.constant 0 : i32
          %dma_start3A_173 = tpu.memref_slice %arg2[%dma_start3A_171, %dma_start3A_172] : memref<10000x64xf32, #tpu.memory_space<hbm>> -> memref<10000x64xf32, #tpu.memory_space<hbm>>
          tpu.enqueue_indirect_dma source(%dma_start3A_173 : memref<10000x64xf32, #tpu.memory_space<hbm>>) target(%arg9 : memref<128x64xf32, #tpu.memory_space<vmem>>) offsets(%dma_start3A_170 : memref<128xi32, #tpu.memory_space<vmem>>) semaphore(%arg18 : memref<!tpu.dma_semaphore, #tpu.memory_space<semaphore_mem>>)
        } else {
        }
      } else {
      }
      %mul3A_99 = arith.constant 8 : i32
      %mul3A_100 = arith.muli %scan3A_90, %mul3A_99 : i32
      %add3A_101 = arith.constant 1 : i32
      %add3A_102 = arith.addi %mul3A_100, %add3A_101 : i32
      %lt3A_103 = arith.cmpi slt, %add3A_102, %select_n3A : i32
      %convert_element_type3A_104 = arith.extui %lt3A_103 : i1 to i32
      %cond3A_105 = arith.constant 0 : i32
      %cond3A_106 = arith.cmpi ne, %convert_element_type3A_104, %cond3A_105 : i32
      scf.if %cond3A_106 {
        %dma_wait3A = arith.constant 0 : i32
        %dma_wait3A_155 = tpu.memref_slice %arg7[%add3A_102, %dma_wait3A] : memref<79x128xi32, #tpu.memory_space<vmem>> -> memref<1x128xi32, #tpu.memory_space<vmem>>
        %dma_wait3A_156 = tpu.memref_squeeze %dma_wait3A_155 : memref<1x128xi32, #tpu.memory_space<vmem>> -> memref<128xi32, #tpu.memory_space<vmem>>
        %dma_wait3A_157 = arith.constant 0 : i32
        %dma_wait3A_158 = arith.constant 0 : i32
        %dma_wait3A_159 = tpu.memref_slice %arg2[%dma_wait3A_157, %dma_wait3A_158] : memref<10000x64xf32, #tpu.memory_space<hbm>> -> memref<10000x64xf32, #tpu.memory_space<hbm>>
        tpu.wait_indirect_dma semaphore(%arg19 : memref<!tpu.dma_semaphore, #tpu.memory_space<semaphore_mem>>) src(%dma_wait3A_159 : memref<10000x64xf32, #tpu.memory_space<hbm>>) dst(%arg10 : memref<128x64xf32, #tpu.memory_space<vmem>>)
        "tpu.region"() ({
          %run_scoped3A = tpu.sem_alloc : memref<!tpu.dma_semaphore, #tpu.memory_space<semaphore_mem>>
          %dma_start3A_166 = arith.constant 0 : i32
          %dma_start3A_167 = tpu.memref_slice %arg8[%add3A_102, %dma_start3A_166] : memref<79x128xi32, #tpu.memory_space<vmem>> -> memref<1x128xi32, #tpu.memory_space<vmem>>
          %dma_start3A_168 = tpu.memref_squeeze %dma_start3A_167 : memref<1x128xi32, #tpu.memory_space<vmem>> -> memref<128xi32, #tpu.memory_space<vmem>>
          %dma_start3A_169 = arith.constant 0 : i32
          %dma_start3A_170 = arith.constant 0 : i32
          %dma_start3A_171 = tpu.memref_slice %arg17[%dma_start3A_169, %dma_start3A_170] : memref<10000x64xf32, #tpu.memory_space<vmem_shared>> -> memref<10000x64xf32, #tpu.memory_space<vmem_shared>>
          tpu.enqueue_indirect_dma source(%arg10 : memref<128x64xf32, #tpu.memory_space<vmem>>) target(%dma_start3A_171 : memref<10000x64xf32, #tpu.memory_space<vmem_shared>>) offsets(%dma_start3A_168 : memref<128xi32, #tpu.memory_space<vmem>>) semaphore(%run_scoped3A : memref<!tpu.dma_semaphore, #tpu.memory_space<semaphore_mem>>) {add = true}
          %dma_wait3A_172 = arith.constant 0 : i32
          %dma_wait3A_173 = tpu.memref_slice %arg8[%add3A_102, %dma_wait3A_172] : memref<79x128xi32, #tpu.memory_space<vmem>> -> memref<1x128xi32, #tpu.memory_space<vmem>>
          %dma_wait3A_174 = tpu.memref_squeeze %dma_wait3A_173 : memref<1x128xi32, #tpu.memory_space<vmem>> -> memref<128xi32, #tpu.memory_space<vmem>>
          %dma_wait3A_175 = arith.constant 0 : i32
          %dma_wait3A_176 = arith.constant 0 : i32
          %dma_wait3A_177 = tpu.memref_slice %arg17[%dma_wait3A_175, %dma_wait3A_176] : memref<10000x64xf32, #tpu.memory_space<vmem_shared>> -> memref<10000x64xf32, #tpu.memory_space<vmem_shared>>
          tpu.wait_indirect_dma semaphore(%run_scoped3A : memref<!tpu.dma_semaphore, #tpu.memory_space<semaphore_mem>>) src(%arg10 : memref<128x64xf32, #tpu.memory_space<vmem>>) dst(%dma_wait3A_177 : memref<10000x64xf32, #tpu.memory_space<vmem_shared>>)
          tpu.yield
        }) : () -> ()
        %add3A_160 = arith.constant 8 : i32
        %add3A_161 = arith.addi %add3A_102, %add3A_160 : i32
        %lt3A_162 = arith.cmpi slt, %add3A_161, %select_n3A : i32
        %convert_element_type3A_163 = arith.extui %lt3A_162 : i1 to i32
        %cond3A_164 = arith.constant 0 : i32
        %cond3A_165 = arith.cmpi ne, %convert_element_type3A_163, %cond3A_164 : i32
        scf.if %cond3A_165 {
          %add3A_166 = arith.constant 8 : i32
          %add3A_167 = arith.addi %add3A_102, %add3A_166 : i32
          %dma_start3A_168 = arith.constant 0 : i32
          %dma_start3A_169 = tpu.memref_slice %arg7[%add3A_167, %dma_start3A_168] : memref<79x128xi32, #tpu.memory_space<vmem>> -> memref<1x128xi32, #tpu.memory_space<vmem>>
          %dma_start3A_170 = tpu.memref_squeeze %dma_start3A_169 : memref<1x128xi32, #tpu.memory_space<vmem>> -> memref<128xi32, #tpu.memory_space<vmem>>
          %dma_start3A_171 = arith.constant 0 : i32
          %dma_start3A_172 = arith.constant 0 : i32
          %dma_start3A_173 = tpu.memref_slice %arg2[%dma_start3A_171, %dma_start3A_172] : memref<10000x64xf32, #tpu.memory_space<hbm>> -> memref<10000x64xf32, #tpu.memory_space<hbm>>
          tpu.enqueue_indirect_dma source(%dma_start3A_173 : memref<10000x64xf32, #tpu.memory_space<hbm>>) target(%arg10 : memref<128x64xf32, #tpu.memory_space<vmem>>) offsets(%dma_start3A_170 : memref<128xi32, #tpu.memory_space<vmem>>) semaphore(%arg19 : memref<!tpu.dma_semaphore, #tpu.memory_space<semaphore_mem>>)
        } else {
        }
      } else {
      }
      %mul3A_107 = arith.constant 8 : i32
      %mul3A_108 = arith.muli %scan3A_90, %mul3A_107 : i32
      %add3A_109 = arith.constant 2 : i32
      %add3A_110 = arith.addi %mul3A_108, %add3A_109 : i32
      %lt3A_111 = arith.cmpi slt, %add3A_110, %select_n3A : i32
      %convert_element_type3A_112 = arith.extui %lt3A_111 : i1 to i32
      %cond3A_113 = arith.constant 0 : i32
      %cond3A_114 = arith.cmpi ne, %convert_element_type3A_112, %cond3A_113 : i32
      scf.if %cond3A_114 {
        %dma_wait3A = arith.constant 0 : i32
        %dma_wait3A_155 = tpu.memref_slice %arg7[%add3A_110, %dma_wait3A] : memref<79x128xi32, #tpu.memory_space<vmem>> -> memref<1x128xi32, #tpu.memory_space<vmem>>
        %dma_wait3A_156 = tpu.memref_squeeze %dma_wait3A_155 : memref<1x128xi32, #tpu.memory_space<vmem>> -> memref<128xi32, #tpu.memory_space<vmem>>
        %dma_wait3A_157 = arith.constant 0 : i32
        %dma_wait3A_158 = arith.constant 0 : i32
        %dma_wait3A_159 = tpu.memref_slice %arg2[%dma_wait3A_157, %dma_wait3A_158] : memref<10000x64xf32, #tpu.memory_space<hbm>> -> memref<10000x64xf32, #tpu.memory_space<hbm>>
        tpu.wait_indirect_dma semaphore(%arg20 : memref<!tpu.dma_semaphore, #tpu.memory_space<semaphore_mem>>) src(%dma_wait3A_159 : memref<10000x64xf32, #tpu.memory_space<hbm>>) dst(%arg11 : memref<128x64xf32, #tpu.memory_space<vmem>>)
        "tpu.region"() ({
          %run_scoped3A = tpu.sem_alloc : memref<!tpu.dma_semaphore, #tpu.memory_space<semaphore_mem>>
          %dma_start3A_166 = arith.constant 0 : i32
          %dma_start3A_167 = tpu.memref_slice %arg8[%add3A_110, %dma_start3A_166] : memref<79x128xi32, #tpu.memory_space<vmem>> -> memref<1x128xi32, #tpu.memory_space<vmem>>
          %dma_start3A_168 = tpu.memref_squeeze %dma_start3A_167 : memref<1x128xi32, #tpu.memory_space<vmem>> -> memref<128xi32, #tpu.memory_space<vmem>>
          %dma_start3A_169 = arith.constant 0 : i32
          %dma_start3A_170 = arith.constant 0 : i32
          %dma_start3A_171 = tpu.memref_slice %arg17[%dma_start3A_169, %dma_start3A_170] : memref<10000x64xf32, #tpu.memory_space<vmem_shared>> -> memref<10000x64xf32, #tpu.memory_space<vmem_shared>>
          tpu.enqueue_indirect_dma source(%arg11 : memref<128x64xf32, #tpu.memory_space<vmem>>) target(%dma_start3A_171 : memref<10000x64xf32, #tpu.memory_space<vmem_shared>>) offsets(%dma_start3A_168 : memref<128xi32, #tpu.memory_space<vmem>>) semaphore(%run_scoped3A : memref<!tpu.dma_semaphore, #tpu.memory_space<semaphore_mem>>) {add = true}
          %dma_wait3A_172 = arith.constant 0 : i32
          %dma_wait3A_173 = tpu.memref_slice %arg8[%add3A_110, %dma_wait3A_172] : memref<79x128xi32, #tpu.memory_space<vmem>> -> memref<1x128xi32, #tpu.memory_space<vmem>>
          %dma_wait3A_174 = tpu.memref_squeeze %dma_wait3A_173 : memref<1x128xi32, #tpu.memory_space<vmem>> -> memref<128xi32, #tpu.memory_space<vmem>>
          %dma_wait3A_175 = arith.constant 0 : i32
          %dma_wait3A_176 = arith.constant 0 : i32
          %dma_wait3A_177 = tpu.memref_slice %arg17[%dma_wait3A_175, %dma_wait3A_176] : memref<10000x64xf32, #tpu.memory_space<vmem_shared>> -> memref<10000x64xf32, #tpu.memory_space<vmem_shared>>
          tpu.wait_indirect_dma semaphore(%run_scoped3A : memref<!tpu.dma_semaphore, #tpu.memory_space<semaphore_mem>>) src(%arg11 : memref<128x64xf32, #tpu.memory_space<vmem>>) dst(%dma_wait3A_177 : memref<10000x64xf32, #tpu.memory_space<vmem_shared>>)
          tpu.yield
        }) : () -> ()
        %add3A_160 = arith.constant 8 : i32
        %add3A_161 = arith.addi %add3A_110, %add3A_160 : i32
        %lt3A_162 = arith.cmpi slt, %add3A_161, %select_n3A : i32
        %convert_element_type3A_163 = arith.extui %lt3A_162 : i1 to i32
        %cond3A_164 = arith.constant 0 : i32
        %cond3A_165 = arith.cmpi ne, %convert_element_type3A_163, %cond3A_164 : i32
        scf.if %cond3A_165 {
          %add3A_166 = arith.constant 8 : i32
          %add3A_167 = arith.addi %add3A_110, %add3A_166 : i32
          %dma_start3A_168 = arith.constant 0 : i32
          %dma_start3A_169 = tpu.memref_slice %arg7[%add3A_167, %dma_start3A_168] : memref<79x128xi32, #tpu.memory_space<vmem>> -> memref<1x128xi32, #tpu.memory_space<vmem>>
          %dma_start3A_170 = tpu.memref_squeeze %dma_start3A_169 : memref<1x128xi32, #tpu.memory_space<vmem>> -> memref<128xi32, #tpu.memory_space<vmem>>
          %dma_start3A_171 = arith.constant 0 : i32
          %dma_start3A_172 = arith.constant 0 : i32
          %dma_start3A_173 = tpu.memref_slice %arg2[%dma_start3A_171, %dma_start3A_172] : memref<10000x64xf32, #tpu.memory_space<hbm>> -> memref<10000x64xf32, #tpu.memory_space<hbm>>
          tpu.enqueue_indirect_dma source(%dma_start3A_173 : memref<10000x64xf32, #tpu.memory_space<hbm>>) target(%arg11 : memref<128x64xf32, #tpu.memory_space<vmem>>) offsets(%dma_start3A_170 : memref<128xi32, #tpu.memory_space<vmem>>) semaphore(%arg20 : memref<!tpu.dma_semaphore, #tpu.memory_space<semaphore_mem>>)
        } else {
        }
      } else {
      }
      %mul3A_115 = arith.constant 8 : i32
      %mul3A_116 = arith.muli %scan3A_90, %mul3A_115 : i32
      %add3A_117 = arith.constant 3 : i32
      %add3A_118 = arith.addi %mul3A_116, %add3A_117 : i32
      %lt3A_119 = arith.cmpi slt, %add3A_118, %select_n3A : i32
      %convert_element_type3A_120 = arith.extui %lt3A_119 : i1 to i32
      %cond3A_121 = arith.constant 0 : i32
      %cond3A_122 = arith.cmpi ne, %convert_element_type3A_120, %cond3A_121 : i32
      scf.if %cond3A_122 {
        %dma_wait3A = arith.constant 0 : i32
        %dma_wait3A_155 = tpu.memref_slice %arg7[%add3A_118, %dma_wait3A] : memref<79x128xi32, #tpu.memory_space<vmem>> -> memref<1x128xi32, #tpu.memory_space<vmem>>
        %dma_wait3A_156 = tpu.memref_squeeze %dma_wait3A_155 : memref<1x128xi32, #tpu.memory_space<vmem>> -> memref<128xi32, #tpu.memory_space<vmem>>
        %dma_wait3A_157 = arith.constant 0 : i32
        %dma_wait3A_158 = arith.constant 0 : i32
        %dma_wait3A_159 = tpu.memref_slice %arg2[%dma_wait3A_157, %dma_wait3A_158] : memref<10000x64xf32, #tpu.memory_space<hbm>> -> memref<10000x64xf32, #tpu.memory_space<hbm>>
        tpu.wait_indirect_dma semaphore(%arg21 : memref<!tpu.dma_semaphore, #tpu.memory_space<semaphore_mem>>) src(%dma_wait3A_159 : memref<10000x64xf32, #tpu.memory_space<hbm>>) dst(%arg12 : memref<128x64xf32, #tpu.memory_space<vmem>>)
        "tpu.region"() ({
          %run_scoped3A = tpu.sem_alloc : memref<!tpu.dma_semaphore, #tpu.memory_space<semaphore_mem>>
          %dma_start3A_166 = arith.constant 0 : i32
          %dma_start3A_167 = tpu.memref_slice %arg8[%add3A_118, %dma_start3A_166] : memref<79x128xi32, #tpu.memory_space<vmem>> -> memref<1x128xi32, #tpu.memory_space<vmem>>
          %dma_start3A_168 = tpu.memref_squeeze %dma_start3A_167 : memref<1x128xi32, #tpu.memory_space<vmem>> -> memref<128xi32, #tpu.memory_space<vmem>>
          %dma_start3A_169 = arith.constant 0 : i32
          %dma_start3A_170 = arith.constant 0 : i32
          %dma_start3A_171 = tpu.memref_slice %arg17[%dma_start3A_169, %dma_start3A_170] : memref<10000x64xf32, #tpu.memory_space<vmem_shared>> -> memref<10000x64xf32, #tpu.memory_space<vmem_shared>>
          tpu.enqueue_indirect_dma source(%arg12 : memref<128x64xf32, #tpu.memory_space<vmem>>) target(%dma_start3A_171 : memref<10000x64xf32, #tpu.memory_space<vmem_shared>>) offsets(%dma_start3A_168 : memref<128xi32, #tpu.memory_space<vmem>>) semaphore(%run_scoped3A : memref<!tpu.dma_semaphore, #tpu.memory_space<semaphore_mem>>) {add = true}
          %dma_wait3A_172 = arith.constant 0 : i32
          %dma_wait3A_173 = tpu.memref_slice %arg8[%add3A_118, %dma_wait3A_172] : memref<79x128xi32, #tpu.memory_space<vmem>> -> memref<1x128xi32, #tpu.memory_space<vmem>>
          %dma_wait3A_174 = tpu.memref_squeeze %dma_wait3A_173 : memref<1x128xi32, #tpu.memory_space<vmem>> -> memref<128xi32, #tpu.memory_space<vmem>>
          %dma_wait3A_175 = arith.constant 0 : i32
          %dma_wait3A_176 = arith.constant 0 : i32
          %dma_wait3A_177 = tpu.memref_slice %arg17[%dma_wait3A_175, %dma_wait3A_176] : memref<10000x64xf32, #tpu.memory_space<vmem_shared>> -> memref<10000x64xf32, #tpu.memory_space<vmem_shared>>
          tpu.wait_indirect_dma semaphore(%run_scoped3A : memref<!tpu.dma_semaphore, #tpu.memory_space<semaphore_mem>>) src(%arg12 : memref<128x64xf32, #tpu.memory_space<vmem>>) dst(%dma_wait3A_177 : memref<10000x64xf32, #tpu.memory_space<vmem_shared>>)
          tpu.yield
        }) : () -> ()
        %add3A_160 = arith.constant 8 : i32
        %add3A_161 = arith.addi %add3A_118, %add3A_160 : i32
        %lt3A_162 = arith.cmpi slt, %add3A_161, %select_n3A : i32
        %convert_element_type3A_163 = arith.extui %lt3A_162 : i1 to i32
        %cond3A_164 = arith.constant 0 : i32
        %cond3A_165 = arith.cmpi ne, %convert_element_type3A_163, %cond3A_164 : i32
        scf.if %cond3A_165 {
          %add3A_166 = arith.constant 8 : i32
          %add3A_167 = arith.addi %add3A_118, %add3A_166 : i32
          %dma_start3A_168 = arith.constant 0 : i32
          %dma_start3A_169 = tpu.memref_slice %arg7[%add3A_167, %dma_start3A_168] : memref<79x128xi32, #tpu.memory_space<vmem>> -> memref<1x128xi32, #tpu.memory_space<vmem>>
          %dma_start3A_170 = tpu.memref_squeeze %dma_start3A_169 : memref<1x128xi32, #tpu.memory_space<vmem>> -> memref<128xi32, #tpu.memory_space<vmem>>
          %dma_start3A_171 = arith.constant 0 : i32
          %dma_start3A_172 = arith.constant 0 : i32
          %dma_start3A_173 = tpu.memref_slice %arg2[%dma_start3A_171, %dma_start3A_172] : memref<10000x64xf32, #tpu.memory_space<hbm>> -> memref<10000x64xf32, #tpu.memory_space<hbm>>
          tpu.enqueue_indirect_dma source(%dma_start3A_173 : memref<10000x64xf32, #tpu.memory_space<hbm>>) target(%arg12 : memref<128x64xf32, #tpu.memory_space<vmem>>) offsets(%dma_start3A_170 : memref<128xi32, #tpu.memory_space<vmem>>) semaphore(%arg21 : memref<!tpu.dma_semaphore, #tpu.memory_space<semaphore_mem>>)
        } else {
        }
      } else {
      }
      %mul3A_123 = arith.constant 8 : i32
      %mul3A_124 = arith.muli %scan3A_90, %mul3A_123 : i32
      %add3A_125 = arith.constant 4 : i32
      %add3A_126 = arith.addi %mul3A_124, %add3A_125 : i32
      %lt3A_127 = arith.cmpi slt, %add3A_126, %select_n3A : i32
      %convert_element_type3A_128 = arith.extui %lt3A_127 : i1 to i32
      %cond3A_129 = arith.constant 0 : i32
      %cond3A_130 = arith.cmpi ne, %convert_element_type3A_128, %cond3A_129 : i32
      scf.if %cond3A_130 {
        %dma_wait3A = arith.constant 0 : i32
        %dma_wait3A_155 = tpu.memref_slice %arg7[%add3A_126, %dma_wait3A] : memref<79x128xi32, #tpu.memory_space<vmem>> -> memref<1x128xi32, #tpu.memory_space<vmem>>
        %dma_wait3A_156 = tpu.memref_squeeze %dma_wait3A_155 : memref<1x128xi32, #tpu.memory_space<vmem>> -> memref<128xi32, #tpu.memory_space<vmem>>
        %dma_wait3A_157 = arith.constant 0 : i32
        %dma_wait3A_158 = arith.constant 0 : i32
        %dma_wait3A_159 = tpu.memref_slice %arg2[%dma_wait3A_157, %dma_wait3A_158] : memref<10000x64xf32, #tpu.memory_space<hbm>> -> memref<10000x64xf32, #tpu.memory_space<hbm>>
        tpu.wait_indirect_dma semaphore(%arg22 : memref<!tpu.dma_semaphore, #tpu.memory_space<semaphore_mem>>) src(%dma_wait3A_159 : memref<10000x64xf32, #tpu.memory_space<hbm>>) dst(%arg13 : memref<128x64xf32, #tpu.memory_space<vmem>>)
        "tpu.region"() ({
          %run_scoped3A = tpu.sem_alloc : memref<!tpu.dma_semaphore, #tpu.memory_space<semaphore_mem>>
          %dma_start3A_166 = arith.constant 0 : i32
          %dma_start3A_167 = tpu.memref_slice %arg8[%add3A_126, %dma_start3A_166] : memref<79x128xi32, #tpu.memory_space<vmem>> -> memref<1x128xi32, #tpu.memory_space<vmem>>
          %dma_start3A_168 = tpu.memref_squeeze %dma_start3A_167 : memref<1x128xi32, #tpu.memory_space<vmem>> -> memref<128xi32, #tpu.memory_space<vmem>>
          %dma_start3A_169 = arith.constant 0 : i32
          %dma_start3A_170 = arith.constant 0 : i32
          %dma_start3A_171 = tpu.memref_slice %arg17[%dma_start3A_169, %dma_start3A_170] : memref<10000x64xf32, #tpu.memory_space<vmem_shared>> -> memref<10000x64xf32, #tpu.memory_space<vmem_shared>>
          tpu.enqueue_indirect_dma source(%arg13 : memref<128x64xf32, #tpu.memory_space<vmem>>) target(%dma_start3A_171 : memref<10000x64xf32, #tpu.memory_space<vmem_shared>>) offsets(%dma_start3A_168 : memref<128xi32, #tpu.memory_space<vmem>>) semaphore(%run_scoped3A : memref<!tpu.dma_semaphore, #tpu.memory_space<semaphore_mem>>) {add = true}
          %dma_wait3A_172 = arith.constant 0 : i32
          %dma_wait3A_173 = tpu.memref_slice %arg8[%add3A_126, %dma_wait3A_172] : memref<79x128xi32, #tpu.memory_space<vmem>> -> memref<1x128xi32, #tpu.memory_space<vmem>>
          %dma_wait3A_174 = tpu.memref_squeeze %dma_wait3A_173 : memref<1x128xi32, #tpu.memory_space<vmem>> -> memref<128xi32, #tpu.memory_space<vmem>>
          %dma_wait3A_175 = arith.constant 0 : i32
          %dma_wait3A_176 = arith.constant 0 : i32
          %dma_wait3A_177 = tpu.memref_slice %arg17[%dma_wait3A_175, %dma_wait3A_176] : memref<10000x64xf32, #tpu.memory_space<vmem_shared>> -> memref<10000x64xf32, #tpu.memory_space<vmem_shared>>
          tpu.wait_indirect_dma semaphore(%run_scoped3A : memref<!tpu.dma_semaphore, #tpu.memory_space<semaphore_mem>>) src(%arg13 : memref<128x64xf32, #tpu.memory_space<vmem>>) dst(%dma_wait3A_177 : memref<10000x64xf32, #tpu.memory_space<vmem_shared>>)
          tpu.yield
        }) : () -> ()
        %add3A_160 = arith.constant 8 : i32
        %add3A_161 = arith.addi %add3A_126, %add3A_160 : i32
        %lt3A_162 = arith.cmpi slt, %add3A_161, %select_n3A : i32
        %convert_element_type3A_163 = arith.extui %lt3A_162 : i1 to i32
        %cond3A_164 = arith.constant 0 : i32
        %cond3A_165 = arith.cmpi ne, %convert_element_type3A_163, %cond3A_164 : i32
        scf.if %cond3A_165 {
          %add3A_166 = arith.constant 8 : i32
          %add3A_167 = arith.addi %add3A_126, %add3A_166 : i32
          %dma_start3A_168 = arith.constant 0 : i32
          %dma_start3A_169 = tpu.memref_slice %arg7[%add3A_167, %dma_start3A_168] : memref<79x128xi32, #tpu.memory_space<vmem>> -> memref<1x128xi32, #tpu.memory_space<vmem>>
          %dma_start3A_170 = tpu.memref_squeeze %dma_start3A_169 : memref<1x128xi32, #tpu.memory_space<vmem>> -> memref<128xi32, #tpu.memory_space<vmem>>
          %dma_start3A_171 = arith.constant 0 : i32
          %dma_start3A_172 = arith.constant 0 : i32
          %dma_start3A_173 = tpu.memref_slice %arg2[%dma_start3A_171, %dma_start3A_172] : memref<10000x64xf32, #tpu.memory_space<hbm>> -> memref<10000x64xf32, #tpu.memory_space<hbm>>
          tpu.enqueue_indirect_dma source(%dma_start3A_173 : memref<10000x64xf32, #tpu.memory_space<hbm>>) target(%arg13 : memref<128x64xf32, #tpu.memory_space<vmem>>) offsets(%dma_start3A_170 : memref<128xi32, #tpu.memory_space<vmem>>) semaphore(%arg22 : memref<!tpu.dma_semaphore, #tpu.memory_space<semaphore_mem>>)
        } else {
        }
      } else {
      }
      %mul3A_131 = arith.constant 8 : i32
      %mul3A_132 = arith.muli %scan3A_90, %mul3A_131 : i32
      %add3A_133 = arith.constant 5 : i32
      %add3A_134 = arith.addi %mul3A_132, %add3A_133 : i32
      %lt3A_135 = arith.cmpi slt, %add3A_134, %select_n3A : i32
      %convert_element_type3A_136 = arith.extui %lt3A_135 : i1 to i32
      %cond3A_137 = arith.constant 0 : i32
      %cond3A_138 = arith.cmpi ne, %convert_element_type3A_136, %cond3A_137 : i32
      scf.if %cond3A_138 {
        %dma_wait3A = arith.constant 0 : i32
        %dma_wait3A_155 = tpu.memref_slice %arg7[%add3A_134, %dma_wait3A] : memref<79x128xi32, #tpu.memory_space<vmem>> -> memref<1x128xi32, #tpu.memory_space<vmem>>
        %dma_wait3A_156 = tpu.memref_squeeze %dma_wait3A_155 : memref<1x128xi32, #tpu.memory_space<vmem>> -> memref<128xi32, #tpu.memory_space<vmem>>
        %dma_wait3A_157 = arith.constant 0 : i32
        %dma_wait3A_158 = arith.constant 0 : i32
        %dma_wait3A_159 = tpu.memref_slice %arg2[%dma_wait3A_157, %dma_wait3A_158] : memref<10000x64xf32, #tpu.memory_space<hbm>> -> memref<10000x64xf32, #tpu.memory_space<hbm>>
        tpu.wait_indirect_dma semaphore(%arg23 : memref<!tpu.dma_semaphore, #tpu.memory_space<semaphore_mem>>) src(%dma_wait3A_159 : memref<10000x64xf32, #tpu.memory_space<hbm>>) dst(%arg14 : memref<128x64xf32, #tpu.memory_space<vmem>>)
        "tpu.region"() ({
          %run_scoped3A = tpu.sem_alloc : memref<!tpu.dma_semaphore, #tpu.memory_space<semaphore_mem>>
          %dma_start3A_166 = arith.constant 0 : i32
          %dma_start3A_167 = tpu.memref_slice %arg8[%add3A_134, %dma_start3A_166] : memref<79x128xi32, #tpu.memory_space<vmem>> -> memref<1x128xi32, #tpu.memory_space<vmem>>
          %dma_start3A_168 = tpu.memref_squeeze %dma_start3A_167 : memref<1x128xi32, #tpu.memory_space<vmem>> -> memref<128xi32, #tpu.memory_space<vmem>>
          %dma_start3A_169 = arith.constant 0 : i32
          %dma_start3A_170 = arith.constant 0 : i32
          %dma_start3A_171 = tpu.memref_slice %arg17[%dma_start3A_169, %dma_start3A_170] : memref<10000x64xf32, #tpu.memory_space<vmem_shared>> -> memref<10000x64xf32, #tpu.memory_space<vmem_shared>>
          tpu.enqueue_indirect_dma source(%arg14 : memref<128x64xf32, #tpu.memory_space<vmem>>) target(%dma_start3A_171 : memref<10000x64xf32, #tpu.memory_space<vmem_shared>>) offsets(%dma_start3A_168 : memref<128xi32, #tpu.memory_space<vmem>>) semaphore(%run_scoped3A : memref<!tpu.dma_semaphore, #tpu.memory_space<semaphore_mem>>) {add = true}
          %dma_wait3A_172 = arith.constant 0 : i32
          %dma_wait3A_173 = tpu.memref_slice %arg8[%add3A_134, %dma_wait3A_172] : memref<79x128xi32, #tpu.memory_space<vmem>> -> memref<1x128xi32, #tpu.memory_space<vmem>>
          %dma_wait3A_174 = tpu.memref_squeeze %dma_wait3A_173 : memref<1x128xi32, #tpu.memory_space<vmem>> -> memref<128xi32, #tpu.memory_space<vmem>>
          %dma_wait3A_175 = arith.constant 0 : i32
          %dma_wait3A_176 = arith.constant 0 : i32
          %dma_wait3A_177 = tpu.memref_slice %arg17[%dma_wait3A_175, %dma_wait3A_176] : memref<10000x64xf32, #tpu.memory_space<vmem_shared>> -> memref<10000x64xf32, #tpu.memory_space<vmem_shared>>
          tpu.wait_indirect_dma semaphore(%run_scoped3A : memref<!tpu.dma_semaphore, #tpu.memory_space<semaphore_mem>>) src(%arg14 : memref<128x64xf32, #tpu.memory_space<vmem>>) dst(%dma_wait3A_177 : memref<10000x64xf32, #tpu.memory_space<vmem_shared>>)
          tpu.yield
        }) : () -> ()
        %add3A_160 = arith.constant 8 : i32
        %add3A_161 = arith.addi %add3A_134, %add3A_160 : i32
        %lt3A_162 = arith.cmpi slt, %add3A_161, %select_n3A : i32
        %convert_element_type3A_163 = arith.extui %lt3A_162 : i1 to i32
        %cond3A_164 = arith.constant 0 : i32
        %cond3A_165 = arith.cmpi ne, %convert_element_type3A_163, %cond3A_164 : i32
        scf.if %cond3A_165 {
          %add3A_166 = arith.constant 8 : i32
          %add3A_167 = arith.addi %add3A_134, %add3A_166 : i32
          %dma_start3A_168 = arith.constant 0 : i32
          %dma_start3A_169 = tpu.memref_slice %arg7[%add3A_167, %dma_start3A_168] : memref<79x128xi32, #tpu.memory_space<vmem>> -> memref<1x128xi32, #tpu.memory_space<vmem>>
          %dma_start3A_170 = tpu.memref_squeeze %dma_start3A_169 : memref<1x128xi32, #tpu.memory_space<vmem>> -> memref<128xi32, #tpu.memory_space<vmem>>
          %dma_start3A_171 = arith.constant 0 : i32
          %dma_start3A_172 = arith.constant 0 : i32
          %dma_start3A_173 = tpu.memref_slice %arg2[%dma_start3A_171, %dma_start3A_172] : memref<10000x64xf32, #tpu.memory_space<hbm>> -> memref<10000x64xf32, #tpu.memory_space<hbm>>
          tpu.enqueue_indirect_dma source(%dma_start3A_173 : memref<10000x64xf32, #tpu.memory_space<hbm>>) target(%arg14 : memref<128x64xf32, #tpu.memory_space<vmem>>) offsets(%dma_start3A_170 : memref<128xi32, #tpu.memory_space<vmem>>) semaphore(%arg23 : memref<!tpu.dma_semaphore, #tpu.memory_space<semaphore_mem>>)
        } else {
        }
      } else {
      }
      %mul3A_139 = arith.constant 8 : i32
      %mul3A_140 = arith.muli %scan3A_90, %mul3A_139 : i32
      %add3A_141 = arith.constant 6 : i32
      %add3A_142 = arith.addi %mul3A_140, %add3A_141 : i32
      %lt3A_143 = arith.cmpi slt, %add3A_142, %select_n3A : i32
      %convert_element_type3A_144 = arith.extui %lt3A_143 : i1 to i32
      %cond3A_145 = arith.constant 0 : i32
      %cond3A_146 = arith.cmpi ne, %convert_element_type3A_144, %cond3A_145 : i32
      scf.if %cond3A_146 {
        %dma_wait3A = arith.constant 0 : i32
        %dma_wait3A_155 = tpu.memref_slice %arg7[%add3A_142, %dma_wait3A] : memref<79x128xi32, #tpu.memory_space<vmem>> -> memref<1x128xi32, #tpu.memory_space<vmem>>
        %dma_wait3A_156 = tpu.memref_squeeze %dma_wait3A_155 : memref<1x128xi32, #tpu.memory_space<vmem>> -> memref<128xi32, #tpu.memory_space<vmem>>
        %dma_wait3A_157 = arith.constant 0 : i32
        %dma_wait3A_158 = arith.constant 0 : i32
        %dma_wait3A_159 = tpu.memref_slice %arg2[%dma_wait3A_157, %dma_wait3A_158] : memref<10000x64xf32, #tpu.memory_space<hbm>> -> memref<10000x64xf32, #tpu.memory_space<hbm>>
        tpu.wait_indirect_dma semaphore(%arg24 : memref<!tpu.dma_semaphore, #tpu.memory_space<semaphore_mem>>) src(%dma_wait3A_159 : memref<10000x64xf32, #tpu.memory_space<hbm>>) dst(%arg15 : memref<128x64xf32, #tpu.memory_space<vmem>>)
        "tpu.region"() ({
          %run_scoped3A = tpu.sem_alloc : memref<!tpu.dma_semaphore, #tpu.memory_space<semaphore_mem>>
          %dma_start3A_166 = arith.constant 0 : i32
          %dma_start3A_167 = tpu.memref_slice %arg8[%add3A_142, %dma_start3A_166] : memref<79x128xi32, #tpu.memory_space<vmem>> -> memref<1x128xi32, #tpu.memory_space<vmem>>
          %dma_start3A_168 = tpu.memref_squeeze %dma_start3A_167 : memref<1x128xi32, #tpu.memory_space<vmem>> -> memref<128xi32, #tpu.memory_space<vmem>>
          %dma_start3A_169 = arith.constant 0 : i32
          %dma_start3A_170 = arith.constant 0 : i32
          %dma_start3A_171 = tpu.memref_slice %arg17[%dma_start3A_169, %dma_start3A_170] : memref<10000x64xf32, #tpu.memory_space<vmem_shared>> -> memref<10000x64xf32, #tpu.memory_space<vmem_shared>>
          tpu.enqueue_indirect_dma source(%arg15 : memref<128x64xf32, #tpu.memory_space<vmem>>) target(%dma_start3A_171 : memref<10000x64xf32, #tpu.memory_space<vmem_shared>>) offsets(%dma_start3A_168 : memref<128xi32, #tpu.memory_space<vmem>>) semaphore(%run_scoped3A : memref<!tpu.dma_semaphore, #tpu.memory_space<semaphore_mem>>) {add = true}
          %dma_wait3A_172 = arith.constant 0 : i32
          %dma_wait3A_173 = tpu.memref_slice %arg8[%add3A_142, %dma_wait3A_172] : memref<79x128xi32, #tpu.memory_space<vmem>> -> memref<1x128xi32, #tpu.memory_space<vmem>>
          %dma_wait3A_174 = tpu.memref_squeeze %dma_wait3A_173 : memref<1x128xi32, #tpu.memory_space<vmem>> -> memref<128xi32, #tpu.memory_space<vmem>>
          %dma_wait3A_175 = arith.constant 0 : i32
          %dma_wait3A_176 = arith.constant 0 : i32
          %dma_wait3A_177 = tpu.memref_slice %arg17[%dma_wait3A_175, %dma_wait3A_176] : memref<10000x64xf32, #tpu.memory_space<vmem_shared>> -> memref<10000x64xf32, #tpu.memory_space<vmem_shared>>
          tpu.wait_indirect_dma semaphore(%run_scoped3A : memref<!tpu.dma_semaphore, #tpu.memory_space<semaphore_mem>>) src(%arg15 : memref<128x64xf32, #tpu.memory_space<vmem>>) dst(%dma_wait3A_177 : memref<10000x64xf32, #tpu.memory_space<vmem_shared>>)
          tpu.yield
        }) : () -> ()
        %add3A_160 = arith.constant 8 : i32
        %add3A_161 = arith.addi %add3A_142, %add3A_160 : i32
        %lt3A_162 = arith.cmpi slt, %add3A_161, %select_n3A : i32
        %convert_element_type3A_163 = arith.extui %lt3A_162 : i1 to i32
        %cond3A_164 = arith.constant 0 : i32
        %cond3A_165 = arith.cmpi ne, %convert_element_type3A_163, %cond3A_164 : i32
        scf.if %cond3A_165 {
          %add3A_166 = arith.constant 8 : i32
          %add3A_167 = arith.addi %add3A_142, %add3A_166 : i32
          %dma_start3A_168 = arith.constant 0 : i32
          %dma_start3A_169 = tpu.memref_slice %arg7[%add3A_167, %dma_start3A_168] : memref<79x128xi32, #tpu.memory_space<vmem>> -> memref<1x128xi32, #tpu.memory_space<vmem>>
          %dma_start3A_170 = tpu.memref_squeeze %dma_start3A_169 : memref<1x128xi32, #tpu.memory_space<vmem>> -> memref<128xi32, #tpu.memory_space<vmem>>
          %dma_start3A_171 = arith.constant 0 : i32
          %dma_start3A_172 = arith.constant 0 : i32
          %dma_start3A_173 = tpu.memref_slice %arg2[%dma_start3A_171, %dma_start3A_172] : memref<10000x64xf32, #tpu.memory_space<hbm>> -> memref<10000x64xf32, #tpu.memory_space<hbm>>
          tpu.enqueue_indirect_dma source(%dma_start3A_173 : memref<10000x64xf32, #tpu.memory_space<hbm>>) target(%arg15 : memref<128x64xf32, #tpu.memory_space<vmem>>) offsets(%dma_start3A_170 : memref<128xi32, #tpu.memory_space<vmem>>) semaphore(%arg24 : memref<!tpu.dma_semaphore, #tpu.memory_space<semaphore_mem>>)
        } else {
        }
      } else {
      }
      %mul3A_147 = arith.constant 8 : i32
      %mul3A_148 = arith.muli %scan3A_90, %mul3A_147 : i32
      %add3A_149 = arith.constant 7 : i32
      %add3A_150 = arith.addi %mul3A_148, %add3A_149 : i32
      %lt3A_151 = arith.cmpi slt, %add3A_150, %select_n3A : i32
      %convert_element_type3A_152 = arith.extui %lt3A_151 : i1 to i32
      %cond3A_153 = arith.constant 0 : i32
      %cond3A_154 = arith.cmpi ne, %convert_element_type3A_152, %cond3A_153 : i32
      scf.if %cond3A_154 {
        %dma_wait3A = arith.constant 0 : i32
        %dma_wait3A_155 = tpu.memref_slice %arg7[%add3A_150, %dma_wait3A] : memref<79x128xi32, #tpu.memory_space<vmem>> -> memref<1x128xi32, #tpu.memory_space<vmem>>
        %dma_wait3A_156 = tpu.memref_squeeze %dma_wait3A_155 : memref<1x128xi32, #tpu.memory_space<vmem>> -> memref<128xi32, #tpu.memory_space<vmem>>
        %dma_wait3A_157 = arith.constant 0 : i32
        %dma_wait3A_158 = arith.constant 0 : i32
        %dma_wait3A_159 = tpu.memref_slice %arg2[%dma_wait3A_157, %dma_wait3A_158] : memref<10000x64xf32, #tpu.memory_space<hbm>> -> memref<10000x64xf32, #tpu.memory_space<hbm>>
        tpu.wait_indirect_dma semaphore(%arg25 : memref<!tpu.dma_semaphore, #tpu.memory_space<semaphore_mem>>) src(%dma_wait3A_159 : memref<10000x64xf32, #tpu.memory_space<hbm>>) dst(%arg16 : memref<128x64xf32, #tpu.memory_space<vmem>>)
        "tpu.region"() ({
          %run_scoped3A = tpu.sem_alloc : memref<!tpu.dma_semaphore, #tpu.memory_space<semaphore_mem>>
          %dma_start3A_166 = arith.constant 0 : i32
          %dma_start3A_167 = tpu.memref_slice %arg8[%add3A_150, %dma_start3A_166] : memref<79x128xi32, #tpu.memory_space<vmem>> -> memref<1x128xi32, #tpu.memory_space<vmem>>
          %dma_start3A_168 = tpu.memref_squeeze %dma_start3A_167 : memref<1x128xi32, #tpu.memory_space<vmem>> -> memref<128xi32, #tpu.memory_space<vmem>>
          %dma_start3A_169 = arith.constant 0 : i32
          %dma_start3A_170 = arith.constant 0 : i32
          %dma_start3A_171 = tpu.memref_slice %arg17[%dma_start3A_169, %dma_start3A_170] : memref<10000x64xf32, #tpu.memory_space<vmem_shared>> -> memref<10000x64xf32, #tpu.memory_space<vmem_shared>>
          tpu.enqueue_indirect_dma source(%arg16 : memref<128x64xf32, #tpu.memory_space<vmem>>) target(%dma_start3A_171 : memref<10000x64xf32, #tpu.memory_space<vmem_shared>>) offsets(%dma_start3A_168 : memref<128xi32, #tpu.memory_space<vmem>>) semaphore(%run_scoped3A : memref<!tpu.dma_semaphore, #tpu.memory_space<semaphore_mem>>) {add = true}
          %dma_wait3A_172 = arith.constant 0 : i32
          %dma_wait3A_173 = tpu.memref_slice %arg8[%add3A_150, %dma_wait3A_172] : memref<79x128xi32, #tpu.memory_space<vmem>> -> memref<1x128xi32, #tpu.memory_space<vmem>>
          %dma_wait3A_174 = tpu.memref_squeeze %dma_wait3A_173 : memref<1x128xi32, #tpu.memory_space<vmem>> -> memref<128xi32, #tpu.memory_space<vmem>>
          %dma_wait3A_175 = arith.constant 0 : i32
          %dma_wait3A_176 = arith.constant 0 : i32
          %dma_wait3A_177 = tpu.memref_slice %arg17[%dma_wait3A_175, %dma_wait3A_176] : memref<10000x64xf32, #tpu.memory_space<vmem_shared>> -> memref<10000x64xf32, #tpu.memory_space<vmem_shared>>
          tpu.wait_indirect_dma semaphore(%run_scoped3A : memref<!tpu.dma_semaphore, #tpu.memory_space<semaphore_mem>>) src(%arg16 : memref<128x64xf32, #tpu.memory_space<vmem>>) dst(%dma_wait3A_177 : memref<10000x64xf32, #tpu.memory_space<vmem_shared>>)
          tpu.yield
        }) : () -> ()
        %add3A_160 = arith.constant 8 : i32
        %add3A_161 = arith.addi %add3A_150, %add3A_160 : i32
        %lt3A_162 = arith.cmpi slt, %add3A_161, %select_n3A : i32
        %convert_element_type3A_163 = arith.extui %lt3A_162 : i1 to i32
        %cond3A_164 = arith.constant 0 : i32
        %cond3A_165 = arith.cmpi ne, %convert_element_type3A_163, %cond3A_164 : i32
        scf.if %cond3A_165 {
          %add3A_166 = arith.constant 8 : i32
          %add3A_167 = arith.addi %add3A_150, %add3A_166 : i32
          %dma_start3A_168 = arith.constant 0 : i32
          %dma_start3A_169 = tpu.memref_slice %arg7[%add3A_167, %dma_start3A_168] : memref<79x128xi32, #tpu.memory_space<vmem>> -> memref<1x128xi32, #tpu.memory_space<vmem>>
          %dma_start3A_170 = tpu.memref_squeeze %dma_start3A_169 : memref<1x128xi32, #tpu.memory_space<vmem>> -> memref<128xi32, #tpu.memory_space<vmem>>
          %dma_start3A_171 = arith.constant 0 : i32
          %dma_start3A_172 = arith.constant 0 : i32
          %dma_start3A_173 = tpu.memref_slice %arg2[%dma_start3A_171, %dma_start3A_172] : memref<10000x64xf32, #tpu.memory_space<hbm>> -> memref<10000x64xf32, #tpu.memory_space<hbm>>
          tpu.enqueue_indirect_dma source(%dma_start3A_173 : memref<10000x64xf32, #tpu.memory_space<hbm>>) target(%arg16 : memref<128x64xf32, #tpu.memory_space<vmem>>) offsets(%dma_start3A_170 : memref<128xi32, #tpu.memory_space<vmem>>) semaphore(%arg25 : memref<!tpu.dma_semaphore, #tpu.memory_space<semaphore_mem>>)
        } else {
        }
      } else {
      }
    }
    %scan3A_78 = arith.constant 10 : i32
    %barrier3A_79 = arith.constant 0 : index
    tpu.barrier barrier_id(%barrier3A_79)
    %lt3A_80 = arith.constant 15 : i32
    %lt3A_81 = arith.cmpi slt, %arg1, %lt3A_80 : i32
    %convert_element_type3A_82 = arith.extui %lt3A_81 : i1 to i32
    %cond3A_83 = arith.constant 0 : i32
    %cond3A_84 = arith.cmpi ne, %convert_element_type3A_82, %cond3A_83 : i32
    scf.if %cond3A_84 {
      %mul3A_90 = arith.constant 624 : i32
      %mul3A_91 = arith.muli %arg1, %mul3A_90 : i32
      %mul3A_92 = arith.constant 624 : i32
      %mul3A_93 = arith.muli %arg1, %mul3A_92 : i32
      "tpu.region"() ({
        %run_scoped3A = tpu.sem_alloc : memref<!tpu.dma_semaphore, #tpu.memory_space<semaphore_mem>>
        %dma_start3A_94 = arith.constant 0 : i32
        %dma_start3A_95 = tpu.memref_slice %arg6[%arg0, %mul3A_93, %dma_start3A_94] : memref<2x10000x64xf32, #tpu.memory_space<hbm>> -> memref<1x624x64xf32, #tpu.memory_space<hbm>>
        %dma_start3A_96 = tpu.memref_squeeze %dma_start3A_95 : memref<1x624x64xf32, #tpu.memory_space<hbm>> -> memref<624x64xf32, #tpu.memory_space<hbm>>
        %dma_start3A_97 = arith.constant 0 : i32
        %dma_start3A_98 = tpu.memref_slice %arg17[%mul3A_91, %dma_start3A_97] : memref<10000x64xf32, #tpu.memory_space<vmem_shared>> -> memref<624x64xf32, #tpu.memory_space<vmem_shared>>
        tpu.enqueue_dma source(%dma_start3A_98 : memref<624x64xf32, #tpu.memory_space<vmem_shared>>) target(%dma_start3A_96 : memref<624x64xf32, #tpu.memory_space<hbm>>) target_semaphore(%run_scoped3A : memref<!tpu.dma_semaphore, #tpu.memory_space<semaphore_mem>>)
        %dma_wait3A = arith.constant 0 : i32
        %dma_wait3A_99 = tpu.memref_slice %arg6[%arg0, %mul3A_93, %dma_wait3A] : memref<2x10000x64xf32, #tpu.memory_space<hbm>> -> memref<1x624x64xf32, #tpu.memory_space<hbm>>
        %dma_wait3A_100 = tpu.memref_squeeze %dma_wait3A_99 : memref<1x624x64xf32, #tpu.memory_space<hbm>> -> memref<624x64xf32, #tpu.memory_space<hbm>>
        %dma_wait3A_101 = arith.constant 0 : i32
        %dma_wait3A_102 = tpu.memref_slice %arg17[%mul3A_91, %dma_wait3A_101] : memref<10000x64xf32, #tpu.memory_space<vmem_shared>> -> memref<624x64xf32, #tpu.memory_space<vmem_shared>>
        tpu.wait_dma2 semaphore(%run_scoped3A : memref<!tpu.dma_semaphore, #tpu.memory_space<semaphore_mem>>) src(%dma_wait3A_102 : memref<624x64xf32, #tpu.memory_space<vmem_shared>>) dst(%dma_wait3A_100 : memref<624x64xf32, #tpu.memory_space<hbm>>)
        tpu.yield
      }) : () -> ()
    } else {
    }
    %eq3A_85 = arith.constant 15 : i32
    %eq3A_86 = arith.cmpi eq, %arg1, %eq3A_85 : i32
    %convert_element_type3A_87 = arith.extui %eq3A_86 : i1 to i32
    %cond3A_88 = arith.constant 0 : i32
    %cond3A_89 = arith.cmpi ne, %convert_element_type3A_87, %cond3A_88 : i32
    scf.if %cond3A_89 {
      "tpu.region"() ({
        %run_scoped3A = tpu.sem_alloc : memref<!tpu.dma_semaphore, #tpu.memory_space<semaphore_mem>>
        %dma_start3A_90 = arith.constant 9360 : i32
        %dma_start3A_91 = arith.constant 0 : i32
        %dma_start3A_92 = tpu.memref_slice %arg6[%arg0, %dma_start3A_90, %dma_start3A_91] : memref<2x10000x64xf32, #tpu.memory_space<hbm>> -> memref<1x640x64xf32, #tpu.memory_space<hbm>>
        %dma_start3A_93 = tpu.memref_squeeze %dma_start3A_92 : memref<1x640x64xf32, #tpu.memory_space<hbm>> -> memref<640x64xf32, #tpu.memory_space<hbm>>
        %dma_start3A_94 = arith.constant 9360 : i32
        %dma_start3A_95 = arith.constant 0 : i32
        %dma_start3A_96 = tpu.memref_slice %arg17[%dma_start3A_94, %dma_start3A_95] : memref<10000x64xf32, #tpu.memory_space<vmem_shared>> -> memref<640x64xf32, #tpu.memory_space<vmem_shared>>
        tpu.enqueue_dma source(%dma_start3A_96 : memref<640x64xf32, #tpu.memory_space<vmem_shared>>) target(%dma_start3A_93 : memref<640x64xf32, #tpu.memory_space<hbm>>) target_semaphore(%run_scoped3A : memref<!tpu.dma_semaphore, #tpu.memory_space<semaphore_mem>>)
        %dma_wait3A = arith.constant 9360 : i32
        %dma_wait3A_97 = arith.constant 0 : i32
        %dma_wait3A_98 = tpu.memref_slice %arg6[%arg0, %dma_wait3A, %dma_wait3A_97] : memref<2x10000x64xf32, #tpu.memory_space<hbm>> -> memref<1x640x64xf32, #tpu.memory_space<hbm>>
        %dma_wait3A_99 = tpu.memref_squeeze %dma_wait3A_98 : memref<1x640x64xf32, #tpu.memory_space<hbm>> -> memref<640x64xf32, #tpu.memory_space<hbm>>
        %dma_wait3A_100 = arith.constant 9360 : i32
        %dma_wait3A_101 = arith.constant 0 : i32
        %dma_wait3A_102 = tpu.memref_slice %arg17[%dma_wait3A_100, %dma_wait3A_101] : memref<10000x64xf32, #tpu.memory_space<vmem_shared>> -> memref<640x64xf32, #tpu.memory_space<vmem_shared>>
        tpu.wait_dma2 semaphore(%run_scoped3A : memref<!tpu.dma_semaphore, #tpu.memory_space<semaphore_mem>>) src(%dma_wait3A_102 : memref<640x64xf32, #tpu.memory_space<vmem_shared>>) dst(%dma_wait3A_99 : memref<640x64xf32, #tpu.memory_space<hbm>>)
        tpu.yield
      }) : () -> ()
    } else {
    }
    return
  }
}

#map = affine_map<(d0, d1) -> (0, 0)>
#map1 = affine_map<(d0, d1) -> (0, 0, 0)>
module attributes {stable_mosaic.version = 14 : i64} {
  func.func @scat(%arg0: i32, %arg1: i32, %arg2: memref<10000x8xf32, #tpu.memory_space<hbm>>, %arg3: memref<2500x128xi32, #tpu.memory_space<hbm>>, %arg4: memref<2500x128xi32, #tpu.memory_space<hbm>>, %arg5: memref<10000x8xf32, #tpu.memory_space<hbm>>, %arg6: memref<2x10000x8xf32, #tpu.memory_space<hbm>>, %arg7: memref<79x128xi32, #tpu.memory_space<vmem>>, %arg8: memref<79x128xi32, #tpu.memory_space<vmem>>, %arg9: memref<128x8xf32, #tpu.memory_space<vmem>>, %arg10: memref<128x8xf32, #tpu.memory_space<vmem>>, %arg11: memref<128x8xf32, #tpu.memory_space<vmem>>, %arg12: memref<128x8xf32, #tpu.memory_space<vmem>>, %arg13: memref<128x8xf32, #tpu.memory_space<vmem>>, %arg14: memref<128x8xf32, #tpu.memory_space<vmem>>, %arg15: memref<128x8xf32, #tpu.memory_space<vmem>>, %arg16: memref<128x8xf32, #tpu.memory_space<vmem>>, %arg17: memref<10000x8xf32, #tpu.memory_space<vmem_shared>>, %arg18: memref<!tpu.dma_semaphore, #tpu.memory_space<semaphore_mem>>, %arg19: memref<!tpu.dma_semaphore, #tpu.memory_space<semaphore_mem>>, %arg20: memref<!tpu.dma_semaphore, #tpu.memory_space<semaphore_mem>>, %arg21: memref<!tpu.dma_semaphore, #tpu.memory_space<semaphore_mem>>, %arg22: memref<!tpu.dma_semaphore, #tpu.memory_space<semaphore_mem>>, %arg23: memref<!tpu.dma_semaphore, #tpu.memory_space<semaphore_mem>>, %arg24: memref<!tpu.dma_semaphore, #tpu.memory_space<semaphore_mem>>, %arg25: memref<!tpu.dma_semaphore, #tpu.memory_space<semaphore_mem>>) attributes {dimension_semantics = [#tpu.dimension_semantics<core_parallel>, #tpu.dimension_semantics<subcore_parallel>], iteration_bounds = array<i64: 2, 16>, scalar_prefetch = 0 : i64, scratch_operands = 19 : i64, tpu.core_type = #tpu.core_type<sc_vector_subcore>, window_params = [{transform_indices = #map}, {transform_indices = #map}, {transform_indices = #map}, {transform_indices = #map}, {transform_indices = #map1}]} {
    %mul3A = arith.constant 16 : i32
    %mul3A_0 = arith.muli %arg0, %mul3A : i32
    %add3A = arith.addi %mul3A_0, %arg1 : i32
    %lt3A = arith.constant 15 : i32
    %lt3A_1 = arith.cmpi slt, %arg1, %lt3A : i32
    %convert_element_type3A = arith.extui %lt3A_1 : i1 to i32
    %cond3A = arith.constant 0 : i32
    %cond3A_2 = arith.cmpi ne, %convert_element_type3A, %cond3A : i32
    scf.if %cond3A_2 {
      %mul3A_90 = arith.constant 624 : i32
      %mul3A_91 = arith.muli %arg1, %mul3A_90 : i32
      %mul3A_92 = arith.constant 624 : i32
      %mul3A_93 = arith.muli %arg1, %mul3A_92 : i32
      "tpu.region"() ({
        %run_scoped3A = tpu.sem_alloc : memref<!tpu.dma_semaphore, #tpu.memory_space<semaphore_mem>>
        %dma_start3A_94 = arith.constant 0 : i32
        %dma_start3A_95 = tpu.memref_slice %arg17[%mul3A_93, %dma_start3A_94] : memref<10000x8xf32, #tpu.memory_space<vmem_shared>> -> memref<624x8xf32, #tpu.memory_space<vmem_shared>>
        %dma_start3A_96 = arith.constant 0 : i32
        %dma_start3A_97 = tpu.memref_slice %arg5[%mul3A_91, %dma_start3A_96] : memref<10000x8xf32, #tpu.memory_space<hbm>> -> memref<624x8xf32, #tpu.memory_space<hbm>>
        tpu.enqueue_dma source(%dma_start3A_97 : memref<624x8xf32, #tpu.memory_space<hbm>>) target(%dma_start3A_95 : memref<624x8xf32, #tpu.memory_space<vmem_shared>>) target_semaphore(%run_scoped3A : memref<!tpu.dma_semaphore, #tpu.memory_space<semaphore_mem>>)
        %dma_wait3A = arith.constant 0 : i32
        %dma_wait3A_98 = tpu.memref_slice %arg17[%mul3A_93, %dma_wait3A] : memref<10000x8xf32, #tpu.memory_space<vmem_shared>> -> memref<624x8xf32, #tpu.memory_space<vmem_shared>>
        %dma_wait3A_99 = arith.constant 0 : i32
        %dma_wait3A_100 = tpu.memref_slice %arg5[%mul3A_91, %dma_wait3A_99] : memref<10000x8xf32, #tpu.memory_space<hbm>> -> memref<624x8xf32, #tpu.memory_space<hbm>>
        tpu.wait_dma2 semaphore(%run_scoped3A : memref<!tpu.dma_semaphore, #tpu.memory_space<semaphore_mem>>) src(%dma_wait3A_100 : memref<624x8xf32, #tpu.memory_space<hbm>>) dst(%dma_wait3A_98 : memref<624x8xf32, #tpu.memory_space<vmem_shared>>)
        tpu.yield
      }) : () -> ()
    } else {
    }
    %eq3A = arith.constant 15 : i32
    %eq3A_3 = arith.cmpi eq, %arg1, %eq3A : i32
    %convert_element_type3A_4 = arith.extui %eq3A_3 : i1 to i32
    %cond3A_5 = arith.constant 0 : i32
    %cond3A_6 = arith.cmpi ne, %convert_element_type3A_4, %cond3A_5 : i32
    scf.if %cond3A_6 {
      "tpu.region"() ({
        %run_scoped3A = tpu.sem_alloc : memref<!tpu.dma_semaphore, #tpu.memory_space<semaphore_mem>>
        %dma_start3A_90 = arith.constant 9360 : i32
        %dma_start3A_91 = arith.constant 0 : i32
        %dma_start3A_92 = tpu.memref_slice %arg17[%dma_start3A_90, %dma_start3A_91] : memref<10000x8xf32, #tpu.memory_space<vmem_shared>> -> memref<640x8xf32, #tpu.memory_space<vmem_shared>>
        %dma_start3A_93 = arith.constant 9360 : i32
        %dma_start3A_94 = arith.constant 0 : i32
        %dma_start3A_95 = tpu.memref_slice %arg5[%dma_start3A_93, %dma_start3A_94] : memref<10000x8xf32, #tpu.memory_space<hbm>> -> memref<640x8xf32, #tpu.memory_space<hbm>>
        tpu.enqueue_dma source(%dma_start3A_95 : memref<640x8xf32, #tpu.memory_space<hbm>>) target(%dma_start3A_92 : memref<640x8xf32, #tpu.memory_space<vmem_shared>>) target_semaphore(%run_scoped3A : memref<!tpu.dma_semaphore, #tpu.memory_space<semaphore_mem>>)
        %dma_wait3A = arith.constant 9360 : i32
        %dma_wait3A_96 = arith.constant 0 : i32
        %dma_wait3A_97 = tpu.memref_slice %arg17[%dma_wait3A, %dma_wait3A_96] : memref<10000x8xf32, #tpu.memory_space<vmem_shared>> -> memref<640x8xf32, #tpu.memory_space<vmem_shared>>
        %dma_wait3A_98 = arith.constant 9360 : i32
        %dma_wait3A_99 = arith.constant 0 : i32
        %dma_wait3A_100 = tpu.memref_slice %arg5[%dma_wait3A_98, %dma_wait3A_99] : memref<10000x8xf32, #tpu.memory_space<hbm>> -> memref<640x8xf32, #tpu.memory_space<hbm>>
        tpu.wait_dma2 semaphore(%run_scoped3A : memref<!tpu.dma_semaphore, #tpu.memory_space<semaphore_mem>>) src(%dma_wait3A_100 : memref<640x8xf32, #tpu.memory_space<hbm>>) dst(%dma_wait3A_97 : memref<640x8xf32, #tpu.memory_space<vmem_shared>>)
        tpu.yield
      }) : () -> ()
    } else {
    }
    %mul3A_7 = arith.constant 78 : i32
    %mul3A_8 = arith.muli %add3A, %mul3A_7 : i32
    "tpu.region"() ({
      %run_scoped3A = tpu.sem_alloc : memref<!tpu.dma_semaphore, #tpu.memory_space<semaphore_mem>>
      %dma_start3A_90 = arith.constant 0 : i32
      %dma_start3A_91 = arith.constant 0 : i32
      %dma_start3A_92 = tpu.memref_slice %arg7[%dma_start3A_90, %dma_start3A_91] : memref<79x128xi32, #tpu.memory_space<vmem>> -> memref<78x128xi32, #tpu.memory_space<vmem>>
      %dma_start3A_93 = arith.constant 0 : i32
      %dma_start3A_94 = tpu.memref_slice %arg3[%mul3A_8, %dma_start3A_93] : memref<2500x128xi32, #tpu.memory_space<hbm>> -> memref<78x128xi32, #tpu.memory_space<hbm>>
      %dma_start3A_95 = arith.constant 0 : i32
      %dma_start3A_96 = arith.constant 0 : i32
      %dma_start3A_97 = tpu.memref_slice %arg7[%dma_start3A_95, %dma_start3A_96] : memref<79x128xi32, #tpu.memory_space<vmem>> -> memref<78x128xi32, #tpu.memory_space<vmem>>
      %dma_start3A_98 = arith.constant 0 : i32
      %dma_start3A_99 = tpu.memref_slice %arg3[%mul3A_8, %dma_start3A_98] : memref<2500x128xi32, #tpu.memory_space<hbm>> -> memref<78x128xi32, #tpu.memory_space<hbm>>
      tpu.enqueue_dma source(%dma_start3A_99 : memref<78x128xi32, #tpu.memory_space<hbm>>) target(%dma_start3A_97 : memref<78x128xi32, #tpu.memory_space<vmem>>) target_semaphore(%run_scoped3A : memref<!tpu.dma_semaphore, #tpu.memory_space<semaphore_mem>>)
      %dma_wait3A = arith.constant 0 : i32
      %dma_wait3A_100 = arith.constant 0 : i32
      %dma_wait3A_101 = tpu.memref_slice %arg7[%dma_wait3A, %dma_wait3A_100] : memref<79x128xi32, #tpu.memory_space<vmem>> -> memref<78x128xi32, #tpu.memory_space<vmem>>
      %dma_wait3A_102 = arith.constant 0 : i32
      %dma_wait3A_103 = tpu.memref_slice %arg3[%mul3A_8, %dma_wait3A_102] : memref<2500x128xi32, #tpu.memory_space<hbm>> -> memref<78x128xi32, #tpu.memory_space<hbm>>
      %dma_wait3A_104 = arith.constant 0 : i32
      %dma_wait3A_105 = arith.constant 0 : i32
      %dma_wait3A_106 = tpu.memref_slice %arg7[%dma_wait3A_104, %dma_wait3A_105] : memref<79x128xi32, #tpu.memory_space<vmem>> -> memref<78x128xi32, #tpu.memory_space<vmem>>
      %dma_wait3A_107 = arith.constant 0 : i32
      %dma_wait3A_108 = tpu.memref_slice %arg3[%mul3A_8, %dma_wait3A_107] : memref<2500x128xi32, #tpu.memory_space<hbm>> -> memref<78x128xi32, #tpu.memory_space<hbm>>
      tpu.wait_dma2 semaphore(%run_scoped3A : memref<!tpu.dma_semaphore, #tpu.memory_space<semaphore_mem>>) src(%dma_wait3A_108 : memref<78x128xi32, #tpu.memory_space<hbm>>) dst(%dma_wait3A_106 : memref<78x128xi32, #tpu.memory_space<vmem>>)
      tpu.yield
    }) : () -> ()
    %mul3A_9 = arith.constant 78 : i32
    %mul3A_10 = arith.muli %add3A, %mul3A_9 : i32
    "tpu.region"() ({
      %run_scoped3A = tpu.sem_alloc : memref<!tpu.dma_semaphore, #tpu.memory_space<semaphore_mem>>
      %dma_start3A_90 = arith.constant 0 : i32
      %dma_start3A_91 = arith.constant 0 : i32
      %dma_start3A_92 = tpu.memref_slice %arg8[%dma_start3A_90, %dma_start3A_91] : memref<79x128xi32, #tpu.memory_space<vmem>> -> memref<78x128xi32, #tpu.memory_space<vmem>>
      %dma_start3A_93 = arith.constant 0 : i32
      %dma_start3A_94 = tpu.memref_slice %arg4[%mul3A_10, %dma_start3A_93] : memref<2500x128xi32, #tpu.memory_space<hbm>> -> memref<78x128xi32, #tpu.memory_space<hbm>>
      %dma_start3A_95 = arith.constant 0 : i32
      %dma_start3A_96 = arith.constant 0 : i32
      %dma_start3A_97 = tpu.memref_slice %arg8[%dma_start3A_95, %dma_start3A_96] : memref<79x128xi32, #tpu.memory_space<vmem>> -> memref<78x128xi32, #tpu.memory_space<vmem>>
      %dma_start3A_98 = arith.constant 0 : i32
      %dma_start3A_99 = tpu.memref_slice %arg4[%mul3A_10, %dma_start3A_98] : memref<2500x128xi32, #tpu.memory_space<hbm>> -> memref<78x128xi32, #tpu.memory_space<hbm>>
      tpu.enqueue_dma source(%dma_start3A_99 : memref<78x128xi32, #tpu.memory_space<hbm>>) target(%dma_start3A_97 : memref<78x128xi32, #tpu.memory_space<vmem>>) target_semaphore(%run_scoped3A : memref<!tpu.dma_semaphore, #tpu.memory_space<semaphore_mem>>)
      %dma_wait3A = arith.constant 0 : i32
      %dma_wait3A_100 = arith.constant 0 : i32
      %dma_wait3A_101 = tpu.memref_slice %arg8[%dma_wait3A, %dma_wait3A_100] : memref<79x128xi32, #tpu.memory_space<vmem>> -> memref<78x128xi32, #tpu.memory_space<vmem>>
      %dma_wait3A_102 = arith.constant 0 : i32
      %dma_wait3A_103 = tpu.memref_slice %arg4[%mul3A_10, %dma_wait3A_102] : memref<2500x128xi32, #tpu.memory_space<hbm>> -> memref<78x128xi32, #tpu.memory_space<hbm>>
      %dma_wait3A_104 = arith.constant 0 : i32
      %dma_wait3A_105 = arith.constant 0 : i32
      %dma_wait3A_106 = tpu.memref_slice %arg8[%dma_wait3A_104, %dma_wait3A_105] : memref<79x128xi32, #tpu.memory_space<vmem>> -> memref<78x128xi32, #tpu.memory_space<vmem>>
      %dma_wait3A_107 = arith.constant 0 : i32
      %dma_wait3A_108 = tpu.memref_slice %arg4[%mul3A_10, %dma_wait3A_107] : memref<2500x128xi32, #tpu.memory_space<hbm>> -> memref<78x128xi32, #tpu.memory_space<hbm>>
      tpu.wait_dma2 semaphore(%run_scoped3A : memref<!tpu.dma_semaphore, #tpu.memory_space<semaphore_mem>>) src(%dma_wait3A_108 : memref<78x128xi32, #tpu.memory_space<hbm>>) dst(%dma_wait3A_106 : memref<78x128xi32, #tpu.memory_space<vmem>>)
      tpu.yield
    }) : () -> ()
    %lt3A_11 = arith.constant 4 : i32
    %lt3A_12 = arith.cmpi slt, %add3A, %lt3A_11 : i32
    %convert_element_type3A_13 = arith.extui %lt3A_12 : i1 to i32
    %cond3A_14 = arith.constant 0 : i32
    %cond3A_15 = arith.cmpi ne, %convert_element_type3A_13, %cond3A_14 : i32
    scf.if %cond3A_15 {
      %add3A_90 = arith.constant 2496 : i32
      %add3A_91 = arith.addi %add3A_90, %add3A : i32
      "tpu.region"() ({
        %run_scoped3A = tpu.sem_alloc : memref<!tpu.dma_semaphore, #tpu.memory_space<semaphore_mem>>
        %dma_start3A_94 = arith.constant 78 : i32
        %dma_start3A_95 = arith.constant 0 : i32
        %dma_start3A_96 = tpu.memref_slice %arg7[%dma_start3A_94, %dma_start3A_95] : memref<79x128xi32, #tpu.memory_space<vmem>> -> memref<1x128xi32, #tpu.memory_space<vmem>>
        %dma_start3A_97 = arith.constant 0 : i32
        %dma_start3A_98 = tpu.memref_slice %arg3[%add3A_91, %dma_start3A_97] : memref<2500x128xi32, #tpu.memory_space<hbm>> -> memref<1x128xi32, #tpu.memory_space<hbm>>
        %dma_start3A_99 = arith.constant 78 : i32
        %dma_start3A_100 = arith.constant 0 : i32
        %dma_start3A_101 = tpu.memref_slice %arg7[%dma_start3A_99, %dma_start3A_100] : memref<79x128xi32, #tpu.memory_space<vmem>> -> memref<1x128xi32, #tpu.memory_space<vmem>>
        %dma_start3A_102 = arith.constant 0 : i32
        %dma_start3A_103 = tpu.memref_slice %arg3[%add3A_91, %dma_start3A_102] : memref<2500x128xi32, #tpu.memory_space<hbm>> -> memref<1x128xi32, #tpu.memory_space<hbm>>
        tpu.enqueue_dma source(%dma_start3A_103 : memref<1x128xi32, #tpu.memory_space<hbm>>) target(%dma_start3A_101 : memref<1x128xi32, #tpu.memory_space<vmem>>) target_semaphore(%run_scoped3A : memref<!tpu.dma_semaphore, #tpu.memory_space<semaphore_mem>>)
        %dma_wait3A = arith.constant 78 : i32
        %dma_wait3A_104 = arith.constant 0 : i32
        %dma_wait3A_105 = tpu.memref_slice %arg7[%dma_wait3A, %dma_wait3A_104] : memref<79x128xi32, #tpu.memory_space<vmem>> -> memref<1x128xi32, #tpu.memory_space<vmem>>
        %dma_wait3A_106 = arith.constant 0 : i32
        %dma_wait3A_107 = tpu.memref_slice %arg3[%add3A_91, %dma_wait3A_106] : memref<2500x128xi32, #tpu.memory_space<hbm>> -> memref<1x128xi32, #tpu.memory_space<hbm>>
        %dma_wait3A_108 = arith.constant 78 : i32
        %dma_wait3A_109 = arith.constant 0 : i32
        %dma_wait3A_110 = tpu.memref_slice %arg7[%dma_wait3A_108, %dma_wait3A_109] : memref<79x128xi32, #tpu.memory_space<vmem>> -> memref<1x128xi32, #tpu.memory_space<vmem>>
        %dma_wait3A_111 = arith.constant 0 : i32
        %dma_wait3A_112 = tpu.memref_slice %arg3[%add3A_91, %dma_wait3A_111] : memref<2500x128xi32, #tpu.memory_space<hbm>> -> memref<1x128xi32, #tpu.memory_space<hbm>>
        tpu.wait_dma2 semaphore(%run_scoped3A : memref<!tpu.dma_semaphore, #tpu.memory_space<semaphore_mem>>) src(%dma_wait3A_112 : memref<1x128xi32, #tpu.memory_space<hbm>>) dst(%dma_wait3A_110 : memref<1x128xi32, #tpu.memory_space<vmem>>)
        tpu.yield
      }) : () -> ()
      %add3A_92 = arith.constant 2496 : i32
      %add3A_93 = arith.addi %add3A_92, %add3A : i32
      "tpu.region"() ({
        %run_scoped3A = tpu.sem_alloc : memref<!tpu.dma_semaphore, #tpu.memory_space<semaphore_mem>>
        %dma_start3A_94 = arith.constant 78 : i32
        %dma_start3A_95 = arith.constant 0 : i32
        %dma_start3A_96 = tpu.memref_slice %arg8[%dma_start3A_94, %dma_start3A_95] : memref<79x128xi32, #tpu.memory_space<vmem>> -> memref<1x128xi32, #tpu.memory_space<vmem>>
        %dma_start3A_97 = arith.constant 0 : i32
        %dma_start3A_98 = tpu.memref_slice %arg4[%add3A_93, %dma_start3A_97] : memref<2500x128xi32, #tpu.memory_space<hbm>> -> memref<1x128xi32, #tpu.memory_space<hbm>>
        %dma_start3A_99 = arith.constant 78 : i32
        %dma_start3A_100 = arith.constant 0 : i32
        %dma_start3A_101 = tpu.memref_slice %arg8[%dma_start3A_99, %dma_start3A_100] : memref<79x128xi32, #tpu.memory_space<vmem>> -> memref<1x128xi32, #tpu.memory_space<vmem>>
        %dma_start3A_102 = arith.constant 0 : i32
        %dma_start3A_103 = tpu.memref_slice %arg4[%add3A_93, %dma_start3A_102] : memref<2500x128xi32, #tpu.memory_space<hbm>> -> memref<1x128xi32, #tpu.memory_space<hbm>>
        tpu.enqueue_dma source(%dma_start3A_103 : memref<1x128xi32, #tpu.memory_space<hbm>>) target(%dma_start3A_101 : memref<1x128xi32, #tpu.memory_space<vmem>>) target_semaphore(%run_scoped3A : memref<!tpu.dma_semaphore, #tpu.memory_space<semaphore_mem>>)
        %dma_wait3A = arith.constant 78 : i32
        %dma_wait3A_104 = arith.constant 0 : i32
        %dma_wait3A_105 = tpu.memref_slice %arg8[%dma_wait3A, %dma_wait3A_104] : memref<79x128xi32, #tpu.memory_space<vmem>> -> memref<1x128xi32, #tpu.memory_space<vmem>>
        %dma_wait3A_106 = arith.constant 0 : i32
        %dma_wait3A_107 = tpu.memref_slice %arg4[%add3A_93, %dma_wait3A_106] : memref<2500x128xi32, #tpu.memory_space<hbm>> -> memref<1x128xi32, #tpu.memory_space<hbm>>
        %dma_wait3A_108 = arith.constant 78 : i32
        %dma_wait3A_109 = arith.constant 0 : i32
        %dma_wait3A_110 = tpu.memref_slice %arg8[%dma_wait3A_108, %dma_wait3A_109] : memref<79x128xi32, #tpu.memory_space<vmem>> -> memref<1x128xi32, #tpu.memory_space<vmem>>
        %dma_wait3A_111 = arith.constant 0 : i32
        %dma_wait3A_112 = tpu.memref_slice %arg4[%add3A_93, %dma_wait3A_111] : memref<2500x128xi32, #tpu.memory_space<hbm>> -> memref<1x128xi32, #tpu.memory_space<hbm>>
        tpu.wait_dma2 semaphore(%run_scoped3A : memref<!tpu.dma_semaphore, #tpu.memory_space<semaphore_mem>>) src(%dma_wait3A_112 : memref<1x128xi32, #tpu.memory_space<hbm>>) dst(%dma_wait3A_110 : memref<1x128xi32, #tpu.memory_space<vmem>>)
        tpu.yield
      }) : () -> ()
    } else {
    }
    %lt3A_16 = arith.constant 4 : i32
    %lt3A_17 = arith.cmpi slt, %add3A, %lt3A_16 : i32
    %jit3A = arith.constant 79 : i32
    %jit3A_18 = arith.constant 78 : i32
    %select_n3A = arith.select %lt3A_17, %jit3A, %jit3A_18 : i32
    %barrier3A = arith.constant 0 : index
    tpu.barrier barrier_id(%barrier3A)
    %dma_start3A = arith.constant 0 : i32
    %dma_start3A_19 = arith.constant 0 : i32
    %dma_start3A_20 = tpu.memref_slice %arg7[%dma_start3A, %dma_start3A_19] : memref<79x128xi32, #tpu.memory_space<vmem>> -> memref<1x128xi32, #tpu.memory_space<vmem>>
    %dma_start3A_21 = tpu.memref_squeeze %dma_start3A_20 : memref<1x128xi32, #tpu.memory_space<vmem>> -> memref<128xi32, #tpu.memory_space<vmem>>
    %dma_start3A_22 = arith.constant 0 : i32
    %dma_start3A_23 = arith.constant 0 : i32
    %dma_start3A_24 = tpu.memref_slice %arg2[%dma_start3A_22, %dma_start3A_23] : memref<10000x8xf32, #tpu.memory_space<hbm>> -> memref<10000x8xf32, #tpu.memory_space<hbm>>
    tpu.enqueue_indirect_dma source(%dma_start3A_24 : memref<10000x8xf32, #tpu.memory_space<hbm>>) target(%arg9 : memref<128x8xf32, #tpu.memory_space<vmem>>) offsets(%dma_start3A_21 : memref<128xi32, #tpu.memory_space<vmem>>) semaphore(%arg18 : memref<!tpu.dma_semaphore, #tpu.memory_space<semaphore_mem>>)
    %dma_start3A_25 = arith.constant 1 : i32
    %dma_start3A_26 = arith.constant 0 : i32
    %dma_start3A_27 = tpu.memref_slice %arg7[%dma_start3A_25, %dma_start3A_26] : memref<79x128xi32, #tpu.memory_space<vmem>> -> memref<1x128xi32, #tpu.memory_space<vmem>>
    %dma_start3A_28 = tpu.memref_squeeze %dma_start3A_27 : memref<1x128xi32, #tpu.memory_space<vmem>> -> memref<128xi32, #tpu.memory_space<vmem>>
    %dma_start3A_29 = arith.constant 0 : i32
    %dma_start3A_30 = arith.constant 0 : i32
    %dma_start3A_31 = tpu.memref_slice %arg2[%dma_start3A_29, %dma_start3A_30] : memref<10000x8xf32, #tpu.memory_space<hbm>> -> memref<10000x8xf32, #tpu.memory_space<hbm>>
    tpu.enqueue_indirect_dma source(%dma_start3A_31 : memref<10000x8xf32, #tpu.memory_space<hbm>>) target(%arg10 : memref<128x8xf32, #tpu.memory_space<vmem>>) offsets(%dma_start3A_28 : memref<128xi32, #tpu.memory_space<vmem>>) semaphore(%arg19 : memref<!tpu.dma_semaphore, #tpu.memory_space<semaphore_mem>>)
    %dma_start3A_32 = arith.constant 2 : i32
    %dma_start3A_33 = arith.constant 0 : i32
    %dma_start3A_34 = tpu.memref_slice %arg7[%dma_start3A_32, %dma_start3A_33] : memref<79x128xi32, #tpu.memory_space<vmem>> -> memref<1x128xi32, #tpu.memory_space<vmem>>
    %dma_start3A_35 = tpu.memref_squeeze %dma_start3A_34 : memref<1x128xi32, #tpu.memory_space<vmem>> -> memref<128xi32, #tpu.memory_space<vmem>>
    %dma_start3A_36 = arith.constant 0 : i32
    %dma_start3A_37 = arith.constant 0 : i32
    %dma_start3A_38 = tpu.memref_slice %arg2[%dma_start3A_36, %dma_start3A_37] : memref<10000x8xf32, #tpu.memory_space<hbm>> -> memref<10000x8xf32, #tpu.memory_space<hbm>>
    tpu.enqueue_indirect_dma source(%dma_start3A_38 : memref<10000x8xf32, #tpu.memory_space<hbm>>) target(%arg11 : memref<128x8xf32, #tpu.memory_space<vmem>>) offsets(%dma_start3A_35 : memref<128xi32, #tpu.memory_space<vmem>>) semaphore(%arg20 : memref<!tpu.dma_semaphore, #tpu.memory_space<semaphore_mem>>)
    %dma_start3A_39 = arith.constant 3 : i32
    %dma_start3A_40 = arith.constant 0 : i32
    %dma_start3A_41 = tpu.memref_slice %arg7[%dma_start3A_39, %dma_start3A_40] : memref<79x128xi32, #tpu.memory_space<vmem>> -> memref<1x128xi32, #tpu.memory_space<vmem>>
    %dma_start3A_42 = tpu.memref_squeeze %dma_start3A_41 : memref<1x128xi32, #tpu.memory_space<vmem>> -> memref<128xi32, #tpu.memory_space<vmem>>
    %dma_start3A_43 = arith.constant 0 : i32
    %dma_start3A_44 = arith.constant 0 : i32
    %dma_start3A_45 = tpu.memref_slice %arg2[%dma_start3A_43, %dma_start3A_44] : memref<10000x8xf32, #tpu.memory_space<hbm>> -> memref<10000x8xf32, #tpu.memory_space<hbm>>
    tpu.enqueue_indirect_dma source(%dma_start3A_45 : memref<10000x8xf32, #tpu.memory_space<hbm>>) target(%arg12 : memref<128x8xf32, #tpu.memory_space<vmem>>) offsets(%dma_start3A_42 : memref<128xi32, #tpu.memory_space<vmem>>) semaphore(%arg21 : memref<!tpu.dma_semaphore, #tpu.memory_space<semaphore_mem>>)
    %dma_start3A_46 = arith.constant 4 : i32
    %dma_start3A_47 = arith.constant 0 : i32
    %dma_start3A_48 = tpu.memref_slice %arg7[%dma_start3A_46, %dma_start3A_47] : memref<79x128xi32, #tpu.memory_space<vmem>> -> memref<1x128xi32, #tpu.memory_space<vmem>>
    %dma_start3A_49 = tpu.memref_squeeze %dma_start3A_48 : memref<1x128xi32, #tpu.memory_space<vmem>> -> memref<128xi32, #tpu.memory_space<vmem>>
    %dma_start3A_50 = arith.constant 0 : i32
    %dma_start3A_51 = arith.constant 0 : i32
    %dma_start3A_52 = tpu.memref_slice %arg2[%dma_start3A_50, %dma_start3A_51] : memref<10000x8xf32, #tpu.memory_space<hbm>> -> memref<10000x8xf32, #tpu.memory_space<hbm>>
    tpu.enqueue_indirect_dma source(%dma_start3A_52 : memref<10000x8xf32, #tpu.memory_space<hbm>>) target(%arg13 : memref<128x8xf32, #tpu.memory_space<vmem>>) offsets(%dma_start3A_49 : memref<128xi32, #tpu.memory_space<vmem>>) semaphore(%arg22 : memref<!tpu.dma_semaphore, #tpu.memory_space<semaphore_mem>>)
    %dma_start3A_53 = arith.constant 5 : i32
    %dma_start3A_54 = arith.constant 0 : i32
    %dma_start3A_55 = tpu.memref_slice %arg7[%dma_start3A_53, %dma_start3A_54] : memref<79x128xi32, #tpu.memory_space<vmem>> -> memref<1x128xi32, #tpu.memory_space<vmem>>
    %dma_start3A_56 = tpu.memref_squeeze %dma_start3A_55 : memref<1x128xi32, #tpu.memory_space<vmem>> -> memref<128xi32, #tpu.memory_space<vmem>>
    %dma_start3A_57 = arith.constant 0 : i32
    %dma_start3A_58 = arith.constant 0 : i32
    %dma_start3A_59 = tpu.memref_slice %arg2[%dma_start3A_57, %dma_start3A_58] : memref<10000x8xf32, #tpu.memory_space<hbm>> -> memref<10000x8xf32, #tpu.memory_space<hbm>>
    tpu.enqueue_indirect_dma source(%dma_start3A_59 : memref<10000x8xf32, #tpu.memory_space<hbm>>) target(%arg14 : memref<128x8xf32, #tpu.memory_space<vmem>>) offsets(%dma_start3A_56 : memref<128xi32, #tpu.memory_space<vmem>>) semaphore(%arg23 : memref<!tpu.dma_semaphore, #tpu.memory_space<semaphore_mem>>)
    %dma_start3A_60 = arith.constant 6 : i32
    %dma_start3A_61 = arith.constant 0 : i32
    %dma_start3A_62 = tpu.memref_slice %arg7[%dma_start3A_60, %dma_start3A_61] : memref<79x128xi32, #tpu.memory_space<vmem>> -> memref<1x128xi32, #tpu.memory_space<vmem>>
    %dma_start3A_63 = tpu.memref_squeeze %dma_start3A_62 : memref<1x128xi32, #tpu.memory_space<vmem>> -> memref<128xi32, #tpu.memory_space<vmem>>
    %dma_start3A_64 = arith.constant 0 : i32
    %dma_start3A_65 = arith.constant 0 : i32
    %dma_start3A_66 = tpu.memref_slice %arg2[%dma_start3A_64, %dma_start3A_65] : memref<10000x8xf32, #tpu.memory_space<hbm>> -> memref<10000x8xf32, #tpu.memory_space<hbm>>
    tpu.enqueue_indirect_dma source(%dma_start3A_66 : memref<10000x8xf32, #tpu.memory_space<hbm>>) target(%arg15 : memref<128x8xf32, #tpu.memory_space<vmem>>) offsets(%dma_start3A_63 : memref<128xi32, #tpu.memory_space<vmem>>) semaphore(%arg24 : memref<!tpu.dma_semaphore, #tpu.memory_space<semaphore_mem>>)
    %dma_start3A_67 = arith.constant 7 : i32
    %dma_start3A_68 = arith.constant 0 : i32
    %dma_start3A_69 = tpu.memref_slice %arg7[%dma_start3A_67, %dma_start3A_68] : memref<79x128xi32, #tpu.memory_space<vmem>> -> memref<1x128xi32, #tpu.memory_space<vmem>>
    %dma_start3A_70 = tpu.memref_squeeze %dma_start3A_69 : memref<1x128xi32, #tpu.memory_space<vmem>> -> memref<128xi32, #tpu.memory_space<vmem>>
    %dma_start3A_71 = arith.constant 0 : i32
    %dma_start3A_72 = arith.constant 0 : i32
    %dma_start3A_73 = tpu.memref_slice %arg2[%dma_start3A_71, %dma_start3A_72] : memref<10000x8xf32, #tpu.memory_space<hbm>> -> memref<10000x8xf32, #tpu.memory_space<hbm>>
    tpu.enqueue_indirect_dma source(%dma_start3A_73 : memref<10000x8xf32, #tpu.memory_space<hbm>>) target(%arg16 : memref<128x8xf32, #tpu.memory_space<vmem>>) offsets(%dma_start3A_70 : memref<128xi32, #tpu.memory_space<vmem>>) semaphore(%arg25 : memref<!tpu.dma_semaphore, #tpu.memory_space<semaphore_mem>>)
    %scan3A = arith.constant 0 : i32
    %scan3A_74 = arith.constant 0 : i32
    %scan3A_75 = arith.constant 10 : i32
    %scan3A_76 = arith.addi %scan3A_74, %scan3A_75 : i32
    %scan3A_77 = arith.constant 1 : i32
    scf.for %scan3A_90 = %scan3A_74 to %scan3A_76 step %scan3A_77  : i32 {
      %mul3A_91 = arith.constant 8 : i32
      %mul3A_92 = arith.muli %scan3A_90, %mul3A_91 : i32
      %add3A_93 = arith.constant 0 : i32
      %add3A_94 = arith.addi %mul3A_92, %add3A_93 : i32
      %lt3A_95 = arith.cmpi slt, %add3A_94, %select_n3A : i32
      %convert_element_type3A_96 = arith.extui %lt3A_95 : i1 to i32
      %cond3A_97 = arith.constant 0 : i32
      %cond3A_98 = arith.cmpi ne, %convert_element_type3A_96, %cond3A_97 : i32
      scf.if %cond3A_98 {
        %dma_wait3A = arith.constant 0 : i32
        %dma_wait3A_155 = tpu.memref_slice %arg7[%add3A_94, %dma_wait3A] : memref<79x128xi32, #tpu.memory_space<vmem>> -> memref<1x128xi32, #tpu.memory_space<vmem>>
        %dma_wait3A_156 = tpu.memref_squeeze %dma_wait3A_155 : memref<1x128xi32, #tpu.memory_space<vmem>> -> memref<128xi32, #tpu.memory_space<vmem>>
        %dma_wait3A_157 = arith.constant 0 : i32
        %dma_wait3A_158 = arith.constant 0 : i32
        %dma_wait3A_159 = tpu.memref_slice %arg2[%dma_wait3A_157, %dma_wait3A_158] : memref<10000x8xf32, #tpu.memory_space<hbm>> -> memref<10000x8xf32, #tpu.memory_space<hbm>>
        tpu.wait_indirect_dma semaphore(%arg18 : memref<!tpu.dma_semaphore, #tpu.memory_space<semaphore_mem>>) src(%dma_wait3A_159 : memref<10000x8xf32, #tpu.memory_space<hbm>>) dst(%arg9 : memref<128x8xf32, #tpu.memory_space<vmem>>)
        "tpu.region"() ({
          %run_scoped3A = tpu.sem_alloc : memref<!tpu.dma_semaphore, #tpu.memory_space<semaphore_mem>>
          %dma_start3A_166 = arith.constant 0 : i32
          %dma_start3A_167 = tpu.memref_slice %arg8[%add3A_94, %dma_start3A_166] : memref<79x128xi32, #tpu.memory_space<vmem>> -> memref<1x128xi32, #tpu.memory_space<vmem>>
          %dma_start3A_168 = tpu.memref_squeeze %dma_start3A_167 : memref<1x128xi32, #tpu.memory_space<vmem>> -> memref<128xi32, #tpu.memory_space<vmem>>
          %dma_start3A_169 = arith.constant 0 : i32
          %dma_start3A_170 = arith.constant 0 : i32
          %dma_start3A_171 = tpu.memref_slice %arg17[%dma_start3A_169, %dma_start3A_170] : memref<10000x8xf32, #tpu.memory_space<vmem_shared>> -> memref<10000x8xf32, #tpu.memory_space<vmem_shared>>
          tpu.enqueue_indirect_dma source(%arg9 : memref<128x8xf32, #tpu.memory_space<vmem>>) target(%dma_start3A_171 : memref<10000x8xf32, #tpu.memory_space<vmem_shared>>) offsets(%dma_start3A_168 : memref<128xi32, #tpu.memory_space<vmem>>) semaphore(%run_scoped3A : memref<!tpu.dma_semaphore, #tpu.memory_space<semaphore_mem>>) {add = true}
          %dma_wait3A_172 = arith.constant 0 : i32
          %dma_wait3A_173 = tpu.memref_slice %arg8[%add3A_94, %dma_wait3A_172] : memref<79x128xi32, #tpu.memory_space<vmem>> -> memref<1x128xi32, #tpu.memory_space<vmem>>
          %dma_wait3A_174 = tpu.memref_squeeze %dma_wait3A_173 : memref<1x128xi32, #tpu.memory_space<vmem>> -> memref<128xi32, #tpu.memory_space<vmem>>
          %dma_wait3A_175 = arith.constant 0 : i32
          %dma_wait3A_176 = arith.constant 0 : i32
          %dma_wait3A_177 = tpu.memref_slice %arg17[%dma_wait3A_175, %dma_wait3A_176] : memref<10000x8xf32, #tpu.memory_space<vmem_shared>> -> memref<10000x8xf32, #tpu.memory_space<vmem_shared>>
          tpu.wait_indirect_dma semaphore(%run_scoped3A : memref<!tpu.dma_semaphore, #tpu.memory_space<semaphore_mem>>) src(%arg9 : memref<128x8xf32, #tpu.memory_space<vmem>>) dst(%dma_wait3A_177 : memref<10000x8xf32, #tpu.memory_space<vmem_shared>>)
          tpu.yield
        }) : () -> ()
        %add3A_160 = arith.constant 8 : i32
        %add3A_161 = arith.addi %add3A_94, %add3A_160 : i32
        %lt3A_162 = arith.cmpi slt, %add3A_161, %select_n3A : i32
        %convert_element_type3A_163 = arith.extui %lt3A_162 : i1 to i32
        %cond3A_164 = arith.constant 0 : i32
        %cond3A_165 = arith.cmpi ne, %convert_element_type3A_163, %cond3A_164 : i32
        scf.if %cond3A_165 {
          %add3A_166 = arith.constant 8 : i32
          %add3A_167 = arith.addi %add3A_94, %add3A_166 : i32
          %dma_start3A_168 = arith.constant 0 : i32
          %dma_start3A_169 = tpu.memref_slice %arg7[%add3A_167, %dma_start3A_168] : memref<79x128xi32, #tpu.memory_space<vmem>> -> memref<1x128xi32, #tpu.memory_space<vmem>>
          %dma_start3A_170 = tpu.memref_squeeze %dma_start3A_169 : memref<1x128xi32, #tpu.memory_space<vmem>> -> memref<128xi32, #tpu.memory_space<vmem>>
          %dma_start3A_171 = arith.constant 0 : i32
          %dma_start3A_172 = arith.constant 0 : i32
          %dma_start3A_173 = tpu.memref_slice %arg2[%dma_start3A_171, %dma_start3A_172] : memref<10000x8xf32, #tpu.memory_space<hbm>> -> memref<10000x8xf32, #tpu.memory_space<hbm>>
          tpu.enqueue_indirect_dma source(%dma_start3A_173 : memref<10000x8xf32, #tpu.memory_space<hbm>>) target(%arg9 : memref<128x8xf32, #tpu.memory_space<vmem>>) offsets(%dma_start3A_170 : memref<128xi32, #tpu.memory_space<vmem>>) semaphore(%arg18 : memref<!tpu.dma_semaphore, #tpu.memory_space<semaphore_mem>>)
        } else {
        }
      } else {
      }
      %mul3A_99 = arith.constant 8 : i32
      %mul3A_100 = arith.muli %scan3A_90, %mul3A_99 : i32
      %add3A_101 = arith.constant 1 : i32
      %add3A_102 = arith.addi %mul3A_100, %add3A_101 : i32
      %lt3A_103 = arith.cmpi slt, %add3A_102, %select_n3A : i32
      %convert_element_type3A_104 = arith.extui %lt3A_103 : i1 to i32
      %cond3A_105 = arith.constant 0 : i32
      %cond3A_106 = arith.cmpi ne, %convert_element_type3A_104, %cond3A_105 : i32
      scf.if %cond3A_106 {
        %dma_wait3A = arith.constant 0 : i32
        %dma_wait3A_155 = tpu.memref_slice %arg7[%add3A_102, %dma_wait3A] : memref<79x128xi32, #tpu.memory_space<vmem>> -> memref<1x128xi32, #tpu.memory_space<vmem>>
        %dma_wait3A_156 = tpu.memref_squeeze %dma_wait3A_155 : memref<1x128xi32, #tpu.memory_space<vmem>> -> memref<128xi32, #tpu.memory_space<vmem>>
        %dma_wait3A_157 = arith.constant 0 : i32
        %dma_wait3A_158 = arith.constant 0 : i32
        %dma_wait3A_159 = tpu.memref_slice %arg2[%dma_wait3A_157, %dma_wait3A_158] : memref<10000x8xf32, #tpu.memory_space<hbm>> -> memref<10000x8xf32, #tpu.memory_space<hbm>>
        tpu.wait_indirect_dma semaphore(%arg19 : memref<!tpu.dma_semaphore, #tpu.memory_space<semaphore_mem>>) src(%dma_wait3A_159 : memref<10000x8xf32, #tpu.memory_space<hbm>>) dst(%arg10 : memref<128x8xf32, #tpu.memory_space<vmem>>)
        "tpu.region"() ({
          %run_scoped3A = tpu.sem_alloc : memref<!tpu.dma_semaphore, #tpu.memory_space<semaphore_mem>>
          %dma_start3A_166 = arith.constant 0 : i32
          %dma_start3A_167 = tpu.memref_slice %arg8[%add3A_102, %dma_start3A_166] : memref<79x128xi32, #tpu.memory_space<vmem>> -> memref<1x128xi32, #tpu.memory_space<vmem>>
          %dma_start3A_168 = tpu.memref_squeeze %dma_start3A_167 : memref<1x128xi32, #tpu.memory_space<vmem>> -> memref<128xi32, #tpu.memory_space<vmem>>
          %dma_start3A_169 = arith.constant 0 : i32
          %dma_start3A_170 = arith.constant 0 : i32
          %dma_start3A_171 = tpu.memref_slice %arg17[%dma_start3A_169, %dma_start3A_170] : memref<10000x8xf32, #tpu.memory_space<vmem_shared>> -> memref<10000x8xf32, #tpu.memory_space<vmem_shared>>
          tpu.enqueue_indirect_dma source(%arg10 : memref<128x8xf32, #tpu.memory_space<vmem>>) target(%dma_start3A_171 : memref<10000x8xf32, #tpu.memory_space<vmem_shared>>) offsets(%dma_start3A_168 : memref<128xi32, #tpu.memory_space<vmem>>) semaphore(%run_scoped3A : memref<!tpu.dma_semaphore, #tpu.memory_space<semaphore_mem>>) {add = true}
          %dma_wait3A_172 = arith.constant 0 : i32
          %dma_wait3A_173 = tpu.memref_slice %arg8[%add3A_102, %dma_wait3A_172] : memref<79x128xi32, #tpu.memory_space<vmem>> -> memref<1x128xi32, #tpu.memory_space<vmem>>
          %dma_wait3A_174 = tpu.memref_squeeze %dma_wait3A_173 : memref<1x128xi32, #tpu.memory_space<vmem>> -> memref<128xi32, #tpu.memory_space<vmem>>
          %dma_wait3A_175 = arith.constant 0 : i32
          %dma_wait3A_176 = arith.constant 0 : i32
          %dma_wait3A_177 = tpu.memref_slice %arg17[%dma_wait3A_175, %dma_wait3A_176] : memref<10000x8xf32, #tpu.memory_space<vmem_shared>> -> memref<10000x8xf32, #tpu.memory_space<vmem_shared>>
          tpu.wait_indirect_dma semaphore(%run_scoped3A : memref<!tpu.dma_semaphore, #tpu.memory_space<semaphore_mem>>) src(%arg10 : memref<128x8xf32, #tpu.memory_space<vmem>>) dst(%dma_wait3A_177 : memref<10000x8xf32, #tpu.memory_space<vmem_shared>>)
          tpu.yield
        }) : () -> ()
        %add3A_160 = arith.constant 8 : i32
        %add3A_161 = arith.addi %add3A_102, %add3A_160 : i32
        %lt3A_162 = arith.cmpi slt, %add3A_161, %select_n3A : i32
        %convert_element_type3A_163 = arith.extui %lt3A_162 : i1 to i32
        %cond3A_164 = arith.constant 0 : i32
        %cond3A_165 = arith.cmpi ne, %convert_element_type3A_163, %cond3A_164 : i32
        scf.if %cond3A_165 {
          %add3A_166 = arith.constant 8 : i32
          %add3A_167 = arith.addi %add3A_102, %add3A_166 : i32
          %dma_start3A_168 = arith.constant 0 : i32
          %dma_start3A_169 = tpu.memref_slice %arg7[%add3A_167, %dma_start3A_168] : memref<79x128xi32, #tpu.memory_space<vmem>> -> memref<1x128xi32, #tpu.memory_space<vmem>>
          %dma_start3A_170 = tpu.memref_squeeze %dma_start3A_169 : memref<1x128xi32, #tpu.memory_space<vmem>> -> memref<128xi32, #tpu.memory_space<vmem>>
          %dma_start3A_171 = arith.constant 0 : i32
          %dma_start3A_172 = arith.constant 0 : i32
          %dma_start3A_173 = tpu.memref_slice %arg2[%dma_start3A_171, %dma_start3A_172] : memref<10000x8xf32, #tpu.memory_space<hbm>> -> memref<10000x8xf32, #tpu.memory_space<hbm>>
          tpu.enqueue_indirect_dma source(%dma_start3A_173 : memref<10000x8xf32, #tpu.memory_space<hbm>>) target(%arg10 : memref<128x8xf32, #tpu.memory_space<vmem>>) offsets(%dma_start3A_170 : memref<128xi32, #tpu.memory_space<vmem>>) semaphore(%arg19 : memref<!tpu.dma_semaphore, #tpu.memory_space<semaphore_mem>>)
        } else {
        }
      } else {
      }
      %mul3A_107 = arith.constant 8 : i32
      %mul3A_108 = arith.muli %scan3A_90, %mul3A_107 : i32
      %add3A_109 = arith.constant 2 : i32
      %add3A_110 = arith.addi %mul3A_108, %add3A_109 : i32
      %lt3A_111 = arith.cmpi slt, %add3A_110, %select_n3A : i32
      %convert_element_type3A_112 = arith.extui %lt3A_111 : i1 to i32
      %cond3A_113 = arith.constant 0 : i32
      %cond3A_114 = arith.cmpi ne, %convert_element_type3A_112, %cond3A_113 : i32
      scf.if %cond3A_114 {
        %dma_wait3A = arith.constant 0 : i32
        %dma_wait3A_155 = tpu.memref_slice %arg7[%add3A_110, %dma_wait3A] : memref<79x128xi32, #tpu.memory_space<vmem>> -> memref<1x128xi32, #tpu.memory_space<vmem>>
        %dma_wait3A_156 = tpu.memref_squeeze %dma_wait3A_155 : memref<1x128xi32, #tpu.memory_space<vmem>> -> memref<128xi32, #tpu.memory_space<vmem>>
        %dma_wait3A_157 = arith.constant 0 : i32
        %dma_wait3A_158 = arith.constant 0 : i32
        %dma_wait3A_159 = tpu.memref_slice %arg2[%dma_wait3A_157, %dma_wait3A_158] : memref<10000x8xf32, #tpu.memory_space<hbm>> -> memref<10000x8xf32, #tpu.memory_space<hbm>>
        tpu.wait_indirect_dma semaphore(%arg20 : memref<!tpu.dma_semaphore, #tpu.memory_space<semaphore_mem>>) src(%dma_wait3A_159 : memref<10000x8xf32, #tpu.memory_space<hbm>>) dst(%arg11 : memref<128x8xf32, #tpu.memory_space<vmem>>)
        "tpu.region"() ({
          %run_scoped3A = tpu.sem_alloc : memref<!tpu.dma_semaphore, #tpu.memory_space<semaphore_mem>>
          %dma_start3A_166 = arith.constant 0 : i32
          %dma_start3A_167 = tpu.memref_slice %arg8[%add3A_110, %dma_start3A_166] : memref<79x128xi32, #tpu.memory_space<vmem>> -> memref<1x128xi32, #tpu.memory_space<vmem>>
          %dma_start3A_168 = tpu.memref_squeeze %dma_start3A_167 : memref<1x128xi32, #tpu.memory_space<vmem>> -> memref<128xi32, #tpu.memory_space<vmem>>
          %dma_start3A_169 = arith.constant 0 : i32
          %dma_start3A_170 = arith.constant 0 : i32
          %dma_start3A_171 = tpu.memref_slice %arg17[%dma_start3A_169, %dma_start3A_170] : memref<10000x8xf32, #tpu.memory_space<vmem_shared>> -> memref<10000x8xf32, #tpu.memory_space<vmem_shared>>
          tpu.enqueue_indirect_dma source(%arg11 : memref<128x8xf32, #tpu.memory_space<vmem>>) target(%dma_start3A_171 : memref<10000x8xf32, #tpu.memory_space<vmem_shared>>) offsets(%dma_start3A_168 : memref<128xi32, #tpu.memory_space<vmem>>) semaphore(%run_scoped3A : memref<!tpu.dma_semaphore, #tpu.memory_space<semaphore_mem>>) {add = true}
          %dma_wait3A_172 = arith.constant 0 : i32
          %dma_wait3A_173 = tpu.memref_slice %arg8[%add3A_110, %dma_wait3A_172] : memref<79x128xi32, #tpu.memory_space<vmem>> -> memref<1x128xi32, #tpu.memory_space<vmem>>
          %dma_wait3A_174 = tpu.memref_squeeze %dma_wait3A_173 : memref<1x128xi32, #tpu.memory_space<vmem>> -> memref<128xi32, #tpu.memory_space<vmem>>
          %dma_wait3A_175 = arith.constant 0 : i32
          %dma_wait3A_176 = arith.constant 0 : i32
          %dma_wait3A_177 = tpu.memref_slice %arg17[%dma_wait3A_175, %dma_wait3A_176] : memref<10000x8xf32, #tpu.memory_space<vmem_shared>> -> memref<10000x8xf32, #tpu.memory_space<vmem_shared>>
          tpu.wait_indirect_dma semaphore(%run_scoped3A : memref<!tpu.dma_semaphore, #tpu.memory_space<semaphore_mem>>) src(%arg11 : memref<128x8xf32, #tpu.memory_space<vmem>>) dst(%dma_wait3A_177 : memref<10000x8xf32, #tpu.memory_space<vmem_shared>>)
          tpu.yield
        }) : () -> ()
        %add3A_160 = arith.constant 8 : i32
        %add3A_161 = arith.addi %add3A_110, %add3A_160 : i32
        %lt3A_162 = arith.cmpi slt, %add3A_161, %select_n3A : i32
        %convert_element_type3A_163 = arith.extui %lt3A_162 : i1 to i32
        %cond3A_164 = arith.constant 0 : i32
        %cond3A_165 = arith.cmpi ne, %convert_element_type3A_163, %cond3A_164 : i32
        scf.if %cond3A_165 {
          %add3A_166 = arith.constant 8 : i32
          %add3A_167 = arith.addi %add3A_110, %add3A_166 : i32
          %dma_start3A_168 = arith.constant 0 : i32
          %dma_start3A_169 = tpu.memref_slice %arg7[%add3A_167, %dma_start3A_168] : memref<79x128xi32, #tpu.memory_space<vmem>> -> memref<1x128xi32, #tpu.memory_space<vmem>>
          %dma_start3A_170 = tpu.memref_squeeze %dma_start3A_169 : memref<1x128xi32, #tpu.memory_space<vmem>> -> memref<128xi32, #tpu.memory_space<vmem>>
          %dma_start3A_171 = arith.constant 0 : i32
          %dma_start3A_172 = arith.constant 0 : i32
          %dma_start3A_173 = tpu.memref_slice %arg2[%dma_start3A_171, %dma_start3A_172] : memref<10000x8xf32, #tpu.memory_space<hbm>> -> memref<10000x8xf32, #tpu.memory_space<hbm>>
          tpu.enqueue_indirect_dma source(%dma_start3A_173 : memref<10000x8xf32, #tpu.memory_space<hbm>>) target(%arg11 : memref<128x8xf32, #tpu.memory_space<vmem>>) offsets(%dma_start3A_170 : memref<128xi32, #tpu.memory_space<vmem>>) semaphore(%arg20 : memref<!tpu.dma_semaphore, #tpu.memory_space<semaphore_mem>>)
        } else {
        }
      } else {
      }
      %mul3A_115 = arith.constant 8 : i32
      %mul3A_116 = arith.muli %scan3A_90, %mul3A_115 : i32
      %add3A_117 = arith.constant 3 : i32
      %add3A_118 = arith.addi %mul3A_116, %add3A_117 : i32
      %lt3A_119 = arith.cmpi slt, %add3A_118, %select_n3A : i32
      %convert_element_type3A_120 = arith.extui %lt3A_119 : i1 to i32
      %cond3A_121 = arith.constant 0 : i32
      %cond3A_122 = arith.cmpi ne, %convert_element_type3A_120, %cond3A_121 : i32
      scf.if %cond3A_122 {
        %dma_wait3A = arith.constant 0 : i32
        %dma_wait3A_155 = tpu.memref_slice %arg7[%add3A_118, %dma_wait3A] : memref<79x128xi32, #tpu.memory_space<vmem>> -> memref<1x128xi32, #tpu.memory_space<vmem>>
        %dma_wait3A_156 = tpu.memref_squeeze %dma_wait3A_155 : memref<1x128xi32, #tpu.memory_space<vmem>> -> memref<128xi32, #tpu.memory_space<vmem>>
        %dma_wait3A_157 = arith.constant 0 : i32
        %dma_wait3A_158 = arith.constant 0 : i32
        %dma_wait3A_159 = tpu.memref_slice %arg2[%dma_wait3A_157, %dma_wait3A_158] : memref<10000x8xf32, #tpu.memory_space<hbm>> -> memref<10000x8xf32, #tpu.memory_space<hbm>>
        tpu.wait_indirect_dma semaphore(%arg21 : memref<!tpu.dma_semaphore, #tpu.memory_space<semaphore_mem>>) src(%dma_wait3A_159 : memref<10000x8xf32, #tpu.memory_space<hbm>>) dst(%arg12 : memref<128x8xf32, #tpu.memory_space<vmem>>)
        "tpu.region"() ({
          %run_scoped3A = tpu.sem_alloc : memref<!tpu.dma_semaphore, #tpu.memory_space<semaphore_mem>>
          %dma_start3A_166 = arith.constant 0 : i32
          %dma_start3A_167 = tpu.memref_slice %arg8[%add3A_118, %dma_start3A_166] : memref<79x128xi32, #tpu.memory_space<vmem>> -> memref<1x128xi32, #tpu.memory_space<vmem>>
          %dma_start3A_168 = tpu.memref_squeeze %dma_start3A_167 : memref<1x128xi32, #tpu.memory_space<vmem>> -> memref<128xi32, #tpu.memory_space<vmem>>
          %dma_start3A_169 = arith.constant 0 : i32
          %dma_start3A_170 = arith.constant 0 : i32
          %dma_start3A_171 = tpu.memref_slice %arg17[%dma_start3A_169, %dma_start3A_170] : memref<10000x8xf32, #tpu.memory_space<vmem_shared>> -> memref<10000x8xf32, #tpu.memory_space<vmem_shared>>
          tpu.enqueue_indirect_dma source(%arg12 : memref<128x8xf32, #tpu.memory_space<vmem>>) target(%dma_start3A_171 : memref<10000x8xf32, #tpu.memory_space<vmem_shared>>) offsets(%dma_start3A_168 : memref<128xi32, #tpu.memory_space<vmem>>) semaphore(%run_scoped3A : memref<!tpu.dma_semaphore, #tpu.memory_space<semaphore_mem>>) {add = true}
          %dma_wait3A_172 = arith.constant 0 : i32
          %dma_wait3A_173 = tpu.memref_slice %arg8[%add3A_118, %dma_wait3A_172] : memref<79x128xi32, #tpu.memory_space<vmem>> -> memref<1x128xi32, #tpu.memory_space<vmem>>
          %dma_wait3A_174 = tpu.memref_squeeze %dma_wait3A_173 : memref<1x128xi32, #tpu.memory_space<vmem>> -> memref<128xi32, #tpu.memory_space<vmem>>
          %dma_wait3A_175 = arith.constant 0 : i32
          %dma_wait3A_176 = arith.constant 0 : i32
          %dma_wait3A_177 = tpu.memref_slice %arg17[%dma_wait3A_175, %dma_wait3A_176] : memref<10000x8xf32, #tpu.memory_space<vmem_shared>> -> memref<10000x8xf32, #tpu.memory_space<vmem_shared>>
          tpu.wait_indirect_dma semaphore(%run_scoped3A : memref<!tpu.dma_semaphore, #tpu.memory_space<semaphore_mem>>) src(%arg12 : memref<128x8xf32, #tpu.memory_space<vmem>>) dst(%dma_wait3A_177 : memref<10000x8xf32, #tpu.memory_space<vmem_shared>>)
          tpu.yield
        }) : () -> ()
        %add3A_160 = arith.constant 8 : i32
        %add3A_161 = arith.addi %add3A_118, %add3A_160 : i32
        %lt3A_162 = arith.cmpi slt, %add3A_161, %select_n3A : i32
        %convert_element_type3A_163 = arith.extui %lt3A_162 : i1 to i32
        %cond3A_164 = arith.constant 0 : i32
        %cond3A_165 = arith.cmpi ne, %convert_element_type3A_163, %cond3A_164 : i32
        scf.if %cond3A_165 {
          %add3A_166 = arith.constant 8 : i32
          %add3A_167 = arith.addi %add3A_118, %add3A_166 : i32
          %dma_start3A_168 = arith.constant 0 : i32
          %dma_start3A_169 = tpu.memref_slice %arg7[%add3A_167, %dma_start3A_168] : memref<79x128xi32, #tpu.memory_space<vmem>> -> memref<1x128xi32, #tpu.memory_space<vmem>>
          %dma_start3A_170 = tpu.memref_squeeze %dma_start3A_169 : memref<1x128xi32, #tpu.memory_space<vmem>> -> memref<128xi32, #tpu.memory_space<vmem>>
          %dma_start3A_171 = arith.constant 0 : i32
          %dma_start3A_172 = arith.constant 0 : i32
          %dma_start3A_173 = tpu.memref_slice %arg2[%dma_start3A_171, %dma_start3A_172] : memref<10000x8xf32, #tpu.memory_space<hbm>> -> memref<10000x8xf32, #tpu.memory_space<hbm>>
          tpu.enqueue_indirect_dma source(%dma_start3A_173 : memref<10000x8xf32, #tpu.memory_space<hbm>>) target(%arg12 : memref<128x8xf32, #tpu.memory_space<vmem>>) offsets(%dma_start3A_170 : memref<128xi32, #tpu.memory_space<vmem>>) semaphore(%arg21 : memref<!tpu.dma_semaphore, #tpu.memory_space<semaphore_mem>>)
        } else {
        }
      } else {
      }
      %mul3A_123 = arith.constant 8 : i32
      %mul3A_124 = arith.muli %scan3A_90, %mul3A_123 : i32
      %add3A_125 = arith.constant 4 : i32
      %add3A_126 = arith.addi %mul3A_124, %add3A_125 : i32
      %lt3A_127 = arith.cmpi slt, %add3A_126, %select_n3A : i32
      %convert_element_type3A_128 = arith.extui %lt3A_127 : i1 to i32
      %cond3A_129 = arith.constant 0 : i32
      %cond3A_130 = arith.cmpi ne, %convert_element_type3A_128, %cond3A_129 : i32
      scf.if %cond3A_130 {
        %dma_wait3A = arith.constant 0 : i32
        %dma_wait3A_155 = tpu.memref_slice %arg7[%add3A_126, %dma_wait3A] : memref<79x128xi32, #tpu.memory_space<vmem>> -> memref<1x128xi32, #tpu.memory_space<vmem>>
        %dma_wait3A_156 = tpu.memref_squeeze %dma_wait3A_155 : memref<1x128xi32, #tpu.memory_space<vmem>> -> memref<128xi32, #tpu.memory_space<vmem>>
        %dma_wait3A_157 = arith.constant 0 : i32
        %dma_wait3A_158 = arith.constant 0 : i32
        %dma_wait3A_159 = tpu.memref_slice %arg2[%dma_wait3A_157, %dma_wait3A_158] : memref<10000x8xf32, #tpu.memory_space<hbm>> -> memref<10000x8xf32, #tpu.memory_space<hbm>>
        tpu.wait_indirect_dma semaphore(%arg22 : memref<!tpu.dma_semaphore, #tpu.memory_space<semaphore_mem>>) src(%dma_wait3A_159 : memref<10000x8xf32, #tpu.memory_space<hbm>>) dst(%arg13 : memref<128x8xf32, #tpu.memory_space<vmem>>)
        "tpu.region"() ({
          %run_scoped3A = tpu.sem_alloc : memref<!tpu.dma_semaphore, #tpu.memory_space<semaphore_mem>>
          %dma_start3A_166 = arith.constant 0 : i32
          %dma_start3A_167 = tpu.memref_slice %arg8[%add3A_126, %dma_start3A_166] : memref<79x128xi32, #tpu.memory_space<vmem>> -> memref<1x128xi32, #tpu.memory_space<vmem>>
          %dma_start3A_168 = tpu.memref_squeeze %dma_start3A_167 : memref<1x128xi32, #tpu.memory_space<vmem>> -> memref<128xi32, #tpu.memory_space<vmem>>
          %dma_start3A_169 = arith.constant 0 : i32
          %dma_start3A_170 = arith.constant 0 : i32
          %dma_start3A_171 = tpu.memref_slice %arg17[%dma_start3A_169, %dma_start3A_170] : memref<10000x8xf32, #tpu.memory_space<vmem_shared>> -> memref<10000x8xf32, #tpu.memory_space<vmem_shared>>
          tpu.enqueue_indirect_dma source(%arg13 : memref<128x8xf32, #tpu.memory_space<vmem>>) target(%dma_start3A_171 : memref<10000x8xf32, #tpu.memory_space<vmem_shared>>) offsets(%dma_start3A_168 : memref<128xi32, #tpu.memory_space<vmem>>) semaphore(%run_scoped3A : memref<!tpu.dma_semaphore, #tpu.memory_space<semaphore_mem>>) {add = true}
          %dma_wait3A_172 = arith.constant 0 : i32
          %dma_wait3A_173 = tpu.memref_slice %arg8[%add3A_126, %dma_wait3A_172] : memref<79x128xi32, #tpu.memory_space<vmem>> -> memref<1x128xi32, #tpu.memory_space<vmem>>
          %dma_wait3A_174 = tpu.memref_squeeze %dma_wait3A_173 : memref<1x128xi32, #tpu.memory_space<vmem>> -> memref<128xi32, #tpu.memory_space<vmem>>
          %dma_wait3A_175 = arith.constant 0 : i32
          %dma_wait3A_176 = arith.constant 0 : i32
          %dma_wait3A_177 = tpu.memref_slice %arg17[%dma_wait3A_175, %dma_wait3A_176] : memref<10000x8xf32, #tpu.memory_space<vmem_shared>> -> memref<10000x8xf32, #tpu.memory_space<vmem_shared>>
          tpu.wait_indirect_dma semaphore(%run_scoped3A : memref<!tpu.dma_semaphore, #tpu.memory_space<semaphore_mem>>) src(%arg13 : memref<128x8xf32, #tpu.memory_space<vmem>>) dst(%dma_wait3A_177 : memref<10000x8xf32, #tpu.memory_space<vmem_shared>>)
          tpu.yield
        }) : () -> ()
        %add3A_160 = arith.constant 8 : i32
        %add3A_161 = arith.addi %add3A_126, %add3A_160 : i32
        %lt3A_162 = arith.cmpi slt, %add3A_161, %select_n3A : i32
        %convert_element_type3A_163 = arith.extui %lt3A_162 : i1 to i32
        %cond3A_164 = arith.constant 0 : i32
        %cond3A_165 = arith.cmpi ne, %convert_element_type3A_163, %cond3A_164 : i32
        scf.if %cond3A_165 {
          %add3A_166 = arith.constant 8 : i32
          %add3A_167 = arith.addi %add3A_126, %add3A_166 : i32
          %dma_start3A_168 = arith.constant 0 : i32
          %dma_start3A_169 = tpu.memref_slice %arg7[%add3A_167, %dma_start3A_168] : memref<79x128xi32, #tpu.memory_space<vmem>> -> memref<1x128xi32, #tpu.memory_space<vmem>>
          %dma_start3A_170 = tpu.memref_squeeze %dma_start3A_169 : memref<1x128xi32, #tpu.memory_space<vmem>> -> memref<128xi32, #tpu.memory_space<vmem>>
          %dma_start3A_171 = arith.constant 0 : i32
          %dma_start3A_172 = arith.constant 0 : i32
          %dma_start3A_173 = tpu.memref_slice %arg2[%dma_start3A_171, %dma_start3A_172] : memref<10000x8xf32, #tpu.memory_space<hbm>> -> memref<10000x8xf32, #tpu.memory_space<hbm>>
          tpu.enqueue_indirect_dma source(%dma_start3A_173 : memref<10000x8xf32, #tpu.memory_space<hbm>>) target(%arg13 : memref<128x8xf32, #tpu.memory_space<vmem>>) offsets(%dma_start3A_170 : memref<128xi32, #tpu.memory_space<vmem>>) semaphore(%arg22 : memref<!tpu.dma_semaphore, #tpu.memory_space<semaphore_mem>>)
        } else {
        }
      } else {
      }
      %mul3A_131 = arith.constant 8 : i32
      %mul3A_132 = arith.muli %scan3A_90, %mul3A_131 : i32
      %add3A_133 = arith.constant 5 : i32
      %add3A_134 = arith.addi %mul3A_132, %add3A_133 : i32
      %lt3A_135 = arith.cmpi slt, %add3A_134, %select_n3A : i32
      %convert_element_type3A_136 = arith.extui %lt3A_135 : i1 to i32
      %cond3A_137 = arith.constant 0 : i32
      %cond3A_138 = arith.cmpi ne, %convert_element_type3A_136, %cond3A_137 : i32
      scf.if %cond3A_138 {
        %dma_wait3A = arith.constant 0 : i32
        %dma_wait3A_155 = tpu.memref_slice %arg7[%add3A_134, %dma_wait3A] : memref<79x128xi32, #tpu.memory_space<vmem>> -> memref<1x128xi32, #tpu.memory_space<vmem>>
        %dma_wait3A_156 = tpu.memref_squeeze %dma_wait3A_155 : memref<1x128xi32, #tpu.memory_space<vmem>> -> memref<128xi32, #tpu.memory_space<vmem>>
        %dma_wait3A_157 = arith.constant 0 : i32
        %dma_wait3A_158 = arith.constant 0 : i32
        %dma_wait3A_159 = tpu.memref_slice %arg2[%dma_wait3A_157, %dma_wait3A_158] : memref<10000x8xf32, #tpu.memory_space<hbm>> -> memref<10000x8xf32, #tpu.memory_space<hbm>>
        tpu.wait_indirect_dma semaphore(%arg23 : memref<!tpu.dma_semaphore, #tpu.memory_space<semaphore_mem>>) src(%dma_wait3A_159 : memref<10000x8xf32, #tpu.memory_space<hbm>>) dst(%arg14 : memref<128x8xf32, #tpu.memory_space<vmem>>)
        "tpu.region"() ({
          %run_scoped3A = tpu.sem_alloc : memref<!tpu.dma_semaphore, #tpu.memory_space<semaphore_mem>>
          %dma_start3A_166 = arith.constant 0 : i32
          %dma_start3A_167 = tpu.memref_slice %arg8[%add3A_134, %dma_start3A_166] : memref<79x128xi32, #tpu.memory_space<vmem>> -> memref<1x128xi32, #tpu.memory_space<vmem>>
          %dma_start3A_168 = tpu.memref_squeeze %dma_start3A_167 : memref<1x128xi32, #tpu.memory_space<vmem>> -> memref<128xi32, #tpu.memory_space<vmem>>
          %dma_start3A_169 = arith.constant 0 : i32
          %dma_start3A_170 = arith.constant 0 : i32
          %dma_start3A_171 = tpu.memref_slice %arg17[%dma_start3A_169, %dma_start3A_170] : memref<10000x8xf32, #tpu.memory_space<vmem_shared>> -> memref<10000x8xf32, #tpu.memory_space<vmem_shared>>
          tpu.enqueue_indirect_dma source(%arg14 : memref<128x8xf32, #tpu.memory_space<vmem>>) target(%dma_start3A_171 : memref<10000x8xf32, #tpu.memory_space<vmem_shared>>) offsets(%dma_start3A_168 : memref<128xi32, #tpu.memory_space<vmem>>) semaphore(%run_scoped3A : memref<!tpu.dma_semaphore, #tpu.memory_space<semaphore_mem>>) {add = true}
          %dma_wait3A_172 = arith.constant 0 : i32
          %dma_wait3A_173 = tpu.memref_slice %arg8[%add3A_134, %dma_wait3A_172] : memref<79x128xi32, #tpu.memory_space<vmem>> -> memref<1x128xi32, #tpu.memory_space<vmem>>
          %dma_wait3A_174 = tpu.memref_squeeze %dma_wait3A_173 : memref<1x128xi32, #tpu.memory_space<vmem>> -> memref<128xi32, #tpu.memory_space<vmem>>
          %dma_wait3A_175 = arith.constant 0 : i32
          %dma_wait3A_176 = arith.constant 0 : i32
          %dma_wait3A_177 = tpu.memref_slice %arg17[%dma_wait3A_175, %dma_wait3A_176] : memref<10000x8xf32, #tpu.memory_space<vmem_shared>> -> memref<10000x8xf32, #tpu.memory_space<vmem_shared>>
          tpu.wait_indirect_dma semaphore(%run_scoped3A : memref<!tpu.dma_semaphore, #tpu.memory_space<semaphore_mem>>) src(%arg14 : memref<128x8xf32, #tpu.memory_space<vmem>>) dst(%dma_wait3A_177 : memref<10000x8xf32, #tpu.memory_space<vmem_shared>>)
          tpu.yield
        }) : () -> ()
        %add3A_160 = arith.constant 8 : i32
        %add3A_161 = arith.addi %add3A_134, %add3A_160 : i32
        %lt3A_162 = arith.cmpi slt, %add3A_161, %select_n3A : i32
        %convert_element_type3A_163 = arith.extui %lt3A_162 : i1 to i32
        %cond3A_164 = arith.constant 0 : i32
        %cond3A_165 = arith.cmpi ne, %convert_element_type3A_163, %cond3A_164 : i32
        scf.if %cond3A_165 {
          %add3A_166 = arith.constant 8 : i32
          %add3A_167 = arith.addi %add3A_134, %add3A_166 : i32
          %dma_start3A_168 = arith.constant 0 : i32
          %dma_start3A_169 = tpu.memref_slice %arg7[%add3A_167, %dma_start3A_168] : memref<79x128xi32, #tpu.memory_space<vmem>> -> memref<1x128xi32, #tpu.memory_space<vmem>>
          %dma_start3A_170 = tpu.memref_squeeze %dma_start3A_169 : memref<1x128xi32, #tpu.memory_space<vmem>> -> memref<128xi32, #tpu.memory_space<vmem>>
          %dma_start3A_171 = arith.constant 0 : i32
          %dma_start3A_172 = arith.constant 0 : i32
          %dma_start3A_173 = tpu.memref_slice %arg2[%dma_start3A_171, %dma_start3A_172] : memref<10000x8xf32, #tpu.memory_space<hbm>> -> memref<10000x8xf32, #tpu.memory_space<hbm>>
          tpu.enqueue_indirect_dma source(%dma_start3A_173 : memref<10000x8xf32, #tpu.memory_space<hbm>>) target(%arg14 : memref<128x8xf32, #tpu.memory_space<vmem>>) offsets(%dma_start3A_170 : memref<128xi32, #tpu.memory_space<vmem>>) semaphore(%arg23 : memref<!tpu.dma_semaphore, #tpu.memory_space<semaphore_mem>>)
        } else {
        }
      } else {
      }
      %mul3A_139 = arith.constant 8 : i32
      %mul3A_140 = arith.muli %scan3A_90, %mul3A_139 : i32
      %add3A_141 = arith.constant 6 : i32
      %add3A_142 = arith.addi %mul3A_140, %add3A_141 : i32
      %lt3A_143 = arith.cmpi slt, %add3A_142, %select_n3A : i32
      %convert_element_type3A_144 = arith.extui %lt3A_143 : i1 to i32
      %cond3A_145 = arith.constant 0 : i32
      %cond3A_146 = arith.cmpi ne, %convert_element_type3A_144, %cond3A_145 : i32
      scf.if %cond3A_146 {
        %dma_wait3A = arith.constant 0 : i32
        %dma_wait3A_155 = tpu.memref_slice %arg7[%add3A_142, %dma_wait3A] : memref<79x128xi32, #tpu.memory_space<vmem>> -> memref<1x128xi32, #tpu.memory_space<vmem>>
        %dma_wait3A_156 = tpu.memref_squeeze %dma_wait3A_155 : memref<1x128xi32, #tpu.memory_space<vmem>> -> memref<128xi32, #tpu.memory_space<vmem>>
        %dma_wait3A_157 = arith.constant 0 : i32
        %dma_wait3A_158 = arith.constant 0 : i32
        %dma_wait3A_159 = tpu.memref_slice %arg2[%dma_wait3A_157, %dma_wait3A_158] : memref<10000x8xf32, #tpu.memory_space<hbm>> -> memref<10000x8xf32, #tpu.memory_space<hbm>>
        tpu.wait_indirect_dma semaphore(%arg24 : memref<!tpu.dma_semaphore, #tpu.memory_space<semaphore_mem>>) src(%dma_wait3A_159 : memref<10000x8xf32, #tpu.memory_space<hbm>>) dst(%arg15 : memref<128x8xf32, #tpu.memory_space<vmem>>)
        "tpu.region"() ({
          %run_scoped3A = tpu.sem_alloc : memref<!tpu.dma_semaphore, #tpu.memory_space<semaphore_mem>>
          %dma_start3A_166 = arith.constant 0 : i32
          %dma_start3A_167 = tpu.memref_slice %arg8[%add3A_142, %dma_start3A_166] : memref<79x128xi32, #tpu.memory_space<vmem>> -> memref<1x128xi32, #tpu.memory_space<vmem>>
          %dma_start3A_168 = tpu.memref_squeeze %dma_start3A_167 : memref<1x128xi32, #tpu.memory_space<vmem>> -> memref<128xi32, #tpu.memory_space<vmem>>
          %dma_start3A_169 = arith.constant 0 : i32
          %dma_start3A_170 = arith.constant 0 : i32
          %dma_start3A_171 = tpu.memref_slice %arg17[%dma_start3A_169, %dma_start3A_170] : memref<10000x8xf32, #tpu.memory_space<vmem_shared>> -> memref<10000x8xf32, #tpu.memory_space<vmem_shared>>
          tpu.enqueue_indirect_dma source(%arg15 : memref<128x8xf32, #tpu.memory_space<vmem>>) target(%dma_start3A_171 : memref<10000x8xf32, #tpu.memory_space<vmem_shared>>) offsets(%dma_start3A_168 : memref<128xi32, #tpu.memory_space<vmem>>) semaphore(%run_scoped3A : memref<!tpu.dma_semaphore, #tpu.memory_space<semaphore_mem>>) {add = true}
          %dma_wait3A_172 = arith.constant 0 : i32
          %dma_wait3A_173 = tpu.memref_slice %arg8[%add3A_142, %dma_wait3A_172] : memref<79x128xi32, #tpu.memory_space<vmem>> -> memref<1x128xi32, #tpu.memory_space<vmem>>
          %dma_wait3A_174 = tpu.memref_squeeze %dma_wait3A_173 : memref<1x128xi32, #tpu.memory_space<vmem>> -> memref<128xi32, #tpu.memory_space<vmem>>
          %dma_wait3A_175 = arith.constant 0 : i32
          %dma_wait3A_176 = arith.constant 0 : i32
          %dma_wait3A_177 = tpu.memref_slice %arg17[%dma_wait3A_175, %dma_wait3A_176] : memref<10000x8xf32, #tpu.memory_space<vmem_shared>> -> memref<10000x8xf32, #tpu.memory_space<vmem_shared>>
          tpu.wait_indirect_dma semaphore(%run_scoped3A : memref<!tpu.dma_semaphore, #tpu.memory_space<semaphore_mem>>) src(%arg15 : memref<128x8xf32, #tpu.memory_space<vmem>>) dst(%dma_wait3A_177 : memref<10000x8xf32, #tpu.memory_space<vmem_shared>>)
          tpu.yield
        }) : () -> ()
        %add3A_160 = arith.constant 8 : i32
        %add3A_161 = arith.addi %add3A_142, %add3A_160 : i32
        %lt3A_162 = arith.cmpi slt, %add3A_161, %select_n3A : i32
        %convert_element_type3A_163 = arith.extui %lt3A_162 : i1 to i32
        %cond3A_164 = arith.constant 0 : i32
        %cond3A_165 = arith.cmpi ne, %convert_element_type3A_163, %cond3A_164 : i32
        scf.if %cond3A_165 {
          %add3A_166 = arith.constant 8 : i32
          %add3A_167 = arith.addi %add3A_142, %add3A_166 : i32
          %dma_start3A_168 = arith.constant 0 : i32
          %dma_start3A_169 = tpu.memref_slice %arg7[%add3A_167, %dma_start3A_168] : memref<79x128xi32, #tpu.memory_space<vmem>> -> memref<1x128xi32, #tpu.memory_space<vmem>>
          %dma_start3A_170 = tpu.memref_squeeze %dma_start3A_169 : memref<1x128xi32, #tpu.memory_space<vmem>> -> memref<128xi32, #tpu.memory_space<vmem>>
          %dma_start3A_171 = arith.constant 0 : i32
          %dma_start3A_172 = arith.constant 0 : i32
          %dma_start3A_173 = tpu.memref_slice %arg2[%dma_start3A_171, %dma_start3A_172] : memref<10000x8xf32, #tpu.memory_space<hbm>> -> memref<10000x8xf32, #tpu.memory_space<hbm>>
          tpu.enqueue_indirect_dma source(%dma_start3A_173 : memref<10000x8xf32, #tpu.memory_space<hbm>>) target(%arg15 : memref<128x8xf32, #tpu.memory_space<vmem>>) offsets(%dma_start3A_170 : memref<128xi32, #tpu.memory_space<vmem>>) semaphore(%arg24 : memref<!tpu.dma_semaphore, #tpu.memory_space<semaphore_mem>>)
        } else {
        }
      } else {
      }
      %mul3A_147 = arith.constant 8 : i32
      %mul3A_148 = arith.muli %scan3A_90, %mul3A_147 : i32
      %add3A_149 = arith.constant 7 : i32
      %add3A_150 = arith.addi %mul3A_148, %add3A_149 : i32
      %lt3A_151 = arith.cmpi slt, %add3A_150, %select_n3A : i32
      %convert_element_type3A_152 = arith.extui %lt3A_151 : i1 to i32
      %cond3A_153 = arith.constant 0 : i32
      %cond3A_154 = arith.cmpi ne, %convert_element_type3A_152, %cond3A_153 : i32
      scf.if %cond3A_154 {
        %dma_wait3A = arith.constant 0 : i32
        %dma_wait3A_155 = tpu.memref_slice %arg7[%add3A_150, %dma_wait3A] : memref<79x128xi32, #tpu.memory_space<vmem>> -> memref<1x128xi32, #tpu.memory_space<vmem>>
        %dma_wait3A_156 = tpu.memref_squeeze %dma_wait3A_155 : memref<1x128xi32, #tpu.memory_space<vmem>> -> memref<128xi32, #tpu.memory_space<vmem>>
        %dma_wait3A_157 = arith.constant 0 : i32
        %dma_wait3A_158 = arith.constant 0 : i32
        %dma_wait3A_159 = tpu.memref_slice %arg2[%dma_wait3A_157, %dma_wait3A_158] : memref<10000x8xf32, #tpu.memory_space<hbm>> -> memref<10000x8xf32, #tpu.memory_space<hbm>>
        tpu.wait_indirect_dma semaphore(%arg25 : memref<!tpu.dma_semaphore, #tpu.memory_space<semaphore_mem>>) src(%dma_wait3A_159 : memref<10000x8xf32, #tpu.memory_space<hbm>>) dst(%arg16 : memref<128x8xf32, #tpu.memory_space<vmem>>)
        "tpu.region"() ({
          %run_scoped3A = tpu.sem_alloc : memref<!tpu.dma_semaphore, #tpu.memory_space<semaphore_mem>>
          %dma_start3A_166 = arith.constant 0 : i32
          %dma_start3A_167 = tpu.memref_slice %arg8[%add3A_150, %dma_start3A_166] : memref<79x128xi32, #tpu.memory_space<vmem>> -> memref<1x128xi32, #tpu.memory_space<vmem>>
          %dma_start3A_168 = tpu.memref_squeeze %dma_start3A_167 : memref<1x128xi32, #tpu.memory_space<vmem>> -> memref<128xi32, #tpu.memory_space<vmem>>
          %dma_start3A_169 = arith.constant 0 : i32
          %dma_start3A_170 = arith.constant 0 : i32
          %dma_start3A_171 = tpu.memref_slice %arg17[%dma_start3A_169, %dma_start3A_170] : memref<10000x8xf32, #tpu.memory_space<vmem_shared>> -> memref<10000x8xf32, #tpu.memory_space<vmem_shared>>
          tpu.enqueue_indirect_dma source(%arg16 : memref<128x8xf32, #tpu.memory_space<vmem>>) target(%dma_start3A_171 : memref<10000x8xf32, #tpu.memory_space<vmem_shared>>) offsets(%dma_start3A_168 : memref<128xi32, #tpu.memory_space<vmem>>) semaphore(%run_scoped3A : memref<!tpu.dma_semaphore, #tpu.memory_space<semaphore_mem>>) {add = true}
          %dma_wait3A_172 = arith.constant 0 : i32
          %dma_wait3A_173 = tpu.memref_slice %arg8[%add3A_150, %dma_wait3A_172] : memref<79x128xi32, #tpu.memory_space<vmem>> -> memref<1x128xi32, #tpu.memory_space<vmem>>
          %dma_wait3A_174 = tpu.memref_squeeze %dma_wait3A_173 : memref<1x128xi32, #tpu.memory_space<vmem>> -> memref<128xi32, #tpu.memory_space<vmem>>
          %dma_wait3A_175 = arith.constant 0 : i32
          %dma_wait3A_176 = arith.constant 0 : i32
          %dma_wait3A_177 = tpu.memref_slice %arg17[%dma_wait3A_175, %dma_wait3A_176] : memref<10000x8xf32, #tpu.memory_space<vmem_shared>> -> memref<10000x8xf32, #tpu.memory_space<vmem_shared>>
          tpu.wait_indirect_dma semaphore(%run_scoped3A : memref<!tpu.dma_semaphore, #tpu.memory_space<semaphore_mem>>) src(%arg16 : memref<128x8xf32, #tpu.memory_space<vmem>>) dst(%dma_wait3A_177 : memref<10000x8xf32, #tpu.memory_space<vmem_shared>>)
          tpu.yield
        }) : () -> ()
        %add3A_160 = arith.constant 8 : i32
        %add3A_161 = arith.addi %add3A_150, %add3A_160 : i32
        %lt3A_162 = arith.cmpi slt, %add3A_161, %select_n3A : i32
        %convert_element_type3A_163 = arith.extui %lt3A_162 : i1 to i32
        %cond3A_164 = arith.constant 0 : i32
        %cond3A_165 = arith.cmpi ne, %convert_element_type3A_163, %cond3A_164 : i32
        scf.if %cond3A_165 {
          %add3A_166 = arith.constant 8 : i32
          %add3A_167 = arith.addi %add3A_150, %add3A_166 : i32
          %dma_start3A_168 = arith.constant 0 : i32
          %dma_start3A_169 = tpu.memref_slice %arg7[%add3A_167, %dma_start3A_168] : memref<79x128xi32, #tpu.memory_space<vmem>> -> memref<1x128xi32, #tpu.memory_space<vmem>>
          %dma_start3A_170 = tpu.memref_squeeze %dma_start3A_169 : memref<1x128xi32, #tpu.memory_space<vmem>> -> memref<128xi32, #tpu.memory_space<vmem>>
          %dma_start3A_171 = arith.constant 0 : i32
          %dma_start3A_172 = arith.constant 0 : i32
          %dma_start3A_173 = tpu.memref_slice %arg2[%dma_start3A_171, %dma_start3A_172] : memref<10000x8xf32, #tpu.memory_space<hbm>> -> memref<10000x8xf32, #tpu.memory_space<hbm>>
          tpu.enqueue_indirect_dma source(%dma_start3A_173 : memref<10000x8xf32, #tpu.memory_space<hbm>>) target(%arg16 : memref<128x8xf32, #tpu.memory_space<vmem>>) offsets(%dma_start3A_170 : memref<128xi32, #tpu.memory_space<vmem>>) semaphore(%arg25 : memref<!tpu.dma_semaphore, #tpu.memory_space<semaphore_mem>>)
        } else {
        }
      } else {
      }
    }
    %scan3A_78 = arith.constant 10 : i32
    %barrier3A_79 = arith.constant 0 : index
    tpu.barrier barrier_id(%barrier3A_79)
    %lt3A_80 = arith.constant 15 : i32
    %lt3A_81 = arith.cmpi slt, %arg1, %lt3A_80 : i32
    %convert_element_type3A_82 = arith.extui %lt3A_81 : i1 to i32
    %cond3A_83 = arith.constant 0 : i32
    %cond3A_84 = arith.cmpi ne, %convert_element_type3A_82, %cond3A_83 : i32
    scf.if %cond3A_84 {
      %mul3A_90 = arith.constant 624 : i32
      %mul3A_91 = arith.muli %arg1, %mul3A_90 : i32
      %mul3A_92 = arith.constant 624 : i32
      %mul3A_93 = arith.muli %arg1, %mul3A_92 : i32
      "tpu.region"() ({
        %run_scoped3A = tpu.sem_alloc : memref<!tpu.dma_semaphore, #tpu.memory_space<semaphore_mem>>
        %dma_start3A_94 = arith.constant 0 : i32
        %dma_start3A_95 = tpu.memref_slice %arg6[%arg0, %mul3A_93, %dma_start3A_94] : memref<2x10000x8xf32, #tpu.memory_space<hbm>> -> memref<1x624x8xf32, #tpu.memory_space<hbm>>
        %dma_start3A_96 = tpu.memref_squeeze %dma_start3A_95 : memref<1x624x8xf32, #tpu.memory_space<hbm>> -> memref<624x8xf32, #tpu.memory_space<hbm>>
        %dma_start3A_97 = arith.constant 0 : i32
        %dma_start3A_98 = tpu.memref_slice %arg17[%mul3A_91, %dma_start3A_97] : memref<10000x8xf32, #tpu.memory_space<vmem_shared>> -> memref<624x8xf32, #tpu.memory_space<vmem_shared>>
        tpu.enqueue_dma source(%dma_start3A_98 : memref<624x8xf32, #tpu.memory_space<vmem_shared>>) target(%dma_start3A_96 : memref<624x8xf32, #tpu.memory_space<hbm>>) target_semaphore(%run_scoped3A : memref<!tpu.dma_semaphore, #tpu.memory_space<semaphore_mem>>)
        %dma_wait3A = arith.constant 0 : i32
        %dma_wait3A_99 = tpu.memref_slice %arg6[%arg0, %mul3A_93, %dma_wait3A] : memref<2x10000x8xf32, #tpu.memory_space<hbm>> -> memref<1x624x8xf32, #tpu.memory_space<hbm>>
        %dma_wait3A_100 = tpu.memref_squeeze %dma_wait3A_99 : memref<1x624x8xf32, #tpu.memory_space<hbm>> -> memref<624x8xf32, #tpu.memory_space<hbm>>
        %dma_wait3A_101 = arith.constant 0 : i32
        %dma_wait3A_102 = tpu.memref_slice %arg17[%mul3A_91, %dma_wait3A_101] : memref<10000x8xf32, #tpu.memory_space<vmem_shared>> -> memref<624x8xf32, #tpu.memory_space<vmem_shared>>
        tpu.wait_dma2 semaphore(%run_scoped3A : memref<!tpu.dma_semaphore, #tpu.memory_space<semaphore_mem>>) src(%dma_wait3A_102 : memref<624x8xf32, #tpu.memory_space<vmem_shared>>) dst(%dma_wait3A_100 : memref<624x8xf32, #tpu.memory_space<hbm>>)
        tpu.yield
      }) : () -> ()
    } else {
    }
    %eq3A_85 = arith.constant 15 : i32
    %eq3A_86 = arith.cmpi eq, %arg1, %eq3A_85 : i32
    %convert_element_type3A_87 = arith.extui %eq3A_86 : i1 to i32
    %cond3A_88 = arith.constant 0 : i32
    %cond3A_89 = arith.cmpi ne, %convert_element_type3A_87, %cond3A_88 : i32
    scf.if %cond3A_89 {
      "tpu.region"() ({
        %run_scoped3A = tpu.sem_alloc : memref<!tpu.dma_semaphore, #tpu.memory_space<semaphore_mem>>
        %dma_start3A_90 = arith.constant 9360 : i32
        %dma_start3A_91 = arith.constant 0 : i32
        %dma_start3A_92 = tpu.memref_slice %arg6[%arg0, %dma_start3A_90, %dma_start3A_91] : memref<2x10000x8xf32, #tpu.memory_space<hbm>> -> memref<1x640x8xf32, #tpu.memory_space<hbm>>
        %dma_start3A_93 = tpu.memref_squeeze %dma_start3A_92 : memref<1x640x8xf32, #tpu.memory_space<hbm>> -> memref<640x8xf32, #tpu.memory_space<hbm>>
        %dma_start3A_94 = arith.constant 9360 : i32
        %dma_start3A_95 = arith.constant 0 : i32
        %dma_start3A_96 = tpu.memref_slice %arg17[%dma_start3A_94, %dma_start3A_95] : memref<10000x8xf32, #tpu.memory_space<vmem_shared>> -> memref<640x8xf32, #tpu.memory_space<vmem_shared>>
        tpu.enqueue_dma source(%dma_start3A_96 : memref<640x8xf32, #tpu.memory_space<vmem_shared>>) target(%dma_start3A_93 : memref<640x8xf32, #tpu.memory_space<hbm>>) target_semaphore(%run_scoped3A : memref<!tpu.dma_semaphore, #tpu.memory_space<semaphore_mem>>)
        %dma_wait3A = arith.constant 9360 : i32
        %dma_wait3A_97 = arith.constant 0 : i32
        %dma_wait3A_98 = tpu.memref_slice %arg6[%arg0, %dma_wait3A, %dma_wait3A_97] : memref<2x10000x8xf32, #tpu.memory_space<hbm>> -> memref<1x640x8xf32, #tpu.memory_space<hbm>>
        %dma_wait3A_99 = tpu.memref_squeeze %dma_wait3A_98 : memref<1x640x8xf32, #tpu.memory_space<hbm>> -> memref<640x8xf32, #tpu.memory_space<hbm>>
        %dma_wait3A_100 = arith.constant 9360 : i32
        %dma_wait3A_101 = arith.constant 0 : i32
        %dma_wait3A_102 = tpu.memref_slice %arg17[%dma_wait3A_100, %dma_wait3A_101] : memref<10000x8xf32, #tpu.memory_space<vmem_shared>> -> memref<640x8xf32, #tpu.memory_space<vmem_shared>>
        tpu.wait_dma2 semaphore(%run_scoped3A : memref<!tpu.dma_semaphore, #tpu.memory_space<semaphore_mem>>) src(%dma_wait3A_102 : memref<640x8xf32, #tpu.memory_space<vmem_shared>>) dst(%dma_wait3A_99 : memref<640x8xf32, #tpu.memory_space<hbm>>)
        tpu.yield
      }) : () -> ()
    } else {
    }
    return
  }
}

module attributes {stable_mosaic.version = 14 : i64} {
  func.func @_k1a_body(%arg0: memref<10000x128xf32, #tpu.memory_space<vmem>>, %arg1: memref<128x64xf32, #tpu.memory_space<vmem>>, %arg2: memref<10000x64xf32, #tpu.memory_space<vmem>>) attributes {dimension_semantics = [], scalar_prefetch = 0 : i64, scratch_operands = 0 : i64, tpu.core_type = #tpu.core_type<tc>} {
    %get3A = arith.constant 0 : index
    %get3A_0 = arith.constant 0 : index
    %get3A_1 = vector.load %arg0[%get3A, %get3A_0] : memref<10000x128xf32, #tpu.memory_space<vmem>>, vector<10000x128xf32>
    %get3A_2 = arith.constant 0 : index
    %get3A_3 = arith.constant 0 : index
    %get3A_4 = vector.load %arg1[%get3A_2, %get3A_3] : memref<128x64xf32, #tpu.memory_space<vmem>>, vector<128x64xf32>
    %dot_general3A = arith.constant dense<0.000000e+00> : vector<10000x64xf32>
    %dot_general3A_5 = tpu.matmul %get3A_1, %get3A_4, %dot_general3A {dimension_numbers = #tpu.dot_dimension_numbers<[1], [0], [0], [1], [0, 0, 1, 1], [], []>, transpose_lhs_hint = false} : vector<10000x128xf32>, vector<128x64xf32>, vector<10000x64xf32> -> vector<10000x64xf32>
    %swap3A = arith.constant 0 : index
    %swap3A_6 = arith.constant 0 : index
    %swap3A_7 = vector.load %arg2[%swap3A, %swap3A_6] : memref<10000x64xf32, #tpu.memory_space<vmem>>, vector<10000x64xf32>
    tpu.vector_store %arg2[%swap3A, %swap3A_6], %dot_general3A_5 {strides = array<i32>} : memref<10000x64xf32, #tpu.memory_space<vmem>>, vector<10000x64xf32>,
    return
  }
}

module attributes {stable_mosaic.version = 14 : i64} {
  func.func @_k1b_body(%arg0: memref<10000x64xf32, #tpu.memory_space<vmem>>, %arg1: memref<10000x8xf32, #tpu.memory_space<vmem>>, %arg2: memref<10000x8xf32, #tpu.memory_space<vmem>>, %arg3: memref<10000x64xf32, #tpu.memory_space<vmem>>, %arg4: memref<10000x1xf32, #tpu.memory_space<vmem>>) attributes {dimension_semantics = [], scalar_prefetch = 0 : i64, scratch_operands = 0 : i64, tpu.core_type = #tpu.core_type<tc>} {
    %get3A = arith.constant 0 : index
    %get3A_0 = arith.constant 0 : index
    %get3A_1 = vector.load %arg1[%get3A, %get3A_0] : memref<10000x8xf32, #tpu.memory_space<vmem>>, vector<10000x8xf32>
    %slice3A = vector.extract_strided_slice %get3A_1 {offsets = [0, 0], sizes = [10000, 1], strides = [1, 1]} : vector<10000x8xf32> to vector<10000x1xf32>
    %get3A_2 = arith.constant 0 : index
    %get3A_3 = arith.constant 0 : index
    %get3A_4 = vector.load %arg2[%get3A_2, %get3A_3] : memref<10000x8xf32, #tpu.memory_space<vmem>>, vector<10000x8xf32>
    %slice3A_5 = vector.extract_strided_slice %get3A_4 {offsets = [0, 0], sizes = [10000, 1], strides = [1, 1]} : vector<10000x8xf32> to vector<10000x1xf32>
    %add3A = arith.addf %slice3A, %slice3A_5 : vector<10000x1xf32>
    %add3A_6 = arith.constant 1.000000e+00 : f32
    %add3A_7 = vector.broadcast %add3A_6 : f32 to vector<10000x1xf32>
    %add3A_8 = arith.addf %add3A, %add3A_7 : vector<10000x1xf32>
    %rsqrt3A = math.rsqrt %add3A_8 : vector<10000x1xf32>
    %get3A_9 = arith.constant 0 : index
    %get3A_10 = arith.constant 0 : index
    %get3A_11 = vector.load %arg0[%get3A_9, %get3A_10] : memref<10000x64xf32, #tpu.memory_space<vmem>>, vector<10000x64xf32>
    %mul3A = vector.broadcast %rsqrt3A : vector<10000x1xf32> to vector<10000x64xf32>
    %mul3A_12 = arith.mulf %get3A_11, %mul3A : vector<10000x64xf32>
    %swap3A = arith.constant 0 : index
    %swap3A_13 = arith.constant 0 : index
    %swap3A_14 = vector.load %arg3[%swap3A, %swap3A_13] : memref<10000x64xf32, #tpu.memory_space<vmem>>, vector<10000x64xf32>
    tpu.vector_store %arg3[%swap3A, %swap3A_13], %mul3A_12 {strides = array<i32>} : memref<10000x64xf32, #tpu.memory_space<vmem>>, vector<10000x64xf32>,
    %swap3A_15 = arith.constant 0 : index
    %swap3A_16 = arith.constant 0 : index
    %swap3A_17 = vector.load %arg4[%swap3A_15, %swap3A_16] : memref<10000x1xf32, #tpu.memory_space<vmem>>, vector<10000x1xf32>
    tpu.vector_store %arg4[%swap3A_15, %swap3A_16], %rsqrt3A {strides = array<i32>} : memref<10000x1xf32, #tpu.memory_space<vmem>>, vector<10000x1xf32>,
    return
  }
}

module attributes {stable_mosaic.version = 14 : i64} {
  func.func @_klayer_body(%arg0: memref<10000x64xf32, #tpu.memory_space<vmem>>, %arg1: memref<10000x64xf32, #tpu.memory_space<vmem>>, %arg2: memref<10000x64xf32, #tpu.memory_space<vmem>>, %arg3: memref<10000x1xf32, #tpu.memory_space<vmem>>, %arg4: memref<1x64xf32, #tpu.memory_space<vmem>>, %arg5: memref<1x64xf32, #tpu.memory_space<vmem>>, %arg6: memref<1x64xf32, #tpu.memory_space<vmem>>, %arg7: memref<1x64xf32, #tpu.memory_space<vmem>>, %arg8: memref<64x64xf32, #tpu.memory_space<vmem>>, %arg9: memref<10000x64xf32, #tpu.memory_space<vmem>>) attributes {dimension_semantics = [], scalar_prefetch = 0 : i64, scratch_operands = 0 : i64, tpu.core_type = #tpu.core_type<tc>} {
    %get3A = arith.constant 0 : index
    %get3A_0 = arith.constant 0 : index
    %get3A_1 = vector.load %arg3[%get3A, %get3A_0] : memref<10000x1xf32, #tpu.memory_space<vmem>>, vector<10000x1xf32>
    %get3A_2 = arith.constant 0 : index
    %get3A_3 = arith.constant 0 : index
    %get3A_4 = vector.load %arg0[%get3A_2, %get3A_3] : memref<10000x64xf32, #tpu.memory_space<vmem>>, vector<10000x64xf32>
    %get3A_5 = arith.constant 0 : index
    %get3A_6 = arith.constant 0 : index
    %get3A_7 = vector.load %arg1[%get3A_5, %get3A_6] : memref<10000x64xf32, #tpu.memory_space<vmem>>, vector<10000x64xf32>
    %add3A = arith.addf %get3A_4, %get3A_7 : vector<10000x64xf32>
    %get3A_8 = arith.constant 0 : index
    %get3A_9 = arith.constant 0 : index
    %get3A_10 = vector.load %arg2[%get3A_8, %get3A_9] : memref<10000x64xf32, #tpu.memory_space<vmem>>, vector<10000x64xf32>
    %add3A_11 = arith.addf %add3A, %get3A_10 : vector<10000x64xf32>
    %mul3A = vector.broadcast %get3A_1 : vector<10000x1xf32> to vector<10000x64xf32>
    %mul3A_12 = arith.mulf %add3A_11, %mul3A : vector<10000x64xf32>
    %get3A_13 = arith.constant 0 : index
    %get3A_14 = arith.constant 0 : index
    %get3A_15 = vector.load %arg4[%get3A_13, %get3A_14] : memref<1x64xf32, #tpu.memory_space<vmem>>, vector<1x64xf32>
    %add3A_16 = vector.broadcast %get3A_15 : vector<1x64xf32> to vector<10000x64xf32>
    %add3A_17 = arith.addf %mul3A_12, %add3A_16 : vector<10000x64xf32>
    %get3A_18 = arith.constant 0 : index
    %get3A_19 = arith.constant 0 : index
    %get3A_20 = vector.load %arg5[%get3A_18, %get3A_19] : memref<1x64xf32, #tpu.memory_space<vmem>>, vector<1x64xf32>
    %get3A_21 = arith.constant 0 : index
    %get3A_22 = arith.constant 0 : index
    %get3A_23 = vector.load %arg6[%get3A_21, %get3A_22] : memref<1x64xf32, #tpu.memory_space<vmem>>, vector<1x64xf32>
    %reduce_sum3A = arith.constant dense<0.000000e+00> : vector<64xf32>
    %reduce_sum3A_24 = vector.multi_reduction <add>, %add3A_17, %reduce_sum3A [0] : vector<10000x64xf32> to vector<64xf32>
    %broadcast_in_dim3A = vector.shape_cast %reduce_sum3A_24 : vector<64xf32> to vector<1x64xf32>
    %div3A = arith.constant 1.000000e+04 : f32
    %div3A_25 = vector.broadcast %div3A : f32 to vector<1x64xf32>
    %div3A_26 = arith.divf %broadcast_in_dim3A, %div3A_25 : vector<1x64xf32>
    %mul3A_27 = arith.mulf %add3A_17, %add3A_17 : vector<10000x64xf32>
    %reduce_sum3A_28 = arith.constant dense<0.000000e+00> : vector<64xf32>
    %reduce_sum3A_29 = vector.multi_reduction <add>, %mul3A_27, %reduce_sum3A_28 [0] : vector<10000x64xf32> to vector<64xf32>
    %broadcast_in_dim3A_30 = vector.shape_cast %reduce_sum3A_29 : vector<64xf32> to vector<1x64xf32>
    %div3A_31 = arith.constant 1.000000e+04 : f32
    %div3A_32 = vector.broadcast %div3A_31 : f32 to vector<1x64xf32>
    %div3A_33 = arith.divf %broadcast_in_dim3A_30, %div3A_32 : vector<1x64xf32>
    %mul3A_34 = arith.mulf %div3A_26, %div3A_26 : vector<1x64xf32>
    %sub3A = arith.subf %div3A_33, %mul3A_34 : vector<1x64xf32>
    %max3A = arith.constant 0.000000e+00 : f32
    %max3A_35 = vector.broadcast %max3A : f32 to vector<1x64xf32>
    %max3A_36 = arith.maximumf %sub3A, %max3A_35 : vector<1x64xf32>
    %add3A_37 = arith.constant 9.99999974E-6 : f32
    %add3A_38 = vector.broadcast %add3A_37 : f32 to vector<1x64xf32>
    %add3A_39 = arith.addf %max3A_36, %add3A_38 : vector<1x64xf32>
    %rsqrt3A = math.rsqrt %add3A_39 : vector<1x64xf32>
    %mul3A_40 = arith.mulf %get3A_20, %rsqrt3A : vector<1x64xf32>
    %mul3A_41 = arith.mulf %mul3A_40, %mul3A_40 : vector<1x64xf32>
    %mul3A_42 = arith.mulf %mul3A_41, %max3A_36 : vector<1x64xf32>
    %add3A_43 = arith.constant 9.99999974E-6 : f32
    %add3A_44 = vector.broadcast %add3A_43 : f32 to vector<1x64xf32>
    %add3A_45 = arith.addf %mul3A_42, %add3A_44 : vector<1x64xf32>
    %rsqrt3A_46 = math.rsqrt %add3A_45 : vector<1x64xf32>
    %mul3A_47 = arith.mulf %mul3A_40, %rsqrt3A_46 : vector<1x64xf32>
    %mul3A_48 = arith.mulf %mul3A_47, %mul3A_47 : vector<1x64xf32>
    %mul3A_49 = arith.mulf %mul3A_48, %max3A_36 : vector<1x64xf32>
    %reduce_sum3A_50 = vector.shape_cast %mul3A_49 : vector<1x64xf32> to vector<1x1x64xf32>
    %reduce_sum3A_51 = arith.constant dense<0.000000e+00> : vector<1xf32>
    %reduce_sum3A_52 = vector.multi_reduction <add>, %reduce_sum3A_50, %reduce_sum3A_51 [1, 2] : vector<1x1x64xf32> to vector<1xf32>
    %reduce_sum3A_53 = vector.shape_cast %reduce_sum3A_52 : vector<1xf32> to vector<1x1x1xf32>
    %reduce_sum3A_54 = vector.extract %reduce_sum3A_53[0, 0, 0] : f32 from vector<1x1x1xf32>
    %div3A_55 = arith.constant 6.400000e+01 : f32
    %div3A_56 = arith.divf %reduce_sum3A_54, %div3A_55 : f32
    %mul3A_57 = arith.mulf %mul3A_47, %get3A_23 : vector<1x64xf32>
    %add3A_58 = arith.constant 9.99999974E-6 : f32
    %add3A_59 = arith.addf %div3A_56, %add3A_58 : f32
    %rsqrt3A_60 = math.rsqrt %add3A_59 : f32
    %mul3A_61 = vector.broadcast %rsqrt3A_60 : f32 to vector<1x64xf32>
    %mul3A_62 = arith.mulf %mul3A_57, %mul3A_61 : vector<1x64xf32>
    %sub3A_63 = vector.broadcast %div3A_26 : vector<1x64xf32> to vector<10000x64xf32>
    %sub3A_64 = arith.subf %add3A_17, %sub3A_63 : vector<10000x64xf32>
    %mul3A_65 = vector.broadcast %mul3A_62 : vector<1x64xf32> to vector<10000x64xf32>
    %mul3A_66 = arith.mulf %mul3A_65, %sub3A_64 : vector<10000x64xf32>
    %get3A_67 = arith.constant 0 : index
    %get3A_68 = arith.constant 0 : index
    %get3A_69 = vector.load %arg7[%get3A_67, %get3A_68] : memref<1x64xf32, #tpu.memory_space<vmem>>, vector<1x64xf32>
    %add3A_70 = vector.broadcast %get3A_69 : vector<1x64xf32> to vector<10000x64xf32>
    %add3A_71 = arith.addf %mul3A_66, %add3A_70 : vector<10000x64xf32>
    %max3A_72 = arith.constant 0.000000e+00 : f32
    %max3A_73 = vector.broadcast %max3A_72 : f32 to vector<10000x64xf32>
    %max3A_74 = arith.maximumf %add3A_71, %max3A_73 : vector<10000x64xf32>
    %get3A_75 = arith.constant 0 : index
    %get3A_76 = arith.constant 0 : index
    %get3A_77 = vector.load %arg8[%get3A_75, %get3A_76] : memref<64x64xf32, #tpu.memory_space<vmem>>, vector<64x64xf32>
    %dot_general3A = arith.constant dense<0.000000e+00> : vector<10000x64xf32>
    %dot_general3A_78 = tpu.matmul %max3A_74, %get3A_77, %dot_general3A {dimension_numbers = #tpu.dot_dimension_numbers<[1], [0], [0], [1], [0, 0, 1, 1], [], []>, transpose_lhs_hint = false} : vector<10000x64xf32>, vector<64x64xf32>, vector<10000x64xf32> -> vector<10000x64xf32>
    %mul3A_79 = vector.broadcast %get3A_1 : vector<10000x1xf32> to vector<10000x64xf32>
    %mul3A_80 = arith.mulf %dot_general3A_78, %mul3A_79 : vector<10000x64xf32>
    %swap3A = arith.constant 0 : index
    %swap3A_81 = arith.constant 0 : index
    %swap3A_82 = vector.load %arg9[%swap3A, %swap3A_81] : memref<10000x64xf32, #tpu.memory_space<vmem>>, vector<10000x64xf32>
    tpu.vector_store %arg9[%swap3A, %swap3A_81], %mul3A_80 {strides = array<i32>} : memref<10000x64xf32, #tpu.memory_space<vmem>>, vector<10000x64xf32>,
    return
  }
}

module attributes {stable_mosaic.version = 14 : i64} {
  func.func @_klayer_body(%arg0: memref<10000x64xf32, #tpu.memory_space<vmem>>, %arg1: memref<10000x64xf32, #tpu.memory_space<vmem>>, %arg2: memref<10000x64xf32, #tpu.memory_space<vmem>>, %arg3: memref<10000x1xf32, #tpu.memory_space<vmem>>, %arg4: memref<1x64xf32, #tpu.memory_space<vmem>>, %arg5: memref<1x64xf32, #tpu.memory_space<vmem>>, %arg6: memref<1x64xf32, #tpu.memory_space<vmem>>, %arg7: memref<1x64xf32, #tpu.memory_space<vmem>>, %arg8: memref<64x1xf32, #tpu.memory_space<vmem>>, %arg9: memref<10000x8xf32, #tpu.memory_space<vmem>>) attributes {dimension_semantics = [], scalar_prefetch = 0 : i64, scratch_operands = 0 : i64, tpu.core_type = #tpu.core_type<tc>} {
    %get3A = arith.constant 0 : index
    %get3A_0 = arith.constant 0 : index
    %get3A_1 = vector.load %arg3[%get3A, %get3A_0] : memref<10000x1xf32, #tpu.memory_space<vmem>>, vector<10000x1xf32>
    %get3A_2 = arith.constant 0 : index
    %get3A_3 = arith.constant 0 : index
    %get3A_4 = vector.load %arg0[%get3A_2, %get3A_3] : memref<10000x64xf32, #tpu.memory_space<vmem>>, vector<10000x64xf32>
    %get3A_5 = arith.constant 0 : index
    %get3A_6 = arith.constant 0 : index
    %get3A_7 = vector.load %arg1[%get3A_5, %get3A_6] : memref<10000x64xf32, #tpu.memory_space<vmem>>, vector<10000x64xf32>
    %add3A = arith.addf %get3A_4, %get3A_7 : vector<10000x64xf32>
    %get3A_8 = arith.constant 0 : index
    %get3A_9 = arith.constant 0 : index
    %get3A_10 = vector.load %arg2[%get3A_8, %get3A_9] : memref<10000x64xf32, #tpu.memory_space<vmem>>, vector<10000x64xf32>
    %add3A_11 = arith.addf %add3A, %get3A_10 : vector<10000x64xf32>
    %mul3A = vector.broadcast %get3A_1 : vector<10000x1xf32> to vector<10000x64xf32>
    %mul3A_12 = arith.mulf %add3A_11, %mul3A : vector<10000x64xf32>
    %get3A_13 = arith.constant 0 : index
    %get3A_14 = arith.constant 0 : index
    %get3A_15 = vector.load %arg4[%get3A_13, %get3A_14] : memref<1x64xf32, #tpu.memory_space<vmem>>, vector<1x64xf32>
    %add3A_16 = vector.broadcast %get3A_15 : vector<1x64xf32> to vector<10000x64xf32>
    %add3A_17 = arith.addf %mul3A_12, %add3A_16 : vector<10000x64xf32>
    %get3A_18 = arith.constant 0 : index
    %get3A_19 = arith.constant 0 : index
    %get3A_20 = vector.load %arg5[%get3A_18, %get3A_19] : memref<1x64xf32, #tpu.memory_space<vmem>>, vector<1x64xf32>
    %get3A_21 = arith.constant 0 : index
    %get3A_22 = arith.constant 0 : index
    %get3A_23 = vector.load %arg6[%get3A_21, %get3A_22] : memref<1x64xf32, #tpu.memory_space<vmem>>, vector<1x64xf32>
    %reduce_sum3A = arith.constant dense<0.000000e+00> : vector<64xf32>
    %reduce_sum3A_24 = vector.multi_reduction <add>, %add3A_17, %reduce_sum3A [0] : vector<10000x64xf32> to vector<64xf32>
    %broadcast_in_dim3A = vector.shape_cast %reduce_sum3A_24 : vector<64xf32> to vector<1x64xf32>
    %div3A = arith.constant 1.000000e+04 : f32
    %div3A_25 = vector.broadcast %div3A : f32 to vector<1x64xf32>
    %div3A_26 = arith.divf %broadcast_in_dim3A, %div3A_25 : vector<1x64xf32>
    %mul3A_27 = arith.mulf %add3A_17, %add3A_17 : vector<10000x64xf32>
    %reduce_sum3A_28 = arith.constant dense<0.000000e+00> : vector<64xf32>
    %reduce_sum3A_29 = vector.multi_reduction <add>, %mul3A_27, %reduce_sum3A_28 [0] : vector<10000x64xf32> to vector<64xf32>
    %broadcast_in_dim3A_30 = vector.shape_cast %reduce_sum3A_29 : vector<64xf32> to vector<1x64xf32>
    %div3A_31 = arith.constant 1.000000e+04 : f32
    %div3A_32 = vector.broadcast %div3A_31 : f32 to vector<1x64xf32>
    %div3A_33 = arith.divf %broadcast_in_dim3A_30, %div3A_32 : vector<1x64xf32>
    %mul3A_34 = arith.mulf %div3A_26, %div3A_26 : vector<1x64xf32>
    %sub3A = arith.subf %div3A_33, %mul3A_34 : vector<1x64xf32>
    %max3A = arith.constant 0.000000e+00 : f32
    %max3A_35 = vector.broadcast %max3A : f32 to vector<1x64xf32>
    %max3A_36 = arith.maximumf %sub3A, %max3A_35 : vector<1x64xf32>
    %add3A_37 = arith.constant 9.99999974E-6 : f32
    %add3A_38 = vector.broadcast %add3A_37 : f32 to vector<1x64xf32>
    %add3A_39 = arith.addf %max3A_36, %add3A_38 : vector<1x64xf32>
    %rsqrt3A = math.rsqrt %add3A_39 : vector<1x64xf32>
    %mul3A_40 = arith.mulf %get3A_20, %rsqrt3A : vector<1x64xf32>
    %mul3A_41 = arith.mulf %mul3A_40, %mul3A_40 : vector<1x64xf32>
    %mul3A_42 = arith.mulf %mul3A_41, %max3A_36 : vector<1x64xf32>
    %add3A_43 = arith.constant 9.99999974E-6 : f32
    %add3A_44 = vector.broadcast %add3A_43 : f32 to vector<1x64xf32>
    %add3A_45 = arith.addf %mul3A_42, %add3A_44 : vector<1x64xf32>
    %rsqrt3A_46 = math.rsqrt %add3A_45 : vector<1x64xf32>
    %mul3A_47 = arith.mulf %mul3A_40, %rsqrt3A_46 : vector<1x64xf32>
    %mul3A_48 = arith.mulf %mul3A_47, %mul3A_47 : vector<1x64xf32>
    %mul3A_49 = arith.mulf %mul3A_48, %max3A_36 : vector<1x64xf32>
    %reduce_sum3A_50 = vector.shape_cast %mul3A_49 : vector<1x64xf32> to vector<1x1x64xf32>
    %reduce_sum3A_51 = arith.constant dense<0.000000e+00> : vector<1xf32>
    %reduce_sum3A_52 = vector.multi_reduction <add>, %reduce_sum3A_50, %reduce_sum3A_51 [1, 2] : vector<1x1x64xf32> to vector<1xf32>
    %reduce_sum3A_53 = vector.shape_cast %reduce_sum3A_52 : vector<1xf32> to vector<1x1x1xf32>
    %reduce_sum3A_54 = vector.extract %reduce_sum3A_53[0, 0, 0] : f32 from vector<1x1x1xf32>
    %div3A_55 = arith.constant 6.400000e+01 : f32
    %div3A_56 = arith.divf %reduce_sum3A_54, %div3A_55 : f32
    %mul3A_57 = arith.mulf %mul3A_47, %get3A_23 : vector<1x64xf32>
    %add3A_58 = arith.constant 9.99999974E-6 : f32
    %add3A_59 = arith.addf %div3A_56, %add3A_58 : f32
    %rsqrt3A_60 = math.rsqrt %add3A_59 : f32
    %mul3A_61 = vector.broadcast %rsqrt3A_60 : f32 to vector<1x64xf32>
    %mul3A_62 = arith.mulf %mul3A_57, %mul3A_61 : vector<1x64xf32>
    %sub3A_63 = vector.broadcast %div3A_26 : vector<1x64xf32> to vector<10000x64xf32>
    %sub3A_64 = arith.subf %add3A_17, %sub3A_63 : vector<10000x64xf32>
    %mul3A_65 = vector.broadcast %mul3A_62 : vector<1x64xf32> to vector<10000x64xf32>
    %mul3A_66 = arith.mulf %mul3A_65, %sub3A_64 : vector<10000x64xf32>
    %get3A_67 = arith.constant 0 : index
    %get3A_68 = arith.constant 0 : index
    %get3A_69 = vector.load %arg7[%get3A_67, %get3A_68] : memref<1x64xf32, #tpu.memory_space<vmem>>, vector<1x64xf32>
    %add3A_70 = vector.broadcast %get3A_69 : vector<1x64xf32> to vector<10000x64xf32>
    %add3A_71 = arith.addf %mul3A_66, %add3A_70 : vector<10000x64xf32>
    %max3A_72 = arith.constant 0.000000e+00 : f32
    %max3A_73 = vector.broadcast %max3A_72 : f32 to vector<10000x64xf32>
    %max3A_74 = arith.maximumf %add3A_71, %max3A_73 : vector<10000x64xf32>
    %get3A_75 = arith.constant 0 : index
    %get3A_76 = arith.constant 0 : index
    %get3A_77 = vector.load %arg8[%get3A_75, %get3A_76] : memref<64x1xf32, #tpu.memory_space<vmem>>, vector<64x1xf32>
    %dot_general3A = arith.constant dense<0.000000e+00> : vector<10000x1xf32>
    %dot_general3A_78 = tpu.matmul %max3A_74, %get3A_77, %dot_general3A {dimension_numbers = #tpu.dot_dimension_numbers<[1], [0], [0], [1], [0, 0, 1, 1], [], []>, transpose_lhs_hint = false} : vector<10000x64xf32>, vector<64x1xf32>, vector<10000x1xf32> -> vector<10000x1xf32>
    %mul3A_79 = arith.mulf %dot_general3A_78, %get3A_1 : vector<10000x1xf32>
    %broadcast_in_dim3A_80 = vector.shape_cast %mul3A_79 : vector<10000x1xf32> to vector<10000x1xf32>
    %broadcast_in_dim3A_81 = vector.broadcast %broadcast_in_dim3A_80 : vector<10000x1xf32> to vector<10000x8xf32>
    %swap3A = arith.constant 0 : index
    %swap3A_82 = arith.constant 0 : index
    %swap3A_83 = vector.load %arg9[%swap3A, %swap3A_82] : memref<10000x8xf32, #tpu.memory_space<vmem>>, vector<10000x8xf32>
    tpu.vector_store %arg9[%swap3A, %swap3A_82], %broadcast_in_dim3A_81 {strides = array<i32>} : memref<10000x8xf32, #tpu.memory_space<vmem>>, vector<10000x8xf32>,
    return
  }
}

module attributes {stable_mosaic.version = 14 : i64} {
  func.func @_kfinal_body(%arg0: memref<80x125xf32, #tpu.memory_space<vmem>>, %arg1: memref<80x125xf32, #tpu.memory_space<vmem>>, %arg2: memref<80x125xf32, #tpu.memory_space<vmem>>, %arg3: memref<80x125xf32, #tpu.memory_space<vmem>>, %arg4: memref<1x1xf32, #tpu.memory_space<vmem>>, %arg5: memref<1x1xf32, #tpu.memory_space<vmem>>, %arg6: memref<1x1xf32, #tpu.memory_space<vmem>>, %arg7: memref<1x1xf32, #tpu.memory_space<vmem>>, %arg8: memref<80x125xf32, #tpu.memory_space<vmem>>) attributes {dimension_semantics = [], scalar_prefetch = 0 : i64, scratch_operands = 0 : i64, tpu.core_type = #tpu.core_type<tc>} {
    %get3A = arith.constant 0 : index
    %get3A_0 = arith.constant 0 : index
    %get3A_1 = vector.load %arg0[%get3A, %get3A_0] : memref<80x125xf32, #tpu.memory_space<vmem>>, vector<80x125xf32>
    %get3A_2 = arith.constant 0 : index
    %get3A_3 = arith.constant 0 : index
    %get3A_4 = vector.load %arg1[%get3A_2, %get3A_3] : memref<80x125xf32, #tpu.memory_space<vmem>>, vector<80x125xf32>
    %add3A = arith.addf %get3A_1, %get3A_4 : vector<80x125xf32>
    %get3A_5 = arith.constant 0 : index
    %get3A_6 = arith.constant 0 : index
    %get3A_7 = vector.load %arg2[%get3A_5, %get3A_6] : memref<80x125xf32, #tpu.memory_space<vmem>>, vector<80x125xf32>
    %add3A_8 = arith.addf %add3A, %get3A_7 : vector<80x125xf32>
    %get3A_9 = arith.constant 0 : index
    %get3A_10 = arith.constant 0 : index
    %get3A_11 = vector.load %arg3[%get3A_9, %get3A_10] : memref<80x125xf32, #tpu.memory_space<vmem>>, vector<80x125xf32>
    %mul3A = arith.mulf %add3A_8, %get3A_11 : vector<80x125xf32>
    %get3A_12 = arith.constant 0 : index
    %get3A_13 = arith.constant 0 : index
    %get3A_14 = vector.load %arg4[%get3A_12, %get3A_13] : memref<1x1xf32, #tpu.memory_space<vmem>>, vector<1x1xf32>
    %get3A_15 = vector.extract %get3A_14[0, 0] : f32 from vector<1x1xf32>
    %add3A_16 = vector.broadcast %get3A_15 : f32 to vector<80x125xf32>
    %add3A_17 = arith.addf %mul3A, %add3A_16 : vector<80x125xf32>
    %reduce_sum3A = vector.shape_cast %add3A_17 : vector<80x125xf32> to vector<1x80x125xf32>
    %reduce_sum3A_18 = arith.constant dense<0.000000e+00> : vector<1xf32>
    %reduce_sum3A_19 = vector.multi_reduction <add>, %reduce_sum3A, %reduce_sum3A_18 [1, 2] : vector<1x80x125xf32> to vector<1xf32>
    %reduce_sum3A_20 = vector.shape_cast %reduce_sum3A_19 : vector<1xf32> to vector<1x1x1xf32>
    %reduce_sum3A_21 = vector.extract %reduce_sum3A_20[0, 0, 0] : f32 from vector<1x1x1xf32>
    %div3A = arith.constant 1.000000e+04 : f32
    %div3A_22 = arith.divf %reduce_sum3A_21, %div3A : f32
    %mul3A_23 = arith.mulf %add3A_17, %add3A_17 : vector<80x125xf32>
    %reduce_sum3A_24 = vector.shape_cast %mul3A_23 : vector<80x125xf32> to vector<1x80x125xf32>
    %reduce_sum3A_25 = arith.constant dense<0.000000e+00> : vector<1xf32>
    %reduce_sum3A_26 = vector.multi_reduction <add>, %reduce_sum3A_24, %reduce_sum3A_25 [1, 2] : vector<1x80x125xf32> to vector<1xf32>
    %reduce_sum3A_27 = vector.shape_cast %reduce_sum3A_26 : vector<1xf32> to vector<1x1x1xf32>
    %reduce_sum3A_28 = vector.extract %reduce_sum3A_27[0, 0, 0] : f32 from vector<1x1x1xf32>
    %div3A_29 = arith.constant 1.000000e+04 : f32
    %div3A_30 = arith.divf %reduce_sum3A_28, %div3A_29 : f32
    %mul3A_31 = arith.mulf %div3A_22, %div3A_22 : f32
    %sub3A = arith.subf %div3A_30, %mul3A_31 : f32
    %max3A = arith.constant 0.000000e+00 : f32
    %max3A_32 = arith.maximumf %sub3A, %max3A : f32
    %get3A_33 = arith.constant 0 : index
    %get3A_34 = arith.constant 0 : index
    %get3A_35 = vector.load %arg5[%get3A_33, %get3A_34] : memref<1x1xf32, #tpu.memory_space<vmem>>, vector<1x1xf32>
    %get3A_36 = vector.extract %get3A_35[0, 0] : f32 from vector<1x1xf32>
    %add3A_37 = arith.constant 9.99999974E-6 : f32
    %add3A_38 = arith.addf %max3A_32, %add3A_37 : f32
    %rsqrt3A = math.rsqrt %add3A_38 : f32
    %mul3A_39 = arith.mulf %get3A_36, %rsqrt3A : f32
    %mul3A_40 = arith.mulf %mul3A_39, %mul3A_39 : f32
    %mul3A_41 = arith.mulf %mul3A_40, %max3A_32 : f32
    %add3A_42 = arith.constant 9.99999974E-6 : f32
    %add3A_43 = arith.addf %mul3A_41, %add3A_42 : f32
    %rsqrt3A_44 = math.rsqrt %add3A_43 : f32
    %mul3A_45 = arith.mulf %mul3A_39, %rsqrt3A_44 : f32
    %get3A_46 = arith.constant 0 : index
    %get3A_47 = arith.constant 0 : index
    %get3A_48 = vector.load %arg6[%get3A_46, %get3A_47] : memref<1x1xf32, #tpu.memory_space<vmem>>, vector<1x1xf32>
    %get3A_49 = vector.extract %get3A_48[0, 0] : f32 from vector<1x1xf32>
    %mul3A_50 = arith.mulf %mul3A_45, %get3A_49 : f32
    %mul3A_51 = arith.mulf %mul3A_45, %mul3A_45 : f32
    %mul3A_52 = arith.mulf %mul3A_51, %max3A_32 : f32
    %add3A_53 = arith.constant 9.99999974E-6 : f32
    %add3A_54 = arith.addf %mul3A_52, %add3A_53 : f32
    %rsqrt3A_55 = math.rsqrt %add3A_54 : f32
    %mul3A_56 = arith.mulf %mul3A_50, %rsqrt3A_55 : f32
    %sub3A_57 = vector.broadcast %div3A_22 : f32 to vector<80x125xf32>
    %sub3A_58 = arith.subf %add3A_17, %sub3A_57 : vector<80x125xf32>
    %mul3A_59 = vector.broadcast %mul3A_56 : f32 to vector<80x125xf32>
    %mul3A_60 = arith.mulf %mul3A_59, %sub3A_58 : vector<80x125xf32>
    %get3A_61 = arith.constant 0 : index
    %get3A_62 = arith.constant 0 : index
    %get3A_63 = vector.load %arg7[%get3A_61, %get3A_62] : memref<1x1xf32, #tpu.memory_space<vmem>>, vector<1x1xf32>
    %get3A_64 = vector.extract %get3A_63[0, 0] : f32 from vector<1x1xf32>
    %add3A_65 = vector.broadcast %get3A_64 : f32 to vector<80x125xf32>
    %add3A_66 = arith.addf %mul3A_60, %add3A_65 : vector<80x125xf32>
    %swap3A = arith.constant 0 : index
    %swap3A_67 = arith.constant 0 : index
    %swap3A_68 = vector.load %arg8[%swap3A, %swap3A_67] : memref<80x125xf32, #tpu.memory_space<vmem>>, vector<80x125xf32>
    tpu.vector_store %arg8[%swap3A, %swap3A_67], %add3A_66 {strides = array<i32>} : memref<80x125xf32, #tpu.memory_space<vmem>>, vector<80x125xf32>,
    return
  }
}

</mosaic_0001>

<sc_bundles>
// kernel: kernel.11.cloned.1.call-start
scs
__scs_entry_jumppad:
0x0: {  	(pc) =	sbr.rel $0x88, $3  }
0x1: {  	(tag) =	ssettag $0x0;
	lr =	simm.s32 $0x1  }
0x2: {  	[smem:$0x3F90] =	sst lr;
	_ =	strace $0xD0000000  }
0x3: {  	_ = 	snop  }
0x4: {  	_ = 	snop  }
0x5: {  	_ = 	snop  }
0x6: {  	_ = 	snop  }
0x7: {  	_ = 	snop  }
__scs_overlays_trampoline_lowered:
0x8: {  	[smem:$0x3F9F] =	sst s0  }
0x9: {  	[smem:$0x3FA0] =	sst s1  }
0xa: {  	[smem:$0x3FA1] =	sst s2  }
0xb: {  	[smem:$0x3FA2] =	sst s3  }
0xc: {  	[smem:$0x3FA3] =	sst s4  }
0xd: {  	[smem:$0x3FA4] =	sst s5  }
0xe: {  	[smem:$0x3FA5] =	sst s6  }
0xf: {  	[smem:$0x3FA6] =	sst s7  }
0x10: {  	[smem:$0x3FA7] =	sst s8  }
0x11: {  	[smem:$0x3FA8] =	sst s9;
	s0 =	simm.s32 @!p0 $0x0  }
0x12: {  	s1 =	sld [smem:$0x3F8E];
	s0 =	simm.s32 @p0 $0x1  }
0x13: {  	[smem:$0x3FA9] =	sst s0;
	s0 =	simm.s32 @!p1 $0x0  }
0x14: {  	s2 =	sld [smem:$0x3F8D];
	s0 =	simm.s32 @p1 $0x1  }
0x15: {  	[smem:$0x3FAA] =	sst s0;
	s0 =	simm.s32 @!p2 $0x0  }
0x16: {  	s3 =	sld [smem:$0x3FDB];
	s0 =	simm.s32 @p2 $0x1  }
0x17: {  	s4 =	simm.s32 $0x1BF5;
	[smem:$0x3FAC] =	sst s0  }
0x18: {  	s0 =	sld [smem:$0x3F8F];
	_ =	swait.ge [sflag:s4], $0x0  }
0x19: {  	s7 =	sld [smem:$0x3F90]  }
0x1a: {  	s8 =	sadd.s32 $0xFFFFE003, lr  }
0x1b: {  	s9 =	sadd.s32 $0xFFFFFEF7, lr;
	s5 =	simm.s32 $0xFFFFFFFF;
	p2 =	slt.u32 s8, $0xFFFFF086  }
0x1c: {  	p1 =	slt.u32 s9, $0xF7A;
	s5 =	simm.s32 @!p2 $0x0  }
0x1d: {  	s5 =	simm.s32 @p1 $0x1;
	p0 =	seq.s32 s7, s2  }
0x1e: {  	s7 =	smul.u32 @!p0 $0xF7A, s2;
	p2 =	seq.s32 @!p0 s5, $0x0  }
0x1f: {  	s9 =	smul.u32 $0xF7A, s1;
	s8 =	simm.s32 @!p0 $0x1BF5;
	p2 =	por !p2, p0  }
0x20: {  	[sflag:s8] =	ssyncset.s32 @!p0 $0xFFFFF086;
	s6 =	sadd.s32 @!p0 s3, s7;
	s7 =	simm.s32 @!p0 $0x108  }
0x21: {  	s3 =	sadd.s32 s3, s9;
	s6 =	sadd.s32 @!p0 $0x88, s6;
	s7 =	simm.s32 @p2 $0x1082  }
0x22: {  	[simem:s7], [sflag:s8] =	dma.local @!p0 [hbm:s6], $0xF7A  }
0x23: {  	s9 =	sor.u32 $0xD0000000, s2;
	s6 =	simm.s32 $0x108;
	_ =	swait.ge @!p0 [sflag:s8], $0x0  }
0x24: {  	s3 =	sadd.s32 $0x88, s3;
	s6 =	simm.s32 @!p1 $0x1082;
	[sflag:s4] =	ssyncset.s32 $0xFFFFF086  }
0x25: {  	[simem:s6], [sflag:s4] =	dma.local [hbm:s3], $0xF7A  }
0x26: {  	[smem:$0x3F90] =	sst s1;
	(tag) =	ssettag s2;
	_ =	strace s9  }
0x27: {  	s1 =	sld [smem:$0x3FA0]  }
0x28: {  	s2 =	sld [smem:$0x3FA1]  }
0x29: {  	s4 =	sld [smem:$0x3FA3]  }
0x2a: {  	p0 =	seq.s32 s5, $0x0;
	s5 =	sld [smem:$0x3FA4]  }
0x2b: {  	s6 =	sld [smem:$0x3FA5]  }
0x2c: {  	s7 =	sld [smem:$0x3FA6]  }
0x2d: {  	s3 =	simm.s32 $0x108;
	s8 =	sld [smem:$0x3FA7]  }
0x2e: {  	s3 =	simm.s32 @!p0 $0x1082;
	s9 =	sld [smem:$0x3FA8]  }
0x2f: {  	lr =	sadd.s32 s0, s3;
	s0 =	sld [smem:$0x3F9F]  }
0x30: {  	s3 =	sld [smem:$0x3FA2]  }
0x31: {  	[smem:$0x3FAB] =	sst s10  }
0x32: {  	s10 =	sld [smem:$0x3FA9];
	_ =	sdelay $0x3  }
0x33: {  	p0 =	seq.s32 s10, $0x1;
	s10 =	sld [smem:$0x3FAB];
	_ =	sdelay $0x3  }
0x34: {  	[smem:$0x3FAB] =	sst s10  }
0x35: {  	s10 =	sld [smem:$0x3FAA];
	_ =	sdelay $0x3  }
0x36: {  	p1 =	seq.s32 s10, $0x1;
	s10 =	sld [smem:$0x3FAB];
	_ =	sdelay $0x3  }
0x37: {  	[smem:$0x3FAB] =	sst s10  }
0x38: {  	s10 =	sld [smem:$0x3FAC]  }
0x39: {  	_ = 	snop;
	(pc) =	sbr.ind lr, $3  }
0x3a: {  	_ = 	snop  }
0x3b: {  	_ = 	snop  }
0x3c: {  	p2 =	seq.s32 s10, $0x1;
	s10 =	sld [smem:$0x3FAB]  }
0x3d: {  	_ =	shalt  }
0x3e: {  	_ =	shalt  }
0x3f: {  	_ =	shalt  }
0x40: {  	_ =	shalt  }
0x41: {  	_ =	shalt  }
0x42: {  	_ =	shalt  }
0x43: {  	_ =	shalt  }
0x44: {  	_ =	shalt  }
0x45: {  	_ =	shalt  }
0x46: {  	_ =	shalt  }
0x47: {  	_ =	shalt  }
0x48: {  	_ =	shalt  }
0x49: {  	_ =	shalt  }
0x4a: {  	_ =	shalt  }
0x4b: {  	_ =	shalt  }
0x4c: {  	_ =	shalt  }
0x4d: {  	_ =	shalt  }
0x4e: {  	_ =	shalt  }
0x4f: {  	_ =	shalt  }
0x50: {  	_ =	shalt  }
0x51: {  	_ =	shalt  }
0x52: {  	_ =	shalt  }
0x53: {  	_ =	shalt  }
0x54: {  	_ =	shalt  }
0x55: {  	_ =	shalt  }
0x56: {  	_ =	shalt  }
0x57: {  	_ =	shalt  }
0x58: {  	_ =	shalt  }
0x59: {  	_ =	shalt  }
0x5a: {  	_ =	shalt  }
0x5b: {  	_ =	shalt  }
0x5c: {  	_ =	shalt  }
0x5d: {  	_ =	shalt  }
0x5e: {  	_ =	shalt  }
0x5f: {  	_ =	shalt  }
0x60: {  	_ =	shalt  }
0x61: {  	_ =	shalt  }
0x62: {  	_ =	shalt  }
0x63: {  	_ =	shalt  }
0x64: {  	_ =	shalt  }
0x65: {  	_ =	shalt  }
0x66: {  	_ =	shalt  }
0x67: {  	_ =	shalt  }
0x68: {  	_ =	shalt  }
0x69: {  	_ =	shalt  }
0x6a: {  	_ =	shalt  }
0x6b: {  	_ =	shalt  }
0x6c: {  	_ =	shalt  }
0x6d: {  	_ =	shalt  }
0x6e: {  	_ =	shalt  }
0x6f: {  	_ =	shalt  }
0x70: {  	_ =	shalt  }
0x71: {  	_ =	shalt  }
0x72: {  	_ =	shalt  }
0x73: {  	_ =	shalt  }
0x74: {  	_ =	shalt  }
0x75: {  	_ =	shalt  }
0x76: {  	_ =	shalt  }
0x77: {  	_ =	shalt  }
0x78: {  	_ =	shalt  }
0x79: {  	_ =	shalt  }
0x7a: {  	_ =	shalt  }
0x7b: {  	_ =	shalt  }
0x7c: {  	_ =	shalt  }
0x7d: {  	_ =	shalt  }
0x7e: {  	_ =	shalt  }
0x7f: {  	_ =	shalt  }
0x80: {  	_ =	shalt  }
0x81: {  	_ =	shalt  }
0x82: {  	_ =	shalt  }
0x83: {  	_ =	shalt  }
0x84: {  	_ =	shalt  }
0x85: {  	_ =	shalt  }
0x86: {  	_ =	shalt  }
0x87: {  	_ =	shalt  }
.Lfunc_end0:
.L_simem_size_0:
called_computation_lowered:
.L_overlay_start_0:
0x88: {  	s2 =	sld [smem:$0x3FD9]  }
0x89: {  	s3 =	sld [smem:$0x3FFE];
	_ =	sdelay $0x1  }
0x8a: {  	s1 =	srdreg.scid  }
0x8b: {  	s0 =	sand.u32 $0x1, s1  }
0x8c: {  	s17 =	sshll.u32 s0, $0xA;
	s2 =	sadd.s32 s3, s2  }
0x8d: {  	s2 =	sadd.s32 s2, s17  }
0x8e: {  	[smem:$0x3FB7] =	sst s2  }
0x8f: {  	_ = 	snop  }
0x90: {  	s2 =	sld [smem:$0x3FD0];
	(tm) =	ssettm $0x1  }
0x91: {  	s18 =	sld [smem:$0x3FFB];
	_ =	sdelay $0x3  }
0x92: {  	_ =	strace s18  }
0x93: {  	s3 =	sld [smem:$0x3FFC];
	_ =	sdelay $0x3  }
0x94: {  	_ =	strace s3  }
0x95: {  	s3 =	sld [smem:$0x3FFD];
	_ =	sdelay $0x3  }
0x96: {  	_ =	strace s3  }
0x97: {  	_ =	strace $0x8FFFFFFF  }
0x98: {  	s19 =	sld [smem:$0x3FDB];
	_ =	sdelay $0x1  }
0x99: {  	s4 =	simm.s32 $_scs_section_size  }
0x9a: {  	s5 =	simm.s32 $_size__tile_overlayer_lowered;
	s6 =	simm.s32 $_tile_overlayer_lowered  }
0x9b: {  	s22 =	simm.s32 $0x1BFF;
	s21 =	sshll.u32 s6, $0x1;
	s3 =	sadd.s32 s4, s19  }
0x9c: {  	s7 =	simm.s32 $0x0;
	s20 =	sshll.u32 s5, $0x1;
	s5 =	sadd.s32 s21, s3  }
0x9d: {  	[timem:s7], [sflag:s22] =	dma.local [hbm:s5], s20  }
0x9e: {  	_ =	swait.ge [sflag:s22], s20  }
0x9f: {  	s4 =	ssub.s32 $0x0, s20;
	[sflag:s22] =	ssyncset.done $0x0  }
0xa0: {  	[sflag:s22] =	ssyncadd.s32 s4;
	_ =	sdelay $0x1  }
0xa1: {  	s23 =	simm.s32 $0x1B8B  }
0xa2: {  	_ =	swait.ge [sflag:s23], $0x1  }
0xa3: {  	[sflag:s23] =	ssyncset.done $0x0  }
0xa4: {  	s25 =	simm.s32 $0x1B8E;
	s24 =	sld [smem:$0x3FFE];
	[sflag:s23] =	ssyncadd.s32 $0xFFFFFFFF  }
0xa5: {  	s26 =	simm.s32 $execute0_lowered;
	[smem:$0x3FD2] =	sst s25  }
0xa6: {  	s5 =	sshll.u32 s26, $0x1;
	_ =	strace $0x80000046;
	[dreg:$0x1] =	wrdreg $0xFFFFFFFF  }
0xa7: {  	s28 =	simm.s32 $_size_execute0_lowered;
	s3 =	sadd.s32 s3, s5;
	[dreg:$0x0] =	wrdreg $0x0  }
0xa8: {  	s5 =	sshll.u32 s28, $0x1;
	[dreg:$0x2] =	wrdreg s3  }
0xa9: {  	[dreg:$0x3] =	wrdreg s5  }
0xaa: {  	[dreg:$0x4] =	wrdreg $0xC0  }
0xab: {  	_ =	task [dreg:s7], $0x5FFFF  }
0xac: {  	[dreg:$0x1] =	wrdreg $0xFFFFFFFF  }
0xad: {  	[dreg:$0x0] =	wrdreg $0x60  }
0xae: {  	[dreg:$0x2] =	wrdreg s2  }
0xaf: {  	[dreg:$0x3] =	wrdreg s24  }
0xb0: {  	[dreg:$0x4] =	wrdreg $0x2B800  }
0xb1: {  	[dreg:$0x5] =	wrdreg $0x9  }
0xb2: {  	_ =	task.clear_ibuf [dreg:s7], $0x6FFFF;
	_ =	strace $0x90000046  }
0xb3: {  	s29 =	simm.s32 $0x9;
	_ =	strace $0x80000048  }
0xb4: {  	_ =	swait.ge [sflag:s29], $0x1  }
0xb5: {  	[sflag:s29] =	ssyncadd.s32 $0xFFFFFFFF  }
0xb6: {  	_ =	strace $0x90000048  }
0xb7: {  	_ =	sfence  }
0xb8: {  	s30 =	sld [smem:$0x0];
	_ =	sdelay $0x2  }
0xb9: {  	s31 =	sshll.u32 s1, $0xD;
	s1 =	sshrl.u32 s1, $0x2  }
0xba: {  	s3 =	sand.u32 $0x4000, s31;
	s1 =	sadd.s32 s1, s30  }
0xbb: {  	s0 =	sor.u32 s3, s0;
	s1 =	sshll.u32 s1, $0x11  }
0xbc: {  	s0 =	sor.u32 s1, s0  }
0xbd: {  	s0 =	sadd.s32 $0x8F2B, s0  }
0xbe: {  	[sflag:s0] =	ssyncadd.remote.s32 $0x1  }
0xbf: {  	_ =	sfence.sel $0xFFFF  }
0xc0: {  	[dreg:$0x0] =	wrdreg $0xFFFFFFFF;
	(pc) =	sbr.abs _section_cstart, $3  }
0xc1: {  	[dreg:$0x1] =	wrdreg $0xFFFFFFFF  }
0xc2: {  	_ =	task.clear_ibuf [dreg:s7], $0x2FFFF;
	_ =	strace $0x9FFFFFFF  }
0xc3: {  	(tm) =	ssettm $0x7FFFFFFF  }
tec
execute0_lowered:
.L_overlay_start_1:
0x0: {  	(tag) =	ssettag $0x1  }
0x1: {  	s0 =	rddreg [dreg:$0x1]  }
0x2: {  	s3 =	rddreg [dreg:$0x2];
	s4 =	simm.s32 $0x0  }
0x3: {  	s13 =	stileid.u32;
	s2 =	srdreg.scid;
	s16 =	simm.s32 $0x2780  }
0x4: {  	s17 =	simm.s32 $0x80;
	s28 =	simm.s32 $0x4;
	s29 =	simm.s32 $0x5  }
0x5: {  	s30 =	simm.s32 $0x6;
	s31 =	simm.s32 $0x7;
	[smem:$0x7FF] =	sst s4  }
0x6: {  	s1 =	smul.u32 $0x1380, s13;
	s5 =	sadd.s32 $0xBA00, s0;
	s2 =	sand.u32 $0x1, s2  }
0x7: {  	s9 =	sadd.s32 $0x18000, s0;
	s12 =	sadd.s32 $0x12480, s3;
	s24 =	sshll.u32 s13, $0x4  }
0x8: {  	p0 =	seq.s32 s13, $0xF;
	_ =	strace $0x80000047;
	s7 =	ssub.s32 $0x2, s2  }
0x9: {  	s8 =	sshll.u32 s2, $0x4;
	s2 =	smul.u32 $0x13880, s2;
	s12 =	sshrl.u32 @p0 s12, $0x3  }
0xa: {  	s6 =	sshrl.u32 s1, $0x3;
	s10 =	sshrl.u32 s7, $0x1;
	s15 =	sor.u32 s13, s8  }
0xb: {  	s14 =	sadd.s32 s1, s3;
	s6 =	sadd.s32 s6, s0;
	s11 =	ssub.s32 s7, s10  }
0xc: {  	s23 =	smul.u32 $0x4E0, s15;
	s1 =	sadd.s32 s1, s2;
	s2 =	sshrl.u32 s2, $0x3  }
0xd: {  	s14 =	sshrl.u32 @!p0 s14, $0x3;
	p1 =	sgt.u32 s15, $0x3;
	s15 =	simm.s32 $0x9  }
0xe: {  	s6 =	sadd.s32 $0x15800, s6;
	s25 =	sshrl.u32 s1, $0x3;
	s26 =	sadd.s32 s9, s2  }
0xf: {  	s11 =	smax.u32 s11, $0x1;
	s2 =	simm.s32 $0x0;
	[dreg:$0x4] =	wrdreg s6  }
0x10: {  	s6 =	sadd.s32 $0x17C90, s0;
	s7 =	sadd.s32 s5, s23;
	s0 =	sadd.s32 s24, s5  }
0x11: {  	s9 =	sadd.s32 s9, s25;
	s10 =	sadd.s32 $0x2490, s26;
	s24 =	simm.s32 $0x1  }
0x12: {  	s25 =	simm.s32 $0x2;
	s8 =	sadd.s32 $0x9C00, s0;
	s0 =	sshll.u32 @!p0 s13, $0x6  }
0x13: {  	s26 =	simm.s32 $0x3;
	s13 =	sor.u32 @!p0 $0x1C09, s0;
	s0 =	simm.s32 $0x8  }
.LBB2_1:
0x14: {  	s1 =	simm.s32 @p0 $0x1FC9  }
0x15: {  	[spmem:s12], [sflag:s1] =	dma.local @p0 [hbm:s6], $0x280  }
0x16: {  	s1 =	simm.s32 @p0 $0x9  }
0x17: {  	_ =	swait.ge @p0 [sflag:s1], $0x280  }
0x18: {  	[sflag:s1] =	ssyncset.done @p0 $0x0  }
0x19: {  	[sflag:s1] =	ssyncadd.s32 @p0 $0xFFFFFD80;
	s1 =	rddreg [dreg:$0x4]  }
0x1a: {  	[spmem:s14], [sflag:s13] =	dma.local @!p0 [hbm:s1], $0x270  }
0x1b: {  	s1 =	simm.s32 @!p0 $0x9  }
0x1c: {  	_ =	swait.ge @!p0 [sflag:s1], $0x270  }
0x1d: {  	[sflag:s1] =	ssyncset.done @!p0 $0x0  }
0x1e: {  	[sflag:s1] =	ssyncadd.s32 @!p0 $0xFFFFFD90  }
0x1f: {  	[tilespmem:s4], [sflag:$0x9] =	stream.linear.gather [hbm4b:s7+s4], $0x2700, $0x38;
	[tilespmem:$0x3F08] =	vst v63  }
0x20: {  	_ =	swait.ge [sflag:s15], $0x2700  }
0x21: {  	[sflag:s15] =	ssyncset.done $0x0  }
0x22: {  	s5 =	simm.s32 @!p1 $0x2700;
	s1 =	simm.s32 @!p1 $0x0;
	[sflag:s15] =	ssyncadd.s32 $0xFFFFD900  }
0x23: {  	[tilespmem:s5], [sflag:$0x9] =	stream.linear.gather @!p1 [hbm4b:s8+s1], $0x80, $0x38;
	[tilespmem:$0x3F08] =	vst v63  }
0x24: {  	s1 =	simm.s32 @!p1 $0x9  }
0x25: {  	_ =	swait.ge @!p1 [sflag:s1], $0x80  }
0x26: {  	[sflag:s1] =	ssyncset.done @!p1 $0x0  }
0x27: {  	[sflag:s1] =	ssyncadd.s32 @!p1 $0xFFFFFF80  }
0x28: {  	s1 =	rddreg [dreg:$0x0]  }
0x29: {  	[tilespmem:s16], [sflag:$0x9] =	stream.linear.gather [hbm4b:s1+s4], $0x400, $0x38;
	[tilespmem:$0x3F08] =	vst v63  }
0x2a: {  	_ =	swait.ge [sflag:s15], $0x400  }
0x2b: {  	[sflag:s15] =	ssyncset.done $0x0  }
0x2c: {  	[sflag:s15] =	ssyncadd.s32 $0xFFFFFC00  }
0x2d: {  	[bflag:$0x0] =	sbarrier.arrive $0xFFFF  }
0x2e: {  	[spmem:s3] =	stream.indirect.scatter.add.f32 [tilespmem:s16], [sflag:$0x1], $0x8, s4, s17, $0xb8;
	[tilespmem:$0x3F08] =	vst v63  }
0x2f: {  	_ = 	snop  }
0x30: {  	[spmem:s3] =	stream.indirect.scatter.add.f32 [tilespmem:s16], [sflag:$0x2], $0x8, s17, s17, $0xb8;
	[tilespmem:$0x3F08] =	vst v63  }
0x31: {  	s19 =	simm.s32 $0x100  }
0x32: {  	[spmem:s3] =	stream.indirect.scatter.add.f32 [tilespmem:s16], [sflag:$0x3], $0x8, s19, s17, $0xb8;
	[tilespmem:$0x3F08] =	vst v63  }
0x33: {  	s20 =	simm.s32 $0x180  }
0x34: {  	[spmem:s3] =	stream.indirect.scatter.add.f32 [tilespmem:s16], [sflag:$0x4], $0x8, s20, s17, $0xb8;
	[tilespmem:$0x3F08] =	vst v63  }
0x35: {  	s21 =	simm.s32 $0x200  }
0x36: {  	[spmem:s3] =	stream.indirect.scatter.add.f32 [tilespmem:s16], [sflag:$0x5], $0x8, s21, s17, $0xb8;
	[tilespmem:$0x3F08] =	vst v63  }
0x37: {  	s22 =	simm.s32 $0x280  }
0x38: {  	[spmem:s3] =	stream.indirect.scatter.add.f32 [tilespmem:s16], [sflag:$0x6], $0x8, s22, s17, $0xb8;
	[tilespmem:$0x3F08] =	vst v63  }
0x39: {  	s23 =	simm.s32 $0x300  }
0x3a: {  	[spmem:s3] =	stream.indirect.scatter.add.f32 [tilespmem:s16], [sflag:$0x7], $0x8, s23, s17, $0xb8;
	[tilespmem:$0x3F08] =	vst v63  }
0x3b: {  	s5 =	simm.s32 $0x380  }
0x3c: {  	[spmem:s3] =	stream.indirect.scatter.add.f32 [tilespmem:s16], [sflag:$0x8], $0x8, s5, s17, $0xb8;
	[tilespmem:$0x3F08] =	vst v63  }
0x3d: {  	_ =	swait.ge [sflag:s24], $0x400  }
0x3e: {  	[sflag:s24] =	ssyncset.done $0x0  }
0x3f: {  	s18 =	simm.s32 $0x400;
	[sflag:s24] =	ssyncadd.s32 $0xFFFFFC00  }
0x40: {  	[spmem:s3] =	stream.indirect.scatter.add.f32 [tilespmem:s16], [sflag:$0x1], $0x8, s18, s17, $0xb8;
	[tilespmem:$0x3F08] =	vst v63  }
0x41: {  	_ =	swait.ge [sflag:s25], $0x400  }
0x42: {  	[sflag:s25] =	ssyncset.done $0x0  }
0x43: {  	s19 =	simm.s32 $0x480;
	[sflag:s25] =	ssyncadd.s32 $0xFFFFFC00  }
0x44: {  	[spmem:s3] =	stream.indirect.scatter.add.f32 [tilespmem:s16], [sflag:$0x2], $0x8, s19, s17, $0xb8;
	[tilespmem:$0x3F08] =	vst v63  }
0x45: {  	_ =	swait.ge [sflag:s26], $0x400  }
0x46: {  	[sflag:s26] =	ssyncset.done $0x0  }
0x47: {  	s20 =	simm.s32 $0x500;
	[sflag:s26] =	ssyncadd.s32 $0xFFFFFC00  }
0x48: {  	[spmem:s3] =	stream.indirect.scatter.add.f32 [tilespmem:s16], [sflag:$0x3], $0x8, s20, s17, $0xb8;
	[tilespmem:$0x3F08] =	vst v63  }
0x49: {  	_ =	swait.ge [sflag:s28], $0x400  }
0x4a: {  	[sflag:s28] =	ssyncset.done $0x0  }
0x4b: {  	s21 =	simm.s32 $0x580;
	[sflag:s28] =	ssyncadd.s32 $0xFFFFFC00  }
0x4c: {  	[spmem:s3] =	stream.indirect.scatter.add.f32 [tilespmem:s16], [sflag:$0x4], $0x8, s21, s17, $0xb8;
	[tilespmem:$0x3F08] =	vst v63  }
0x4d: {  	_ =	swait.ge [sflag:s29], $0x400  }
0x4e: {  	[sflag:s29] =	ssyncset.done $0x0  }
0x4f: {  	s1 =	simm.s32 @!p1 $0x4F;
	s22 =	simm.s32 $0x600;
	[sflag:s29] =	ssyncadd.s32 $0xFFFFFC00  }
0x50: {  	[spmem:s3] =	stream.indirect.scatter.add.f32 [tilespmem:s16], [sflag:$0x5], $0x8, s22, s17, $0xb8;
	[tilespmem:$0x3F08] =	vst v63  }
0x51: {  	s1 =	simm.s32 @p1 $0x4E;
	_ =	swait.ge [sflag:s30], $0x400  }
0x52: {  	p2 =	sle.u32 s1, $0xE;
	[sflag:s30] =	ssyncset.done $0x0  }
0x53: {  	s23 =	simm.s32 $0x680;
	s19 =	simm.s32 @!p2 $0x7;
	[sflag:s30] =	ssyncadd.s32 $0xFFFFFC00  }
0x54: {  	[spmem:s3] =	stream.indirect.scatter.add.f32 [tilespmem:s16], [sflag:$0x6], $0x8, s23, s17, $0xb8;
	[tilespmem:$0x3F08] =	vst v63  }
0x55: {  	p3 =	sle.u32 s1, $0xF;
	s5 =	simm.s32 @!p2 $0x700;
	_ =	swait.ge @!p2 [sflag:s19], $0x400  }
0x56: {  	s18 =	simm.s32 $0xF;
	s20 =	simm.s32 @!p2 $0x2780;
	[sflag:s19] =	ssyncset.done @!p2 $0x0  }
0x57: {  	s21 =	simm.s32 @!p3 $0x8;
	s22 =	simm.s32 @!p2 $0x80;
	[sflag:s19] =	ssyncadd.s32 @!p2 $0xFFFFFC00  }
0x58: {  	[spmem:s3] =	stream.indirect.scatter.add.f32 @!p2 [tilespmem:s20], [sflag:$0x7], $0x8, s5, s22, $0xb8;
	[tilespmem:$0x3F08] =	vst v63  }
0x59: {  	s23 =	simm.s32 @!p3 $0x80;
	s19 =	simm.s32 $0x1000;
	_ =	swait.ge @!p3 [sflag:s21], $0x400  }
0x5a: {  	s22 =	simm.s32 @!p3 $0x780;
	s5 =	simm.s32 @!p3 $0x2780;
	[sflag:s21] =	ssyncset.done @!p3 $0x0  }
.LBB2_2:
0x5b: {  	[sflag:s21] =	ssyncadd.s32 @!p3 $0xFFFFFC00  }
0x5c: {  	s18 =	sadd.s32 $0x8, s18;
	s20 =	smov.u32 s19;
	s19 =	sadd.s32 $0x1000, s19  }
0x5d: {  	[spmem:s3] =	stream.indirect.scatter.add.f32 @!p3 [tilespmem:s5], [sflag:$0x8], $0x8, s22, s23, $0xb8;
	[tilespmem:$0x3F08] =	vst v63  }
0x5e: {  	s5 =	sshra.s32 s20, $0x2;
	p2 =	sne.s32 s19, $0x9000;
	_ =	swait.ge [sflag:s24], $0x400  }
0x5f: {  	s21 =	sadd.s32 $0x400, s5;
	[sflag:s24] =	ssyncset.done $0x0  }
0x60: {  	[sflag:s24] =	ssyncadd.s32 $0xFFFFFC00  }
0x61: {  	[spmem:s3] =	stream.indirect.scatter.add.f32 [tilespmem:s16], [sflag:$0x1], $0x8, s21, s17, $0xb8;
	[tilespmem:$0x3F08] =	vst v63  }
0x62: {  	_ =	swait.ge [sflag:s25], $0x400  }
0x63: {  	s21 =	sadd.s32 $0x480, s5;
	[sflag:s25] =	ssyncset.done $0x0  }
0x64: {  	[sflag:s25] =	ssyncadd.s32 $0xFFFFFC00  }
0x65: {  	[spmem:s3] =	stream.indirect.scatter.add.f32 [tilespmem:s16], [sflag:$0x2], $0x8, s21, s17, $0xb8;
	[tilespmem:$0x3F08] =	vst v63  }
0x66: {  	_ =	swait.ge [sflag:s26], $0x400  }
0x67: {  	s21 =	sadd.s32 $0x500, s5;
	[sflag:s26] =	ssyncset.done $0x0  }
0x68: {  	[sflag:s26] =	ssyncadd.s32 $0xFFFFFC00  }
0x69: {  	[spmem:s3] =	stream.indirect.scatter.add.f32 [tilespmem:s16], [sflag:$0x3], $0x8, s21, s17, $0xb8;
	[tilespmem:$0x3F08] =	vst v63  }
0x6a: {  	_ =	swait.ge [sflag:s28], $0x400  }
0x6b: {  	s21 =	sadd.s32 $0x580, s5;
	[sflag:s28] =	ssyncset.done $0x0  }
0x6c: {  	[sflag:s28] =	ssyncadd.s32 $0xFFFFFC00  }
0x6d: {  	[spmem:s3] =	stream.indirect.scatter.add.f32 [tilespmem:s16], [sflag:$0x4], $0x8, s21, s17, $0xb8;
	[tilespmem:$0x3F08] =	vst v63  }
0x6e: {  	_ =	swait.ge [sflag:s29], $0x400  }
0x6f: {  	s21 =	sadd.s32 $0x600, s5;
	[sflag:s29] =	ssyncset.done $0x0  }
0x70: {  	[sflag:s29] =	ssyncadd.s32 $0xFFFFFC00  }
0x71: {  	[spmem:s3] =	stream.indirect.scatter.add.f32 [tilespmem:s16], [sflag:$0x5], $0x8, s21, s17, $0xb8;
	[tilespmem:$0x3F08] =	vst v63  }
0x72: {  	p3 =	sge.u32 s18, s1;
	s21 =	sadd.s32 $0xFFFFFFFF, s18;
	_ =	swait.ge [sflag:s30], $0x400  }
0x73: {  	s5 =	sadd.s32 $0x680, s5;
	p4 =	sge.u32 s21, s1;
	[sflag:s30] =	ssyncset.done $0x0  }
0x74: {  	s21 =	simm.s32 @!p4 $0x7;
	s22 =	sshra.s32 @!p4 s20, $0x2;
	[sflag:s30] =	ssyncadd.s32 $0xFFFFFC00  }
0x75: {  	[spmem:s3] =	stream.indirect.scatter.add.f32 [tilespmem:s16], [sflag:$0x6], $0x8, s5, s17, $0xb8;
	[tilespmem:$0x3F08] =	vst v63  }
0x76: {  	s5 =	sadd.s32 @!p4 $0x700, s22;
	s22 =	simm.s32 @!p4 $0x2780;
	_ =	swait.ge @!p4 [sflag:s21], $0x400  }
.Ltmp0:
0x77: {  	s23 =	simm.s32 @!p4 $0x80;
	[sflag:s21] =	ssyncset.done @!p4 $0x0;
	(pc) =	sbr.rel @p2 .LBB2_2-.Ltmp0, $4  }
0x78: {  	s20 =	sshra.s32 @!p3 s20, $0x2;
	[sflag:s21] =	ssyncadd.s32 @!p4 $0xFFFFFC00;
	s21 =	simm.s32 @!p3 $0x8  }
0x79: {  	[spmem:s3] =	stream.indirect.scatter.add.f32 @!p4 [tilespmem:s22], [sflag:$0x7], $0x8, s5, s23, $0xb8;
	[tilespmem:$0x3F08] =	vst v63  }
0x7a: {  	s22 =	sadd.s32 @!p3 $0x780, s20;
	_ =	swait.ge @!p3 [sflag:s21], $0x400  }
0x7b: {  	s23 =	simm.s32 @!p3 $0x80;
	s5 =	simm.s32 @!p3 $0x2780;
	[sflag:s21] =	ssyncset.done @!p3 $0x0  }
0x7c: {  	[sflag:s21] =	ssyncadd.s32 @!p3 $0xFFFFFC00  }
0x7d: {  	[spmem:s3] =	stream.indirect.scatter.add.f32 @!p3 [tilespmem:s5], [sflag:$0x8], $0x8, s22, s23, $0xb8;
	[tilespmem:$0x3F08] =	vst v63  }
0x7e: {  	_ =	swait.ge [sflag:s24], $0x400  }
0x7f: {  	[sflag:s24] =	ssyncset.done $0x0  }
0x80: {  	[sflag:s24] =	ssyncadd.s32 $0xFFFFFC00  }
0x81: {  	_ =	swait.ge [sflag:s25], $0x400  }
0x82: {  	[sflag:s25] =	ssyncset.done $0x0  }
0x83: {  	[sflag:s25] =	ssyncadd.s32 $0xFFFFFC00  }
0x84: {  	_ =	swait.ge [sflag:s26], $0x400  }
0x85: {  	[sflag:s26] =	ssyncset.done $0x0  }
0x86: {  	[sflag:s26] =	ssyncadd.s32 $0xFFFFFC00  }
0x87: {  	_ =	swait.ge [sflag:s28], $0x400  }
0x88: {  	[sflag:s28] =	ssyncset.done $0x0  }
0x89: {  	[sflag:s28] =	ssyncadd.s32 $0xFFFFFC00  }
0x8a: {  	_ =	swait.ge [sflag:s29], $0x400  }
0x8b: {  	[sflag:s29] =	ssyncset.done $0x0  }
0x8c: {  	[sflag:s29] =	ssyncadd.s32 $0xFFFFFC00  }
0x8d: {  	_ =	swait.ge [sflag:s30], $0x400  }
0x8e: {  	[sflag:s30] =	ssyncset.done $0x0  }
0x8f: {  	[sflag:s30] =	ssyncadd.s32 $0xFFFFFC00  }
0x90: {  	_ =	swait.ge [sflag:s31], $0x400  }
0x91: {  	[sflag:s31] =	ssyncset.done $0x0  }
0x92: {  	[sflag:s31] =	ssyncadd.s32 $0xFFFFFC00  }
0x93: {  	_ =	swait.ge [sflag:s0], $0x400  }
0x94: {  	[sflag:s0] =	ssyncset.done $0x0  }
0x95: {  	[sflag:s0] =	ssyncadd.s32 $0xFFFFFC00  }
0x96: {  	s1 =	simm.s32 @p0 $0x1FC9;
	[bflag:$0x0] =	sbarrier.arrive $0xFFFF  }
0x97: {  	[hbm:s10], [sflag:s1] =	dma.local @p0 [spmem:s12], $0x280  }
0x98: {  	s1 =	simm.s32 @p0 $0x9  }
0x99: {  	s2 =	sadd.s32 $0x1, s2;
	_ =	swait.ge @p0 [sflag:s1], $0x280  }
0x9a: {  	p2 =	sne.s32 s2, s11;
	[sflag:s1] =	ssyncset.done @p0 $0x0  }
.Ltmp1:
0x9b: {  	[sflag:s1] =	ssyncadd.s32 @p0 $0xFFFFFD80;
	s1 =	simm.s32 @!p0 $0x9;
	(pc) =	sbr.rel @p2 .LBB2_1-.Ltmp1, $4  }
0x9c: {  	[hbm:s9], [sflag:s13] =	dma.local @!p0 [spmem:s14], $0x270  }
0x9d: {  	_ =	swait.ge @!p0 [sflag:s1], $0x270  }
0x9e: {  	[sflag:s1] =	ssyncset.done @!p0 $0x0  }
0x9f: {  	[sflag:s1] =	ssyncadd.s32 @!p0 $0xFFFFFD90  }
0xa0: {  	_ =	sfence.sel $0x180000  }
0xa1: {  	[bflag:$0x0] =	sbarrier.arrive $0xFFFF  }
0xa2: {  	_ =	strace $0x90000047  }
0xa3: {  	s0 =	stileid.u32;
	[bflag:$0x2] =	sbarrier.arrive $0xFFFF  }
0xa4: {  	p0 =	sne.s32 s0, $0x0;
	s0 =	rddreg [dreg:$0x3]  }
0xa5: {  	s0 =	sadd.s32 @!p0 $0x100000, s0  }
0xa6: {  	[sflag:s0] =	ssyncadd.tile.s32 @!p0 $0x1;
	_ =	shalt  }
.Lfunc_end2:
_tile_overlayer_lowered:
.L_overlay_start_2:
0xa7: {  	(tag) =	ssettag $0x2  }
0xa8: {  	s0 =	rddreg [dreg:$0x0];
	s2 =	stileid.u32  }
0xa9: {  	s1 =	rddreg [dreg:$0x1];
	p0 =	sne.s32 s2, $0x0  }
0xaa: {  	s3 =	rddreg [dreg:$0x2];
	[bflag:$0x3] =	sbarrier.arrive $0xFFFF;
	s2 =	simm.s32 @!p0 $0x1C09  }
0xab: {  	[timem:s3], [sflag:s2] =	dma.local @!p0 [hbm:s0], s1  }
0xac: {  	s0 =	simm.s32 @!p0 $0x9  }
0xad: {  	_ =	swait.ge @!p0 [sflag:s0], s1  }
0xae: {  	s1 =	ssub.s32 @!p0 $0x0, s1;
	[sflag:s0] =	ssyncset.done @!p0 $0x0  }
0xaf: {  	[sflag:s0] =	ssyncadd.s32 @!p0 s1  }
0xb0: {  	[bflag:$0x3] =	sbarrier.arrive $0xFFFF  }
0xb1: {  	_ =	shalt  }

// kernel: kernel.14.cloned.1.call-start
scs
__scs_entry_jumppad:
0x0: {  	(pc) =	sbr.rel $0x88, $3  }
0x1: {  	(tag) =	ssettag $0x0;
	lr =	simm.s32 $0x1  }
0x2: {  	[smem:$0x3F90] =	sst lr;
	_ =	strace $0xD0000000  }
0x3: {  	_ = 	snop  }
0x4: {  	_ = 	snop  }
0x5: {  	_ = 	snop  }
0x6: {  	_ = 	snop  }
0x7: {  	_ = 	snop  }
__scs_overlays_trampoline_lowered:
0x8: {  	[smem:$0x3F9F] =	sst s0  }
0x9: {  	[smem:$0x3FA0] =	sst s1  }
0xa: {  	[smem:$0x3FA1] =	sst s2  }
0xb: {  	[smem:$0x3FA2] =	sst s3  }
0xc: {  	[smem:$0x3FA3] =	sst s4  }
0xd: {  	[smem:$0x3FA4] =	sst s5  }
0xe: {  	[smem:$0x3FA5] =	sst s6  }
0xf: {  	[smem:$0x3FA6] =	sst s7  }
0x10: {  	[smem:$0x3FA7] =	sst s8  }
0x11: {  	[smem:$0x3FA8] =	sst s9;
	s0 =	simm.s32 @!p0 $0x0  }
0x12: {  	s1 =	sld [smem:$0x3F8E];
	s0 =	simm.s32 @p0 $0x1  }
0x13: {  	[smem:$0x3FA9] =	sst s0;
	s0 =	simm.s32 @!p1 $0x0  }
0x14: {  	s2 =	sld [smem:$0x3F8D];
	s0 =	simm.s32 @p1 $0x1  }
0x15: {  	[smem:$0x3FAA] =	sst s0;
	s0 =	simm.s32 @!p2 $0x0  }
0x16: {  	s3 =	sld [smem:$0x3FDB];
	s0 =	simm.s32 @p2 $0x1  }
0x17: {  	s4 =	simm.s32 $0x1BF5;
	[smem:$0x3FAC] =	sst s0  }
0x18: {  	s0 =	sld [smem:$0x3F8F];
	_ =	swait.ge [sflag:s4], $0x0  }
0x19: {  	s7 =	sld [smem:$0x3F90]  }
0x1a: {  	s8 =	sadd.s32 $0xFFFFE003, lr  }
0x1b: {  	s9 =	sadd.s32 $0xFFFFFEF7, lr;
	s5 =	simm.s32 $0xFFFFFFFF;
	p2 =	slt.u32 s8, $0xFFFFF086  }
0x1c: {  	p1 =	slt.u32 s9, $0xF7A;
	s5 =	simm.s32 @!p2 $0x0  }
0x1d: {  	s5 =	simm.s32 @p1 $0x1;
	p0 =	seq.s32 s7, s2  }
0x1e: {  	s7 =	smul.u32 @!p0 $0xF7A, s2;
	p2 =	seq.s32 @!p0 s5, $0x0  }
0x1f: {  	s9 =	smul.u32 $0xF7A, s1;
	s8 =	simm.s32 @!p0 $0x1BF5;
	p2 =	por !p2, p0  }
0x20: {  	[sflag:s8] =	ssyncset.s32 @!p0 $0xFFFFF086;
	s6 =	sadd.s32 @!p0 s3, s7;
	s7 =	simm.s32 @!p0 $0x108  }
0x21: {  	s3 =	sadd.s32 s3, s9;
	s6 =	sadd.s32 @!p0 $0x88, s6;
	s7 =	simm.s32 @p2 $0x1082  }
0x22: {  	[simem:s7], [sflag:s8] =	dma.local @!p0 [hbm:s6], $0xF7A  }
0x23: {  	s9 =	sor.u32 $0xD0000000, s2;
	s6 =	simm.s32 $0x108;
	_ =	swait.ge @!p0 [sflag:s8], $0x0  }
0x24: {  	s3 =	sadd.s32 $0x88, s3;
	s6 =	simm.s32 @!p1 $0x1082;
	[sflag:s4] =	ssyncset.s32 $0xFFFFF086  }
0x25: {  	[simem:s6], [sflag:s4] =	dma.local [hbm:s3], $0xF7A  }
0x26: {  	[smem:$0x3F90] =	sst s1;
	(tag) =	ssettag s2;
	_ =	strace s9  }
0x27: {  	s1 =	sld [smem:$0x3FA0]  }
0x28: {  	s2 =	sld [smem:$0x3FA1]  }
0x29: {  	s4 =	sld [smem:$0x3FA3]  }
0x2a: {  	p0 =	seq.s32 s5, $0x0;
	s5 =	sld [smem:$0x3FA4]  }
0x2b: {  	s6 =	sld [smem:$0x3FA5]  }
0x2c: {  	s7 =	sld [smem:$0x3FA6]  }
0x2d: {  	s3 =	simm.s32 $0x108;
	s8 =	sld [smem:$0x3FA7]  }
0x2e: {  	s3 =	simm.s32 @!p0 $0x1082;
	s9 =	sld [smem:$0x3FA8]  }
0x2f: {  	lr =	sadd.s32 s0, s3;
	s0 =	sld [smem:$0x3F9F]  }
0x30: {  	s3 =	sld [smem:$0x3FA2]  }
0x31: {  	[smem:$0x3FAB] =	sst s10  }
0x32: {  	s10 =	sld [smem:$0x3FA9];
	_ =	sdelay $0x3  }
0x33: {  	p0 =	seq.s32 s10, $0x1;
	s10 =	sld [smem:$0x3FAB];
	_ =	sdelay $0x3  }
0x34: {  	[smem:$0x3FAB] =	sst s10  }
0x35: {  	s10 =	sld [smem:$0x3FAA];
	_ =	sdelay $0x3  }
0x36: {  	p1 =	seq.s32 s10, $0x1;
	s10 =	sld [smem:$0x3FAB];
	_ =	sdelay $0x3  }
0x37: {  	[smem:$0x3FAB] =	sst s10  }
0x38: {  	s10 =	sld [smem:$0x3FAC]  }
0x39: {  	_ = 	snop;
	(pc) =	sbr.ind lr, $3  }
0x3a: {  	_ = 	snop  }
0x3b: {  	_ = 	snop  }
0x3c: {  	p2 =	seq.s32 s10, $0x1;
	s10 =	sld [smem:$0x3FAB]  }
0x3d: {  	_ =	shalt  }
0x3e: {  	_ =	shalt  }
0x3f: {  	_ =	shalt  }
0x40: {  	_ =	shalt  }
0x41: {  	_ =	shalt  }
0x42: {  	_ =	shalt  }
0x43: {  	_ =	shalt  }
0x44: {  	_ =	shalt  }
0x45: {  	_ =	shalt  }
0x46: {  	_ =	shalt  }
0x47: {  	_ =	shalt  }
0x48: {  	_ =	shalt  }
0x49: {  	_ =	shalt  }
0x4a: {  	_ =	shalt  }
0x4b: {  	_ =	shalt  }
0x4c: {  	_ =	shalt  }
0x4d: {  	_ =	shalt  }
0x4e: {  	_ =	shalt  }
0x4f: {  	_ =	shalt  }
0x50: {  	_ =	shalt  }
0x51: {  	_ =	shalt  }
0x52: {  	_ =	shalt  }
0x53: {  	_ =	shalt  }
0x54: {  	_ =	shalt  }
0x55: {  	_ =	shalt  }
0x56: {  	_ =	shalt  }
0x57: {  	_ =	shalt  }
0x58: {  	_ =	shalt  }
0x59: {  	_ =	shalt  }
0x5a: {  	_ =	shalt  }
0x5b: {  	_ =	shalt  }
0x5c: {  	_ =	shalt  }
0x5d: {  	_ =	shalt  }
0x5e: {  	_ =	shalt  }
0x5f: {  	_ =	shalt  }
0x60: {  	_ =	shalt  }
0x61: {  	_ =	shalt  }
0x62: {  	_ =	shalt  }
0x63: {  	_ =	shalt  }
0x64: {  	_ =	shalt  }
0x65: {  	_ =	shalt  }
0x66: {  	_ =	shalt  }
0x67: {  	_ =	shalt  }
0x68: {  	_ =	shalt  }
0x69: {  	_ =	shalt  }
0x6a: {  	_ =	shalt  }
0x6b: {  	_ =	shalt  }
0x6c: {  	_ =	shalt  }
0x6d: {  	_ =	shalt  }
0x6e: {  	_ =	shalt  }
0x6f: {  	_ =	shalt  }
0x70: {  	_ =	shalt  }
0x71: {  	_ =	shalt  }
0x72: {  	_ =	shalt  }
0x73: {  	_ =	shalt  }
0x74: {  	_ =	shalt  }
0x75: {  	_ =	shalt  }
0x76: {  	_ =	shalt  }
0x77: {  	_ =	shalt  }
0x78: {  	_ =	shalt  }
0x79: {  	_ =	shalt  }
0x7a: {  	_ =	shalt  }
0x7b: {  	_ =	shalt  }
0x7c: {  	_ =	shalt  }
0x7d: {  	_ =	shalt  }
0x7e: {  	_ =	shalt  }
0x7f: {  	_ =	shalt  }
0x80: {  	_ =	shalt  }
0x81: {  	_ =	shalt  }
0x82: {  	_ =	shalt  }
0x83: {  	_ =	shalt  }
0x84: {  	_ =	shalt  }
0x85: {  	_ =	shalt  }
0x86: {  	_ =	shalt  }
0x87: {  	_ =	shalt  }
.Lfunc_end0:
.L_simem_size_0:
called_computation.1_lowered:
.L_overlay_start_0:
0x88: {  	s2 =	sld [smem:$0x3FD9]  }
0x89: {  	s3 =	sld [smem:$0x3FFE];
	_ =	sdelay $0x1  }
0x8a: {  	s1 =	srdreg.scid  }
0x8b: {  	s0 =	sand.u32 $0x1, s1  }
0x8c: {  	s16 =	sshll.u32 s0, $0xA;
	s2 =	sadd.s32 s3, s2  }
0x8d: {  	s2 =	sadd.s32 s2, s16  }
0x8e: {  	[smem:$0x3FB7] =	sst s2  }
0x8f: {  	_ = 	snop  }
0x90: {  	(tm) =	ssettm $0x1  }
0x91: {  	s17 =	sld [smem:$0x3FFB];
	_ =	sdelay $0x3  }
0x92: {  	_ =	strace s17  }
0x93: {  	s2 =	sld [smem:$0x3FFC];
	_ =	sdelay $0x3  }
0x94: {  	_ =	strace s2  }
0x95: {  	s2 =	sld [smem:$0x3FFD];
	_ =	sdelay $0x3  }
0x96: {  	_ =	strace s2  }
0x97: {  	_ =	strace $0x8FFFFFFF  }
0x98: {  	s18 =	sld [smem:$0x3FDB];
	_ =	sdelay $0x1  }
0x99: {  	s19 =	simm.s32 $_scs_section_size  }
0x9a: {  	s4 =	simm.s32 $_size__tile_overlayer_lowered;
	s5 =	simm.s32 $_tile_overlayer_lowered  }
0x9b: {  	s22 =	simm.s32 $0x1BFF;
	s21 =	sshll.u32 s5, $0x1;
	s2 =	sadd.s32 s19, s18  }
0x9c: {  	s6 =	simm.s32 $0x0;
	s20 =	sshll.u32 s4, $0x1;
	s4 =	sadd.s32 s21, s2  }
0x9d: {  	[timem:s6], [sflag:s22] =	dma.local [hbm:s4], s20  }
0x9e: {  	_ =	swait.ge [sflag:s22], s20  }
0x9f: {  	s3 =	ssub.s32 $0x0, s20;
	[sflag:s22] =	ssyncset.done $0x0  }
0xa0: {  	[sflag:s22] =	ssyncadd.s32 s3;
	_ =	sdelay $0x1  }
0xa1: {  	s23 =	simm.s32 $0x1B8B  }
0xa2: {  	_ =	swait.ge [sflag:s23], $0x1  }
0xa3: {  	[sflag:s23] =	ssyncset.done $0x0  }
0xa4: {  	s25 =	simm.s32 $0x1B8E;
	s24 =	sld [smem:$0x3FFE];
	[sflag:s23] =	ssyncadd.s32 $0xFFFFFFFF  }
0xa5: {  	s26 =	simm.s32 $execute0_lowered;
	[smem:$0x3FD2] =	sst s25  }
0xa6: {  	s4 =	sshll.u32 s26, $0x1;
	_ =	strace $0x80000049;
	[dreg:$0x1] =	wrdreg $0xFFFFFFFF  }
0xa7: {  	s28 =	simm.s32 $_size_execute0_lowered;
	s2 =	sadd.s32 s2, s4;
	[dreg:$0x0] =	wrdreg $0x0  }
0xa8: {  	s4 =	sshll.u32 s28, $0x1;
	[dreg:$0x2] =	wrdreg s2  }
0xa9: {  	[dreg:$0x3] =	wrdreg s4  }
0xaa: {  	[dreg:$0x4] =	wrdreg $0xC0  }
0xab: {  	_ =	task [dreg:s6], $0x5FFFF  }
0xac: {  	[dreg:$0x1] =	wrdreg $0xFFFFFFFF  }
0xad: {  	[dreg:$0x0] =	wrdreg $0x60  }
0xae: {  	[dreg:$0x2] =	wrdreg s24  }
0xaf: {  	[dreg:$0x3] =	wrdreg $0x14F000  }
0xb0: {  	[dreg:$0x4] =	wrdreg $0x9  }
0xb1: {  	_ =	task.clear_ibuf [dreg:s6], $0x5FFFF;
	_ =	strace $0x90000049  }
0xb2: {  	s29 =	simm.s32 $0x9;
	_ =	strace $0x8000004B  }
0xb3: {  	_ =	swait.ge [sflag:s29], $0x1  }
0xb4: {  	[sflag:s29] =	ssyncadd.s32 $0xFFFFFFFF  }
0xb5: {  	_ =	strace $0x9000004B  }
0xb6: {  	_ =	sfence  }
0xb7: {  	s30 =	sld [smem:$0x0];
	_ =	sdelay $0x2  }
0xb8: {  	s31 =	sshll.u32 s1, $0xD;
	s1 =	sshrl.u32 s1, $0x2  }
0xb9: {  	s3 =	sand.u32 $0x4000, s31;
	s1 =	sadd.s32 s1, s30  }
0xba: {  	s0 =	sor.u32 s3, s0;
	s1 =	sshll.u32 s1, $0x11  }
0xbb: {  	s0 =	sor.u32 s1, s0  }
0xbc: {  	s0 =	sadd.s32 $0x8F2B, s0  }
0xbd: {  	[sflag:s0] =	ssyncadd.remote.s32 $0x1  }
0xbe: {  	_ =	sfence.sel $0xFFFF  }
0xbf: {  	[dreg:$0x0] =	wrdreg $0xFFFFFFFF;
	(pc) =	sbr.abs _section_cstart, $3  }
0xc0: {  	[dreg:$0x1] =	wrdreg $0xFFFFFFFF  }
0xc1: {  	_ =	task.clear_ibuf [dreg:s6], $0x2FFFF;
	_ =	strace $0x9FFFFFFF  }
0xc2: {  	(tm) =	ssettm $0x7FFFFFFF  }
0xc3: {  	_ =	shalt  }
tec
execute0_lowered:
.L_overlay_start_1:
0x0: {  	(tag) =	ssettag $0x1  }
0x1: {  	s0 =	rddreg [dreg:$0x0]  }
0x2: {  	s2 =	rddreg [dreg:$0x1];
	s3 =	simm.s32 $0x0  }
0x3: {  	s15 =	stileid.u32;
	s5 =	srdreg.scid;
	s19 =	simm.s32 $0x80  }
0x4: {  	s28 =	simm.s32 $0xCF00;
	s30 =	simm.s32 $0xEF00;
	s29 =	simm.s32 $0x4  }
0x5: {  	s31 =	simm.s32 $0x5;
	[smem:$0x7FF] =	sst s3;
	s1 =	smul.u32 $0x9C00, s15  }
0x6: {  	s4 =	sadd.s32 $0x3F200, s0;
	s6 =	sadd.s32 $0x1C00, s0;
	s5 =	sand.u32 $0x1, s5  }
0x7: {  	s8 =	sadd.s32 $0xBA00, s0;
	s11 =	sadd.s32 $0x66600, s0;
	s21 =	sshll.u32 s15, $0x4  }
0x8: {  	p0 =	seq.s32 s15, $0xF;
	_ =	strace $0x8000004A;
	s9 =	ssub.s32 $0x2, s5  }
0x9: {  	s12 =	sshll.u32 s5, $0x4;
	s5 =	smul.u32 $0x9C400, s5;
	s7 =	sshrl.u32 s1, $0x3  }
0xa: {  	s10 =	sshrl.u32 s9, $0x1;
	s17 =	sor.u32 s15, s12;
	s16 =	sadd.s32 s1, s2  }
0xb: {  	s7 =	sadd.s32 s7, s0;
	s13 =	ssub.s32 s9, s10;
	s20 =	smul.u32 $0x4E0, s17  }
0xc: {  	s0 =	sadd.s32 $0x65080, s0;
	s1 =	sadd.s32 s1, s5;
	s5 =	sshrl.u32 s5, $0x3  }
0xd: {  	s16 =	sshrl.u32 @!p0 s16, $0x3;
	p1 =	sgt.u32 s17, $0x3;
	s17 =	simm.s32 $0x9  }
0xe: {  	s7 =	sadd.s32 $0x52C00, s7;
	[dreg:$0x4] =	wrdreg s0;
	s0 =	sor.u32 $0x9C00, s21  }
0xf: {  	s23 =	sshrl.u32 s1, $0x3;
	s24 =	sadd.s32 s11, s5;
	s26 =	smax.u32 s13, $0x1  }
0x10: {  	s21 =	simm.s32 $0x6F00;
	s1 =	simm.s32 $0x0;
	[dreg:$0x3] =	wrdreg s7  }
0x11: {  	s7 =	sadd.s32 $0x92400, s2;
	s22 =	sadd.s32 s6, s20;
	[dreg:$0xb] =	wrdreg s26  }
0x12: {  	s9 =	sadd.s32 s8, s20;
	s6 =	sadd.s32 s6, s0;
	[dreg:$0x5] =	wrdreg s22  }
0x13: {  	s0 =	sadd.s32 s8, s0;
	s25 =	sadd.s32 $0x12480, s24;
	[dreg:$0x6] =	wrdreg s9  }
0x14: {  	s20 =	simm.s32 $0x4F00;
	s24 =	simm.s32 $0x2;
	[dreg:$0x7] =	wrdreg s6  }
0x15: {  	s26 =	simm.s32 $0x3;
	[dreg:$0x8] =	wrdreg s0;
	s0 =	sadd.s32 s11, s23  }
0x16: {  	[dreg:$0xa] =	wrdreg s25;
	s14 =	sshrl.u32 @p0 s7, $0x3;
	s23 =	simm.s32 $0x8F00  }
0x17: {  	s25 =	simm.s32 $0xAF00;
	[dreg:$0x9] =	wrdreg s0;
	s0 =	sshll.u32 @!p0 s15, $0x6  }
0x18: {  	s22 =	simm.s32 $0x1;
	s15 =	sor.u32 @!p0 $0x1C09, s0;
	s0 =	simm.s32 $0x6  }
.LBB2_1:
0x19: {  	s5 =	simm.s32 @p0 $0x1FC9;
	s6 =	rddreg [dreg:$0x4]  }
0x1a: {  	[spmem:s14], [sflag:s5] =	dma.local @p0 [hbm:s6], $0x1400  }
0x1b: {  	s5 =	simm.s32 @p0 $0x9  }
0x1c: {  	_ =	swait.ge @p0 [sflag:s5], $0x1400  }
0x1d: {  	[sflag:s5] =	ssyncset.done @p0 $0x0  }
0x1e: {  	[sflag:s5] =	ssyncadd.s32 @p0 $0xFFFFEC00;
	s5 =	rddreg [dreg:$0x3]  }
0x1f: {  	[spmem:s16], [sflag:s15] =	dma.local @!p0 [hbm:s5], $0x1380  }
0x20: {  	s5 =	simm.s32 @!p0 $0x9  }
0x21: {  	_ =	swait.ge @!p0 [sflag:s5], $0x1380  }
0x22: {  	[sflag:s5] =	ssyncset.done @!p0 $0x0  }
0x23: {  	s6 =	rddreg [dreg:$0x5];
	[sflag:s5] =	ssyncadd.s32 @!p0 $0xFFFFEC80  }
0x24: {  	[tilespmem:s3], [sflag:$0x9] =	stream.linear.gather [hbm4b:s6+s3], $0x2700, $0x38;
	[tilespmem:$0x1EB40] =	vst v63  }
0x25: {  	_ =	swait.ge [sflag:s17], $0x2700  }
0x26: {  	[sflag:s17] =	ssyncset.done $0x0  }
0x27: {  	s8 =	simm.s32 $0x2780;
	s7 =	rddreg [dreg:$0x6];
	[sflag:s17] =	ssyncadd.s32 $0xFFFFD900  }
0x28: {  	[tilespmem:s8], [sflag:$0x9] =	stream.linear.gather [hbm4b:s7+s3], $0x2700, $0x38;
	[tilespmem:$0x1EB40] =	vst v63  }
0x29: {  	_ =	swait.ge [sflag:s17], $0x2700  }
0x2a: {  	s5 =	simm.s32 @!p1 $0x0;
	[sflag:s17] =	ssyncset.done $0x0  }
0x2b: {  	s6 =	simm.s32 @!p1 $0x2700;
	s7 =	rddreg [dreg:$0x7];
	[sflag:s17] =	ssyncadd.s32 $0xFFFFD900  }
0x2c: {  	[tilespmem:s6], [sflag:$0x9] =	stream.linear.gather @!p1 [hbm4b:s7+s5], $0x80, $0x38;
	[tilespmem:$0x1EB40] =	vst v63  }
0x2d: {  	s6 =	simm.s32 @!p1 $0x9  }
0x2e: {  	_ =	swait.ge @!p1 [sflag:s6], $0x80  }
0x2f: {  	[sflag:s6] =	ssyncset.done @!p1 $0x0  }
0x30: {  	s7 =	simm.s32 @!p1 $0x4E80;
	s8 =	rddreg [dreg:$0x8];
	[sflag:s6] =	ssyncadd.s32 @!p1 $0xFFFFFF80  }
0x31: {  	[tilespmem:s7], [sflag:$0x9] =	stream.linear.gather @!p1 [hbm4b:s8+s5], $0x80, $0x38;
	[tilespmem:$0x1EB40] =	vst v63  }
0x32: {  	_ =	swait.ge @!p1 [sflag:s6], $0x80  }
0x33: {  	[sflag:s6] =	ssyncset.done @!p1 $0x0  }
0x34: {  	[sflag:s6] =	ssyncadd.s32 @!p1 $0xFFFFFF80  }
0x35: {  	[bflag:$0x0] =	sbarrier.arrive $0xFFFF  }
0x36: {  	[tilespmem:s20], [sflag:$0x1] =	stream.indirect.gather [hbm4b:s4+s19], $0x40, s3, s19, $0xb8;
	[tilespmem:$0x1EB40] =	vst v63  }
0x37: {  	_ = 	snop  }
0x38: {  	[tilespmem:s21], [sflag:$0x2] =	stream.indirect.gather [hbm4b:s4+s19], $0x40, s19, s19, $0xb8;
	[tilespmem:$0x1EB40] =	vst v63  }
0x39: {  	s9 =	simm.s32 $0x100  }
0x3a: {  	[tilespmem:s23], [sflag:$0x3] =	stream.indirect.gather [hbm4b:s4+s19], $0x40, s9, s19, $0xb8;
	[tilespmem:$0x1EB40] =	vst v63  }
0x3b: {  	s10 =	simm.s32 $0x180  }
0x3c: {  	[tilespmem:s25], [sflag:$0x4] =	stream.indirect.gather [hbm4b:s4+s19], $0x40, s10, s19, $0xb8;
	[tilespmem:$0x1EB40] =	vst v63  }
0x3d: {  	s11 =	simm.s32 $0x200  }
0x3e: {  	[tilespmem:s28], [sflag:$0x5] =	stream.indirect.gather [hbm4b:s4+s19], $0x40, s11, s19, $0xb8;
	[tilespmem:$0x1EB40] =	vst v63  }
0x3f: {  	s12 =	simm.s32 $0x280  }
0x40: {  	[tilespmem:s30], [sflag:$0x6] =	stream.indirect.gather [hbm4b:s4+s19], $0x40, s12, s19, $0xb8;
	[tilespmem:$0x1EB40] =	vst v63  }
0x41: {  	s13 =	simm.s32 $0x300;
	s18 =	simm.s32 $0x10F00  }
0x42: {  	[tilespmem:s18], [sflag:$0x7] =	stream.indirect.gather [hbm4b:s4+s19], $0x40, s13, s19, $0xb8;
	[tilespmem:$0x1EB40] =	vst v63  }
0x43: {  	s7 =	simm.s32 $0x12F00;
	s6 =	simm.s32 $0x380  }
0x44: {  	[tilespmem:s7], [sflag:$0x8] =	stream.indirect.gather [hbm4b:s4+s19], $0x40, s6, s19, $0xb8;
	[tilespmem:$0x1EB40] =	vst v63  }
0x45: {  	_ =	swait.ge [sflag:s22], $0x2000  }
0x46: {  	s18 =	simm.s32 @!p1 $0x4F;
	[sflag:s22] =	ssyncset.done $0x0  }
0x47: {  	s8 =	simm.s32 $0x2780;
	s18 =	simm.s32 @p1 $0x4E;
	[sflag:s22] =	ssyncadd.s32 $0xFFFFE000  }
0x48: {  	[spmem:s2] =	stream.indirect.scatter.add.f32 [tilespmem:s20], [sflag:$0x9], $0x40, s8, s19, $0xb8;
	[tilespmem:$0x1EB40] =	vst v63  }
0x49: {  	p2 =	sle.u32 s18, $0x8;
	_ =	swait.ge [sflag:s17], $0x2000  }
0x4a: {  	s5 =	simm.s32 @!p2 $0x4F00;
	[sflag:s17] =	ssyncset.done $0x0  }
0x4b: {  	s6 =	simm.s32 @!p2 $0x400;
	s7 =	simm.s32 @!p2 $0x80;
	[sflag:s17] =	ssyncadd.s32 $0xFFFFE000  }
0x4c: {  	[tilespmem:s5], [sflag:$0x1] =	stream.indirect.gather @!p2 [hbm4b:s4+s7], $0x40, s6, s7, $0xb8;
	[tilespmem:$0x1EB40] =	vst v63  }
0x4d: {  	_ =	swait.ge [sflag:s24], $0x2000  }
0x4e: {  	[sflag:s24] =	ssyncset.done $0x0  }
0x4f: {  	s9 =	simm.s32 $0x2800;
	[sflag:s24] =	ssyncadd.s32 $0xFFFFE000  }
0x50: {  	[spmem:s2] =	stream.indirect.scatter.add.f32 [tilespmem:s21], [sflag:$0x9], $0x40, s9, s19, $0xb8;
	[tilespmem:$0x1EB40] =	vst v63  }
0x51: {  	p2 =	sle.u32 s18, $0x9;
	_ =	swait.ge [sflag:s17], $0x2000  }
0x52: {  	s5 =	simm.s32 @!p2 $0x6F00;
	[sflag:s17] =	ssyncset.done $0x0  }
0x53: {  	s6 =	simm.s32 @!p2 $0x480;
	s7 =	simm.s32 @!p2 $0x80;
	[sflag:s17] =	ssyncadd.s32 $0xFFFFE000  }
0x54: {  	[tilespmem:s5], [sflag:$0x2] =	stream.indirect.gather @!p2 [hbm4b:s4+s7], $0x40, s6, s7, $0xb8;
	[tilespmem:$0x1EB40] =	vst v63  }
0x55: {  	_ =	swait.ge [sflag:s26], $0x2000  }
0x56: {  	[sflag:s26] =	ssyncset.done $0x0  }
0x57: {  	s10 =	simm.s32 $0x2880;
	[sflag:s26] =	ssyncadd.s32 $0xFFFFE000  }
0x58: {  	[spmem:s2] =	stream.indirect.scatter.add.f32 [tilespmem:s23], [sflag:$0x9], $0x40, s10, s19, $0xb8;
	[tilespmem:$0x1EB40] =	vst v63  }
0x59: {  	p2 =	sle.u32 s18, $0xA;
	_ =	swait.ge [sflag:s17], $0x2000  }
0x5a: {  	s5 =	simm.s32 @!p2 $0x8F00;
	[sflag:s17] =	ssyncset.done $0x0  }
0x5b: {  	s6 =	simm.s32 @!p2 $0x500;
	s7 =	simm.s32 @!p2 $0x80;
	[sflag:s17] =	ssyncadd.s32 $0xFFFFE000  }
0x5c: {  	[tilespmem:s5], [sflag:$0x3] =	stream.indirect.gather @!p2 [hbm4b:s4+s7], $0x40, s6, s7, $0xb8;
	[tilespmem:$0x1EB40] =	vst v63  }
0x5d: {  	_ =	swait.ge [sflag:s29], $0x2000  }
0x5e: {  	[sflag:s29] =	ssyncset.done $0x0  }
0x5f: {  	s11 =	simm.s32 $0x2900;
	[sflag:s29] =	ssyncadd.s32 $0xFFFFE000  }
0x60: {  	[spmem:s2] =	stream.indirect.scatter.add.f32 [tilespmem:s25], [sflag:$0x9], $0x40, s11, s19, $0xb8;
	[tilespmem:$0x1EB40] =	vst v63  }
0x61: {  	p2 =	sle.u32 s18, $0xB;
	_ =	swait.ge [sflag:s17], $0x2000  }
0x62: {  	s5 =	simm.s32 @!p2 $0xAF00;
	[sflag:s17] =	ssyncset.done $0x0  }
0x63: {  	s6 =	simm.s32 @!p2 $0x580;
	s7 =	simm.s32 @!p2 $0x80;
	[sflag:s17] =	ssyncadd.s32 $0xFFFFE000  }
0x64: {  	[tilespmem:s5], [sflag:$0x4] =	stream.indirect.gather @!p2 [hbm4b:s4+s7], $0x40, s6, s7, $0xb8;
	[tilespmem:$0x1EB40] =	vst v63  }
0x65: {  	_ =	swait.ge [sflag:s31], $0x2000  }
0x66: {  	[sflag:s31] =	ssyncset.done $0x0  }
0x67: {  	s12 =	simm.s32 $0x2980;
	[sflag:s31] =	ssyncadd.s32 $0xFFFFE000  }
0x68: {  	[spmem:s2] =	stream.indirect.scatter.add.f32 [tilespmem:s28], [sflag:$0x9], $0x40, s12, s19, $0xb8;
	[tilespmem:$0x1EB40] =	vst v63  }
0x69: {  	p2 =	sle.u32 s18, $0xC;
	_ =	swait.ge [sflag:s17], $0x2000  }
0x6a: {  	s5 =	simm.s32 @!p2 $0xCF00;
	[sflag:s17] =	ssyncset.done $0x0  }
0x6b: {  	s6 =	simm.s32 @!p2 $0x600;
	s7 =	simm.s32 @!p2 $0x80;
	[sflag:s17] =	ssyncadd.s32 $0xFFFFE000  }
0x6c: {  	[tilespmem:s5], [sflag:$0x5] =	stream.indirect.gather @!p2 [hbm4b:s4+s7], $0x40, s6, s7, $0xb8;
	[tilespmem:$0x1EB40] =	vst v63  }
0x6d: {  	_ =	swait.ge [sflag:s0], $0x2000  }
0x6e: {  	[sflag:s0] =	ssyncset.done $0x0  }
0x6f: {  	s13 =	simm.s32 $0x2A00;
	p3 =	sle.u32 s18, $0xD;
	[sflag:s0] =	ssyncadd.s32 $0xFFFFE000  }
0x70: {  	[spmem:s2] =	stream.indirect.scatter.add.f32 [tilespmem:s30], [sflag:$0x9], $0x40, s13, s19, $0xb8;
	[tilespmem:$0x1EB40] =	vst v63  }
0x71: {  	s5 =	simm.s32 @!p3 $0xEF00;
	_ =	swait.ge [sflag:s17], $0x2000  }
0x72: {  	s6 =	simm.s32 @!p3 $0x680;
	p2 =	sle.u32 s18, $0x6;
	[sflag:s17] =	ssyncset.done $0x0  }
0x73: {  	s7 =	simm.s32 @!p3 $0x80;
	s8 =	simm.s32 @!p2 $0x7;
	[sflag:s17] =	ssyncadd.s32 $0xFFFFE000  }
0x74: {  	[tilespmem:s5], [sflag:$0x6] =	stream.indirect.gather @!p3 [hbm4b:s4+s7], $0x40, s6, s7, $0xb8;
	[tilespmem:$0x1EB40] =	vst v63  }
0x75: {  	s5 =	simm.s32 @!p2 $0x2A80;
	_ =	swait.ge @!p2 [sflag:s8], $0x2000  }
0x76: {  	s6 =	simm.s32 @!p2 $0x80;
	s7 =	simm.s32 @!p2 $0x10F00;
	[sflag:s8] =	ssyncset.done @!p2 $0x0  }
0x77: {  	p3 =	sle.u32 @!p2 s18, $0xE;
	[sflag:s8] =	ssyncadd.s32 @!p2 $0xFFFFE000;
	s8 =	simm.s32 @!p2 $0x9  }
0x78: {  	[spmem:s2] =	stream.indirect.scatter.add.f32 @!p2 [tilespmem:s7], [sflag:$0x9], $0x40, s5, s6, $0xb8;
	[tilespmem:$0x1EB40] =	vst v63  }
0x79: {  	p4 =	por p3, p2;
	p3 =	sle.u32 s18, $0x7;
	_ =	swait.ge @!p2 [sflag:s8], $0x2000  }
0x7a: {  	s5 =	simm.s32 @!p4 $0x10F00;
	s6 =	simm.s32 @!p4 $0x700;
	[sflag:s8] =	ssyncset.done @!p2 $0x0  }
0x7b: {  	s7 =	simm.s32 @!p4 $0x80;
	[sflag:s8] =	ssyncadd.s32 @!p2 $0xFFFFE000;
	s8 =	simm.s32 @!p3 $0x8  }
0x7c: {  	[tilespmem:s5], [sflag:$0x7] =	stream.indirect.gather @!p4 [hbm4b:s4+s7], $0x40, s6, s7, $0xb8;
	[tilespmem:$0x1EB40] =	vst v63  }
0x7d: {  	_ =	swait.ge @!p3 [sflag:s8], $0x2000  }
0x7e: {  	p2 =	sle.u32 @!p3 s18, $0xF;
	s5 =	simm.s32 @!p3 $0x12F00;
	[sflag:s8] =	ssyncset.done @!p3 $0x0  }
0x7f: {  	s6 =	simm.s32 @!p3 $0x2B00;
	s7 =	simm.s32 @!p3 $0x80;
	[sflag:s8] =	ssyncadd.s32 @!p3 $0xFFFFE000  }
0x80: {  	[spmem:s2] =	stream.indirect.scatter.add.f32 @!p3 [tilespmem:s5], [sflag:$0x9], $0x40, s6, s7, $0xb8;
	[tilespmem:$0x1EB40] =	vst v63  }
0x81: {  	p4 =	por p2, p3;
	s8 =	simm.s32 @!p3 $0x9;
	s5 =	simm.s32 $0x1000  }
0x82: {  	s6 =	simm.s32 $0x17;
	s7 =	simm.s32 $0x0;
	_ =	swait.ge @!p3 [sflag:s8], $0x2000  }
.LBB2_2:
0x83: {  	[sflag:s8] =	ssyncset.done @!p3 $0x0  }
0x84: {  	s9 =	sshra.s32 @!p4 s7, $0x2;
	s10 =	simm.s32 @!p4 $0x12F00;
	s7 =	smov.u32 s5  }
0x85: {  	[sflag:s8] =	ssyncadd.s32 @!p3 $0xFFFFE000;
	s8 =	sadd.s32 @!p4 $0x780, s9;
	s9 =	simm.s32 @!p4 $0x80  }
0x86: {  	[tilespmem:s10], [sflag:$0x8] =	stream.indirect.gather @!p4 [hbm4b:s4+s9], $0x40, s8, s9, $0xb8;
	[tilespmem:$0x1EB40] =	vst v63  }
0x87: {  	s5 =	sadd.s32 $0x1000, s5;
	s8 =	sshra.s32 s7, $0x2;
	_ =	swait.ge [sflag:s22], $0x2000  }
0x88: {  	s10 =	sadd.s32 $0xFFFFFFF9, s6;
	s9 =	sadd.s32 $0x2780, s8;
	[sflag:s22] =	ssyncset.done $0x0  }
0x89: {  	p2 =	sne.s32 s5, $0xA000;
	p3 =	sge.u32 s10, s18;
	[sflag:s22] =	ssyncadd.s32 $0xFFFFE000  }
0x8a: {  	[spmem:s2] =	stream.indirect.scatter.add.f32 [tilespmem:s20], [sflag:$0x9], $0x40, s9, s19, $0xb8;
	[tilespmem:$0x1EB40] =	vst v63  }
0x8b: {  	s10 =	simm.s32 @!p3 $0x4F00;
	s9 =	sshra.s32 @!p3 s7, $0x2;
	_ =	swait.ge [sflag:s17], $0x2000  }
0x8c: {  	s11 =	simm.s32 @!p3 $0x80;
	s9 =	sadd.s32 @!p3 $0x400, s9;
	[sflag:s17] =	ssyncset.done $0x0  }
0x8d: {  	[sflag:s17] =	ssyncadd.s32 $0xFFFFE000  }
0x8e: {  	[tilespmem:s10], [sflag:$0x1] =	stream.indirect.gather @!p3 [hbm4b:s4+s11], $0x40, s9, s11, $0xb8;
	[tilespmem:$0x1EB40] =	vst v63  }
0x8f: {  	_ =	swait.ge [sflag:s24], $0x2000  }
0x90: {  	s9 =	sadd.s32 $0x2800, s8;
	s10 =	sadd.s32 $0xFFFFFFFA, s6;
	[sflag:s24] =	ssyncset.done $0x0  }
0x91: {  	p3 =	sge.u32 s10, s18;
	[sflag:s24] =	ssyncadd.s32 $0xFFFFE000  }
0x92: {  	[spmem:s2] =	stream.indirect.scatter.add.f32 [tilespmem:s21], [sflag:$0x9], $0x40, s9, s19, $0xb8;
	[tilespmem:$0x1EB40] =	vst v63  }
0x93: {  	s10 =	simm.s32 @!p3 $0x6F00;
	s9 =	sshra.s32 @!p3 s7, $0x2;
	_ =	swait.ge [sflag:s17], $0x2000  }
0x94: {  	s11 =	simm.s32 @!p3 $0x80;
	s9 =	sadd.s32 @!p3 $0x480, s9;
	[sflag:s17] =	ssyncset.done $0x0  }
0x95: {  	[sflag:s17] =	ssyncadd.s32 $0xFFFFE000  }
0x96: {  	[tilespmem:s10], [sflag:$0x2] =	stream.indirect.gather @!p3 [hbm4b:s4+s11], $0x40, s9, s11, $0xb8;
	[tilespmem:$0x1EB40] =	vst v63  }
0x97: {  	_ =	swait.ge [sflag:s26], $0x2000  }
0x98: {  	s9 =	sadd.s32 $0x2880, s8;
	s10 =	sadd.s32 $0xFFFFFFFB, s6;
	[sflag:s26] =	ssyncset.done $0x0  }
0x99: {  	p3 =	sge.u32 s10, s18;
	[sflag:s26] =	ssyncadd.s32 $0xFFFFE000  }
0x9a: {  	[spmem:s2] =	stream.indirect.scatter.add.f32 [tilespmem:s23], [sflag:$0x9], $0x40, s9, s19, $0xb8;
	[tilespmem:$0x1EB40] =	vst v63  }
0x9b: {  	s10 =	simm.s32 @!p3 $0x8F00;
	s9 =	sshra.s32 @!p3 s7, $0x2;
	_ =	swait.ge [sflag:s17], $0x2000  }
0x9c: {  	s11 =	simm.s32 @!p3 $0x80;
	s9 =	sadd.s32 @!p3 $0x500, s9;
	[sflag:s17] =	ssyncset.done $0x0  }
0x9d: {  	[sflag:s17] =	ssyncadd.s32 $0xFFFFE000  }
0x9e: {  	[tilespmem:s10], [sflag:$0x3] =	stream.indirect.gather @!p3 [hbm4b:s4+s11], $0x40, s9, s11, $0xb8;
	[tilespmem:$0x1EB40] =	vst v63  }
0x9f: {  	_ =	swait.ge [sflag:s29], $0x2000  }
0xa0: {  	s9 =	sadd.s32 $0x2900, s8;
	s10 =	sadd.s32 $0xFFFFFFFC, s6;
	[sflag:s29] =	ssyncset.done $0x0  }
0xa1: {  	p3 =	sge.u32 s10, s18;
	[sflag:s29] =	ssyncadd.s32 $0xFFFFE000  }
0xa2: {  	[spmem:s2] =	stream.indirect.scatter.add.f32 [tilespmem:s25], [sflag:$0x9], $0x40, s9, s19, $0xb8;
	[tilespmem:$0x1EB40] =	vst v63  }
0xa3: {  	s10 =	simm.s32 @!p3 $0xAF00;
	s9 =	sshra.s32 @!p3 s7, $0x2;
	_ =	swait.ge [sflag:s17], $0x2000  }
0xa4: {  	s11 =	simm.s32 @!p3 $0x80;
	s9 =	sadd.s32 @!p3 $0x580, s9;
	[sflag:s17] =	ssyncset.done $0x0  }
0xa5: {  	[sflag:s17] =	ssyncadd.s32 $0xFFFFE000  }
0xa6: {  	[tilespmem:s10], [sflag:$0x4] =	stream.indirect.gather @!p3 [hbm4b:s4+s11], $0x40, s9, s11, $0xb8;
	[tilespmem:$0x1EB40] =	vst v63  }
0xa7: {  	_ =	swait.ge [sflag:s31], $0x2000  }
0xa8: {  	s9 =	sadd.s32 $0x2980, s8;
	s10 =	sadd.s32 $0xFFFFFFFD, s6;
	[sflag:s31] =	ssyncset.done $0x0  }
0xa9: {  	p3 =	sge.u32 s10, s18;
	[sflag:s31] =	ssyncadd.s32 $0xFFFFE000  }
0xaa: {  	[spmem:s2] =	stream.indirect.scatter.add.f32 [tilespmem:s28], [sflag:$0x9], $0x40, s9, s19, $0xb8;
	[tilespmem:$0x1EB40] =	vst v63  }
0xab: {  	s10 =	simm.s32 @!p3 $0xCF00;
	s9 =	sshra.s32 @!p3 s7, $0x2;
	_ =	swait.ge [sflag:s17], $0x2000  }
0xac: {  	s11 =	simm.s32 @!p3 $0x80;
	s9 =	sadd.s32 @!p3 $0x600, s9;
	[sflag:s17] =	ssyncset.done $0x0  }
0xad: {  	[sflag:s17] =	ssyncadd.s32 $0xFFFFE000  }
0xae: {  	[tilespmem:s10], [sflag:$0x5] =	stream.indirect.gather @!p3 [hbm4b:s4+s11], $0x40, s9, s11, $0xb8;
	[tilespmem:$0x1EB40] =	vst v63  }
0xaf: {  	_ =	swait.ge [sflag:s0], $0x2000  }
0xb0: {  	s8 =	sadd.s32 $0x2A00, s8;
	s9 =	sadd.s32 $0xFFFFFFFE, s6;
	[sflag:s0] =	ssyncset.done $0x0  }
0xb1: {  	p3 =	sge.u32 s9, s18;
	s9 =	sadd.s32 $0xFFFFFFF7, s6;
	[sflag:s0] =	ssyncadd.s32 $0xFFFFE000  }
0xb2: {  	[spmem:s2] =	stream.indirect.scatter.add.f32 [tilespmem:s30], [sflag:$0x9], $0x40, s8, s19, $0xb8;
	[tilespmem:$0x1EB40] =	vst v63  }
0xb3: {  	s10 =	simm.s32 @!p3 $0xEF00;
	s8 =	sshra.s32 @!p3 s7, $0x2;
	_ =	swait.ge [sflag:s17], $0x2000  }
0xb4: {  	p4 =	sge.u32 s9, s18;
	s8 =	sadd.s32 @!p3 $0x680, s8;
	[sflag:s17] =	ssyncset.done $0x0  }
0xb5: {  	s9 =	simm.s32 @!p3 $0x80;
	s11 =	simm.s32 @!p4 $0x7;
	s12 =	sshra.s32 @!p4 s7, $0x2  }
0xb6: {  	s13 =	sadd.s32 @!p4 $0xFFFFFFFF, s6;
	s12 =	sadd.s32 @!p4 $0x2A80, s12;
	[sflag:s17] =	ssyncadd.s32 $0xFFFFE000  }
0xb7: {  	[tilespmem:s10], [sflag:$0x6] =	stream.indirect.gather @!p3 [hbm4b:s4+s9], $0x40, s8, s9, $0xb8;
	[tilespmem:$0x1EB40] =	vst v63  }
0xb8: {  	s8 =	simm.s32 @!p4 $0x80;
	s9 =	simm.s32 @!p4 $0x10F00;
	_ =	swait.ge @!p4 [sflag:s11], $0x2000  }
0xb9: {  	s10 =	simm.s32 @!p4 $0x9;
	p3 =	sge.u32 @!p4 s13, s18;
	[sflag:s11] =	ssyncset.done @!p4 $0x0  }
0xba: {  	p5 =	por p3, p4;
	[sflag:s11] =	ssyncadd.s32 @!p4 $0xFFFFE000;
	s11 =	sadd.s32 $0xFFFFFFF8, s6  }
0xbb: {  	[spmem:s2] =	stream.indirect.scatter.add.f32 @!p4 [tilespmem:s9], [sflag:$0x9], $0x40, s12, s8, $0xb8;
	[tilespmem:$0x1EB40] =	vst v63  }
0xbc: {  	s8 =	sshra.s32 @!p5 s7, $0x2;
	s9 =	simm.s32 @!p5 $0x10F00;
	_ =	swait.ge @!p4 [sflag:s10], $0x2000  }
0xbd: {  	p3 =	sge.u32 s11, s18;
	s8 =	sadd.s32 @!p5 $0x700, s8;
	[sflag:s10] =	ssyncset.done @!p4 $0x0  }
0xbe: {  	s11 =	simm.s32 @!p3 $0x8;
	[sflag:s10] =	ssyncadd.s32 @!p4 $0xFFFFE000;
	s10 =	simm.s32 @!p5 $0x80  }
0xbf: {  	[tilespmem:s9], [sflag:$0x7] =	stream.indirect.gather @!p5 [hbm4b:s4+s10], $0x40, s8, s10, $0xb8;
	[tilespmem:$0x1EB40] =	vst v63  }
0xc0: {  	s8 =	sshra.s32 @!p3 s7, $0x2  }
.Ltmp0:
0xc1: {  	s9 =	simm.s32 @!p3 $0x12F00;
	_ =	swait.ge @!p3 [sflag:s11], $0x2000;
	(pc) =	sbr.rel @p2 .LBB2_2-.Ltmp0, $4  }
0xc2: {  	s12 =	simm.s32 @!p3 $0x80;
	s10 =	sadd.s32 @!p3 $0x2B00, s8;
	[sflag:s11] =	ssyncset.done @!p3 $0x0  }
0xc3: {  	p4 =	sge.u32 @!p3 s6, s18;
	s8 =	simm.s32 @!p3 $0x9;
	[sflag:s11] =	ssyncadd.s32 @!p3 $0xFFFFE000  }
0xc4: {  	[spmem:s2] =	stream.indirect.scatter.add.f32 @!p3 [tilespmem:s9], [sflag:$0x9], $0x40, s10, s12, $0xb8;
	[tilespmem:$0x1EB40] =	vst v63  }
0xc5: {  	s6 =	sadd.s32 $0x8, s6;
	p4 =	por p4, p3;
	_ =	swait.ge @!p3 [sflag:s8], $0x2000  }
0xc6: {  	[sflag:s8] =	ssyncset.done @!p3 $0x0;
	s5 =	sshra.s32 @!p4 s7, $0x2;
	s6 =	simm.s32 @!p4 $0x12F00  }
0xc7: {  	s7 =	simm.s32 @!p4 $0x80;
	[sflag:s8] =	ssyncadd.s32 @!p3 $0xFFFFE000;
	s5 =	sadd.s32 @!p4 $0x780, s5  }
0xc8: {  	[tilespmem:s6], [sflag:$0x8] =	stream.indirect.gather @!p4 [hbm4b:s4+s7], $0x40, s5, s7, $0xb8;
	[tilespmem:$0x1EB40] =	vst v63  }
0xc9: {  	[bflag:$0x0] =	sbarrier.arrive $0xFFFF  }
0xca: {  	s5 =	simm.s32 @p0 $0x1FC9;
	s6 =	rddreg [dreg:$0xa]  }
0xcb: {  	[hbm:s6], [sflag:s5] =	dma.local @p0 [spmem:s14], $0x1400  }
0xcc: {  	s5 =	simm.s32 @p0 $0x9  }
0xcd: {  	_ =	swait.ge @p0 [sflag:s5], $0x1400  }
0xce: {  	[sflag:s5] =	ssyncset.done @p0 $0x0  }
0xcf: {  	[sflag:s5] =	ssyncadd.s32 @p0 $0xFFFFEC00;
	s5 =	rddreg [dreg:$0x9]  }
0xd0: {  	[hbm:s5], [sflag:s15] =	dma.local @!p0 [spmem:s16], $0x1380  }
0xd1: {  	s5 =	simm.s32 @!p0 $0x9  }
0xd2: {  	_ =	swait.ge @!p0 [sflag:s5], $0x1380  }
0xd3: {  	s1 =	sadd.s32 $0x1, s1;
	s18 =	rddreg [dreg:$0xb]  }
0xd4: {  	p2 =	sne.s32 s1, s18  }
.Ltmp1:
0xd5: {  	_ = 	snop;
	(pc) =	sbr.rel @p2 .LBB2_1-.Ltmp1, $3  }
0xd6: {  	_ =	sdelay $0x1  }
0xd7: {  	[sflag:s5] =	ssyncset.done @!p0 $0x0  }
0xd8: {  	[sflag:s5] =	ssyncadd.s32 @!p0 $0xFFFFEC80  }
0xd9: {  	_ =	sfence.sel $0x180000  }
0xda: {  	[bflag:$0x0] =	sbarrier.arrive $0xFFFF  }
0xdb: {  	_ =	strace $0x9000004A  }
0xdc: {  	s0 =	stileid.u32;
	[bflag:$0x2] =	sbarrier.arrive $0xFFFF  }
0xdd: {  	p0 =	sne.s32 s0, $0x0;
	s0 =	rddreg [dreg:$0x2]  }
0xde: {  	s0 =	sadd.s32 @!p0 $0x100000, s0  }
0xdf: {  	[sflag:s0] =	ssyncadd.tile.s32 @!p0 $0x1;
	_ =	shalt  }
.Lfunc_end2:
_tile_overlayer_lowered:
.L_overlay_start_2:
0xe0: {  	(tag) =	ssettag $0x2  }
0xe1: {  	s0 =	rddreg [dreg:$0x0];
	s2 =	stileid.u32  }
0xe2: {  	s1 =	rddreg [dreg:$0x1];
	p0 =	sne.s32 s2, $0x0  }
0xe3: {  	s3 =	rddreg [dreg:$0x2];
	[bflag:$0x3] =	sbarrier.arrive $0xFFFF;
	s2 =	simm.s32 @!p0 $0x1C09  }
0xe4: {  	[timem:s3], [sflag:s2] =	dma.local @!p0 [hbm:s0], s1  }
0xe5: {  	s0 =	simm.s32 @!p0 $0x9  }
0xe6: {  	_ =	swait.ge @!p0 [sflag:s0], s1  }
0xe7: {  	s1 =	ssub.s32 @!p0 $0x0, s1;
	[sflag:s0] =	ssyncset.done @!p0 $0x0  }
0xe8: {  	[sflag:s0] =	ssyncadd.s32 @!p0 s1  }
0xe9: {  	[bflag:$0x3] =	sbarrier.arrive $0xFFFF  }
0xea: {  	_ =	shalt  }

// kernel: kernel.17.cloned.1.call-start
scs
__scs_entry_jumppad:
0x0: {  	(pc) =	sbr.rel $0x88, $3  }
0x1: {  	(tag) =	ssettag $0x0;
	lr =	simm.s32 $0x1  }
0x2: {  	[smem:$0x3F90] =	sst lr;
	_ =	strace $0xD0000000  }
0x3: {  	_ = 	snop  }
0x4: {  	_ = 	snop  }
0x5: {  	_ = 	snop  }
0x6: {  	_ = 	snop  }
0x7: {  	_ = 	snop  }
__scs_overlays_trampoline_lowered:
0x8: {  	[smem:$0x3F9F] =	sst s0  }
0x9: {  	[smem:$0x3FA0] =	sst s1  }
0xa: {  	[smem:$0x3FA1] =	sst s2  }
0xb: {  	[smem:$0x3FA2] =	sst s3  }
0xc: {  	[smem:$0x3FA3] =	sst s4  }
0xd: {  	[smem:$0x3FA4] =	sst s5  }
0xe: {  	[smem:$0x3FA5] =	sst s6  }
0xf: {  	[smem:$0x3FA6] =	sst s7  }
0x10: {  	[smem:$0x3FA7] =	sst s8  }
0x11: {  	[smem:$0x3FA8] =	sst s9;
	s0 =	simm.s32 @!p0 $0x0  }
0x12: {  	s1 =	sld [smem:$0x3F8E];
	s0 =	simm.s32 @p0 $0x1  }
0x13: {  	[smem:$0x3FA9] =	sst s0;
	s0 =	simm.s32 @!p1 $0x0  }
0x14: {  	s2 =	sld [smem:$0x3F8D];
	s0 =	simm.s32 @p1 $0x1  }
0x15: {  	[smem:$0x3FAA] =	sst s0;
	s0 =	simm.s32 @!p2 $0x0  }
0x16: {  	s3 =	sld [smem:$0x3FDB];
	s0 =	simm.s32 @p2 $0x1  }
0x17: {  	s4 =	simm.s32 $0x1BF5;
	[smem:$0x3FAC] =	sst s0  }
0x18: {  	s0 =	sld [smem:$0x3F8F];
	_ =	swait.ge [sflag:s4], $0x0  }
0x19: {  	s7 =	sld [smem:$0x3F90]  }
0x1a: {  	s8 =	sadd.s32 $0xFFFFE003, lr  }
0x1b: {  	s9 =	sadd.s32 $0xFFFFFEF7, lr;
	s5 =	simm.s32 $0xFFFFFFFF;
	p2 =	slt.u32 s8, $0xFFFFF086  }
0x1c: {  	p1 =	slt.u32 s9, $0xF7A;
	s5 =	simm.s32 @!p2 $0x0  }
0x1d: {  	s5 =	simm.s32 @p1 $0x1;
	p0 =	seq.s32 s7, s2  }
0x1e: {  	s7 =	smul.u32 @!p0 $0xF7A, s2;
	p2 =	seq.s32 @!p0 s5, $0x0  }
0x1f: {  	s9 =	smul.u32 $0xF7A, s1;
	s8 =	simm.s32 @!p0 $0x1BF5;
	p2 =	por !p2, p0  }
0x20: {  	[sflag:s8] =	ssyncset.s32 @!p0 $0xFFFFF086;
	s6 =	sadd.s32 @!p0 s3, s7;
	s7 =	simm.s32 @!p0 $0x108  }
0x21: {  	s3 =	sadd.s32 s3, s9;
	s6 =	sadd.s32 @!p0 $0x88, s6;
	s7 =	simm.s32 @p2 $0x1082  }
0x22: {  	[simem:s7], [sflag:s8] =	dma.local @!p0 [hbm:s6], $0xF7A  }
0x23: {  	s9 =	sor.u32 $0xD0000000, s2;
	s6 =	simm.s32 $0x108;
	_ =	swait.ge @!p0 [sflag:s8], $0x0  }
0x24: {  	s3 =	sadd.s32 $0x88, s3;
	s6 =	simm.s32 @!p1 $0x1082;
	[sflag:s4] =	ssyncset.s32 $0xFFFFF086  }
0x25: {  	[simem:s6], [sflag:s4] =	dma.local [hbm:s3], $0xF7A  }
0x26: {  	[smem:$0x3F90] =	sst s1;
	(tag) =	ssettag s2;
	_ =	strace s9  }
0x27: {  	s1 =	sld [smem:$0x3FA0]  }
0x28: {  	s2 =	sld [smem:$0x3FA1]  }
0x29: {  	s4 =	sld [smem:$0x3FA3]  }
0x2a: {  	p0 =	seq.s32 s5, $0x0;
	s5 =	sld [smem:$0x3FA4]  }
0x2b: {  	s6 =	sld [smem:$0x3FA5]  }
0x2c: {  	s7 =	sld [smem:$0x3FA6]  }
0x2d: {  	s3 =	simm.s32 $0x108;
	s8 =	sld [smem:$0x3FA7]  }
0x2e: {  	s3 =	simm.s32 @!p0 $0x1082;
	s9 =	sld [smem:$0x3FA8]  }
0x2f: {  	lr =	sadd.s32 s0, s3;
	s0 =	sld [smem:$0x3F9F]  }
0x30: {  	s3 =	sld [smem:$0x3FA2]  }
0x31: {  	[smem:$0x3FAB] =	sst s10  }
0x32: {  	s10 =	sld [smem:$0x3FA9];
	_ =	sdelay $0x3  }
0x33: {  	p0 =	seq.s32 s10, $0x1;
	s10 =	sld [smem:$0x3FAB];
	_ =	sdelay $0x3  }
0x34: {  	[smem:$0x3FAB] =	sst s10  }
0x35: {  	s10 =	sld [smem:$0x3FAA];
	_ =	sdelay $0x3  }
0x36: {  	p1 =	seq.s32 s10, $0x1;
	s10 =	sld [smem:$0x3FAB];
	_ =	sdelay $0x3  }
0x37: {  	[smem:$0x3FAB] =	sst s10  }
0x38: {  	s10 =	sld [smem:$0x3FAC]  }
0x39: {  	_ = 	snop;
	(pc) =	sbr.ind lr, $3  }
0x3a: {  	_ = 	snop  }
0x3b: {  	_ = 	snop  }
0x3c: {  	p2 =	seq.s32 s10, $0x1;
	s10 =	sld [smem:$0x3FAB]  }
0x3d: {  	_ =	shalt  }
0x3e: {  	_ =	shalt  }
0x3f: {  	_ =	shalt  }
0x40: {  	_ =	shalt  }
0x41: {  	_ =	shalt  }
0x42: {  	_ =	shalt  }
0x43: {  	_ =	shalt  }
0x44: {  	_ =	shalt  }
0x45: {  	_ =	shalt  }
0x46: {  	_ =	shalt  }
0x47: {  	_ =	shalt  }
0x48: {  	_ =	shalt  }
0x49: {  	_ =	shalt  }
0x4a: {  	_ =	shalt  }
0x4b: {  	_ =	shalt  }
0x4c: {  	_ =	shalt  }
0x4d: {  	_ =	shalt  }
0x4e: {  	_ =	shalt  }
0x4f: {  	_ =	shalt  }
0x50: {  	_ =	shalt  }
0x51: {  	_ =	shalt  }
0x52: {  	_ =	shalt  }
0x53: {  	_ =	shalt  }
0x54: {  	_ =	shalt  }
0x55: {  	_ =	shalt  }
0x56: {  	_ =	shalt  }
0x57: {  	_ =	shalt  }
0x58: {  	_ =	shalt  }
0x59: {  	_ =	shalt  }
0x5a: {  	_ =	shalt  }
0x5b: {  	_ =	shalt  }
0x5c: {  	_ =	shalt  }
0x5d: {  	_ =	shalt  }
0x5e: {  	_ =	shalt  }
0x5f: {  	_ =	shalt  }
0x60: {  	_ =	shalt  }
0x61: {  	_ =	shalt  }
0x62: {  	_ =	shalt  }
0x63: {  	_ =	shalt  }
0x64: {  	_ =	shalt  }
0x65: {  	_ =	shalt  }
0x66: {  	_ =	shalt  }
0x67: {  	_ =	shalt  }
0x68: {  	_ =	shalt  }
0x69: {  	_ =	shalt  }
0x6a: {  	_ =	shalt  }
0x6b: {  	_ =	shalt  }
0x6c: {  	_ =	shalt  }
0x6d: {  	_ =	shalt  }
0x6e: {  	_ =	shalt  }
0x6f: {  	_ =	shalt  }
0x70: {  	_ =	shalt  }
0x71: {  	_ =	shalt  }
0x72: {  	_ =	shalt  }
0x73: {  	_ =	shalt  }
0x74: {  	_ =	shalt  }
0x75: {  	_ =	shalt  }
0x76: {  	_ =	shalt  }
0x77: {  	_ =	shalt  }
0x78: {  	_ =	shalt  }
0x79: {  	_ =	shalt  }
0x7a: {  	_ =	shalt  }
0x7b: {  	_ =	shalt  }
0x7c: {  	_ =	shalt  }
0x7d: {  	_ =	shalt  }
0x7e: {  	_ =	shalt  }
0x7f: {  	_ =	shalt  }
0x80: {  	_ =	shalt  }
0x81: {  	_ =	shalt  }
0x82: {  	_ =	shalt  }
0x83: {  	_ =	shalt  }
0x84: {  	_ =	shalt  }
0x85: {  	_ =	shalt  }
0x86: {  	_ =	shalt  }
0x87: {  	_ =	shalt  }
.Lfunc_end0:
.L_simem_size_0:
called_computation.2_lowered:
.L_overlay_start_0:
0x88: {  	s2 =	sld [smem:$0x3FD9]  }
0x89: {  	s3 =	sld [smem:$0x3FFE];
	_ =	sdelay $0x1  }
0x8a: {  	s1 =	srdreg.scid  }
0x8b: {  	s0 =	sand.u32 $0x1, s1  }
0x8c: {  	s16 =	sshll.u32 s0, $0xA;
	s2 =	sadd.s32 s3, s2  }
0x8d: {  	s2 =	sadd.s32 s2, s16  }
0x8e: {  	[smem:$0x3FB7] =	sst s2  }
0x8f: {  	_ = 	snop  }
0x90: {  	(tm) =	ssettm $0x1  }
0x91: {  	s17 =	sld [smem:$0x3FFB];
	_ =	sdelay $0x3  }
0x92: {  	_ =	strace s17  }
0x93: {  	s2 =	sld [smem:$0x3FFC];
	_ =	sdelay $0x3  }
0x94: {  	_ =	strace s2  }
0x95: {  	s2 =	sld [smem:$0x3FFD];
	_ =	sdelay $0x3  }
0x96: {  	_ =	strace s2  }
0x97: {  	_ =	strace $0x8FFFFFFF  }
0x98: {  	s18 =	sld [smem:$0x3FDB];
	_ =	sdelay $0x1  }
0x99: {  	s19 =	simm.s32 $_scs_section_size  }
0x9a: {  	s4 =	simm.s32 $_size__tile_overlayer_lowered;
	s5 =	simm.s32 $_tile_overlayer_lowered  }
0x9b: {  	s22 =	simm.s32 $0x1BFF;
	s21 =	sshll.u32 s5, $0x1;
	s2 =	sadd.s32 s19, s18  }
0x9c: {  	s6 =	simm.s32 $0x0;
	s20 =	sshll.u32 s4, $0x1;
	s4 =	sadd.s32 s21, s2  }
0x9d: {  	[timem:s6], [sflag:s22] =	dma.local [hbm:s4], s20  }
0x9e: {  	_ =	swait.ge [sflag:s22], s20  }
0x9f: {  	s3 =	ssub.s32 $0x0, s20;
	[sflag:s22] =	ssyncset.done $0x0  }
0xa0: {  	[sflag:s22] =	ssyncadd.s32 s3;
	_ =	sdelay $0x1  }
0xa1: {  	s23 =	simm.s32 $0x1B8B  }
0xa2: {  	_ =	swait.ge [sflag:s23], $0x1  }
0xa3: {  	[sflag:s23] =	ssyncset.done $0x0  }
0xa4: {  	s25 =	simm.s32 $0x1B8E;
	s24 =	sld [smem:$0x3FFE];
	[sflag:s23] =	ssyncadd.s32 $0xFFFFFFFF  }
0xa5: {  	s26 =	simm.s32 $execute0_lowered;
	[smem:$0x3FD2] =	sst s25  }
0xa6: {  	s4 =	sshll.u32 s26, $0x1;
	_ =	strace $0x8000004C;
	[dreg:$0x1] =	wrdreg $0xFFFFFFFF  }
0xa7: {  	s28 =	simm.s32 $_size_execute0_lowered;
	s2 =	sadd.s32 s2, s4;
	[dreg:$0x0] =	wrdreg $0x0  }
0xa8: {  	s4 =	sshll.u32 s28, $0x1;
	[dreg:$0x2] =	wrdreg s2  }
0xa9: {  	[dreg:$0x3] =	wrdreg s4  }
0xaa: {  	[dreg:$0x4] =	wrdreg $0xC0  }
0xab: {  	_ =	task [dreg:s6], $0x5FFFF  }
0xac: {  	[dreg:$0x1] =	wrdreg $0xFFFFFFFF  }
0xad: {  	[dreg:$0x0] =	wrdreg $0x60  }
0xae: {  	[dreg:$0x2] =	wrdreg s24  }
0xaf: {  	[dreg:$0x3] =	wrdreg $0x14F000  }
0xb0: {  	[dreg:$0x4] =	wrdreg $0x9  }
0xb1: {  	_ =	task.clear_ibuf [dreg:s6], $0x5FFFF;
	_ =	strace $0x9000004C  }
0xb2: {  	s29 =	simm.s32 $0x9;
	_ =	strace $0x8000004E  }
0xb3: {  	_ =	swait.ge [sflag:s29], $0x1  }
0xb4: {  	[sflag:s29] =	ssyncadd.s32 $0xFFFFFFFF  }
0xb5: {  	_ =	strace $0x9000004E  }
0xb6: {  	_ =	sfence  }
0xb7: {  	s30 =	sld [smem:$0x0];
	_ =	sdelay $0x2  }
0xb8: {  	s31 =	sshll.u32 s1, $0xD;
	s1 =	sshrl.u32 s1, $0x2  }
0xb9: {  	s3 =	sand.u32 $0x4000, s31;
	s1 =	sadd.s32 s1, s30  }
0xba: {  	s0 =	sor.u32 s3, s0;
	s1 =	sshll.u32 s1, $0x11  }
0xbb: {  	s0 =	sor.u32 s1, s0  }
0xbc: {  	s0 =	sadd.s32 $0x8F2B, s0  }
0xbd: {  	[sflag:s0] =	ssyncadd.remote.s32 $0x1  }
0xbe: {  	_ =	sfence.sel $0xFFFF  }
0xbf: {  	[dreg:$0x0] =	wrdreg $0xFFFFFFFF;
	(pc) =	sbr.abs _section_cstart, $3  }
0xc0: {  	[dreg:$0x1] =	wrdreg $0xFFFFFFFF  }
0xc1: {  	_ =	task.clear_ibuf [dreg:s6], $0x2FFFF;
	_ =	strace $0x9FFFFFFF  }
0xc2: {  	(tm) =	ssettm $0x7FFFFFFF  }
0xc3: {  	_ =	shalt  }
tec
execute0_lowered:
.L_overlay_start_1:
0x0: {  	(tag) =	ssettag $0x1  }
0x1: {  	s0 =	rddreg [dreg:$0x0]  }
0x2: {  	s2 =	rddreg [dreg:$0x1];
	s3 =	simm.s32 $0x0  }
0x3: {  	s15 =	stileid.u32;
	s5 =	srdreg.scid;
	s19 =	simm.s32 $0x80  }
0x4: {  	s28 =	simm.s32 $0xCF00;
	s30 =	simm.s32 $0xEF00;
	s29 =	simm.s32 $0x4  }
0x5: {  	s31 =	simm.s32 $0x5;
	[smem:$0x7FF] =	sst s3;
	s1 =	smul.u32 $0x9C00, s15  }
0x6: {  	s4 =	sadd.s32 $0x3F200, s0;
	s6 =	sadd.s32 $0x1C00, s0;
	s5 =	sand.u32 $0x1, s5  }
0x7: {  	s8 =	sadd.s32 $0xBA00, s0;
	s11 =	sadd.s32 $0x66600, s0;
	s21 =	sshll.u32 s15, $0x4  }
0x8: {  	p0 =	seq.s32 s15, $0xF;
	_ =	strace $0x8000004D;
	s9 =	ssub.s32 $0x2, s5  }
0x9: {  	s12 =	sshll.u32 s5, $0x4;
	s5 =	smul.u32 $0x9C400, s5;
	s7 =	sshrl.u32 s1, $0x3  }
0xa: {  	s10 =	sshrl.u32 s9, $0x1;
	s17 =	sor.u32 s15, s12;
	s16 =	sadd.s32 s1, s2  }
0xb: {  	s7 =	sadd.s32 s7, s0;
	s13 =	ssub.s32 s9, s10;
	s20 =	smul.u32 $0x4E0, s17  }
0xc: {  	s0 =	sadd.s32 $0x65080, s0;
	s1 =	sadd.s32 s1, s5;
	s5 =	sshrl.u32 s5, $0x3  }
0xd: {  	s16 =	sshrl.u32 @!p0 s16, $0x3;
	p1 =	sgt.u32 s17, $0x3;
	s17 =	simm.s32 $0x9  }
0xe: {  	s7 =	sadd.s32 $0x52C00, s7;
	[dreg:$0x4] =	wrdreg s0;
	s0 =	sor.u32 $0x9C00, s21  }
0xf: {  	s23 =	sshrl.u32 s1, $0x3;
	s24 =	sadd.s32 s11, s5;
	s26 =	smax.u32 s13, $0x1  }
0x10: {  	s21 =	simm.s32 $0x6F00;
	s1 =	simm.s32 $0x0;
	[dreg:$0x3] =	wrdreg s7  }
0x11: {  	s7 =	sadd.s32 $0x92400, s2;
	s22 =	sadd.s32 s6, s20;
	[dreg:$0xb] =	wrdreg s26  }
0x12: {  	s9 =	sadd.s32 s8, s20;
	s6 =	sadd.s32 s6, s0;
	[dreg:$0x5] =	wrdreg s22  }
0x13: {  	s0 =	sadd.s32 s8, s0;
	s25 =	sadd.s32 $0x12480, s24;
	[dreg:$0x6] =	wrdreg s9  }
0x14: {  	s20 =	simm.s32 $0x4F00;
	s24 =	simm.s32 $0x2;
	[dreg:$0x7] =	wrdreg s6  }
0x15: {  	s26 =	simm.s32 $0x3;
	[dreg:$0x8] =	wrdreg s0;
	s0 =	sadd.s32 s11, s23  }
0x16: {  	[dreg:$0xa] =	wrdreg s25;
	s14 =	sshrl.u32 @p0 s7, $0x3;
	s23 =	simm.s32 $0x8F00  }
0x17: {  	s25 =	simm.s32 $0xAF00;
	[dreg:$0x9] =	wrdreg s0;
	s0 =	sshll.u32 @!p0 s15, $0x6  }
0x18: {  	s22 =	simm.s32 $0x1;
	s15 =	sor.u32 @!p0 $0x1C09, s0;
	s0 =	simm.s32 $0x6  }
.LBB2_1:
0x19: {  	s5 =	simm.s32 @p0 $0x1FC9;
	s6 =	rddreg [dreg:$0x4]  }
0x1a: {  	[spmem:s14], [sflag:s5] =	dma.local @p0 [hbm:s6], $0x1400  }
0x1b: {  	s5 =	simm.s32 @p0 $0x9  }
0x1c: {  	_ =	swait.ge @p0 [sflag:s5], $0x1400  }
0x1d: {  	[sflag:s5] =	ssyncset.done @p0 $0x0  }
0x1e: {  	[sflag:s5] =	ssyncadd.s32 @p0 $0xFFFFEC00;
	s5 =	rddreg [dreg:$0x3]  }
0x1f: {  	[spmem:s16], [sflag:s15] =	dma.local @!p0 [hbm:s5], $0x1380  }
0x20: {  	s5 =	simm.s32 @!p0 $0x9  }
0x21: {  	_ =	swait.ge @!p0 [sflag:s5], $0x1380  }
0x22: {  	[sflag:s5] =	ssyncset.done @!p0 $0x0  }
0x23: {  	s6 =	rddreg [dreg:$0x5];
	[sflag:s5] =	ssyncadd.s32 @!p0 $0xFFFFEC80  }
0x24: {  	[tilespmem:s3], [sflag:$0x9] =	stream.linear.gather [hbm4b:s6+s3], $0x2700, $0x38;
	[tilespmem:$0x1EB40] =	vst v63  }
0x25: {  	_ =	swait.ge [sflag:s17], $0x2700  }
0x26: {  	[sflag:s17] =	ssyncset.done $0x0  }
0x27: {  	s8 =	simm.s32 $0x2780;
	s7 =	rddreg [dreg:$0x6];
	[sflag:s17] =	ssyncadd.s32 $0xFFFFD900  }
0x28: {  	[tilespmem:s8], [sflag:$0x9] =	stream.linear.gather [hbm4b:s7+s3], $0x2700, $0x38;
	[tilespmem:$0x1EB40] =	vst v63  }
0x29: {  	_ =	swait.ge [sflag:s17], $0x2700  }
0x2a: {  	s5 =	simm.s32 @!p1 $0x0;
	[sflag:s17] =	ssyncset.done $0x0  }
0x2b: {  	s6 =	simm.s32 @!p1 $0x2700;
	s7 =	rddreg [dreg:$0x7];
	[sflag:s17] =	ssyncadd.s32 $0xFFFFD900  }
0x2c: {  	[tilespmem:s6], [sflag:$0x9] =	stream.linear.gather @!p1 [hbm4b:s7+s5], $0x80, $0x38;
	[tilespmem:$0x1EB40] =	vst v63  }
0x2d: {  	s6 =	simm.s32 @!p1 $0x9  }
0x2e: {  	_ =	swait.ge @!p1 [sflag:s6], $0x80  }
0x2f: {  	[sflag:s6] =	ssyncset.done @!p1 $0x0  }
0x30: {  	s7 =	simm.s32 @!p1 $0x4E80;
	s8 =	rddreg [dreg:$0x8];
	[sflag:s6] =	ssyncadd.s32 @!p1 $0xFFFFFF80  }
0x31: {  	[tilespmem:s7], [sflag:$0x9] =	stream.linear.gather @!p1 [hbm4b:s8+s5], $0x80, $0x38;
	[tilespmem:$0x1EB40] =	vst v63  }
0x32: {  	_ =	swait.ge @!p1 [sflag:s6], $0x80  }
0x33: {  	[sflag:s6] =	ssyncset.done @!p1 $0x0  }
0x34: {  	[sflag:s6] =	ssyncadd.s32 @!p1 $0xFFFFFF80  }
0x35: {  	[bflag:$0x0] =	sbarrier.arrive $0xFFFF  }
0x36: {  	[tilespmem:s20], [sflag:$0x1] =	stream.indirect.gather [hbm4b:s4+s19], $0x40, s3, s19, $0xb8;
	[tilespmem:$0x1EB40] =	vst v63  }
0x37: {  	_ = 	snop  }
0x38: {  	[tilespmem:s21], [sflag:$0x2] =	stream.indirect.gather [hbm4b:s4+s19], $0x40, s19, s19, $0xb8;
	[tilespmem:$0x1EB40] =	vst v63  }
0x39: {  	s9 =	simm.s32 $0x100  }
0x3a: {  	[tilespmem:s23], [sflag:$0x3] =	stream.indirect.gather [hbm4b:s4+s19], $0x40, s9, s19, $0xb8;
	[tilespmem:$0x1EB40] =	vst v63  }
0x3b: {  	s10 =	simm.s32 $0x180  }
0x3c: {  	[tilespmem:s25], [sflag:$0x4] =	stream.indirect.gather [hbm4b:s4+s19], $0x40, s10, s19, $0xb8;
	[tilespmem:$0x1EB40] =	vst v63  }
0x3d: {  	s11 =	simm.s32 $0x200  }
0x3e: {  	[tilespmem:s28], [sflag:$0x5] =	stream.indirect.gather [hbm4b:s4+s19], $0x40, s11, s19, $0xb8;
	[tilespmem:$0x1EB40] =	vst v63  }
0x3f: {  	s12 =	simm.s32 $0x280  }
0x40: {  	[tilespmem:s30], [sflag:$0x6] =	stream.indirect.gather [hbm4b:s4+s19], $0x40, s12, s19, $0xb8;
	[tilespmem:$0x1EB40] =	vst v63  }
0x41: {  	s13 =	simm.s32 $0x300;
	s18 =	simm.s32 $0x10F00  }
0x42: {  	[tilespmem:s18], [sflag:$0x7] =	stream.indirect.gather [hbm4b:s4+s19], $0x40, s13, s19, $0xb8;
	[tilespmem:$0x1EB40] =	vst v63  }
0x43: {  	s7 =	simm.s32 $0x12F00;
	s6 =	simm.s32 $0x380  }
0x44: {  	[tilespmem:s7], [sflag:$0x8] =	stream.indirect.gather [hbm4b:s4+s19], $0x40, s6, s19, $0xb8;
	[tilespmem:$0x1EB40] =	vst v63  }
0x45: {  	_ =	swait.ge [sflag:s22], $0x2000  }
0x46: {  	s18 =	simm.s32 @!p1 $0x4F;
	[sflag:s22] =	ssyncset.done $0x0  }
0x47: {  	s8 =	simm.s32 $0x2780;
	s18 =	simm.s32 @p1 $0x4E;
	[sflag:s22] =	ssyncadd.s32 $0xFFFFE000  }
0x48: {  	[spmem:s2] =	stream.indirect.scatter.add.f32 [tilespmem:s20], [sflag:$0x9], $0x40, s8, s19, $0xb8;
	[tilespmem:$0x1EB40] =	vst v63  }
0x49: {  	p2 =	sle.u32 s18, $0x8;
	_ =	swait.ge [sflag:s17], $0x2000  }
0x4a: {  	s5 =	simm.s32 @!p2 $0x4F00;
	[sflag:s17] =	ssyncset.done $0x0  }
0x4b: {  	s6 =	simm.s32 @!p2 $0x400;
	s7 =	simm.s32 @!p2 $0x80;
	[sflag:s17] =	ssyncadd.s32 $0xFFFFE000  }
0x4c: {  	[tilespmem:s5], [sflag:$0x1] =	stream.indirect.gather @!p2 [hbm4b:s4+s7], $0x40, s6, s7, $0xb8;
	[tilespmem:$0x1EB40] =	vst v63  }
0x4d: {  	_ =	swait.ge [sflag:s24], $0x2000  }
0x4e: {  	[sflag:s24] =	ssyncset.done $0x0  }
0x4f: {  	s9 =	simm.s32 $0x2800;
	[sflag:s24] =	ssyncadd.s32 $0xFFFFE000  }
0x50: {  	[spmem:s2] =	stream.indirect.scatter.add.f32 [tilespmem:s21], [sflag:$0x9], $0x40, s9, s19, $0xb8;
	[tilespmem:$0x1EB40] =	vst v63  }
0x51: {  	p2 =	sle.u32 s18, $0x9;
	_ =	swait.ge [sflag:s17], $0x2000  }
0x52: {  	s5 =	simm.s32 @!p2 $0x6F00;
	[sflag:s17] =	ssyncset.done $0x0  }
0x53: {  	s6 =	simm.s32 @!p2 $0x480;
	s7 =	simm.s32 @!p2 $0x80;
	[sflag:s17] =	ssyncadd.s32 $0xFFFFE000  }
0x54: {  	[tilespmem:s5], [sflag:$0x2] =	stream.indirect.gather @!p2 [hbm4b:s4+s7], $0x40, s6, s7, $0xb8;
	[tilespmem:$0x1EB40] =	vst v63  }
0x55: {  	_ =	swait.ge [sflag:s26], $0x2000  }
0x56: {  	[sflag:s26] =	ssyncset.done $0x0  }
0x57: {  	s10 =	simm.s32 $0x2880;
	[sflag:s26] =	ssyncadd.s32 $0xFFFFE000  }
0x58: {  	[spmem:s2] =	stream.indirect.scatter.add.f32 [tilespmem:s23], [sflag:$0x9], $0x40, s10, s19, $0xb8;
	[tilespmem:$0x1EB40] =	vst v63  }
0x59: {  	p2 =	sle.u32 s18, $0xA;
	_ =	swait.ge [sflag:s17], $0x2000  }
0x5a: {  	s5 =	simm.s32 @!p2 $0x8F00;
	[sflag:s17] =	ssyncset.done $0x0  }
0x5b: {  	s6 =	simm.s32 @!p2 $0x500;
	s7 =	simm.s32 @!p2 $0x80;
	[sflag:s17] =	ssyncadd.s32 $0xFFFFE000  }
0x5c: {  	[tilespmem:s5], [sflag:$0x3] =	stream.indirect.gather @!p2 [hbm4b:s4+s7], $0x40, s6, s7, $0xb8;
	[tilespmem:$0x1EB40] =	vst v63  }
0x5d: {  	_ =	swait.ge [sflag:s29], $0x2000  }
0x5e: {  	[sflag:s29] =	ssyncset.done $0x0  }
0x5f: {  	s11 =	simm.s32 $0x2900;
	[sflag:s29] =	ssyncadd.s32 $0xFFFFE000  }
0x60: {  	[spmem:s2] =	stream.indirect.scatter.add.f32 [tilespmem:s25], [sflag:$0x9], $0x40, s11, s19, $0xb8;
	[tilespmem:$0x1EB40] =	vst v63  }
0x61: {  	p2 =	sle.u32 s18, $0xB;
	_ =	swait.ge [sflag:s17], $0x2000  }
0x62: {  	s5 =	simm.s32 @!p2 $0xAF00;
	[sflag:s17] =	ssyncset.done $0x0  }
0x63: {  	s6 =	simm.s32 @!p2 $0x580;
	s7 =	simm.s32 @!p2 $0x80;
	[sflag:s17] =	ssyncadd.s32 $0xFFFFE000  }
0x64: {  	[tilespmem:s5], [sflag:$0x4] =	stream.indirect.gather @!p2 [hbm4b:s4+s7], $0x40, s6, s7, $0xb8;
	[tilespmem:$0x1EB40] =	vst v63  }
0x65: {  	_ =	swait.ge [sflag:s31], $0x2000  }
0x66: {  	[sflag:s31] =	ssyncset.done $0x0  }
0x67: {  	s12 =	simm.s32 $0x2980;
	[sflag:s31] =	ssyncadd.s32 $0xFFFFE000  }
0x68: {  	[spmem:s2] =	stream.indirect.scatter.add.f32 [tilespmem:s28], [sflag:$0x9], $0x40, s12, s19, $0xb8;
	[tilespmem:$0x1EB40] =	vst v63  }
0x69: {  	p2 =	sle.u32 s18, $0xC;
	_ =	swait.ge [sflag:s17], $0x2000  }
0x6a: {  	s5 =	simm.s32 @!p2 $0xCF00;
	[sflag:s17] =	ssyncset.done $0x0  }
0x6b: {  	s6 =	simm.s32 @!p2 $0x600;
	s7 =	simm.s32 @!p2 $0x80;
	[sflag:s17] =	ssyncadd.s32 $0xFFFFE000  }
0x6c: {  	[tilespmem:s5], [sflag:$0x5] =	stream.indirect.gather @!p2 [hbm4b:s4+s7], $0x40, s6, s7, $0xb8;
	[tilespmem:$0x1EB40] =	vst v63  }
0x6d: {  	_ =	swait.ge [sflag:s0], $0x2000  }
0x6e: {  	[sflag:s0] =	ssyncset.done $0x0  }
0x6f: {  	s13 =	simm.s32 $0x2A00;
	p3 =	sle.u32 s18, $0xD;
	[sflag:s0] =	ssyncadd.s32 $0xFFFFE000  }
0x70: {  	[spmem:s2] =	stream.indirect.scatter.add.f32 [tilespmem:s30], [sflag:$0x9], $0x40, s13, s19, $0xb8;
	[tilespmem:$0x1EB40] =	vst v63  }
0x71: {  	s5 =	simm.s32 @!p3 $0xEF00;
	_ =	swait.ge [sflag:s17], $0x2000  }
0x72: {  	s6 =	simm.s32 @!p3 $0x680;
	p2 =	sle.u32 s18, $0x6;
	[sflag:s17] =	ssyncset.done $0x0  }
0x73: {  	s7 =	simm.s32 @!p3 $0x80;
	s8 =	simm.s32 @!p2 $0x7;
	[sflag:s17] =	ssyncadd.s32 $0xFFFFE000  }
0x74: {  	[tilespmem:s5], [sflag:$0x6] =	stream.indirect.gather @!p3 [hbm4b:s4+s7], $0x40, s6, s7, $0xb8;
	[tilespmem:$0x1EB40] =	vst v63  }
0x75: {  	s5 =	simm.s32 @!p2 $0x2A80;
	_ =	swait.ge @!p2 [sflag:s8], $0x2000  }
0x76: {  	s6 =	simm.s32 @!p2 $0x80;
	s7 =	simm.s32 @!p2 $0x10F00;
	[sflag:s8] =	ssyncset.done @!p2 $0x0  }
0x77: {  	p3 =	sle.u32 @!p2 s18, $0xE;
	[sflag:s8] =	ssyncadd.s32 @!p2 $0xFFFFE000;
	s8 =	simm.s32 @!p2 $0x9  }
0x78: {  	[spmem:s2] =	stream.indirect.scatter.add.f32 @!p2 [tilespmem:s7], [sflag:$0x9], $0x40, s5, s6, $0xb8;
	[tilespmem:$0x1EB40] =	vst v63  }
0x79: {  	p4 =	por p3, p2;
	p3 =	sle.u32 s18, $0x7;
	_ =	swait.ge @!p2 [sflag:s8], $0x2000  }
0x7a: {  	s5 =	simm.s32 @!p4 $0x10F00;
	s6 =	simm.s32 @!p4 $0x700;
	[sflag:s8] =	ssyncset.done @!p2 $0x0  }
0x7b: {  	s7 =	simm.s32 @!p4 $0x80;
	[sflag:s8] =	ssyncadd.s32 @!p2 $0xFFFFE000;
	s8 =	simm.s32 @!p3 $0x8  }
0x7c: {  	[tilespmem:s5], [sflag:$0x7] =	stream.indirect.gather @!p4 [hbm4b:s4+s7], $0x40, s6, s7, $0xb8;
	[tilespmem:$0x1EB40] =	vst v63  }
0x7d: {  	_ =	swait.ge @!p3 [sflag:s8], $0x2000  }
0x7e: {  	p2 =	sle.u32 @!p3 s18, $0xF;
	s5 =	simm.s32 @!p3 $0x12F00;
	[sflag:s8] =	ssyncset.done @!p3 $0x0  }
0x7f: {  	s6 =	simm.s32 @!p3 $0x2B00;
	s7 =	simm.s32 @!p3 $0x80;
	[sflag:s8] =	ssyncadd.s32 @!p3 $0xFFFFE000  }
0x80: {  	[spmem:s2] =	stream.indirect.scatter.add.f32 @!p3 [tilespmem:s5], [sflag:$0x9], $0x40, s6, s7, $0xb8;
	[tilespmem:$0x1EB40] =	vst v63  }
0x81: {  	p4 =	por p2, p3;
	s8 =	simm.s32 @!p3 $0x9;
	s5 =	simm.s32 $0x1000  }
0x82: {  	s6 =	simm.s32 $0x17;
	s7 =	simm.s32 $0x0;
	_ =	swait.ge @!p3 [sflag:s8], $0x2000  }
.LBB2_2:
0x83: {  	[sflag:s8] =	ssyncset.done @!p3 $0x0  }
0x84: {  	s9 =	sshra.s32 @!p4 s7, $0x2;
	s10 =	simm.s32 @!p4 $0x12F00;
	s7 =	smov.u32 s5  }
0x85: {  	[sflag:s8] =	ssyncadd.s32 @!p3 $0xFFFFE000;
	s8 =	sadd.s32 @!p4 $0x780, s9;
	s9 =	simm.s32 @!p4 $0x80  }
0x86: {  	[tilespmem:s10], [sflag:$0x8] =	stream.indirect.gather @!p4 [hbm4b:s4+s9], $0x40, s8, s9, $0xb8;
	[tilespmem:$0x1EB40] =	vst v63  }
0x87: {  	s5 =	sadd.s32 $0x1000, s5;
	s8 =	sshra.s32 s7, $0x2;
	_ =	swait.ge [sflag:s22], $0x2000  }
0x88: {  	s10 =	sadd.s32 $0xFFFFFFF9, s6;
	s9 =	sadd.s32 $0x2780, s8;
	[sflag:s22] =	ssyncset.done $0x0  }
0x89: {  	p2 =	sne.s32 s5, $0xA000;
	p3 =	sge.u32 s10, s18;
	[sflag:s22] =	ssyncadd.s32 $0xFFFFE000  }
0x8a: {  	[spmem:s2] =	stream.indirect.scatter.add.f32 [tilespmem:s20], [sflag:$0x9], $0x40, s9, s19, $0xb8;
	[tilespmem:$0x1EB40] =	vst v63  }
0x8b: {  	s10 =	simm.s32 @!p3 $0x4F00;
	s9 =	sshra.s32 @!p3 s7, $0x2;
	_ =	swait.ge [sflag:s17], $0x2000  }
0x8c: {  	s11 =	simm.s32 @!p3 $0x80;
	s9 =	sadd.s32 @!p3 $0x400, s9;
	[sflag:s17] =	ssyncset.done $0x0  }
0x8d: {  	[sflag:s17] =	ssyncadd.s32 $0xFFFFE000  }
0x8e: {  	[tilespmem:s10], [sflag:$0x1] =	stream.indirect.gather @!p3 [hbm4b:s4+s11], $0x40, s9, s11, $0xb8;
	[tilespmem:$0x1EB40] =	vst v63  }
0x8f: {  	_ =	swait.ge [sflag:s24], $0x2000  }
0x90: {  	s9 =	sadd.s32 $0x2800, s8;
	s10 =	sadd.s32 $0xFFFFFFFA, s6;
	[sflag:s24] =	ssyncset.done $0x0  }
0x91: {  	p3 =	sge.u32 s10, s18;
	[sflag:s24] =	ssyncadd.s32 $0xFFFFE000  }
0x92: {  	[spmem:s2] =	stream.indirect.scatter.add.f32 [tilespmem:s21], [sflag:$0x9], $0x40, s9, s19, $0xb8;
	[tilespmem:$0x1EB40] =	vst v63  }
0x93: {  	s10 =	simm.s32 @!p3 $0x6F00;
	s9 =	sshra.s32 @!p3 s7, $0x2;
	_ =	swait.ge [sflag:s17], $0x2000  }
0x94: {  	s11 =	simm.s32 @!p3 $0x80;
	s9 =	sadd.s32 @!p3 $0x480, s9;
	[sflag:s17] =	ssyncset.done $0x0  }
0x95: {  	[sflag:s17] =	ssyncadd.s32 $0xFFFFE000  }
0x96: {  	[tilespmem:s10], [sflag:$0x2] =	stream.indirect.gather @!p3 [hbm4b:s4+s11], $0x40, s9, s11, $0xb8;
	[tilespmem:$0x1EB40] =	vst v63  }
0x97: {  	_ =	swait.ge [sflag:s26], $0x2000  }
0x98: {  	s9 =	sadd.s32 $0x2880, s8;
	s10 =	sadd.s32 $0xFFFFFFFB, s6;
	[sflag:s26] =	ssyncset.done $0x0  }
0x99: {  	p3 =	sge.u32 s10, s18;
	[sflag:s26] =	ssyncadd.s32 $0xFFFFE000  }
0x9a: {  	[spmem:s2] =	stream.indirect.scatter.add.f32 [tilespmem:s23], [sflag:$0x9], $0x40, s9, s19, $0xb8;
	[tilespmem:$0x1EB40] =	vst v63  }
0x9b: {  	s10 =	simm.s32 @!p3 $0x8F00;
	s9 =	sshra.s32 @!p3 s7, $0x2;
	_ =	swait.ge [sflag:s17], $0x2000  }
0x9c: {  	s11 =	simm.s32 @!p3 $0x80;
	s9 =	sadd.s32 @!p3 $0x500, s9;
	[sflag:s17] =	ssyncset.done $0x0  }
0x9d: {  	[sflag:s17] =	ssyncadd.s32 $0xFFFFE000  }
0x9e: {  	[tilespmem:s10], [sflag:$0x3] =	stream.indirect.gather @!p3 [hbm4b:s4+s11], $0x40, s9, s11, $0xb8;
	[tilespmem:$0x1EB40] =	vst v63  }
0x9f: {  	_ =	swait.ge [sflag:s29], $0x2000  }
0xa0: {  	s9 =	sadd.s32 $0x2900, s8;
	s10 =	sadd.s32 $0xFFFFFFFC, s6;
	[sflag:s29] =	ssyncset.done $0x0  }
0xa1: {  	p3 =	sge.u32 s10, s18;
	[sflag:s29] =	ssyncadd.s32 $0xFFFFE000  }
0xa2: {  	[spmem:s2] =	stream.indirect.scatter.add.f32 [tilespmem:s25], [sflag:$0x9], $0x40, s9, s19, $0xb8;
	[tilespmem:$0x1EB40] =	vst v63  }
0xa3: {  	s10 =	simm.s32 @!p3 $0xAF00;
	s9 =	sshra.s32 @!p3 s7, $0x2;
	_ =	swait.ge [sflag:s17], $0x2000  }
0xa4: {  	s11 =	simm.s32 @!p3 $0x80;
	s9 =	sadd.s32 @!p3 $0x580, s9;
	[sflag:s17] =	ssyncset.done $0x0  }
0xa5: {  	[sflag:s17] =	ssyncadd.s32 $0xFFFFE000  }
0xa6: {  	[tilespmem:s10], [sflag:$0x4] =	stream.indirect.gather @!p3 [hbm4b:s4+s11], $0x40, s9, s11, $0xb8;
	[tilespmem:$0x1EB40] =	vst v63  }
0xa7: {  	_ =	swait.ge [sflag:s31], $0x2000  }
0xa8: {  	s9 =	sadd.s32 $0x2980, s8;
	s10 =	sadd.s32 $0xFFFFFFFD, s6;
	[sflag:s31] =	ssyncset.done $0x0  }
0xa9: {  	p3 =	sge.u32 s10, s18;
	[sflag:s31] =	ssyncadd.s32 $0xFFFFE000  }
0xaa: {  	[spmem:s2] =	stream.indirect.scatter.add.f32 [tilespmem:s28], [sflag:$0x9], $0x40, s9, s19, $0xb8;
	[tilespmem:$0x1EB40] =	vst v63  }
0xab: {  	s10 =	simm.s32 @!p3 $0xCF00;
	s9 =	sshra.s32 @!p3 s7, $0x2;
	_ =	swait.ge [sflag:s17], $0x2000  }
0xac: {  	s11 =	simm.s32 @!p3 $0x80;
	s9 =	sadd.s32 @!p3 $0x600, s9;
	[sflag:s17] =	ssyncset.done $0x0  }
0xad: {  	[sflag:s17] =	ssyncadd.s32 $0xFFFFE000  }
0xae: {  	[tilespmem:s10], [sflag:$0x5] =	stream.indirect.gather @!p3 [hbm4b:s4+s11], $0x40, s9, s11, $0xb8;
	[tilespmem:$0x1EB40] =	vst v63  }
0xaf: {  	_ =	swait.ge [sflag:s0], $0x2000  }
0xb0: {  	s8 =	sadd.s32 $0x2A00, s8;
	s9 =	sadd.s32 $0xFFFFFFFE, s6;
	[sflag:s0] =	ssyncset.done $0x0  }
0xb1: {  	p3 =	sge.u32 s9, s18;
	s9 =	sadd.s32 $0xFFFFFFF7, s6;
	[sflag:s0] =	ssyncadd.s32 $0xFFFFE000  }
0xb2: {  	[spmem:s2] =	stream.indirect.scatter.add.f32 [tilespmem:s30], [sflag:$0x9], $0x40, s8, s19, $0xb8;
	[tilespmem:$0x1EB40] =	vst v63  }
0xb3: {  	s10 =	simm.s32 @!p3 $0xEF00;
	s8 =	sshra.s32 @!p3 s7, $0x2;
	_ =	swait.ge [sflag:s17], $0x2000  }
0xb4: {  	p4 =	sge.u32 s9, s18;
	s8 =	sadd.s32 @!p3 $0x680, s8;
	[sflag:s17] =	ssyncset.done $0x0  }
0xb5: {  	s9 =	simm.s32 @!p3 $0x80;
	s11 =	simm.s32 @!p4 $0x7;
	s12 =	sshra.s32 @!p4 s7, $0x2  }
0xb6: {  	s13 =	sadd.s32 @!p4 $0xFFFFFFFF, s6;
	s12 =	sadd.s32 @!p4 $0x2A80, s12;
	[sflag:s17] =	ssyncadd.s32 $0xFFFFE000  }
0xb7: {  	[tilespmem:s10], [sflag:$0x6] =	stream.indirect.gather @!p3 [hbm4b:s4+s9], $0x40, s8, s9, $0xb8;
	[tilespmem:$0x1EB40] =	vst v63  }
0xb8: {  	s8 =	simm.s32 @!p4 $0x80;
	s9 =	simm.s32 @!p4 $0x10F00;
	_ =	swait.ge @!p4 [sflag:s11], $0x2000  }
0xb9: {  	s10 =	simm.s32 @!p4 $0x9;
	p3 =	sge.u32 @!p4 s13, s18;
	[sflag:s11] =	ssyncset.done @!p4 $0x0  }
0xba: {  	p5 =	por p3, p4;
	[sflag:s11] =	ssyncadd.s32 @!p4 $0xFFFFE000;
	s11 =	sadd.s32 $0xFFFFFFF8, s6  }
0xbb: {  	[spmem:s2] =	stream.indirect.scatter.add.f32 @!p4 [tilespmem:s9], [sflag:$0x9], $0x40, s12, s8, $0xb8;
	[tilespmem:$0x1EB40] =	vst v63  }
0xbc: {  	s8 =	sshra.s32 @!p5 s7, $0x2;
	s9 =	simm.s32 @!p5 $0x10F00;
	_ =	swait.ge @!p4 [sflag:s10], $0x2000  }
0xbd: {  	p3 =	sge.u32 s11, s18;
	s8 =	sadd.s32 @!p5 $0x700, s8;
	[sflag:s10] =	ssyncset.done @!p4 $0x0  }
0xbe: {  	s11 =	simm.s32 @!p3 $0x8;
	[sflag:s10] =	ssyncadd.s32 @!p4 $0xFFFFE000;
	s10 =	simm.s32 @!p5 $0x80  }
0xbf: {  	[tilespmem:s9], [sflag:$0x7] =	stream.indirect.gather @!p5 [hbm4b:s4+s10], $0x40, s8, s10, $0xb8;
	[tilespmem:$0x1EB40] =	vst v63  }
0xc0: {  	s8 =	sshra.s32 @!p3 s7, $0x2  }
.Ltmp0:
0xc1: {  	s9 =	simm.s32 @!p3 $0x12F00;
	_ =	swait.ge @!p3 [sflag:s11], $0x2000;
	(pc) =	sbr.rel @p2 .LBB2_2-.Ltmp0, $4  }
0xc2: {  	s12 =	simm.s32 @!p3 $0x80;
	s10 =	sadd.s32 @!p3 $0x2B00, s8;
	[sflag:s11] =	ssyncset.done @!p3 $0x0  }
0xc3: {  	p4 =	sge.u32 @!p3 s6, s18;
	s8 =	simm.s32 @!p3 $0x9;
	[sflag:s11] =	ssyncadd.s32 @!p3 $0xFFFFE000  }
0xc4: {  	[spmem:s2] =	stream.indirect.scatter.add.f32 @!p3 [tilespmem:s9], [sflag:$0x9], $0x40, s10, s12, $0xb8;
	[tilespmem:$0x1EB40] =	vst v63  }
0xc5: {  	s6 =	sadd.s32 $0x8, s6;
	p4 =	por p4, p3;
	_ =	swait.ge @!p3 [sflag:s8], $0x2000  }
0xc6: {  	[sflag:s8] =	ssyncset.done @!p3 $0x0;
	s5 =	sshra.s32 @!p4 s7, $0x2;
	s6 =	simm.s32 @!p4 $0x12F00  }
0xc7: {  	s7 =	simm.s32 @!p4 $0x80;
	[sflag:s8] =	ssyncadd.s32 @!p3 $0xFFFFE000;
	s5 =	sadd.s32 @!p4 $0x780, s5  }
0xc8: {  	[tilespmem:s6], [sflag:$0x8] =	stream.indirect.gather @!p4 [hbm4b:s4+s7], $0x40, s5, s7, $0xb8;
	[tilespmem:$0x1EB40] =	vst v63  }
0xc9: {  	[bflag:$0x0] =	sbarrier.arrive $0xFFFF  }
0xca: {  	s5 =	simm.s32 @p0 $0x1FC9;
	s6 =	rddreg [dreg:$0xa]  }
0xcb: {  	[hbm:s6], [sflag:s5] =	dma.local @p0 [spmem:s14], $0x1400  }
0xcc: {  	s5 =	simm.s32 @p0 $0x9  }
0xcd: {  	_ =	swait.ge @p0 [sflag:s5], $0x1400  }
0xce: {  	[sflag:s5] =	ssyncset.done @p0 $0x0  }
0xcf: {  	[sflag:s5] =	ssyncadd.s32 @p0 $0xFFFFEC00;
	s5 =	rddreg [dreg:$0x9]  }
0xd0: {  	[hbm:s5], [sflag:s15] =	dma.local @!p0 [spmem:s16], $0x1380  }
0xd1: {  	s5 =	simm.s32 @!p0 $0x9  }
0xd2: {  	_ =	swait.ge @!p0 [sflag:s5], $0x1380  }
0xd3: {  	s1 =	sadd.s32 $0x1, s1;
	s18 =	rddreg [dreg:$0xb]  }
0xd4: {  	p2 =	sne.s32 s1, s18  }
.Ltmp1:
0xd5: {  	_ = 	snop;
	(pc) =	sbr.rel @p2 .LBB2_1-.Ltmp1, $3  }
0xd6: {  	_ =	sdelay $0x1  }
0xd7: {  	[sflag:s5] =	ssyncset.done @!p0 $0x0  }
0xd8: {  	[sflag:s5] =	ssyncadd.s32 @!p0 $0xFFFFEC80  }
0xd9: {  	_ =	sfence.sel $0x180000  }
0xda: {  	[bflag:$0x0] =	sbarrier.arrive $0xFFFF  }
0xdb: {  	_ =	strace $0x9000004D  }
0xdc: {  	s0 =	stileid.u32;
	[bflag:$0x2] =	sbarrier.arrive $0xFFFF  }
0xdd: {  	p0 =	sne.s32 s0, $0x0;
	s0 =	rddreg [dreg:$0x2]  }
0xde: {  	s0 =	sadd.s32 @!p0 $0x100000, s0  }
0xdf: {  	[sflag:s0] =	ssyncadd.tile.s32 @!p0 $0x1;
	_ =	shalt  }
.Lfunc_end2:
_tile_overlayer_lowered:
.L_overlay_start_2:
0xe0: {  	(tag) =	ssettag $0x2  }
0xe1: {  	s0 =	rddreg [dreg:$0x0];
	s2 =	stileid.u32  }
0xe2: {  	s1 =	rddreg [dreg:$0x1];
	p0 =	sne.s32 s2, $0x0  }
0xe3: {  	s3 =	rddreg [dreg:$0x2];
	[bflag:$0x3] =	sbarrier.arrive $0xFFFF;
	s2 =	simm.s32 @!p0 $0x1C09  }
0xe4: {  	[timem:s3], [sflag:s2] =	dma.local @!p0 [hbm:s0], s1  }
0xe5: {  	s0 =	simm.s32 @!p0 $0x9  }
0xe6: {  	_ =	swait.ge @!p0 [sflag:s0], s1  }
0xe7: {  	s1 =	ssub.s32 @!p0 $0x0, s1;
	[sflag:s0] =	ssyncset.done @!p0 $0x0  }
0xe8: {  	[sflag:s0] =	ssyncadd.s32 @!p0 s1  }
0xe9: {  	[bflag:$0x3] =	sbarrier.arrive $0xFFFF  }
0xea: {  	_ =	shalt  }

// kernel: kernel.20.cloned.1.call-start
scs
__scs_entry_jumppad:
0x0: {  	(pc) =	sbr.rel $0x88, $3  }
0x1: {  	(tag) =	ssettag $0x0;
	lr =	simm.s32 $0x1  }
0x2: {  	[smem:$0x3F90] =	sst lr;
	_ =	strace $0xD0000000  }
0x3: {  	_ = 	snop  }
0x4: {  	_ = 	snop  }
0x5: {  	_ = 	snop  }
0x6: {  	_ = 	snop  }
0x7: {  	_ = 	snop  }
__scs_overlays_trampoline_lowered:
0x8: {  	[smem:$0x3F9F] =	sst s0  }
0x9: {  	[smem:$0x3FA0] =	sst s1  }
0xa: {  	[smem:$0x3FA1] =	sst s2  }
0xb: {  	[smem:$0x3FA2] =	sst s3  }
0xc: {  	[smem:$0x3FA3] =	sst s4  }
0xd: {  	[smem:$0x3FA4] =	sst s5  }
0xe: {  	[smem:$0x3FA5] =	sst s6  }
0xf: {  	[smem:$0x3FA6] =	sst s7  }
0x10: {  	[smem:$0x3FA7] =	sst s8  }
0x11: {  	[smem:$0x3FA8] =	sst s9;
	s0 =	simm.s32 @!p0 $0x0  }
0x12: {  	s1 =	sld [smem:$0x3F8E];
	s0 =	simm.s32 @p0 $0x1  }
0x13: {  	[smem:$0x3FA9] =	sst s0;
	s0 =	simm.s32 @!p1 $0x0  }
0x14: {  	s2 =	sld [smem:$0x3F8D];
	s0 =	simm.s32 @p1 $0x1  }
0x15: {  	[smem:$0x3FAA] =	sst s0;
	s0 =	simm.s32 @!p2 $0x0  }
0x16: {  	s3 =	sld [smem:$0x3FDB];
	s0 =	simm.s32 @p2 $0x1  }
0x17: {  	s4 =	simm.s32 $0x1BF5;
	[smem:$0x3FAC] =	sst s0  }
0x18: {  	s0 =	sld [smem:$0x3F8F];
	_ =	swait.ge [sflag:s4], $0x0  }
0x19: {  	s7 =	sld [smem:$0x3F90]  }
0x1a: {  	s8 =	sadd.s32 $0xFFFFE003, lr  }
0x1b: {  	s9 =	sadd.s32 $0xFFFFFEF7, lr;
	s5 =	simm.s32 $0xFFFFFFFF;
	p2 =	slt.u32 s8, $0xFFFFF086  }
0x1c: {  	p1 =	slt.u32 s9, $0xF7A;
	s5 =	simm.s32 @!p2 $0x0  }
0x1d: {  	s5 =	simm.s32 @p1 $0x1;
	p0 =	seq.s32 s7, s2  }
0x1e: {  	s7 =	smul.u32 @!p0 $0xF7A, s2;
	p2 =	seq.s32 @!p0 s5, $0x0  }
0x1f: {  	s9 =	smul.u32 $0xF7A, s1;
	s8 =	simm.s32 @!p0 $0x1BF5;
	p2 =	por !p2, p0  }
0x20: {  	[sflag:s8] =	ssyncset.s32 @!p0 $0xFFFFF086;
	s6 =	sadd.s32 @!p0 s3, s7;
	s7 =	simm.s32 @!p0 $0x108  }
0x21: {  	s3 =	sadd.s32 s3, s9;
	s6 =	sadd.s32 @!p0 $0x88, s6;
	s7 =	simm.s32 @p2 $0x1082  }
0x22: {  	[simem:s7], [sflag:s8] =	dma.local @!p0 [hbm:s6], $0xF7A  }
0x23: {  	s9 =	sor.u32 $0xD0000000, s2;
	s6 =	simm.s32 $0x108;
	_ =	swait.ge @!p0 [sflag:s8], $0x0  }
0x24: {  	s3 =	sadd.s32 $0x88, s3;
	s6 =	simm.s32 @!p1 $0x1082;
	[sflag:s4] =	ssyncset.s32 $0xFFFFF086  }
0x25: {  	[simem:s6], [sflag:s4] =	dma.local [hbm:s3], $0xF7A  }
0x26: {  	[smem:$0x3F90] =	sst s1;
	(tag) =	ssettag s2;
	_ =	strace s9  }
0x27: {  	s1 =	sld [smem:$0x3FA0]  }
0x28: {  	s2 =	sld [smem:$0x3FA1]  }
0x29: {  	s4 =	sld [smem:$0x3FA3]  }
0x2a: {  	p0 =	seq.s32 s5, $0x0;
	s5 =	sld [smem:$0x3FA4]  }
0x2b: {  	s6 =	sld [smem:$0x3FA5]  }
0x2c: {  	s7 =	sld [smem:$0x3FA6]  }
0x2d: {  	s3 =	simm.s32 $0x108;
	s8 =	sld [smem:$0x3FA7]  }
0x2e: {  	s3 =	simm.s32 @!p0 $0x1082;
	s9 =	sld [smem:$0x3FA8]  }
0x2f: {  	lr =	sadd.s32 s0, s3;
	s0 =	sld [smem:$0x3F9F]  }
0x30: {  	s3 =	sld [smem:$0x3FA2]  }
0x31: {  	[smem:$0x3FAB] =	sst s10  }
0x32: {  	s10 =	sld [smem:$0x3FA9];
	_ =	sdelay $0x3  }
0x33: {  	p0 =	seq.s32 s10, $0x1;
	s10 =	sld [smem:$0x3FAB];
	_ =	sdelay $0x3  }
0x34: {  	[smem:$0x3FAB] =	sst s10  }
0x35: {  	s10 =	sld [smem:$0x3FAA];
	_ =	sdelay $0x3  }
0x36: {  	p1 =	seq.s32 s10, $0x1;
	s10 =	sld [smem:$0x3FAB];
	_ =	sdelay $0x3  }
0x37: {  	[smem:$0x3FAB] =	sst s10  }
0x38: {  	s10 =	sld [smem:$0x3FAC]  }
0x39: {  	_ = 	snop;
	(pc) =	sbr.ind lr, $3  }
0x3a: {  	_ = 	snop  }
0x3b: {  	_ = 	snop  }
0x3c: {  	p2 =	seq.s32 s10, $0x1;
	s10 =	sld [smem:$0x3FAB]  }
0x3d: {  	_ =	shalt  }
0x3e: {  	_ =	shalt  }
0x3f: {  	_ =	shalt  }
0x40: {  	_ =	shalt  }
0x41: {  	_ =	shalt  }
0x42: {  	_ =	shalt  }
0x43: {  	_ =	shalt  }
0x44: {  	_ =	shalt  }
0x45: {  	_ =	shalt  }
0x46: {  	_ =	shalt  }
0x47: {  	_ =	shalt  }
0x48: {  	_ =	shalt  }
0x49: {  	_ =	shalt  }
0x4a: {  	_ =	shalt  }
0x4b: {  	_ =	shalt  }
0x4c: {  	_ =	shalt  }
0x4d: {  	_ =	shalt  }
0x4e: {  	_ =	shalt  }
0x4f: {  	_ =	shalt  }
0x50: {  	_ =	shalt  }
0x51: {  	_ =	shalt  }
0x52: {  	_ =	shalt  }
0x53: {  	_ =	shalt  }
0x54: {  	_ =	shalt  }
0x55: {  	_ =	shalt  }
0x56: {  	_ =	shalt  }
0x57: {  	_ =	shalt  }
0x58: {  	_ =	shalt  }
0x59: {  	_ =	shalt  }
0x5a: {  	_ =	shalt  }
0x5b: {  	_ =	shalt  }
0x5c: {  	_ =	shalt  }
0x5d: {  	_ =	shalt  }
0x5e: {  	_ =	shalt  }
0x5f: {  	_ =	shalt  }
0x60: {  	_ =	shalt  }
0x61: {  	_ =	shalt  }
0x62: {  	_ =	shalt  }
0x63: {  	_ =	shalt  }
0x64: {  	_ =	shalt  }
0x65: {  	_ =	shalt  }
0x66: {  	_ =	shalt  }
0x67: {  	_ =	shalt  }
0x68: {  	_ =	shalt  }
0x69: {  	_ =	shalt  }
0x6a: {  	_ =	shalt  }
0x6b: {  	_ =	shalt  }
0x6c: {  	_ =	shalt  }
0x6d: {  	_ =	shalt  }
0x6e: {  	_ =	shalt  }
0x6f: {  	_ =	shalt  }
0x70: {  	_ =	shalt  }
0x71: {  	_ =	shalt  }
0x72: {  	_ =	shalt  }
0x73: {  	_ =	shalt  }
0x74: {  	_ =	shalt  }
0x75: {  	_ =	shalt  }
0x76: {  	_ =	shalt  }
0x77: {  	_ =	shalt  }
0x78: {  	_ =	shalt  }
0x79: {  	_ =	shalt  }
0x7a: {  	_ =	shalt  }
0x7b: {  	_ =	shalt  }
0x7c: {  	_ =	shalt  }
0x7d: {  	_ =	shalt  }
0x7e: {  	_ =	shalt  }
0x7f: {  	_ =	shalt  }
0x80: {  	_ =	shalt  }
0x81: {  	_ =	shalt  }
0x82: {  	_ =	shalt  }
0x83: {  	_ =	shalt  }
0x84: {  	_ =	shalt  }
0x85: {  	_ =	shalt  }
0x86: {  	_ =	shalt  }
0x87: {  	_ =	shalt  }
.Lfunc_end0:
.L_simem_size_0:
called_computation.3_lowered:
.L_overlay_start_0:
0x88: {  	s2 =	sld [smem:$0x3FD9]  }
0x89: {  	s3 =	sld [smem:$0x3FFE];
	_ =	sdelay $0x1  }
0x8a: {  	s1 =	srdreg.scid  }
0x8b: {  	s0 =	sand.u32 $0x1, s1  }
0x8c: {  	s16 =	sshll.u32 s0, $0xA;
	s2 =	sadd.s32 s3, s2  }
0x8d: {  	s2 =	sadd.s32 s2, s16  }
0x8e: {  	[smem:$0x3FB7] =	sst s2  }
0x8f: {  	_ = 	snop  }
0x90: {  	(tm) =	ssettm $0x1  }
0x91: {  	s17 =	sld [smem:$0x3FFB];
	_ =	sdelay $0x3  }
0x92: {  	_ =	strace s17  }
0x93: {  	s2 =	sld [smem:$0x3FFC];
	_ =	sdelay $0x3  }
0x94: {  	_ =	strace s2  }
0x95: {  	s2 =	sld [smem:$0x3FFD];
	_ =	sdelay $0x3  }
0x96: {  	_ =	strace s2  }
0x97: {  	_ =	strace $0x8FFFFFFF  }
0x98: {  	s18 =	sld [smem:$0x3FDB];
	_ =	sdelay $0x1  }
0x99: {  	s19 =	simm.s32 $_scs_section_size  }
0x9a: {  	s4 =	simm.s32 $_size__tile_overlayer_lowered;
	s5 =	simm.s32 $_tile_overlayer_lowered  }
0x9b: {  	s22 =	simm.s32 $0x1BFF;
	s21 =	sshll.u32 s5, $0x1;
	s2 =	sadd.s32 s19, s18  }
0x9c: {  	s6 =	simm.s32 $0x0;
	s20 =	sshll.u32 s4, $0x1;
	s4 =	sadd.s32 s21, s2  }
0x9d: {  	[timem:s6], [sflag:s22] =	dma.local [hbm:s4], s20  }
0x9e: {  	_ =	swait.ge [sflag:s22], s20  }
0x9f: {  	s3 =	ssub.s32 $0x0, s20;
	[sflag:s22] =	ssyncset.done $0x0  }
0xa0: {  	[sflag:s22] =	ssyncadd.s32 s3;
	_ =	sdelay $0x1  }
0xa1: {  	s23 =	simm.s32 $0x1B8B  }
0xa2: {  	_ =	swait.ge [sflag:s23], $0x1  }
0xa3: {  	[sflag:s23] =	ssyncset.done $0x0  }
0xa4: {  	s25 =	simm.s32 $0x1B8E;
	s24 =	sld [smem:$0x3FFE];
	[sflag:s23] =	ssyncadd.s32 $0xFFFFFFFF  }
0xa5: {  	s26 =	simm.s32 $execute0_lowered;
	[smem:$0x3FD2] =	sst s25  }
0xa6: {  	s4 =	sshll.u32 s26, $0x1;
	_ =	strace $0x8000004F;
	[dreg:$0x1] =	wrdreg $0xFFFFFFFF  }
0xa7: {  	s28 =	simm.s32 $_size_execute0_lowered;
	s2 =	sadd.s32 s2, s4;
	[dreg:$0x0] =	wrdreg $0x0  }
0xa8: {  	s4 =	sshll.u32 s28, $0x1;
	[dreg:$0x2] =	wrdreg s2  }
0xa9: {  	[dreg:$0x3] =	wrdreg s4  }
0xaa: {  	[dreg:$0x4] =	wrdreg $0xC0  }
0xab: {  	_ =	task [dreg:s6], $0x5FFFF  }
0xac: {  	[dreg:$0x1] =	wrdreg $0xFFFFFFFF  }
0xad: {  	[dreg:$0x0] =	wrdreg $0x60  }
0xae: {  	[dreg:$0x2] =	wrdreg s24  }
0xaf: {  	[dreg:$0x3] =	wrdreg $0x6F000  }
0xb0: {  	[dreg:$0x4] =	wrdreg $0x9  }
0xb1: {  	_ =	task.clear_ibuf [dreg:s6], $0x5FFFF;
	_ =	strace $0x9000004F  }
0xb2: {  	s29 =	simm.s32 $0x9;
	_ =	strace $0x80000051  }
0xb3: {  	_ =	swait.ge [sflag:s29], $0x1  }
0xb4: {  	[sflag:s29] =	ssyncadd.s32 $0xFFFFFFFF  }
0xb5: {  	_ =	strace $0x90000051  }
0xb6: {  	_ =	sfence  }
0xb7: {  	s30 =	sld [smem:$0x0];
	_ =	sdelay $0x2  }
0xb8: {  	s31 =	sshll.u32 s1, $0xD;
	s1 =	sshrl.u32 s1, $0x2  }
0xb9: {  	s3 =	sand.u32 $0x4000, s31;
	s1 =	sadd.s32 s1, s30  }
0xba: {  	s0 =	sor.u32 s3, s0;
	s1 =	sshll.u32 s1, $0x11  }
0xbb: {  	s0 =	sor.u32 s1, s0  }
0xbc: {  	s0 =	sadd.s32 $0x8F2B, s0  }
0xbd: {  	[sflag:s0] =	ssyncadd.remote.s32 $0x1  }
0xbe: {  	_ =	sfence.sel $0xFFFF  }
0xbf: {  	[dreg:$0x0] =	wrdreg $0xFFFFFFFF;
	(pc) =	sbr.abs _section_cstart, $3  }
0xc0: {  	[dreg:$0x1] =	wrdreg $0xFFFFFFFF  }
0xc1: {  	_ =	task.clear_ibuf [dreg:s6], $0x2FFFF;
	_ =	strace $0x9FFFFFFF  }
0xc2: {  	(tm) =	ssettm $0x7FFFFFFF  }
0xc3: {  	_ =	shalt  }
tec
execute0_lowered:
.L_overlay_start_1:
0x0: {  	(tag) =	ssettag $0x1  }
0x1: {  	s0 =	rddreg [dreg:$0x0]  }
0x2: {  	s2 =	rddreg [dreg:$0x1];
	s3 =	simm.s32 $0x0  }
0x3: {  	s15 =	stileid.u32;
	s5 =	srdreg.scid;
	s19 =	simm.s32 $0x80  }
0x4: {  	s28 =	simm.s32 $0x5F00;
	s30 =	simm.s32 $0x6300;
	s29 =	simm.s32 $0x4  }
0x5: {  	s31 =	simm.s32 $0x5;
	[smem:$0x7FF] =	sst s3;
	s1 =	smul.u32 $0x1380, s15  }
0x6: {  	s4 =	sadd.s32 $0x3F200, s0;
	s6 =	sadd.s32 $0x1C00, s0;
	s5 =	sand.u32 $0x1, s5  }
0x7: {  	s8 =	sadd.s32 $0xBA00, s0;
	s11 =	sadd.s32 $0x41A00, s0;
	s21 =	sshll.u32 s15, $0x4  }
0x8: {  	p0 =	seq.s32 s15, $0xF;
	_ =	strace $0x80000050;
	s9 =	ssub.s32 $0x2, s5  }
0x9: {  	s12 =	sshll.u32 s5, $0x4;
	s5 =	smul.u32 $0x13880, s5;
	s7 =	sshrl.u32 s1, $0x3  }
0xa: {  	s10 =	sshrl.u32 s9, $0x1;
	s17 =	sor.u32 s15, s12;
	s16 =	sadd.s32 s1, s2  }
0xb: {  	s7 =	sadd.s32 s7, s0;
	s13 =	ssub.s32 s9, s10;
	s20 =	smul.u32 $0x4E0, s17  }
0xc: {  	s0 =	sadd.s32 $0x17C90, s0;
	s1 =	sadd.s32 s1, s5;
	s5 =	sshrl.u32 s5, $0x3  }
0xd: {  	s16 =	sshrl.u32 @!p0 s16, $0x3;
	p1 =	sgt.u32 s17, $0x3;
	s17 =	simm.s32 $0x9  }
0xe: {  	s7 =	sadd.s32 $0x15800, s7;
	[dreg:$0x4] =	wrdreg s0;
	s0 =	sor.u32 $0x9C00, s21  }
0xf: {  	s23 =	sshrl.u32 s1, $0x3;
	s24 =	sadd.s32 s11, s5;
	s26 =	smax.u32 s13, $0x1  }
0x10: {  	s21 =	simm.s32 $0x5300;
	s1 =	simm.s32 $0x0;
	[dreg:$0x3] =	wrdreg s7  }
0x11: {  	s7 =	sadd.s32 $0x12480, s2;
	s22 =	sadd.s32 s6, s20;
	[dreg:$0xb] =	wrdreg s26  }
0x12: {  	s9 =	sadd.s32 s8, s20;
	s6 =	sadd.s32 s6, s0;
	[dreg:$0x5] =	wrdreg s22  }
0x13: {  	s0 =	sadd.s32 s8, s0;
	s25 =	sadd.s32 $0x2490, s24;
	[dreg:$0x6] =	wrdreg s9  }
0x14: {  	s20 =	simm.s32 $0x4F00;
	s24 =	simm.s32 $0x2;
	[dreg:$0x7] =	wrdreg s6  }
0x15: {  	s26 =	simm.s32 $0x3;
	[dreg:$0x8] =	wrdreg s0;
	s0 =	sadd.s32 s11, s23  }
0x16: {  	[dreg:$0xa] =	wrdreg s25;
	s14 =	sshrl.u32 @p0 s7, $0x3;
	s23 =	simm.s32 $0x5700  }
0x17: {  	s25 =	simm.s32 $0x5B00;
	[dreg:$0x9] =	wrdreg s0;
	s0 =	sshll.u32 @!p0 s15, $0x6  }
0x18: {  	s22 =	simm.s32 $0x1;
	s15 =	sor.u32 @!p0 $0x1C09, s0;
	s0 =	simm.s32 $0x6  }
.LBB2_1:
0x19: {  	s5 =	simm.s32 @p0 $0x1FC9;
	s6 =	rddreg [dreg:$0x4]  }
0x1a: {  	[spmem:s14], [sflag:s5] =	dma.local @p0 [hbm:s6], $0x280  }
0x1b: {  	s5 =	simm.s32 @p0 $0x9  }
0x1c: {  	_ =	swait.ge @p0 [sflag:s5], $0x280  }
0x1d: {  	[sflag:s5] =	ssyncset.done @p0 $0x0  }
0x1e: {  	[sflag:s5] =	ssyncadd.s32 @p0 $0xFFFFFD80;
	s5 =	rddreg [dreg:$0x3]  }
0x1f: {  	[spmem:s16], [sflag:s15] =	dma.local @!p0 [hbm:s5], $0x270  }
0x20: {  	s5 =	simm.s32 @!p0 $0x9  }
0x21: {  	_ =	swait.ge @!p0 [sflag:s5], $0x270  }
0x22: {  	[sflag:s5] =	ssyncset.done @!p0 $0x0  }
0x23: {  	s6 =	rddreg [dreg:$0x5];
	[sflag:s5] =	ssyncadd.s32 @!p0 $0xFFFFFD90  }
0x24: {  	[tilespmem:s3], [sflag:$0x9] =	stream.linear.gather [hbm4b:s6+s3], $0x2700, $0x38;
	[tilespmem:$0x8288] =	vst v63  }
0x25: {  	_ =	swait.ge [sflag:s17], $0x2700  }
0x26: {  	[sflag:s17] =	ssyncset.done $0x0  }
0x27: {  	s8 =	simm.s32 $0x2780;
	s7 =	rddreg [dreg:$0x6];
	[sflag:s17] =	ssyncadd.s32 $0xFFFFD900  }
0x28: {  	[tilespmem:s8], [sflag:$0x9] =	stream.linear.gather [hbm4b:s7+s3], $0x2700, $0x38;
	[tilespmem:$0x8288] =	vst v63  }
0x29: {  	_ =	swait.ge [sflag:s17], $0x2700  }
0x2a: {  	s5 =	simm.s32 @!p1 $0x0;
	[sflag:s17] =	ssyncset.done $0x0  }
0x2b: {  	s6 =	simm.s32 @!p1 $0x2700;
	s7 =	rddreg [dreg:$0x7];
	[sflag:s17] =	ssyncadd.s32 $0xFFFFD900  }
0x2c: {  	[tilespmem:s6], [sflag:$0x9] =	stream.linear.gather @!p1 [hbm4b:s7+s5], $0x80, $0x38;
	[tilespmem:$0x8288] =	vst v63  }
0x2d: {  	s6 =	simm.s32 @!p1 $0x9  }
0x2e: {  	_ =	swait.ge @!p1 [sflag:s6], $0x80  }
0x2f: {  	[sflag:s6] =	ssyncset.done @!p1 $0x0  }
0x30: {  	s7 =	simm.s32 @!p1 $0x4E80;
	s8 =	rddreg [dreg:$0x8];
	[sflag:s6] =	ssyncadd.s32 @!p1 $0xFFFFFF80  }
0x31: {  	[tilespmem:s7], [sflag:$0x9] =	stream.linear.gather @!p1 [hbm4b:s8+s5], $0x80, $0x38;
	[tilespmem:$0x8288] =	vst v63  }
0x32: {  	_ =	swait.ge @!p1 [sflag:s6], $0x80  }
0x33: {  	[sflag:s6] =	ssyncset.done @!p1 $0x0  }
0x34: {  	[sflag:s6] =	ssyncadd.s32 @!p1 $0xFFFFFF80  }
0x35: {  	[bflag:$0x0] =	sbarrier.arrive $0xFFFF  }
0x36: {  	[tilespmem:s20], [sflag:$0x1] =	stream.indirect.gather [hbm4b:s4+s19], $0x8, s3, s19, $0xb8;
	[tilespmem:$0x8288] =	vst v63  }
0x37: {  	_ = 	snop  }
0x38: {  	[tilespmem:s21], [sflag:$0x2] =	stream.indirect.gather [hbm4b:s4+s19], $0x8, s19, s19, $0xb8;
	[tilespmem:$0x8288] =	vst v63  }
0x39: {  	s9 =	simm.s32 $0x100  }
0x3a: {  	[tilespmem:s23], [sflag:$0x3] =	stream.indirect.gather [hbm4b:s4+s19], $0x8, s9, s19, $0xb8;
	[tilespmem:$0x8288] =	vst v63  }
0x3b: {  	s10 =	simm.s32 $0x180  }
0x3c: {  	[tilespmem:s25], [sflag:$0x4] =	stream.indirect.gather [hbm4b:s4+s19], $0x8, s10, s19, $0xb8;
	[tilespmem:$0x8288] =	vst v63  }
0x3d: {  	s11 =	simm.s32 $0x200  }
0x3e: {  	[tilespmem:s28], [sflag:$0x5] =	stream.indirect.gather [hbm4b:s4+s19], $0x8, s11, s19, $0xb8;
	[tilespmem:$0x8288] =	vst v63  }
0x3f: {  	s12 =	simm.s32 $0x280  }
0x40: {  	[tilespmem:s30], [sflag:$0x6] =	stream.indirect.gather [hbm4b:s4+s19], $0x8, s12, s19, $0xb8;
	[tilespmem:$0x8288] =	vst v63  }
0x41: {  	s13 =	simm.s32 $0x300;
	s18 =	simm.s32 $0x6700  }
0x42: {  	[tilespmem:s18], [sflag:$0x7] =	stream.indirect.gather [hbm4b:s4+s19], $0x8, s13, s19, $0xb8;
	[tilespmem:$0x8288] =	vst v63  }
0x43: {  	s7 =	simm.s32 $0x6B00;
	s6 =	simm.s32 $0x380  }
0x44: {  	[tilespmem:s7], [sflag:$0x8] =	stream.indirect.gather [hbm4b:s4+s19], $0x8, s6, s19, $0xb8;
	[tilespmem:$0x8288] =	vst v63  }
0x45: {  	_ =	swait.ge [sflag:s22], $0x400  }
0x46: {  	s18 =	simm.s32 @!p1 $0x4F;
	[sflag:s22] =	ssyncset.done $0x0  }
0x47: {  	s8 =	simm.s32 $0x2780;
	s18 =	simm.s32 @p1 $0x4E;
	[sflag:s22] =	ssyncadd.s32 $0xFFFFFC00  }
0x48: {  	[spmem:s2] =	stream.indirect.scatter.add.f32 [tilespmem:s20], [sflag:$0x9], $0x8, s8, s19, $0xb8;
	[tilespmem:$0x8288] =	vst v63  }
0x49: {  	p2 =	sle.u32 s18, $0x8;
	_ =	swait.ge [sflag:s17], $0x400  }
0x4a: {  	s5 =	simm.s32 @!p2 $0x4F00;
	[sflag:s17] =	ssyncset.done $0x0  }
0x4b: {  	s6 =	simm.s32 @!p2 $0x400;
	s7 =	simm.s32 @!p2 $0x80;
	[sflag:s17] =	ssyncadd.s32 $0xFFFFFC00  }
0x4c: {  	[tilespmem:s5], [sflag:$0x1] =	stream.indirect.gather @!p2 [hbm4b:s4+s7], $0x8, s6, s7, $0xb8;
	[tilespmem:$0x8288] =	vst v63  }
0x4d: {  	_ =	swait.ge [sflag:s24], $0x400  }
0x4e: {  	[sflag:s24] =	ssyncset.done $0x0  }
0x4f: {  	s9 =	simm.s32 $0x2800;
	[sflag:s24] =	ssyncadd.s32 $0xFFFFFC00  }
0x50: {  	[spmem:s2] =	stream.indirect.scatter.add.f32 [tilespmem:s21], [sflag:$0x9], $0x8, s9, s19, $0xb8;
	[tilespmem:$0x8288] =	vst v63  }
0x51: {  	p2 =	sle.u32 s18, $0x9;
	_ =	swait.ge [sflag:s17], $0x400  }
0x52: {  	s5 =	simm.s32 @!p2 $0x5300;
	[sflag:s17] =	ssyncset.done $0x0  }
0x53: {  	s6 =	simm.s32 @!p2 $0x480;
	s7 =	simm.s32 @!p2 $0x80;
	[sflag:s17] =	ssyncadd.s32 $0xFFFFFC00  }
0x54: {  	[tilespmem:s5], [sflag:$0x2] =	stream.indirect.gather @!p2 [hbm4b:s4+s7], $0x8, s6, s7, $0xb8;
	[tilespmem:$0x8288] =	vst v63  }
0x55: {  	_ =	swait.ge [sflag:s26], $0x400  }
0x56: {  	[sflag:s26] =	ssyncset.done $0x0  }
0x57: {  	s10 =	simm.s32 $0x2880;
	[sflag:s26] =	ssyncadd.s32 $0xFFFFFC00  }
0x58: {  	[spmem:s2] =	stream.indirect.scatter.add.f32 [tilespmem:s23], [sflag:$0x9], $0x8, s10, s19, $0xb8;
	[tilespmem:$0x8288] =	vst v63  }
0x59: {  	p2 =	sle.u32 s18, $0xA;
	_ =	swait.ge [sflag:s17], $0x400  }
0x5a: {  	s5 =	simm.s32 @!p2 $0x5700;
	[sflag:s17] =	ssyncset.done $0x0  }
0x5b: {  	s6 =	simm.s32 @!p2 $0x500;
	s7 =	simm.s32 @!p2 $0x80;
	[sflag:s17] =	ssyncadd.s32 $0xFFFFFC00  }
0x5c: {  	[tilespmem:s5], [sflag:$0x3] =	stream.indirect.gather @!p2 [hbm4b:s4+s7], $0x8, s6, s7, $0xb8;
	[tilespmem:$0x8288] =	vst v63  }
0x5d: {  	_ =	swait.ge [sflag:s29], $0x400  }
0x5e: {  	[sflag:s29] =	ssyncset.done $0x0  }
0x5f: {  	s11 =	simm.s32 $0x2900;
	[sflag:s29] =	ssyncadd.s32 $0xFFFFFC00  }
0x60: {  	[spmem:s2] =	stream.indirect.scatter.add.f32 [tilespmem:s25], [sflag:$0x9], $0x8, s11, s19, $0xb8;
	[tilespmem:$0x8288] =	vst v63  }
0x61: {  	p2 =	sle.u32 s18, $0xB;
	_ =	swait.ge [sflag:s17], $0x400  }
0x62: {  	s5 =	simm.s32 @!p2 $0x5B00;
	[sflag:s17] =	ssyncset.done $0x0  }
0x63: {  	s6 =	simm.s32 @!p2 $0x580;
	s7 =	simm.s32 @!p2 $0x80;
	[sflag:s17] =	ssyncadd.s32 $0xFFFFFC00  }
0x64: {  	[tilespmem:s5], [sflag:$0x4] =	stream.indirect.gather @!p2 [hbm4b:s4+s7], $0x8, s6, s7, $0xb8;
	[tilespmem:$0x8288] =	vst v63  }
0x65: {  	_ =	swait.ge [sflag:s31], $0x400  }
0x66: {  	[sflag:s31] =	ssyncset.done $0x0  }
0x67: {  	s12 =	simm.s32 $0x2980;
	[sflag:s31] =	ssyncadd.s32 $0xFFFFFC00  }
0x68: {  	[spmem:s2] =	stream.indirect.scatter.add.f32 [tilespmem:s28], [sflag:$0x9], $0x8, s12, s19, $0xb8;
	[tilespmem:$0x8288] =	vst v63  }
0x69: {  	p2 =	sle.u32 s18, $0xC;
	_ =	swait.ge [sflag:s17], $0x400  }
0x6a: {  	s5 =	simm.s32 @!p2 $0x5F00;
	[sflag:s17] =	ssyncset.done $0x0  }
0x6b: {  	s6 =	simm.s32 @!p2 $0x600;
	s7 =	simm.s32 @!p2 $0x80;
	[sflag:s17] =	ssyncadd.s32 $0xFFFFFC00  }
0x6c: {  	[tilespmem:s5], [sflag:$0x5] =	stream.indirect.gather @!p2 [hbm4b:s4+s7], $0x8, s6, s7, $0xb8;
	[tilespmem:$0x8288] =	vst v63  }
0x6d: {  	_ =	swait.ge [sflag:s0], $0x400  }
0x6e: {  	[sflag:s0] =	ssyncset.done $0x0  }
0x6f: {  	s13 =	simm.s32 $0x2A00;
	p3 =	sle.u32 s18, $0xD;
	[sflag:s0] =	ssyncadd.s32 $0xFFFFFC00  }
0x70: {  	[spmem:s2] =	stream.indirect.scatter.add.f32 [tilespmem:s30], [sflag:$0x9], $0x8, s13, s19, $0xb8;
	[tilespmem:$0x8288] =	vst v63  }
0x71: {  	s5 =	simm.s32 @!p3 $0x6300;
	_ =	swait.ge [sflag:s17], $0x400  }
0x72: {  	s6 =	simm.s32 @!p3 $0x680;
	p2 =	sle.u32 s18, $0x6;
	[sflag:s17] =	ssyncset.done $0x0  }
0x73: {  	s7 =	simm.s32 @!p3 $0x80;
	s8 =	simm.s32 @!p2 $0x7;
	[sflag:s17] =	ssyncadd.s32 $0xFFFFFC00  }
0x74: {  	[tilespmem:s5], [sflag:$0x6] =	stream.indirect.gather @!p3 [hbm4b:s4+s7], $0x8, s6, s7, $0xb8;
	[tilespmem:$0x8288] =	vst v63  }
0x75: {  	s5 =	simm.s32 @!p2 $0x2A80;
	_ =	swait.ge @!p2 [sflag:s8], $0x400  }
0x76: {  	s6 =	simm.s32 @!p2 $0x80;
	s7 =	simm.s32 @!p2 $0x6700;
	[sflag:s8] =	ssyncset.done @!p2 $0x0  }
0x77: {  	p3 =	sle.u32 @!p2 s18, $0xE;
	[sflag:s8] =	ssyncadd.s32 @!p2 $0xFFFFFC00;
	s8 =	simm.s32 @!p2 $0x9  }
0x78: {  	[spmem:s2] =	stream.indirect.scatter.add.f32 @!p2 [tilespmem:s7], [sflag:$0x9], $0x8, s5, s6, $0xb8;
	[tilespmem:$0x8288] =	vst v63  }
0x79: {  	p4 =	por p3, p2;
	p3 =	sle.u32 s18, $0x7;
	_ =	swait.ge @!p2 [sflag:s8], $0x400  }
0x7a: {  	s5 =	simm.s32 @!p4 $0x6700;
	s6 =	simm.s32 @!p4 $0x700;
	[sflag:s8] =	ssyncset.done @!p2 $0x0  }
0x7b: {  	s7 =	simm.s32 @!p4 $0x80;
	[sflag:s8] =	ssyncadd.s32 @!p2 $0xFFFFFC00;
	s8 =	simm.s32 @!p3 $0x8  }
0x7c: {  	[tilespmem:s5], [sflag:$0x7] =	stream.indirect.gather @!p4 [hbm4b:s4+s7], $0x8, s6, s7, $0xb8;
	[tilespmem:$0x8288] =	vst v63  }
0x7d: {  	_ =	swait.ge @!p3 [sflag:s8], $0x400  }
0x7e: {  	p2 =	sle.u32 @!p3 s18, $0xF;
	s5 =	simm.s32 @!p3 $0x6B00;
	[sflag:s8] =	ssyncset.done @!p3 $0x0  }
0x7f: {  	s6 =	simm.s32 @!p3 $0x2B00;
	s7 =	simm.s32 @!p3 $0x80;
	[sflag:s8] =	ssyncadd.s32 @!p3 $0xFFFFFC00  }
0x80: {  	[spmem:s2] =	stream.indirect.scatter.add.f32 @!p3 [tilespmem:s5], [sflag:$0x9], $0x8, s6, s7, $0xb8;
	[tilespmem:$0x8288] =	vst v63  }
0x81: {  	p4 =	por p2, p3;
	s8 =	simm.s32 @!p3 $0x9;
	s5 =	simm.s32 $0x1000  }
0x82: {  	s6 =	simm.s32 $0x17;
	s7 =	simm.s32 $0x0;
	_ =	swait.ge @!p3 [sflag:s8], $0x400  }
.LBB2_2:
0x83: {  	[sflag:s8] =	ssyncset.done @!p3 $0x0  }
0x84: {  	s9 =	sshra.s32 @!p4 s7, $0x2;
	s10 =	simm.s32 @!p4 $0x6B00;
	s7 =	smov.u32 s5  }
0x85: {  	[sflag:s8] =	ssyncadd.s32 @!p3 $0xFFFFFC00;
	s8 =	sadd.s32 @!p4 $0x780, s9;
	s9 =	simm.s32 @!p4 $0x80  }
0x86: {  	[tilespmem:s10], [sflag:$0x8] =	stream.indirect.gather @!p4 [hbm4b:s4+s9], $0x8, s8, s9, $0xb8;
	[tilespmem:$0x8288] =	vst v63  }
0x87: {  	s5 =	sadd.s32 $0x1000, s5;
	s8 =	sshra.s32 s7, $0x2;
	_ =	swait.ge [sflag:s22], $0x400  }
0x88: {  	s10 =	sadd.s32 $0xFFFFFFF9, s6;
	s9 =	sadd.s32 $0x2780, s8;
	[sflag:s22] =	ssyncset.done $0x0  }
0x89: {  	p2 =	sne.s32 s5, $0xA000;
	p3 =	sge.u32 s10, s18;
	[sflag:s22] =	ssyncadd.s32 $0xFFFFFC00  }
0x8a: {  	[spmem:s2] =	stream.indirect.scatter.add.f32 [tilespmem:s20], [sflag:$0x9], $0x8, s9, s19, $0xb8;
	[tilespmem:$0x8288] =	vst v63  }
0x8b: {  	s10 =	simm.s32 @!p3 $0x4F00;
	s9 =	sshra.s32 @!p3 s7, $0x2;
	_ =	swait.ge [sflag:s17], $0x400  }
0x8c: {  	s11 =	simm.s32 @!p3 $0x80;
	s9 =	sadd.s32 @!p3 $0x400, s9;
	[sflag:s17] =	ssyncset.done $0x0  }
0x8d: {  	[sflag:s17] =	ssyncadd.s32 $0xFFFFFC00  }
0x8e: {  	[tilespmem:s10], [sflag:$0x1] =	stream.indirect.gather @!p3 [hbm4b:s4+s11], $0x8, s9, s11, $0xb8;
	[tilespmem:$0x8288] =	vst v63  }
0x8f: {  	_ =	swait.ge [sflag:s24], $0x400  }
0x90: {  	s9 =	sadd.s32 $0x2800, s8;
	s10 =	sadd.s32 $0xFFFFFFFA, s6;
	[sflag:s24] =	ssyncset.done $0x0  }
0x91: {  	p3 =	sge.u32 s10, s18;
	[sflag:s24] =	ssyncadd.s32 $0xFFFFFC00  }
0x92: {  	[spmem:s2] =	stream.indirect.scatter.add.f32 [tilespmem:s21], [sflag:$0x9], $0x8, s9, s19, $0xb8;
	[tilespmem:$0x8288] =	vst v63  }
0x93: {  	s10 =	simm.s32 @!p3 $0x5300;
	s9 =	sshra.s32 @!p3 s7, $0x2;
	_ =	swait.ge [sflag:s17], $0x400  }
0x94: {  	s11 =	simm.s32 @!p3 $0x80;
	s9 =	sadd.s32 @!p3 $0x480, s9;
	[sflag:s17] =	ssyncset.done $0x0  }
0x95: {  	[sflag:s17] =	ssyncadd.s32 $0xFFFFFC00  }
0x96: {  	[tilespmem:s10], [sflag:$0x2] =	stream.indirect.gather @!p3 [hbm4b:s4+s11], $0x8, s9, s11, $0xb8;
	[tilespmem:$0x8288] =	vst v63  }
0x97: {  	_ =	swait.ge [sflag:s26], $0x400  }
0x98: {  	s9 =	sadd.s32 $0x2880, s8;
	s10 =	sadd.s32 $0xFFFFFFFB, s6;
	[sflag:s26] =	ssyncset.done $0x0  }
0x99: {  	p3 =	sge.u32 s10, s18;
	[sflag:s26] =	ssyncadd.s32 $0xFFFFFC00  }
0x9a: {  	[spmem:s2] =	stream.indirect.scatter.add.f32 [tilespmem:s23], [sflag:$0x9], $0x8, s9, s19, $0xb8;
	[tilespmem:$0x8288] =	vst v63  }
0x9b: {  	s10 =	simm.s32 @!p3 $0x5700;
	s9 =	sshra.s32 @!p3 s7, $0x2;
	_ =	swait.ge [sflag:s17], $0x400  }
0x9c: {  	s11 =	simm.s32 @!p3 $0x80;
	s9 =	sadd.s32 @!p3 $0x500, s9;
	[sflag:s17] =	ssyncset.done $0x0  }
0x9d: {  	[sflag:s17] =	ssyncadd.s32 $0xFFFFFC00  }
0x9e: {  	[tilespmem:s10], [sflag:$0x3] =	stream.indirect.gather @!p3 [hbm4b:s4+s11], $0x8, s9, s11, $0xb8;
	[tilespmem:$0x8288] =	vst v63  }
0x9f: {  	_ =	swait.ge [sflag:s29], $0x400  }
0xa0: {  	s9 =	sadd.s32 $0x2900, s8;
	s10 =	sadd.s32 $0xFFFFFFFC, s6;
	[sflag:s29] =	ssyncset.done $0x0  }
0xa1: {  	p3 =	sge.u32 s10, s18;
	[sflag:s29] =	ssyncadd.s32 $0xFFFFFC00  }
0xa2: {  	[spmem:s2] =	stream.indirect.scatter.add.f32 [tilespmem:s25], [sflag:$0x9], $0x8, s9, s19, $0xb8;
	[tilespmem:$0x8288] =	vst v63  }
0xa3: {  	s10 =	simm.s32 @!p3 $0x5B00;
	s9 =	sshra.s32 @!p3 s7, $0x2;
	_ =	swait.ge [sflag:s17], $0x400  }
0xa4: {  	s11 =	simm.s32 @!p3 $0x80;
	s9 =	sadd.s32 @!p3 $0x580, s9;
	[sflag:s17] =	ssyncset.done $0x0  }
0xa5: {  	[sflag:s17] =	ssyncadd.s32 $0xFFFFFC00  }
0xa6: {  	[tilespmem:s10], [sflag:$0x4] =	stream.indirect.gather @!p3 [hbm4b:s4+s11], $0x8, s9, s11, $0xb8;
	[tilespmem:$0x8288] =	vst v63  }
0xa7: {  	_ =	swait.ge [sflag:s31], $0x400  }
0xa8: {  	s9 =	sadd.s32 $0x2980, s8;
	s10 =	sadd.s32 $0xFFFFFFFD, s6;
	[sflag:s31] =	ssyncset.done $0x0  }
0xa9: {  	p3 =	sge.u32 s10, s18;
	[sflag:s31] =	ssyncadd.s32 $0xFFFFFC00  }
0xaa: {  	[spmem:s2] =	stream.indirect.scatter.add.f32 [tilespmem:s28], [sflag:$0x9], $0x8, s9, s19, $0xb8;
	[tilespmem:$0x8288] =	vst v63  }
0xab: {  	s10 =	simm.s32 @!p3 $0x5F00;
	s9 =	sshra.s32 @!p3 s7, $0x2;
	_ =	swait.ge [sflag:s17], $0x400  }
0xac: {  	s11 =	simm.s32 @!p3 $0x80;
	s9 =	sadd.s32 @!p3 $0x600, s9;
	[sflag:s17] =	ssyncset.done $0x0  }
0xad: {  	[sflag:s17] =	ssyncadd.s32 $0xFFFFFC00  }
0xae: {  	[tilespmem:s10], [sflag:$0x5] =	stream.indirect.gather @!p3 [hbm4b:s4+s11], $0x8, s9, s11, $0xb8;
	[tilespmem:$0x8288] =	vst v63  }
0xaf: {  	_ =	swait.ge [sflag:s0], $0x400  }
0xb0: {  	s8 =	sadd.s32 $0x2A00, s8;
	s9 =	sadd.s32 $0xFFFFFFFE, s6;
	[sflag:s0] =	ssyncset.done $0x0  }
0xb1: {  	p3 =	sge.u32 s9, s18;
	s9 =	sadd.s32 $0xFFFFFFF7, s6;
	[sflag:s0] =	ssyncadd.s32 $0xFFFFFC00  }
0xb2: {  	[spmem:s2] =	stream.indirect.scatter.add.f32 [tilespmem:s30], [sflag:$0x9], $0x8, s8, s19, $0xb8;
	[tilespmem:$0x8288] =	vst v63  }
0xb3: {  	s10 =	simm.s32 @!p3 $0x6300;
	s8 =	sshra.s32 @!p3 s7, $0x2;
	_ =	swait.ge [sflag:s17], $0x400  }
0xb4: {  	p4 =	sge.u32 s9, s18;
	s8 =	sadd.s32 @!p3 $0x680, s8;
	[sflag:s17] =	ssyncset.done $0x0  }
0xb5: {  	s9 =	simm.s32 @!p3 $0x80;
	s11 =	simm.s32 @!p4 $0x7;
	s12 =	sshra.s32 @!p4 s7, $0x2  }
0xb6: {  	s13 =	sadd.s32 @!p4 $0xFFFFFFFF, s6;
	s12 =	sadd.s32 @!p4 $0x2A80, s12;
	[sflag:s17] =	ssyncadd.s32 $0xFFFFFC00  }
0xb7: {  	[tilespmem:s10], [sflag:$0x6] =	stream.indirect.gather @!p3 [hbm4b:s4+s9], $0x8, s8, s9, $0xb8;
	[tilespmem:$0x8288] =	vst v63  }
0xb8: {  	s8 =	simm.s32 @!p4 $0x80;
	s9 =	simm.s32 @!p4 $0x6700;
	_ =	swait.ge @!p4 [sflag:s11], $0x400  }
0xb9: {  	s10 =	simm.s32 @!p4 $0x9;
	p3 =	sge.u32 @!p4 s13, s18;
	[sflag:s11] =	ssyncset.done @!p4 $0x0  }
0xba: {  	p5 =	por p3, p4;
	[sflag:s11] =	ssyncadd.s32 @!p4 $0xFFFFFC00;
	s11 =	sadd.s32 $0xFFFFFFF8, s6  }
0xbb: {  	[spmem:s2] =	stream.indirect.scatter.add.f32 @!p4 [tilespmem:s9], [sflag:$0x9], $0x8, s12, s8, $0xb8;
	[tilespmem:$0x8288] =	vst v63  }
0xbc: {  	s8 =	sshra.s32 @!p5 s7, $0x2;
	s9 =	simm.s32 @!p5 $0x6700;
	_ =	swait.ge @!p4 [sflag:s10], $0x400  }
0xbd: {  	p3 =	sge.u32 s11, s18;
	s8 =	sadd.s32 @!p5 $0x700, s8;
	[sflag:s10] =	ssyncset.done @!p4 $0x0  }
0xbe: {  	s11 =	simm.s32 @!p3 $0x8;
	[sflag:s10] =	ssyncadd.s32 @!p4 $0xFFFFFC00;
	s10 =	simm.s32 @!p5 $0x80  }
0xbf: {  	[tilespmem:s9], [sflag:$0x7] =	stream.indirect.gather @!p5 [hbm4b:s4+s10], $0x8, s8, s10, $0xb8;
	[tilespmem:$0x8288] =	vst v63  }
0xc0: {  	s8 =	sshra.s32 @!p3 s7, $0x2  }
.Ltmp0:
0xc1: {  	s9 =	simm.s32 @!p3 $0x6B00;
	_ =	swait.ge @!p3 [sflag:s11], $0x400;
	(pc) =	sbr.rel @p2 .LBB2_2-.Ltmp0, $4  }
0xc2: {  	s12 =	simm.s32 @!p3 $0x80;
	s10 =	sadd.s32 @!p3 $0x2B00, s8;
	[sflag:s11] =	ssyncset.done @!p3 $0x0  }
0xc3: {  	p4 =	sge.u32 @!p3 s6, s18;
	s8 =	simm.s32 @!p3 $0x9;
	[sflag:s11] =	ssyncadd.s32 @!p3 $0xFFFFFC00  }
0xc4: {  	[spmem:s2] =	stream.indirect.scatter.add.f32 @!p3 [tilespmem:s9], [sflag:$0x9], $0x8, s10, s12, $0xb8;
	[tilespmem:$0x8288] =	vst v63  }
0xc5: {  	s6 =	sadd.s32 $0x8, s6;
	p4 =	por p4, p3;
	_ =	swait.ge @!p3 [sflag:s8], $0x400  }
0xc6: {  	[sflag:s8] =	ssyncset.done @!p3 $0x0;
	s5 =	sshra.s32 @!p4 s7, $0x2;
	s6 =	simm.s32 @!p4 $0x6B00  }
0xc7: {  	s7 =	simm.s32 @!p4 $0x80;
	[sflag:s8] =	ssyncadd.s32 @!p3 $0xFFFFFC00;
	s5 =	sadd.s32 @!p4 $0x780, s5  }
0xc8: {  	[tilespmem:s6], [sflag:$0x8] =	stream.indirect.gather @!p4 [hbm4b:s4+s7], $0x8, s5, s7, $0xb8;
	[tilespmem:$0x8288] =	vst v63  }
0xc9: {  	[bflag:$0x0] =	sbarrier.arrive $0xFFFF  }
0xca: {  	s5 =	simm.s32 @p0 $0x1FC9;
	s6 =	rddreg [dreg:$0xa]  }
0xcb: {  	[hbm:s6], [sflag:s5] =	dma.local @p0 [spmem:s14], $0x280  }
0xcc: {  	s5 =	simm.s32 @p0 $0x9  }
0xcd: {  	_ =	swait.ge @p0 [sflag:s5], $0x280  }
0xce: {  	[sflag:s5] =	ssyncset.done @p0 $0x0  }
0xcf: {  	[sflag:s5] =	ssyncadd.s32 @p0 $0xFFFFFD80;
	s5 =	rddreg [dreg:$0x9]  }
0xd0: {  	[hbm:s5], [sflag:s15] =	dma.local @!p0 [spmem:s16], $0x270  }
0xd1: {  	s5 =	simm.s32 @!p0 $0x9  }
0xd2: {  	_ =	swait.ge @!p0 [sflag:s5], $0x270  }
0xd3: {  	s1 =	sadd.s32 $0x1, s1;
	s18 =	rddreg [dreg:$0xb]  }
0xd4: {  	p2 =	sne.s32 s1, s18  }
.Ltmp1:
0xd5: {  	_ = 	snop;
	(pc) =	sbr.rel @p2 .LBB2_1-.Ltmp1, $3  }
0xd6: {  	_ =	sdelay $0x1  }
0xd7: {  	[sflag:s5] =	ssyncset.done @!p0 $0x0  }
0xd8: {  	[sflag:s5] =	ssyncadd.s32 @!p0 $0xFFFFFD90  }
0xd9: {  	_ =	sfence.sel $0x180000  }
0xda: {  	[bflag:$0x0] =	sbarrier.arrive $0xFFFF  }
0xdb: {  	_ =	strace $0x90000050  }
0xdc: {  	s0 =	stileid.u32;
	[bflag:$0x2] =	sbarrier.arrive $0xFFFF  }
0xdd: {  	p0 =	sne.s32 s0, $0x0;
	s0 =	rddreg [dreg:$0x2]  }
0xde: {  	s0 =	sadd.s32 @!p0 $0x100000, s0  }
0xdf: {  	[sflag:s0] =	ssyncadd.tile.s32 @!p0 $0x1;
	_ =	shalt  }
.Lfunc_end2:
_tile_overlayer_lowered:
.L_overlay_start_2:
0xe0: {  	(tag) =	ssettag $0x2  }
0xe1: {  	s0 =	rddreg [dreg:$0x0];
	s2 =	stileid.u32  }
0xe2: {  	s1 =	rddreg [dreg:$0x1];
	p0 =	sne.s32 s2, $0x0  }
0xe3: {  	s3 =	rddreg [dreg:$0x2];
	[bflag:$0x3] =	sbarrier.arrive $0xFFFF;
	s2 =	simm.s32 @!p0 $0x1C09  }
0xe4: {  	[timem:s3], [sflag:s2] =	dma.local @!p0 [hbm:s0], s1  }
0xe5: {  	s0 =	simm.s32 @!p0 $0x9  }
0xe6: {  	_ =	swait.ge @!p0 [sflag:s0], s1  }
0xe7: {  	s1 =	ssub.s32 @!p0 $0x0, s1;
	[sflag:s0] =	ssyncset.done @!p0 $0x0  }
0xe8: {  	[sflag:s0] =	ssyncadd.s32 @!p0 s1  }
0xe9: {  	[bflag:$0x3] =	sbarrier.arrive $0xFFFF  }
0xea: {  	_ =	shalt  }

</sc_bundles>
